<compile_context>
chip_gen: v7x
topology: tpu7x:2x2x1
jax: 0.10.2.dev20260603
libtpu: 0.0.44.dev20260713+nightly
codegen_flags: <defaults>
</compile_context>

<pallas_src>
import jax
import jax.numpy as jnp
from jax import lax
from jax.experimental import pallas as pl
from jax.experimental.pallas import tpu as pltpu
from jax.experimental.pallas import tpu_sc as plsc

B = 16384
D = 32
NC, NS = 2, 16
NW = NC * NS
BPW = B // NW
CHUNK = 128
NCHUNK = BPW // CHUNK
L = 16
NG = BPW // L
W = 128
HD = 16
HG = 8


def _sc_body(uid_hbm, iid_hbm, ue_hbm, ie_hbm, ub_hbm, ib_hbm, out_hbm,
             uid_v, iid_v, win_u, win_i, ptmp, ub_v, ib_v, out_v,
             semA, semB, bsem):
  sems = (semA, semB)
  wid = lax.axis_index("s") * NC + lax.axis_index("c")
  base = pl.multiple_of(wid * BPW, BPW)

  pltpu.sync_copy(uid_hbm.at[pl.ds(base, BPW)], uid_v)
  pltpu.sync_copy(iid_hbm.at[pl.ds(base, BPW)], iid_v)

  for j in range(NCHUNK):
    pltpu.async_copy(ub_hbm.at[uid_v.at[pl.ds(j * CHUNK, CHUNK)]],
                     ub_v.at[pl.ds(j * CHUNK, CHUNK)], bsem)
    pltpu.async_copy(ib_hbm.at[iid_v.at[pl.ds(j * CHUNK, CHUNK)]],
                     ib_v.at[pl.ds(j * CHUNK, CHUNK)], bsem)
  pltpu.make_async_copy(ub_hbm.at[pl.ds(0, BPW)], ub_v, bsem).wait()
  pltpu.make_async_copy(ib_hbm.at[pl.ds(0, BPW)], ib_v, bsem).wait()

  lanes = lax.iota(jnp.int32, L)
  lanes8 = lanes & 7

  def fire(h, half, u16, i16):
    ublk = u16 & -128
    iblk = i16 & -128
    dh = h * HD
    for e in range(HG):
      ou = pl.multiple_of(ublk[half * HG + e], W)
      oi = pl.multiple_of(iblk[half * HG + e], W)
      pltpu.async_copy(ue_hbm.at[pl.ds(dh, HD), pl.ds(ou, W)],
                       win_u.at[pl.ds((half * HG + e) * HD, HD)], sems[half])
      pltpu.async_copy(ie_hbm.at[pl.ds(dh, HD), pl.ds(oi, W)],
                       win_i.at[pl.ds((half * HG + e) * HD, HD)], sems[half])

  def extract(half, uoff, ioff):
    for e in range(HG):
      ru = (half * HG + e) * HD + lanes
      uc = plsc.load_gather(
          win_u, [ru, jnp.full((L,), uoff[half * HG + e], jnp.int32)])
      ic = plsc.load_gather(
          win_i, [ru, jnp.full((L,), ioff[half * HG + e], jnp.int32)])
      ptmp[e] = uc * ic
    acc8 = ptmp[0] * 0.0
    for l in range(L):
      acc8 = acc8 + plsc.load_gather(
          ptmp, [lanes8, jnp.full((L,), l, jnp.int32)])
    return acc8

  def drain(half):
    pltpu.make_async_copy(ue_hbm.at[pl.ds(0, HD), pl.ds(0, W)],
                          win_u.at[pl.ds(half * HG * HD, HG * HD)],
                          sems[half]).wait()
    pltpu.make_async_copy(ie_hbm.at[pl.ds(0, HD), pl.ds(0, W)],
                          win_i.at[pl.ds(half * HG * HD, HG * HD)],
                          sems[half]).wait()

  def run_pass(h):
    u0 = uid_v[pl.ds(0, L)]
    i0 = iid_v[pl.ds(0, L)]
    fire(h, 0, u0, i0)
    fire(h, 1, u0, i0)

    def group(g, carry):
      s = pl.multiple_of(g * L, L)
      u16 = uid_v[pl.ds(s, L)]
      i16 = iid_v[pl.ds(s, L)]
      uoff = u16 & 127
      ioff = i16 & 127

      drain(0)
      accA = extract(0, uoff, ioff)

      @pl.when(g < NG - 1)
      def _():
        s2 = pl.multiple_of((g + 1) * L, L)
        fire(h, 0, uid_v[pl.ds(s2, L)], iid_v[pl.ds(s2, L)])

      drain(1)
      accB = extract(1, uoff, ioff)

      @pl.when(g < NG - 1)
      def _():
        s2 = pl.multiple_of((g + 1) * L, L)
        fire(h, 1, uid_v[pl.ds(s2, L)], iid_v[pl.ds(s2, L)])

      acc = jnp.where(lanes < HG, accA, accB)
      if h == 0:
        acc = acc + ub_v[pl.ds(s, L)] + ib_v[pl.ds(s, L)]
      else:
        acc = acc + out_v[pl.ds(s, L)]
      out_v[pl.ds(s, L)] = acc
      return carry

    lax.fori_loop(0, NG, group, 0)

  run_pass(0)
  run_pass(1)

  pltpu.sync_copy(out_v, out_hbm.at[pl.ds(base, BPW)])


@jax.jit
def _run(user_ids, item_ids, ue_t, ie_t, ub, ib):
  mesh = plsc.VectorSubcoreMesh(
      core_axis_name="c", subcore_axis_name="s",
      num_cores=NC, num_subcores=NS)
  f = pl.kernel(
      _sc_body,
      out_type=jax.ShapeDtypeStruct((B,), jnp.float32),
      mesh=mesh,
      scratch_types=[
          pltpu.VMEM((BPW,), jnp.int32),
          pltpu.VMEM((BPW,), jnp.int32),
          pltpu.VMEM((L * HD, W), jnp.float32),
          pltpu.VMEM((L * HD, W), jnp.float32),
          pltpu.VMEM((HG, L), jnp.float32),
          pltpu.VMEM((BPW,), jnp.float32),
          pltpu.VMEM((BPW,), jnp.float32),
          pltpu.VMEM((BPW,), jnp.float32),
          pltpu.SemaphoreType.DMA,
          pltpu.SemaphoreType.DMA,
          pltpu.SemaphoreType.DMA,
      ],
      compiler_params=pltpu.CompilerParams(
          needs_layout_passes=False, use_tc_tiling_on_sc=True),
  )
  return f(user_ids, item_ids, ue_t, ie_t, ub, ib)


def kernel(user_ids, item_ids, user_emb, item_emb, user_bias, item_bias):
  return _run(user_ids.astype(jnp.int32), item_ids.astype(jnp.int32),
              user_emb.T, item_emb.T,
              user_bias.reshape(-1), item_bias.reshape(-1))

# --- scband reference (transcript-rebuilt; emitter-appended) ---
"""Pipeline reference for scband-biased-svd-15375982919965 (READ-ONLY COPY).

The authoritative reference and input builder live on the scoring server;
editing this copy changes nothing except your own understanding.
"""

import jax, jax.numpy as jnp
import numpy as np

NUM_USERS = 1000000
NUM_ITEMS = 1000000
EMBED_DIM = 32
BATCH = 16384


def setup_inputs(seed: int = 0) -> dict:
    key = jax.random.key(seed)
    k1, k2, k3, k4, k5, k6 = jax.random.split(key, 6)
    user_ids = jax.random.randint(k1, (BATCH,), 0, NUM_USERS)
    item_ids = jax.random.randint(k2, (BATCH,), 0, NUM_ITEMS)
    user_emb = jax.random.normal(k3, (NUM_USERS, EMBED_DIM), dtype=jnp.float32) * 0.05
    item_emb = jax.random.normal(k4, (NUM_ITEMS, EMBED_DIM), dtype=jnp.float32) * 0.05
    user_bias = jax.random.normal(k5, (NUM_USERS, 1), dtype=jnp.float32) * 0.05
    item_bias = jax.random.normal(k6, (NUM_ITEMS, 1), dtype=jnp.float32) * 0.05
    return {
        "user_ids": user_ids,
        "item_ids": item_ids,
        "user_emb": user_emb,
        "item_emb": item_emb,
        "user_bias": user_bias,
        "item_bias": item_bias,
    }


def reference(user_ids, item_ids, user_emb, item_emb, user_bias, item_bias):
    # Embedding lookups (gather)
    user_embeds = jnp.take(user_emb, user_ids, axis=0)          # [B, D]
    item_embeds = jnp.take(item_emb, item_ids, axis=0)          # [B, D]
    user_b = jnp.take(user_bias, user_ids, axis=0).squeeze(-1)  # [B]
    item_b = jnp.take(item_bias, item_ids, axis=0).squeeze(-1)  # [B]
    dot_product = (user_embeds * item_embeds).sum(axis=1)       # [B]
    prediction = dot_product + user_b + item_b
    return prediction

if __name__ == "__main__":
    import jax
    _d = setup_inputs()
    print(jax.jit(kernel)(*tuple(_d.values())))

</pallas_src>

<mosaic_0001>
#map = affine_map<(d0, d1) -> (0)>
#map1 = affine_map<(d0, d1) -> (0, 0)>
module attributes {stable_mosaic.version = 14 : i64} {
  func.func @_sc_body(%arg0: i32, %arg1: i32, %arg2: memref<16384xi32, #tpu.memory_space<hbm>>, %arg3: memref<16384xi32, #tpu.memory_space<hbm>>, %arg4: memref<32x1000000xf32, #tpu.memory_space<hbm>>, %arg5: memref<32x1000000xf32, #tpu.memory_space<hbm>>, %arg6: memref<1000000xf32, #tpu.memory_space<hbm>>, %arg7: memref<1000000xf32, #tpu.memory_space<hbm>>, %arg8: memref<16384xf32, #tpu.memory_space<hbm>>, %arg9: memref<512xi32, #tpu.memory_space<vmem>>, %arg10: memref<512xi32, #tpu.memory_space<vmem>>, %arg11: memref<256x128xf32, #tpu.memory_space<vmem>>, %arg12: memref<256x128xf32, #tpu.memory_space<vmem>>, %arg13: memref<8x16xf32, #tpu.memory_space<vmem>>, %arg14: memref<512xf32, #tpu.memory_space<vmem>>, %arg15: memref<512xf32, #tpu.memory_space<vmem>>, %arg16: memref<512xf32, #tpu.memory_space<vmem>>, %arg17: memref<!tpu.dma_semaphore, #tpu.memory_space<semaphore_mem>>, %arg18: memref<!tpu.dma_semaphore, #tpu.memory_space<semaphore_mem>>, %arg19: memref<!tpu.dma_semaphore, #tpu.memory_space<semaphore_mem>>) attributes {dimension_semantics = [#tpu.dimension_semantics<core_parallel>, #tpu.dimension_semantics<subcore_parallel>], iteration_bounds = array<i64: 2, 16>, scalar_prefetch = 0 : i64, scratch_operands = 11 : i64, tpu.core_type = #tpu.core_type<sc_vector_subcore>, window_params = [{transform_indices = #map}, {transform_indices = #map}, {transform_indices = #map1}, {transform_indices = #map1}, {transform_indices = #map}, {transform_indices = #map}, {transform_indices = #map}]} {
    %mul3A = arith.constant 2 : i32
    %mul3A_0 = arith.muli %arg1, %mul3A : i32
    %add3A = arith.addi %mul3A_0, %arg0 : i32
    %mul3A_1 = arith.constant 512 : i32
    %mul3A_2 = arith.muli %add3A, %mul3A_1 : i32
    %multiple_of3A = tpu.assume_multiple %mul3A_2, 512 : i32
    "tpu.region"() ({
      %run_scoped3A = tpu.sem_alloc : memref<!tpu.dma_semaphore, #tpu.memory_space<semaphore_mem>>
      %dma_start3A_931 = tpu.memref_slice %arg2[%multiple_of3A] : memref<16384xi32, #tpu.memory_space<hbm>> -> memref<512xi32, #tpu.memory_space<hbm>>
      %dma_start3A_932 = tpu.memref_slice %arg2[%multiple_of3A] : memref<16384xi32, #tpu.memory_space<hbm>> -> memref<512xi32, #tpu.memory_space<hbm>>
      tpu.enqueue_dma source(%dma_start3A_932 : memref<512xi32, #tpu.memory_space<hbm>>) target(%arg9 : memref<512xi32, #tpu.memory_space<vmem>>) target_semaphore(%run_scoped3A : memref<!tpu.dma_semaphore, #tpu.memory_space<semaphore_mem>>)
      %dma_wait3A_933 = tpu.memref_slice %arg2[%multiple_of3A] : memref<16384xi32, #tpu.memory_space<hbm>> -> memref<512xi32, #tpu.memory_space<hbm>>
      %dma_wait3A_934 = tpu.memref_slice %arg2[%multiple_of3A] : memref<16384xi32, #tpu.memory_space<hbm>> -> memref<512xi32, #tpu.memory_space<hbm>>
      tpu.wait_dma2 semaphore(%run_scoped3A : memref<!tpu.dma_semaphore, #tpu.memory_space<semaphore_mem>>) src(%dma_wait3A_934 : memref<512xi32, #tpu.memory_space<hbm>>) dst(%arg9 : memref<512xi32, #tpu.memory_space<vmem>>)
      tpu.yield
    }) : () -> ()
    "tpu.region"() ({
      %run_scoped3A = tpu.sem_alloc : memref<!tpu.dma_semaphore, #tpu.memory_space<semaphore_mem>>
      %dma_start3A_931 = tpu.memref_slice %arg3[%multiple_of3A] : memref<16384xi32, #tpu.memory_space<hbm>> -> memref<512xi32, #tpu.memory_space<hbm>>
      %dma_start3A_932 = tpu.memref_slice %arg3[%multiple_of3A] : memref<16384xi32, #tpu.memory_space<hbm>> -> memref<512xi32, #tpu.memory_space<hbm>>
      tpu.enqueue_dma source(%dma_start3A_932 : memref<512xi32, #tpu.memory_space<hbm>>) target(%arg10 : memref<512xi32, #tpu.memory_space<vmem>>) target_semaphore(%run_scoped3A : memref<!tpu.dma_semaphore, #tpu.memory_space<semaphore_mem>>)
      %dma_wait3A_933 = tpu.memref_slice %arg3[%multiple_of3A] : memref<16384xi32, #tpu.memory_space<hbm>> -> memref<512xi32, #tpu.memory_space<hbm>>
      %dma_wait3A_934 = tpu.memref_slice %arg3[%multiple_of3A] : memref<16384xi32, #tpu.memory_space<hbm>> -> memref<512xi32, #tpu.memory_space<hbm>>
      tpu.wait_dma2 semaphore(%run_scoped3A : memref<!tpu.dma_semaphore, #tpu.memory_space<semaphore_mem>>) src(%dma_wait3A_934 : memref<512xi32, #tpu.memory_space<hbm>>) dst(%arg10 : memref<512xi32, #tpu.memory_space<vmem>>)
      tpu.yield
    }) : () -> ()
    %dma_start3A = arith.constant 0 : i32
    %dma_start3A_3 = tpu.memref_slice %arg14[%dma_start3A] : memref<512xf32, #tpu.memory_space<vmem>> -> memref<128xf32, #tpu.memory_space<vmem>>
    %dma_start3A_4 = arith.constant 0 : i32
    %dma_start3A_5 = tpu.memref_slice %arg9[%dma_start3A_4] : memref<512xi32, #tpu.memory_space<vmem>> -> memref<128xi32, #tpu.memory_space<vmem>>
    %dma_start3A_6 = arith.constant 0 : i32
    %dma_start3A_7 = tpu.memref_slice %arg6[%dma_start3A_6] : memref<1000000xf32, #tpu.memory_space<hbm>> -> memref<1000000xf32, #tpu.memory_space<hbm>>
    tpu.enqueue_indirect_dma source(%dma_start3A_7 : memref<1000000xf32, #tpu.memory_space<hbm>>) target(%dma_start3A_3 : memref<128xf32, #tpu.memory_space<vmem>>) offsets(%dma_start3A_5 : memref<128xi32, #tpu.memory_space<vmem>>) semaphore(%arg19 : memref<!tpu.dma_semaphore, #tpu.memory_space<semaphore_mem>>)
    %dma_start3A_8 = arith.constant 0 : i32
    %dma_start3A_9 = tpu.memref_slice %arg15[%dma_start3A_8] : memref<512xf32, #tpu.memory_space<vmem>> -> memref<128xf32, #tpu.memory_space<vmem>>
    %dma_start3A_10 = arith.constant 0 : i32
    %dma_start3A_11 = tpu.memref_slice %arg10[%dma_start3A_10] : memref<512xi32, #tpu.memory_space<vmem>> -> memref<128xi32, #tpu.memory_space<vmem>>
    %dma_start3A_12 = arith.constant 0 : i32
    %dma_start3A_13 = tpu.memref_slice %arg7[%dma_start3A_12] : memref<1000000xf32, #tpu.memory_space<hbm>> -> memref<1000000xf32, #tpu.memory_space<hbm>>
    tpu.enqueue_indirect_dma source(%dma_start3A_13 : memref<1000000xf32, #tpu.memory_space<hbm>>) target(%dma_start3A_9 : memref<128xf32, #tpu.memory_space<vmem>>) offsets(%dma_start3A_11 : memref<128xi32, #tpu.memory_space<vmem>>) semaphore(%arg19 : memref<!tpu.dma_semaphore, #tpu.memory_space<semaphore_mem>>)
    %dma_start3A_14 = arith.constant 128 : i32
    %dma_start3A_15 = tpu.memref_slice %arg14[%dma_start3A_14] : memref<512xf32, #tpu.memory_space<vmem>> -> memref<128xf32, #tpu.memory_space<vmem>>
    %dma_start3A_16 = arith.constant 128 : i32
    %dma_start3A_17 = tpu.memref_slice %arg9[%dma_start3A_16] : memref<512xi32, #tpu.memory_space<vmem>> -> memref<128xi32, #tpu.memory_space<vmem>>
    %dma_start3A_18 = arith.constant 0 : i32
    %dma_start3A_19 = tpu.memref_slice %arg6[%dma_start3A_18] : memref<1000000xf32, #tpu.memory_space<hbm>> -> memref<1000000xf32, #tpu.memory_space<hbm>>
    tpu.enqueue_indirect_dma source(%dma_start3A_19 : memref<1000000xf32, #tpu.memory_space<hbm>>) target(%dma_start3A_15 : memref<128xf32, #tpu.memory_space<vmem>>) offsets(%dma_start3A_17 : memref<128xi32, #tpu.memory_space<vmem>>) semaphore(%arg19 : memref<!tpu.dma_semaphore, #tpu.memory_space<semaphore_mem>>)
    %dma_start3A_20 = arith.constant 128 : i32
    %dma_start3A_21 = tpu.memref_slice %arg15[%dma_start3A_20] : memref<512xf32, #tpu.memory_space<vmem>> -> memref<128xf32, #tpu.memory_space<vmem>>
    %dma_start3A_22 = arith.constant 128 : i32
    %dma_start3A_23 = tpu.memref_slice %arg10[%dma_start3A_22] : memref<512xi32, #tpu.memory_space<vmem>> -> memref<128xi32, #tpu.memory_space<vmem>>
    %dma_start3A_24 = arith.constant 0 : i32
    %dma_start3A_25 = tpu.memref_slice %arg7[%dma_start3A_24] : memref<1000000xf32, #tpu.memory_space<hbm>> -> memref<1000000xf32, #tpu.memory_space<hbm>>
    tpu.enqueue_indirect_dma source(%dma_start3A_25 : memref<1000000xf32, #tpu.memory_space<hbm>>) target(%dma_start3A_21 : memref<128xf32, #tpu.memory_space<vmem>>) offsets(%dma_start3A_23 : memref<128xi32, #tpu.memory_space<vmem>>) semaphore(%arg19 : memref<!tpu.dma_semaphore, #tpu.memory_space<semaphore_mem>>)
    %dma_start3A_26 = arith.constant 256 : i32
    %dma_start3A_27 = tpu.memref_slice %arg14[%dma_start3A_26] : memref<512xf32, #tpu.memory_space<vmem>> -> memref<128xf32, #tpu.memory_space<vmem>>
    %dma_start3A_28 = arith.constant 256 : i32
    %dma_start3A_29 = tpu.memref_slice %arg9[%dma_start3A_28] : memref<512xi32, #tpu.memory_space<vmem>> -> memref<128xi32, #tpu.memory_space<vmem>>
    %dma_start3A_30 = arith.constant 0 : i32
    %dma_start3A_31 = tpu.memref_slice %arg6[%dma_start3A_30] : memref<1000000xf32, #tpu.memory_space<hbm>> -> memref<1000000xf32, #tpu.memory_space<hbm>>
    tpu.enqueue_indirect_dma source(%dma_start3A_31 : memref<1000000xf32, #tpu.memory_space<hbm>>) target(%dma_start3A_27 : memref<128xf32, #tpu.memory_space<vmem>>) offsets(%dma_start3A_29 : memref<128xi32, #tpu.memory_space<vmem>>) semaphore(%arg19 : memref<!tpu.dma_semaphore, #tpu.memory_space<semaphore_mem>>)
    %dma_start3A_32 = arith.constant 256 : i32
    %dma_start3A_33 = tpu.memref_slice %arg15[%dma_start3A_32] : memref<512xf32, #tpu.memory_space<vmem>> -> memref<128xf32, #tpu.memory_space<vmem>>
    %dma_start3A_34 = arith.constant 256 : i32
    %dma_start3A_35 = tpu.memref_slice %arg10[%dma_start3A_34] : memref<512xi32, #tpu.memory_space<vmem>> -> memref<128xi32, #tpu.memory_space<vmem>>
    %dma_start3A_36 = arith.constant 0 : i32
    %dma_start3A_37 = tpu.memref_slice %arg7[%dma_start3A_36] : memref<1000000xf32, #tpu.memory_space<hbm>> -> memref<1000000xf32, #tpu.memory_space<hbm>>
    tpu.enqueue_indirect_dma source(%dma_start3A_37 : memref<1000000xf32, #tpu.memory_space<hbm>>) target(%dma_start3A_33 : memref<128xf32, #tpu.memory_space<vmem>>) offsets(%dma_start3A_35 : memref<128xi32, #tpu.memory_space<vmem>>) semaphore(%arg19 : memref<!tpu.dma_semaphore, #tpu.memory_space<semaphore_mem>>)
    %dma_start3A_38 = arith.constant 384 : i32
    %dma_start3A_39 = tpu.memref_slice %arg14[%dma_start3A_38] : memref<512xf32, #tpu.memory_space<vmem>> -> memref<128xf32, #tpu.memory_space<vmem>>
    %dma_start3A_40 = arith.constant 384 : i32
    %dma_start3A_41 = tpu.memref_slice %arg9[%dma_start3A_40] : memref<512xi32, #tpu.memory_space<vmem>> -> memref<128xi32, #tpu.memory_space<vmem>>
    %dma_start3A_42 = arith.constant 0 : i32
    %dma_start3A_43 = tpu.memref_slice %arg6[%dma_start3A_42] : memref<1000000xf32, #tpu.memory_space<hbm>> -> memref<1000000xf32, #tpu.memory_space<hbm>>
    tpu.enqueue_indirect_dma source(%dma_start3A_43 : memref<1000000xf32, #tpu.memory_space<hbm>>) target(%dma_start3A_39 : memref<128xf32, #tpu.memory_space<vmem>>) offsets(%dma_start3A_41 : memref<128xi32, #tpu.memory_space<vmem>>) semaphore(%arg19 : memref<!tpu.dma_semaphore, #tpu.memory_space<semaphore_mem>>)
    %dma_start3A_44 = arith.constant 384 : i32
    %dma_start3A_45 = tpu.memref_slice %arg15[%dma_start3A_44] : memref<512xf32, #tpu.memory_space<vmem>> -> memref<128xf32, #tpu.memory_space<vmem>>
    %dma_start3A_46 = arith.constant 384 : i32
    %dma_start3A_47 = tpu.memref_slice %arg10[%dma_start3A_46] : memref<512xi32, #tpu.memory_space<vmem>> -> memref<128xi32, #tpu.memory_space<vmem>>
    %dma_start3A_48 = arith.constant 0 : i32
    %dma_start3A_49 = tpu.memref_slice %arg7[%dma_start3A_48] : memref<1000000xf32, #tpu.memory_space<hbm>> -> memref<1000000xf32, #tpu.memory_space<hbm>>
    tpu.enqueue_indirect_dma source(%dma_start3A_49 : memref<1000000xf32, #tpu.memory_space<hbm>>) target(%dma_start3A_45 : memref<128xf32, #tpu.memory_space<vmem>>) offsets(%dma_start3A_47 : memref<128xi32, #tpu.memory_space<vmem>>) semaphore(%arg19 : memref<!tpu.dma_semaphore, #tpu.memory_space<semaphore_mem>>)
    %dma_wait3A = arith.constant 0 : i32
    %dma_wait3A_50 = tpu.memref_slice %arg6[%dma_wait3A] : memref<1000000xf32, #tpu.memory_space<hbm>> -> memref<512xf32, #tpu.memory_space<hbm>>
    %dma_wait3A_51 = arith.constant 0 : i32
    %dma_wait3A_52 = tpu.memref_slice %arg6[%dma_wait3A_51] : memref<1000000xf32, #tpu.memory_space<hbm>> -> memref<512xf32, #tpu.memory_space<hbm>>
    tpu.wait_dma2 semaphore(%arg19 : memref<!tpu.dma_semaphore, #tpu.memory_space<semaphore_mem>>) src(%dma_wait3A_52 : memref<512xf32, #tpu.memory_space<hbm>>) dst(%arg14 : memref<512xf32, #tpu.memory_space<vmem>>)
    %dma_wait3A_53 = arith.constant 0 : i32
    %dma_wait3A_54 = tpu.memref_slice %arg7[%dma_wait3A_53] : memref<1000000xf32, #tpu.memory_space<hbm>> -> memref<512xf32, #tpu.memory_space<hbm>>
    %dma_wait3A_55 = arith.constant 0 : i32
    %dma_wait3A_56 = tpu.memref_slice %arg7[%dma_wait3A_55] : memref<1000000xf32, #tpu.memory_space<hbm>> -> memref<512xf32, #tpu.memory_space<hbm>>
    tpu.wait_dma2 semaphore(%arg19 : memref<!tpu.dma_semaphore, #tpu.memory_space<semaphore_mem>>) src(%dma_wait3A_56 : memref<512xf32, #tpu.memory_space<hbm>>) dst(%arg15 : memref<512xf32, #tpu.memory_space<vmem>>)
    %iota3A = tpu.iota {dimensions = array<i32: 0>} : vector<16xi32>
    %and3A = arith.constant 7 : i32
    %and3A_57 = vector.broadcast %and3A : i32 to vector<16xi32>
    %and3A_58 = arith.andi %iota3A, %and3A_57 : vector<16xi32>
    %get3A = arith.constant 0 : index
    %get3A_59 = tpu.vector_load %arg9[%get3A] {strides = array<i32>} : memref<512xi32, #tpu.memory_space<vmem>>, vector<16xi32>,
    %get3A_60 = arith.constant 0 : index
    %get3A_61 = tpu.vector_load %arg10[%get3A_60] {strides = array<i32>} : memref<512xi32, #tpu.memory_space<vmem>>, vector<16xi32>,
    %and3A_62 = arith.constant -128 : i32
    %and3A_63 = vector.broadcast %and3A_62 : i32 to vector<16xi32>
    %and3A_64 = arith.andi %get3A_59, %and3A_63 : vector<16xi32>
    %and3A_65 = arith.constant -128 : i32
    %and3A_66 = vector.broadcast %and3A_65 : i32 to vector<16xi32>
    %and3A_67 = arith.andi %get3A_61, %and3A_66 : vector<16xi32>
    %slice3A = vector.extract_strided_slice %and3A_64 {offsets = [0], sizes = [1], strides = [1]} : vector<16xi32> to vector<1xi32>
    %squeeze3A = vector.extract %slice3A[0] : i32 from vector<1xi32>
    %multiple_of3A_68 = tpu.assume_multiple %squeeze3A, 128 : i32
    %slice3A_69 = vector.extract_strided_slice %and3A_67 {offsets = [0], sizes = [1], strides = [1]} : vector<16xi32> to vector<1xi32>
    %squeeze3A_70 = vector.extract %slice3A_69[0] : i32 from vector<1xi32>
    %multiple_of3A_71 = tpu.assume_multiple %squeeze3A_70, 128 : i32
    %dma_start3A_72 = arith.constant 0 : i32
    %dma_start3A_73 = arith.constant 0 : i32
    %dma_start3A_74 = tpu.memref_slice %arg11[%dma_start3A_72, %dma_start3A_73] : memref<256x128xf32, #tpu.memory_space<vmem>> -> memref<16x128xf32, #tpu.memory_space<vmem>>
    %dma_start3A_75 = arith.constant 0 : i32
    %dma_start3A_76 = tpu.memref_slice %arg4[%dma_start3A_75, %multiple_of3A_68] : memref<32x1000000xf32, #tpu.memory_space<hbm>> -> memref<16x128xf32, #tpu.memory_space<hbm>>
    %dma_start3A_77 = arith.constant 0 : i32
    %dma_start3A_78 = arith.constant 0 : i32
    %dma_start3A_79 = tpu.memref_slice %arg11[%dma_start3A_77, %dma_start3A_78] : memref<256x128xf32, #tpu.memory_space<vmem>> -> memref<16x128xf32, #tpu.memory_space<vmem>>
    %dma_start3A_80 = arith.constant 0 : i32
    %dma_start3A_81 = tpu.memref_slice %arg4[%dma_start3A_80, %multiple_of3A_68] : memref<32x1000000xf32, #tpu.memory_space<hbm>> -> memref<16x128xf32, #tpu.memory_space<hbm>>
    tpu.enqueue_dma source(%dma_start3A_81 : memref<16x128xf32, #tpu.memory_space<hbm>>) target(%dma_start3A_79 : memref<16x128xf32, #tpu.memory_space<vmem>>) target_semaphore(%arg17 : memref<!tpu.dma_semaphore, #tpu.memory_space<semaphore_mem>>)
    %dma_start3A_82 = arith.constant 0 : i32
    %dma_start3A_83 = arith.constant 0 : i32
    %dma_start3A_84 = tpu.memref_slice %arg12[%dma_start3A_82, %dma_start3A_83] : memref<256x128xf32, #tpu.memory_space<vmem>> -> memref<16x128xf32, #tpu.memory_space<vmem>>
    %dma_start3A_85 = arith.constant 0 : i32
    %dma_start3A_86 = tpu.memref_slice %arg5[%dma_start3A_85, %multiple_of3A_71] : memref<32x1000000xf32, #tpu.memory_space<hbm>> -> memref<16x128xf32, #tpu.memory_space<hbm>>
    %dma_start3A_87 = arith.constant 0 : i32
    %dma_start3A_88 = arith.constant 0 : i32
    %dma_start3A_89 = tpu.memref_slice %arg12[%dma_start3A_87, %dma_start3A_88] : memref<256x128xf32, #tpu.memory_space<vmem>> -> memref<16x128xf32, #tpu.memory_space<vmem>>
    %dma_start3A_90 = arith.constant 0 : i32
    %dma_start3A_91 = tpu.memref_slice %arg5[%dma_start3A_90, %multiple_of3A_71] : memref<32x1000000xf32, #tpu.memory_space<hbm>> -> memref<16x128xf32, #tpu.memory_space<hbm>>
    tpu.enqueue_dma source(%dma_start3A_91 : memref<16x128xf32, #tpu.memory_space<hbm>>) target(%dma_start3A_89 : memref<16x128xf32, #tpu.memory_space<vmem>>) target_semaphore(%arg17 : memref<!tpu.dma_semaphore, #tpu.memory_space<semaphore_mem>>)
    %slice3A_92 = vector.extract_strided_slice %and3A_64 {offsets = [1], sizes = [1], strides = [1]} : vector<16xi32> to vector<1xi32>
    %squeeze3A_93 = vector.extract %slice3A_92[0] : i32 from vector<1xi32>
    %multiple_of3A_94 = tpu.assume_multiple %squeeze3A_93, 128 : i32
    %slice3A_95 = vector.extract_strided_slice %and3A_67 {offsets = [1], sizes = [1], strides = [1]} : vector<16xi32> to vector<1xi32>
    %squeeze3A_96 = vector.extract %slice3A_95[0] : i32 from vector<1xi32>
    %multiple_of3A_97 = tpu.assume_multiple %squeeze3A_96, 128 : i32
    %dma_start3A_98 = arith.constant 16 : i32
    %dma_start3A_99 = arith.constant 0 : i32
    %dma_start3A_100 = tpu.memref_slice %arg11[%dma_start3A_98, %dma_start3A_99] : memref<256x128xf32, #tpu.memory_space<vmem>> -> memref<16x128xf32, #tpu.memory_space<vmem>>
    %dma_start3A_101 = arith.constant 0 : i32
    %dma_start3A_102 = tpu.memref_slice %arg4[%dma_start3A_101, %multiple_of3A_94] : memref<32x1000000xf32, #tpu.memory_space<hbm>> -> memref<16x128xf32, #tpu.memory_space<hbm>>
    %dma_start3A_103 = arith.constant 16 : i32
    %dma_start3A_104 = arith.constant 0 : i32
    %dma_start3A_105 = tpu.memref_slice %arg11[%dma_start3A_103, %dma_start3A_104] : memref<256x128xf32, #tpu.memory_space<vmem>> -> memref<16x128xf32, #tpu.memory_space<vmem>>
    %dma_start3A_106 = arith.constant 0 : i32
    %dma_start3A_107 = tpu.memref_slice %arg4[%dma_start3A_106, %multiple_of3A_94] : memref<32x1000000xf32, #tpu.memory_space<hbm>> -> memref<16x128xf32, #tpu.memory_space<hbm>>
    tpu.enqueue_dma source(%dma_start3A_107 : memref<16x128xf32, #tpu.memory_space<hbm>>) target(%dma_start3A_105 : memref<16x128xf32, #tpu.memory_space<vmem>>) target_semaphore(%arg17 : memref<!tpu.dma_semaphore, #tpu.memory_space<semaphore_mem>>)
    %dma_start3A_108 = arith.constant 16 : i32
    %dma_start3A_109 = arith.constant 0 : i32
    %dma_start3A_110 = tpu.memref_slice %arg12[%dma_start3A_108, %dma_start3A_109] : memref<256x128xf32, #tpu.memory_space<vmem>> -> memref<16x128xf32, #tpu.memory_space<vmem>>
    %dma_start3A_111 = arith.constant 0 : i32
    %dma_start3A_112 = tpu.memref_slice %arg5[%dma_start3A_111, %multiple_of3A_97] : memref<32x1000000xf32, #tpu.memory_space<hbm>> -> memref<16x128xf32, #tpu.memory_space<hbm>>
    %dma_start3A_113 = arith.constant 16 : i32
    %dma_start3A_114 = arith.constant 0 : i32
    %dma_start3A_115 = tpu.memref_slice %arg12[%dma_start3A_113, %dma_start3A_114] : memref<256x128xf32, #tpu.memory_space<vmem>> -> memref<16x128xf32, #tpu.memory_space<vmem>>
    %dma_start3A_116 = arith.constant 0 : i32
    %dma_start3A_117 = tpu.memref_slice %arg5[%dma_start3A_116, %multiple_of3A_97] : memref<32x1000000xf32, #tpu.memory_space<hbm>> -> memref<16x128xf32, #tpu.memory_space<hbm>>
    tpu.enqueue_dma source(%dma_start3A_117 : memref<16x128xf32, #tpu.memory_space<hbm>>) target(%dma_start3A_115 : memref<16x128xf32, #tpu.memory_space<vmem>>) target_semaphore(%arg17 : memref<!tpu.dma_semaphore, #tpu.memory_space<semaphore_mem>>)
    %slice3A_118 = vector.extract_strided_slice %and3A_64 {offsets = [2], sizes = [1], strides = [1]} : vector<16xi32> to vector<1xi32>
    %squeeze3A_119 = vector.extract %slice3A_118[0] : i32 from vector<1xi32>
    %multiple_of3A_120 = tpu.assume_multiple %squeeze3A_119, 128 : i32
    %slice3A_121 = vector.extract_strided_slice %and3A_67 {offsets = [2], sizes = [1], strides = [1]} : vector<16xi32> to vector<1xi32>
    %squeeze3A_122 = vector.extract %slice3A_121[0] : i32 from vector<1xi32>
    %multiple_of3A_123 = tpu.assume_multiple %squeeze3A_122, 128 : i32
    %dma_start3A_124 = arith.constant 32 : i32
    %dma_start3A_125 = arith.constant 0 : i32
    %dma_start3A_126 = tpu.memref_slice %arg11[%dma_start3A_124, %dma_start3A_125] : memref<256x128xf32, #tpu.memory_space<vmem>> -> memref<16x128xf32, #tpu.memory_space<vmem>>
    %dma_start3A_127 = arith.constant 0 : i32
    %dma_start3A_128 = tpu.memref_slice %arg4[%dma_start3A_127, %multiple_of3A_120] : memref<32x1000000xf32, #tpu.memory_space<hbm>> -> memref<16x128xf32, #tpu.memory_space<hbm>>
    %dma_start3A_129 = arith.constant 32 : i32
    %dma_start3A_130 = arith.constant 0 : i32
    %dma_start3A_131 = tpu.memref_slice %arg11[%dma_start3A_129, %dma_start3A_130] : memref<256x128xf32, #tpu.memory_space<vmem>> -> memref<16x128xf32, #tpu.memory_space<vmem>>
    %dma_start3A_132 = arith.constant 0 : i32
    %dma_start3A_133 = tpu.memref_slice %arg4[%dma_start3A_132, %multiple_of3A_120] : memref<32x1000000xf32, #tpu.memory_space<hbm>> -> memref<16x128xf32, #tpu.memory_space<hbm>>
    tpu.enqueue_dma source(%dma_start3A_133 : memref<16x128xf32, #tpu.memory_space<hbm>>) target(%dma_start3A_131 : memref<16x128xf32, #tpu.memory_space<vmem>>) target_semaphore(%arg17 : memref<!tpu.dma_semaphore, #tpu.memory_space<semaphore_mem>>)
    %dma_start3A_134 = arith.constant 32 : i32
    %dma_start3A_135 = arith.constant 0 : i32
    %dma_start3A_136 = tpu.memref_slice %arg12[%dma_start3A_134, %dma_start3A_135] : memref<256x128xf32, #tpu.memory_space<vmem>> -> memref<16x128xf32, #tpu.memory_space<vmem>>
    %dma_start3A_137 = arith.constant 0 : i32
    %dma_start3A_138 = tpu.memref_slice %arg5[%dma_start3A_137, %multiple_of3A_123] : memref<32x1000000xf32, #tpu.memory_space<hbm>> -> memref<16x128xf32, #tpu.memory_space<hbm>>
    %dma_start3A_139 = arith.constant 32 : i32
    %dma_start3A_140 = arith.constant 0 : i32
    %dma_start3A_141 = tpu.memref_slice %arg12[%dma_start3A_139, %dma_start3A_140] : memref<256x128xf32, #tpu.memory_space<vmem>> -> memref<16x128xf32, #tpu.memory_space<vmem>>
    %dma_start3A_142 = arith.constant 0 : i32
    %dma_start3A_143 = tpu.memref_slice %arg5[%dma_start3A_142, %multiple_of3A_123] : memref<32x1000000xf32, #tpu.memory_space<hbm>> -> memref<16x128xf32, #tpu.memory_space<hbm>>
    tpu.enqueue_dma source(%dma_start3A_143 : memref<16x128xf32, #tpu.memory_space<hbm>>) target(%dma_start3A_141 : memref<16x128xf32, #tpu.memory_space<vmem>>) target_semaphore(%arg17 : memref<!tpu.dma_semaphore, #tpu.memory_space<semaphore_mem>>)
    %slice3A_144 = vector.extract_strided_slice %and3A_64 {offsets = [3], sizes = [1], strides = [1]} : vector<16xi32> to vector<1xi32>
    %squeeze3A_145 = vector.extract %slice3A_144[0] : i32 from vector<1xi32>
    %multiple_of3A_146 = tpu.assume_multiple %squeeze3A_145, 128 : i32
    %slice3A_147 = vector.extract_strided_slice %and3A_67 {offsets = [3], sizes = [1], strides = [1]} : vector<16xi32> to vector<1xi32>
    %squeeze3A_148 = vector.extract %slice3A_147[0] : i32 from vector<1xi32>
    %multiple_of3A_149 = tpu.assume_multiple %squeeze3A_148, 128 : i32
    %dma_start3A_150 = arith.constant 48 : i32
    %dma_start3A_151 = arith.constant 0 : i32
    %dma_start3A_152 = tpu.memref_slice %arg11[%dma_start3A_150, %dma_start3A_151] : memref<256x128xf32, #tpu.memory_space<vmem>> -> memref<16x128xf32, #tpu.memory_space<vmem>>
    %dma_start3A_153 = arith.constant 0 : i32
    %dma_start3A_154 = tpu.memref_slice %arg4[%dma_start3A_153, %multiple_of3A_146] : memref<32x1000000xf32, #tpu.memory_space<hbm>> -> memref<16x128xf32, #tpu.memory_space<hbm>>
    %dma_start3A_155 = arith.constant 48 : i32
    %dma_start3A_156 = arith.constant 0 : i32
    %dma_start3A_157 = tpu.memref_slice %arg11[%dma_start3A_155, %dma_start3A_156] : memref<256x128xf32, #tpu.memory_space<vmem>> -> memref<16x128xf32, #tpu.memory_space<vmem>>
    %dma_start3A_158 = arith.constant 0 : i32
    %dma_start3A_159 = tpu.memref_slice %arg4[%dma_start3A_158, %multiple_of3A_146] : memref<32x1000000xf32, #tpu.memory_space<hbm>> -> memref<16x128xf32, #tpu.memory_space<hbm>>
    tpu.enqueue_dma source(%dma_start3A_159 : memref<16x128xf32, #tpu.memory_space<hbm>>) target(%dma_start3A_157 : memref<16x128xf32, #tpu.memory_space<vmem>>) target_semaphore(%arg17 : memref<!tpu.dma_semaphore, #tpu.memory_space<semaphore_mem>>)
    %dma_start3A_160 = arith.constant 48 : i32
    %dma_start3A_161 = arith.constant 0 : i32
    %dma_start3A_162 = tpu.memref_slice %arg12[%dma_start3A_160, %dma_start3A_161] : memref<256x128xf32, #tpu.memory_space<vmem>> -> memref<16x128xf32, #tpu.memory_space<vmem>>
    %dma_start3A_163 = arith.constant 0 : i32
    %dma_start3A_164 = tpu.memref_slice %arg5[%dma_start3A_163, %multiple_of3A_149] : memref<32x1000000xf32, #tpu.memory_space<hbm>> -> memref<16x128xf32, #tpu.memory_space<hbm>>
    %dma_start3A_165 = arith.constant 48 : i32
    %dma_start3A_166 = arith.constant 0 : i32
    %dma_start3A_167 = tpu.memref_slice %arg12[%dma_start3A_165, %dma_start3A_166] : memref<256x128xf32, #tpu.memory_space<vmem>> -> memref<16x128xf32, #tpu.memory_space<vmem>>
    %dma_start3A_168 = arith.constant 0 : i32
    %dma_start3A_169 = tpu.memref_slice %arg5[%dma_start3A_168, %multiple_of3A_149] : memref<32x1000000xf32, #tpu.memory_space<hbm>> -> memref<16x128xf32, #tpu.memory_space<hbm>>
    tpu.enqueue_dma source(%dma_start3A_169 : memref<16x128xf32, #tpu.memory_space<hbm>>) target(%dma_start3A_167 : memref<16x128xf32, #tpu.memory_space<vmem>>) target_semaphore(%arg17 : memref<!tpu.dma_semaphore, #tpu.memory_space<semaphore_mem>>)
    %slice3A_170 = vector.extract_strided_slice %and3A_64 {offsets = [4], sizes = [1], strides = [1]} : vector<16xi32> to vector<1xi32>
    %squeeze3A_171 = vector.extract %slice3A_170[0] : i32 from vector<1xi32>
    %multiple_of3A_172 = tpu.assume_multiple %squeeze3A_171, 128 : i32
    %slice3A_173 = vector.extract_strided_slice %and3A_67 {offsets = [4], sizes = [1], strides = [1]} : vector<16xi32> to vector<1xi32>
    %squeeze3A_174 = vector.extract %slice3A_173[0] : i32 from vector<1xi32>
    %multiple_of3A_175 = tpu.assume_multiple %squeeze3A_174, 128 : i32
    %dma_start3A_176 = arith.constant 64 : i32
    %dma_start3A_177 = arith.constant 0 : i32
    %dma_start3A_178 = tpu.memref_slice %arg11[%dma_start3A_176, %dma_start3A_177] : memref<256x128xf32, #tpu.memory_space<vmem>> -> memref<16x128xf32, #tpu.memory_space<vmem>>
    %dma_start3A_179 = arith.constant 0 : i32
    %dma_start3A_180 = tpu.memref_slice %arg4[%dma_start3A_179, %multiple_of3A_172] : memref<32x1000000xf32, #tpu.memory_space<hbm>> -> memref<16x128xf32, #tpu.memory_space<hbm>>
    %dma_start3A_181 = arith.constant 64 : i32
    %dma_start3A_182 = arith.constant 0 : i32
    %dma_start3A_183 = tpu.memref_slice %arg11[%dma_start3A_181, %dma_start3A_182] : memref<256x128xf32, #tpu.memory_space<vmem>> -> memref<16x128xf32, #tpu.memory_space<vmem>>
    %dma_start3A_184 = arith.constant 0 : i32
    %dma_start3A_185 = tpu.memref_slice %arg4[%dma_start3A_184, %multiple_of3A_172] : memref<32x1000000xf32, #tpu.memory_space<hbm>> -> memref<16x128xf32, #tpu.memory_space<hbm>>
    tpu.enqueue_dma source(%dma_start3A_185 : memref<16x128xf32, #tpu.memory_space<hbm>>) target(%dma_start3A_183 : memref<16x128xf32, #tpu.memory_space<vmem>>) target_semaphore(%arg17 : memref<!tpu.dma_semaphore, #tpu.memory_space<semaphore_mem>>)
    %dma_start3A_186 = arith.constant 64 : i32
    %dma_start3A_187 = arith.constant 0 : i32
    %dma_start3A_188 = tpu.memref_slice %arg12[%dma_start3A_186, %dma_start3A_187] : memref<256x128xf32, #tpu.memory_space<vmem>> -> memref<16x128xf32, #tpu.memory_space<vmem>>
    %dma_start3A_189 = arith.constant 0 : i32
    %dma_start3A_190 = tpu.memref_slice %arg5[%dma_start3A_189, %multiple_of3A_175] : memref<32x1000000xf32, #tpu.memory_space<hbm>> -> memref<16x128xf32, #tpu.memory_space<hbm>>
    %dma_start3A_191 = arith.constant 64 : i32
    %dma_start3A_192 = arith.constant 0 : i32
    %dma_start3A_193 = tpu.memref_slice %arg12[%dma_start3A_191, %dma_start3A_192] : memref<256x128xf32, #tpu.memory_space<vmem>> -> memref<16x128xf32, #tpu.memory_space<vmem>>
    %dma_start3A_194 = arith.constant 0 : i32
    %dma_start3A_195 = tpu.memref_slice %arg5[%dma_start3A_194, %multiple_of3A_175] : memref<32x1000000xf32, #tpu.memory_space<hbm>> -> memref<16x128xf32, #tpu.memory_space<hbm>>
    tpu.enqueue_dma source(%dma_start3A_195 : memref<16x128xf32, #tpu.memory_space<hbm>>) target(%dma_start3A_193 : memref<16x128xf32, #tpu.memory_space<vmem>>) target_semaphore(%arg17 : memref<!tpu.dma_semaphore, #tpu.memory_space<semaphore_mem>>)
    %slice3A_196 = vector.extract_strided_slice %and3A_64 {offsets = [5], sizes = [1], strides = [1]} : vector<16xi32> to vector<1xi32>
    %squeeze3A_197 = vector.extract %slice3A_196[0] : i32 from vector<1xi32>
    %multiple_of3A_198 = tpu.assume_multiple %squeeze3A_197, 128 : i32
    %slice3A_199 = vector.extract_strided_slice %and3A_67 {offsets = [5], sizes = [1], strides = [1]} : vector<16xi32> to vector<1xi32>
    %squeeze3A_200 = vector.extract %slice3A_199[0] : i32 from vector<1xi32>
    %multiple_of3A_201 = tpu.assume_multiple %squeeze3A_200, 128 : i32
    %dma_start3A_202 = arith.constant 80 : i32
    %dma_start3A_203 = arith.constant 0 : i32
    %dma_start3A_204 = tpu.memref_slice %arg11[%dma_start3A_202, %dma_start3A_203] : memref<256x128xf32, #tpu.memory_space<vmem>> -> memref<16x128xf32, #tpu.memory_space<vmem>>
    %dma_start3A_205 = arith.constant 0 : i32
    %dma_start3A_206 = tpu.memref_slice %arg4[%dma_start3A_205, %multiple_of3A_198] : memref<32x1000000xf32, #tpu.memory_space<hbm>> -> memref<16x128xf32, #tpu.memory_space<hbm>>
    %dma_start3A_207 = arith.constant 80 : i32
    %dma_start3A_208 = arith.constant 0 : i32
    %dma_start3A_209 = tpu.memref_slice %arg11[%dma_start3A_207, %dma_start3A_208] : memref<256x128xf32, #tpu.memory_space<vmem>> -> memref<16x128xf32, #tpu.memory_space<vmem>>
    %dma_start3A_210 = arith.constant 0 : i32
    %dma_start3A_211 = tpu.memref_slice %arg4[%dma_start3A_210, %multiple_of3A_198] : memref<32x1000000xf32, #tpu.memory_space<hbm>> -> memref<16x128xf32, #tpu.memory_space<hbm>>
    tpu.enqueue_dma source(%dma_start3A_211 : memref<16x128xf32, #tpu.memory_space<hbm>>) target(%dma_start3A_209 : memref<16x128xf32, #tpu.memory_space<vmem>>) target_semaphore(%arg17 : memref<!tpu.dma_semaphore, #tpu.memory_space<semaphore_mem>>)
    %dma_start3A_212 = arith.constant 80 : i32
    %dma_start3A_213 = arith.constant 0 : i32
    %dma_start3A_214 = tpu.memref_slice %arg12[%dma_start3A_212, %dma_start3A_213] : memref<256x128xf32, #tpu.memory_space<vmem>> -> memref<16x128xf32, #tpu.memory_space<vmem>>
    %dma_start3A_215 = arith.constant 0 : i32
    %dma_start3A_216 = tpu.memref_slice %arg5[%dma_start3A_215, %multiple_of3A_201] : memref<32x1000000xf32, #tpu.memory_space<hbm>> -> memref<16x128xf32, #tpu.memory_space<hbm>>
    %dma_start3A_217 = arith.constant 80 : i32
    %dma_start3A_218 = arith.constant 0 : i32
    %dma_start3A_219 = tpu.memref_slice %arg12[%dma_start3A_217, %dma_start3A_218] : memref<256x128xf32, #tpu.memory_space<vmem>> -> memref<16x128xf32, #tpu.memory_space<vmem>>
    %dma_start3A_220 = arith.constant 0 : i32
    %dma_start3A_221 = tpu.memref_slice %arg5[%dma_start3A_220, %multiple_of3A_201] : memref<32x1000000xf32, #tpu.memory_space<hbm>> -> memref<16x128xf32, #tpu.memory_space<hbm>>
    tpu.enqueue_dma source(%dma_start3A_221 : memref<16x128xf32, #tpu.memory_space<hbm>>) target(%dma_start3A_219 : memref<16x128xf32, #tpu.memory_space<vmem>>) target_semaphore(%arg17 : memref<!tpu.dma_semaphore, #tpu.memory_space<semaphore_mem>>)
    %slice3A_222 = vector.extract_strided_slice %and3A_64 {offsets = [6], sizes = [1], strides = [1]} : vector<16xi32> to vector<1xi32>
    %squeeze3A_223 = vector.extract %slice3A_222[0] : i32 from vector<1xi32>
    %multiple_of3A_224 = tpu.assume_multiple %squeeze3A_223, 128 : i32
    %slice3A_225 = vector.extract_strided_slice %and3A_67 {offsets = [6], sizes = [1], strides = [1]} : vector<16xi32> to vector<1xi32>
    %squeeze3A_226 = vector.extract %slice3A_225[0] : i32 from vector<1xi32>
    %multiple_of3A_227 = tpu.assume_multiple %squeeze3A_226, 128 : i32
    %dma_start3A_228 = arith.constant 96 : i32
    %dma_start3A_229 = arith.constant 0 : i32
    %dma_start3A_230 = tpu.memref_slice %arg11[%dma_start3A_228, %dma_start3A_229] : memref<256x128xf32, #tpu.memory_space<vmem>> -> memref<16x128xf32, #tpu.memory_space<vmem>>
    %dma_start3A_231 = arith.constant 0 : i32
    %dma_start3A_232 = tpu.memref_slice %arg4[%dma_start3A_231, %multiple_of3A_224] : memref<32x1000000xf32, #tpu.memory_space<hbm>> -> memref<16x128xf32, #tpu.memory_space<hbm>>
    %dma_start3A_233 = arith.constant 96 : i32
    %dma_start3A_234 = arith.constant 0 : i32
    %dma_start3A_235 = tpu.memref_slice %arg11[%dma_start3A_233, %dma_start3A_234] : memref<256x128xf32, #tpu.memory_space<vmem>> -> memref<16x128xf32, #tpu.memory_space<vmem>>
    %dma_start3A_236 = arith.constant 0 : i32
    %dma_start3A_237 = tpu.memref_slice %arg4[%dma_start3A_236, %multiple_of3A_224] : memref<32x1000000xf32, #tpu.memory_space<hbm>> -> memref<16x128xf32, #tpu.memory_space<hbm>>
    tpu.enqueue_dma source(%dma_start3A_237 : memref<16x128xf32, #tpu.memory_space<hbm>>) target(%dma_start3A_235 : memref<16x128xf32, #tpu.memory_space<vmem>>) target_semaphore(%arg17 : memref<!tpu.dma_semaphore, #tpu.memory_space<semaphore_mem>>)
    %dma_start3A_238 = arith.constant 96 : i32
    %dma_start3A_239 = arith.constant 0 : i32
    %dma_start3A_240 = tpu.memref_slice %arg12[%dma_start3A_238, %dma_start3A_239] : memref<256x128xf32, #tpu.memory_space<vmem>> -> memref<16x128xf32, #tpu.memory_space<vmem>>
    %dma_start3A_241 = arith.constant 0 : i32
    %dma_start3A_242 = tpu.memref_slice %arg5[%dma_start3A_241, %multiple_of3A_227] : memref<32x1000000xf32, #tpu.memory_space<hbm>> -> memref<16x128xf32, #tpu.memory_space<hbm>>
    %dma_start3A_243 = arith.constant 96 : i32
    %dma_start3A_244 = arith.constant 0 : i32
    %dma_start3A_245 = tpu.memref_slice %arg12[%dma_start3A_243, %dma_start3A_244] : memref<256x128xf32, #tpu.memory_space<vmem>> -> memref<16x128xf32, #tpu.memory_space<vmem>>
    %dma_start3A_246 = arith.constant 0 : i32
    %dma_start3A_247 = tpu.memref_slice %arg5[%dma_start3A_246, %multiple_of3A_227] : memref<32x1000000xf32, #tpu.memory_space<hbm>> -> memref<16x128xf32, #tpu.memory_space<hbm>>
    tpu.enqueue_dma source(%dma_start3A_247 : memref<16x128xf32, #tpu.memory_space<hbm>>) target(%dma_start3A_245 : memref<16x128xf32, #tpu.memory_space<vmem>>) target_semaphore(%arg17 : memref<!tpu.dma_semaphore, #tpu.memory_space<semaphore_mem>>)
    %slice3A_248 = vector.extract_strided_slice %and3A_64 {offsets = [7], sizes = [1], strides = [1]} : vector<16xi32> to vector<1xi32>
    %squeeze3A_249 = vector.extract %slice3A_248[0] : i32 from vector<1xi32>
    %multiple_of3A_250 = tpu.assume_multiple %squeeze3A_249, 128 : i32
    %slice3A_251 = vector.extract_strided_slice %and3A_67 {offsets = [7], sizes = [1], strides = [1]} : vector<16xi32> to vector<1xi32>
    %squeeze3A_252 = vector.extract %slice3A_251[0] : i32 from vector<1xi32>
    %multiple_of3A_253 = tpu.assume_multiple %squeeze3A_252, 128 : i32
    %dma_start3A_254 = arith.constant 112 : i32
    %dma_start3A_255 = arith.constant 0 : i32
    %dma_start3A_256 = tpu.memref_slice %arg11[%dma_start3A_254, %dma_start3A_255] : memref<256x128xf32, #tpu.memory_space<vmem>> -> memref<16x128xf32, #tpu.memory_space<vmem>>
    %dma_start3A_257 = arith.constant 0 : i32
    %dma_start3A_258 = tpu.memref_slice %arg4[%dma_start3A_257, %multiple_of3A_250] : memref<32x1000000xf32, #tpu.memory_space<hbm>> -> memref<16x128xf32, #tpu.memory_space<hbm>>
    %dma_start3A_259 = arith.constant 112 : i32
    %dma_start3A_260 = arith.constant 0 : i32
    %dma_start3A_261 = tpu.memref_slice %arg11[%dma_start3A_259, %dma_start3A_260] : memref<256x128xf32, #tpu.memory_space<vmem>> -> memref<16x128xf32, #tpu.memory_space<vmem>>
    %dma_start3A_262 = arith.constant 0 : i32
    %dma_start3A_263 = tpu.memref_slice %arg4[%dma_start3A_262, %multiple_of3A_250] : memref<32x1000000xf32, #tpu.memory_space<hbm>> -> memref<16x128xf32, #tpu.memory_space<hbm>>
    tpu.enqueue_dma source(%dma_start3A_263 : memref<16x128xf32, #tpu.memory_space<hbm>>) target(%dma_start3A_261 : memref<16x128xf32, #tpu.memory_space<vmem>>) target_semaphore(%arg17 : memref<!tpu.dma_semaphore, #tpu.memory_space<semaphore_mem>>)
    %dma_start3A_264 = arith.constant 112 : i32
    %dma_start3A_265 = arith.constant 0 : i32
    %dma_start3A_266 = tpu.memref_slice %arg12[%dma_start3A_264, %dma_start3A_265] : memref<256x128xf32, #tpu.memory_space<vmem>> -> memref<16x128xf32, #tpu.memory_space<vmem>>
    %dma_start3A_267 = arith.constant 0 : i32
    %dma_start3A_268 = tpu.memref_slice %arg5[%dma_start3A_267, %multiple_of3A_253] : memref<32x1000000xf32, #tpu.memory_space<hbm>> -> memref<16x128xf32, #tpu.memory_space<hbm>>
    %dma_start3A_269 = arith.constant 112 : i32
    %dma_start3A_270 = arith.constant 0 : i32
    %dma_start3A_271 = tpu.memref_slice %arg12[%dma_start3A_269, %dma_start3A_270] : memref<256x128xf32, #tpu.memory_space<vmem>> -> memref<16x128xf32, #tpu.memory_space<vmem>>
    %dma_start3A_272 = arith.constant 0 : i32
    %dma_start3A_273 = tpu.memref_slice %arg5[%dma_start3A_272, %multiple_of3A_253] : memref<32x1000000xf32, #tpu.memory_space<hbm>> -> memref<16x128xf32, #tpu.memory_space<hbm>>
    tpu.enqueue_dma source(%dma_start3A_273 : memref<16x128xf32, #tpu.memory_space<hbm>>) target(%dma_start3A_271 : memref<16x128xf32, #tpu.memory_space<vmem>>) target_semaphore(%arg17 : memref<!tpu.dma_semaphore, #tpu.memory_space<semaphore_mem>>)
    %and3A_274 = arith.constant -128 : i32
    %and3A_275 = vector.broadcast %and3A_274 : i32 to vector<16xi32>
    %and3A_276 = arith.andi %get3A_59, %and3A_275 : vector<16xi32>
    %and3A_277 = arith.constant -128 : i32
    %and3A_278 = vector.broadcast %and3A_277 : i32 to vector<16xi32>
    %and3A_279 = arith.andi %get3A_61, %and3A_278 : vector<16xi32>
    %slice3A_280 = vector.extract_strided_slice %and3A_276 {offsets = [8], sizes = [1], strides = [1]} : vector<16xi32> to vector<1xi32>
    %squeeze3A_281 = vector.extract %slice3A_280[0] : i32 from vector<1xi32>
    %multiple_of3A_282 = tpu.assume_multiple %squeeze3A_281, 128 : i32
    %slice3A_283 = vector.extract_strided_slice %and3A_279 {offsets = [8], sizes = [1], strides = [1]} : vector<16xi32> to vector<1xi32>
    %squeeze3A_284 = vector.extract %slice3A_283[0] : i32 from vector<1xi32>
    %multiple_of3A_285 = tpu.assume_multiple %squeeze3A_284, 128 : i32
    %dma_start3A_286 = arith.constant 128 : i32
    %dma_start3A_287 = arith.constant 0 : i32
    %dma_start3A_288 = tpu.memref_slice %arg11[%dma_start3A_286, %dma_start3A_287] : memref<256x128xf32, #tpu.memory_space<vmem>> -> memref<16x128xf32, #tpu.memory_space<vmem>>
    %dma_start3A_289 = arith.constant 0 : i32
    %dma_start3A_290 = tpu.memref_slice %arg4[%dma_start3A_289, %multiple_of3A_282] : memref<32x1000000xf32, #tpu.memory_space<hbm>> -> memref<16x128xf32, #tpu.memory_space<hbm>>
    %dma_start3A_291 = arith.constant 128 : i32
    %dma_start3A_292 = arith.constant 0 : i32
    %dma_start3A_293 = tpu.memref_slice %arg11[%dma_start3A_291, %dma_start3A_292] : memref<256x128xf32, #tpu.memory_space<vmem>> -> memref<16x128xf32, #tpu.memory_space<vmem>>
    %dma_start3A_294 = arith.constant 0 : i32
    %dma_start3A_295 = tpu.memref_slice %arg4[%dma_start3A_294, %multiple_of3A_282] : memref<32x1000000xf32, #tpu.memory_space<hbm>> -> memref<16x128xf32, #tpu.memory_space<hbm>>
    tpu.enqueue_dma source(%dma_start3A_295 : memref<16x128xf32, #tpu.memory_space<hbm>>) target(%dma_start3A_293 : memref<16x128xf32, #tpu.memory_space<vmem>>) target_semaphore(%arg18 : memref<!tpu.dma_semaphore, #tpu.memory_space<semaphore_mem>>)
    %dma_start3A_296 = arith.constant 128 : i32
    %dma_start3A_297 = arith.constant 0 : i32
    %dma_start3A_298 = tpu.memref_slice %arg12[%dma_start3A_296, %dma_start3A_297] : memref<256x128xf32, #tpu.memory_space<vmem>> -> memref<16x128xf32, #tpu.memory_space<vmem>>
    %dma_start3A_299 = arith.constant 0 : i32
    %dma_start3A_300 = tpu.memref_slice %arg5[%dma_start3A_299, %multiple_of3A_285] : memref<32x1000000xf32, #tpu.memory_space<hbm>> -> memref<16x128xf32, #tpu.memory_space<hbm>>
    %dma_start3A_301 = arith.constant 128 : i32
    %dma_start3A_302 = arith.constant 0 : i32
    %dma_start3A_303 = tpu.memref_slice %arg12[%dma_start3A_301, %dma_start3A_302] : memref<256x128xf32, #tpu.memory_space<vmem>> -> memref<16x128xf32, #tpu.memory_space<vmem>>
    %dma_start3A_304 = arith.constant 0 : i32
    %dma_start3A_305 = tpu.memref_slice %arg5[%dma_start3A_304, %multiple_of3A_285] : memref<32x1000000xf32, #tpu.memory_space<hbm>> -> memref<16x128xf32, #tpu.memory_space<hbm>>
    tpu.enqueue_dma source(%dma_start3A_305 : memref<16x128xf32, #tpu.memory_space<hbm>>) target(%dma_start3A_303 : memref<16x128xf32, #tpu.memory_space<vmem>>) target_semaphore(%arg18 : memref<!tpu.dma_semaphore, #tpu.memory_space<semaphore_mem>>)
    %slice3A_306 = vector.extract_strided_slice %and3A_276 {offsets = [9], sizes = [1], strides = [1]} : vector<16xi32> to vector<1xi32>
    %squeeze3A_307 = vector.extract %slice3A_306[0] : i32 from vector<1xi32>
    %multiple_of3A_308 = tpu.assume_multiple %squeeze3A_307, 128 : i32
    %slice3A_309 = vector.extract_strided_slice %and3A_279 {offsets = [9], sizes = [1], strides = [1]} : vector<16xi32> to vector<1xi32>
    %squeeze3A_310 = vector.extract %slice3A_309[0] : i32 from vector<1xi32>
    %multiple_of3A_311 = tpu.assume_multiple %squeeze3A_310, 128 : i32
    %dma_start3A_312 = arith.constant 144 : i32
    %dma_start3A_313 = arith.constant 0 : i32
    %dma_start3A_314 = tpu.memref_slice %arg11[%dma_start3A_312, %dma_start3A_313] : memref<256x128xf32, #tpu.memory_space<vmem>> -> memref<16x128xf32, #tpu.memory_space<vmem>>
    %dma_start3A_315 = arith.constant 0 : i32
    %dma_start3A_316 = tpu.memref_slice %arg4[%dma_start3A_315, %multiple_of3A_308] : memref<32x1000000xf32, #tpu.memory_space<hbm>> -> memref<16x128xf32, #tpu.memory_space<hbm>>
    %dma_start3A_317 = arith.constant 144 : i32
    %dma_start3A_318 = arith.constant 0 : i32
    %dma_start3A_319 = tpu.memref_slice %arg11[%dma_start3A_317, %dma_start3A_318] : memref<256x128xf32, #tpu.memory_space<vmem>> -> memref<16x128xf32, #tpu.memory_space<vmem>>
    %dma_start3A_320 = arith.constant 0 : i32
    %dma_start3A_321 = tpu.memref_slice %arg4[%dma_start3A_320, %multiple_of3A_308] : memref<32x1000000xf32, #tpu.memory_space<hbm>> -> memref<16x128xf32, #tpu.memory_space<hbm>>
    tpu.enqueue_dma source(%dma_start3A_321 : memref<16x128xf32, #tpu.memory_space<hbm>>) target(%dma_start3A_319 : memref<16x128xf32, #tpu.memory_space<vmem>>) target_semaphore(%arg18 : memref<!tpu.dma_semaphore, #tpu.memory_space<semaphore_mem>>)
    %dma_start3A_322 = arith.constant 144 : i32
    %dma_start3A_323 = arith.constant 0 : i32
    %dma_start3A_324 = tpu.memref_slice %arg12[%dma_start3A_322, %dma_start3A_323] : memref<256x128xf32, #tpu.memory_space<vmem>> -> memref<16x128xf32, #tpu.memory_space<vmem>>
    %dma_start3A_325 = arith.constant 0 : i32
    %dma_start3A_326 = tpu.memref_slice %arg5[%dma_start3A_325, %multiple_of3A_311] : memref<32x1000000xf32, #tpu.memory_space<hbm>> -> memref<16x128xf32, #tpu.memory_space<hbm>>
    %dma_start3A_327 = arith.constant 144 : i32
    %dma_start3A_328 = arith.constant 0 : i32
    %dma_start3A_329 = tpu.memref_slice %arg12[%dma_start3A_327, %dma_start3A_328] : memref<256x128xf32, #tpu.memory_space<vmem>> -> memref<16x128xf32, #tpu.memory_space<vmem>>
    %dma_start3A_330 = arith.constant 0 : i32
    %dma_start3A_331 = tpu.memref_slice %arg5[%dma_start3A_330, %multiple_of3A_311] : memref<32x1000000xf32, #tpu.memory_space<hbm>> -> memref<16x128xf32, #tpu.memory_space<hbm>>
    tpu.enqueue_dma source(%dma_start3A_331 : memref<16x128xf32, #tpu.memory_space<hbm>>) target(%dma_start3A_329 : memref<16x128xf32, #tpu.memory_space<vmem>>) target_semaphore(%arg18 : memref<!tpu.dma_semaphore, #tpu.memory_space<semaphore_mem>>)
    %slice3A_332 = vector.extract_strided_slice %and3A_276 {offsets = [10], sizes = [1], strides = [1]} : vector<16xi32> to vector<1xi32>
    %squeeze3A_333 = vector.extract %slice3A_332[0] : i32 from vector<1xi32>
    %multiple_of3A_334 = tpu.assume_multiple %squeeze3A_333, 128 : i32
    %slice3A_335 = vector.extract_strided_slice %and3A_279 {offsets = [10], sizes = [1], strides = [1]} : vector<16xi32> to vector<1xi32>
    %squeeze3A_336 = vector.extract %slice3A_335[0] : i32 from vector<1xi32>
    %multiple_of3A_337 = tpu.assume_multiple %squeeze3A_336, 128 : i32
    %dma_start3A_338 = arith.constant 160 : i32
    %dma_start3A_339 = arith.constant 0 : i32
    %dma_start3A_340 = tpu.memref_slice %arg11[%dma_start3A_338, %dma_start3A_339] : memref<256x128xf32, #tpu.memory_space<vmem>> -> memref<16x128xf32, #tpu.memory_space<vmem>>
    %dma_start3A_341 = arith.constant 0 : i32
    %dma_start3A_342 = tpu.memref_slice %arg4[%dma_start3A_341, %multiple_of3A_334] : memref<32x1000000xf32, #tpu.memory_space<hbm>> -> memref<16x128xf32, #tpu.memory_space<hbm>>
    %dma_start3A_343 = arith.constant 160 : i32
    %dma_start3A_344 = arith.constant 0 : i32
    %dma_start3A_345 = tpu.memref_slice %arg11[%dma_start3A_343, %dma_start3A_344] : memref<256x128xf32, #tpu.memory_space<vmem>> -> memref<16x128xf32, #tpu.memory_space<vmem>>
    %dma_start3A_346 = arith.constant 0 : i32
    %dma_start3A_347 = tpu.memref_slice %arg4[%dma_start3A_346, %multiple_of3A_334] : memref<32x1000000xf32, #tpu.memory_space<hbm>> -> memref<16x128xf32, #tpu.memory_space<hbm>>
    tpu.enqueue_dma source(%dma_start3A_347 : memref<16x128xf32, #tpu.memory_space<hbm>>) target(%dma_start3A_345 : memref<16x128xf32, #tpu.memory_space<vmem>>) target_semaphore(%arg18 : memref<!tpu.dma_semaphore, #tpu.memory_space<semaphore_mem>>)
    %dma_start3A_348 = arith.constant 160 : i32
    %dma_start3A_349 = arith.constant 0 : i32
    %dma_start3A_350 = tpu.memref_slice %arg12[%dma_start3A_348, %dma_start3A_349] : memref<256x128xf32, #tpu.memory_space<vmem>> -> memref<16x128xf32, #tpu.memory_space<vmem>>
    %dma_start3A_351 = arith.constant 0 : i32
    %dma_start3A_352 = tpu.memref_slice %arg5[%dma_start3A_351, %multiple_of3A_337] : memref<32x1000000xf32, #tpu.memory_space<hbm>> -> memref<16x128xf32, #tpu.memory_space<hbm>>
    %dma_start3A_353 = arith.constant 160 : i32
    %dma_start3A_354 = arith.constant 0 : i32
    %dma_start3A_355 = tpu.memref_slice %arg12[%dma_start3A_353, %dma_start3A_354] : memref<256x128xf32, #tpu.memory_space<vmem>> -> memref<16x128xf32, #tpu.memory_space<vmem>>
    %dma_start3A_356 = arith.constant 0 : i32
    %dma_start3A_357 = tpu.memref_slice %arg5[%dma_start3A_356, %multiple_of3A_337] : memref<32x1000000xf32, #tpu.memory_space<hbm>> -> memref<16x128xf32, #tpu.memory_space<hbm>>
    tpu.enqueue_dma source(%dma_start3A_357 : memref<16x128xf32, #tpu.memory_space<hbm>>) target(%dma_start3A_355 : memref<16x128xf32, #tpu.memory_space<vmem>>) target_semaphore(%arg18 : memref<!tpu.dma_semaphore, #tpu.memory_space<semaphore_mem>>)
    %slice3A_358 = vector.extract_strided_slice %and3A_276 {offsets = [11], sizes = [1], strides = [1]} : vector<16xi32> to vector<1xi32>
    %squeeze3A_359 = vector.extract %slice3A_358[0] : i32 from vector<1xi32>
    %multiple_of3A_360 = tpu.assume_multiple %squeeze3A_359, 128 : i32
    %slice3A_361 = vector.extract_strided_slice %and3A_279 {offsets = [11], sizes = [1], strides = [1]} : vector<16xi32> to vector<1xi32>
    %squeeze3A_362 = vector.extract %slice3A_361[0] : i32 from vector<1xi32>
    %multiple_of3A_363 = tpu.assume_multiple %squeeze3A_362, 128 : i32
    %dma_start3A_364 = arith.constant 176 : i32
    %dma_start3A_365 = arith.constant 0 : i32
    %dma_start3A_366 = tpu.memref_slice %arg11[%dma_start3A_364, %dma_start3A_365] : memref<256x128xf32, #tpu.memory_space<vmem>> -> memref<16x128xf32, #tpu.memory_space<vmem>>
    %dma_start3A_367 = arith.constant 0 : i32
    %dma_start3A_368 = tpu.memref_slice %arg4[%dma_start3A_367, %multiple_of3A_360] : memref<32x1000000xf32, #tpu.memory_space<hbm>> -> memref<16x128xf32, #tpu.memory_space<hbm>>
    %dma_start3A_369 = arith.constant 176 : i32
    %dma_start3A_370 = arith.constant 0 : i32
    %dma_start3A_371 = tpu.memref_slice %arg11[%dma_start3A_369, %dma_start3A_370] : memref<256x128xf32, #tpu.memory_space<vmem>> -> memref<16x128xf32, #tpu.memory_space<vmem>>
    %dma_start3A_372 = arith.constant 0 : i32
    %dma_start3A_373 = tpu.memref_slice %arg4[%dma_start3A_372, %multiple_of3A_360] : memref<32x1000000xf32, #tpu.memory_space<hbm>> -> memref<16x128xf32, #tpu.memory_space<hbm>>
    tpu.enqueue_dma source(%dma_start3A_373 : memref<16x128xf32, #tpu.memory_space<hbm>>) target(%dma_start3A_371 : memref<16x128xf32, #tpu.memory_space<vmem>>) target_semaphore(%arg18 : memref<!tpu.dma_semaphore, #tpu.memory_space<semaphore_mem>>)
    %dma_start3A_374 = arith.constant 176 : i32
    %dma_start3A_375 = arith.constant 0 : i32
    %dma_start3A_376 = tpu.memref_slice %arg12[%dma_start3A_374, %dma_start3A_375] : memref<256x128xf32, #tpu.memory_space<vmem>> -> memref<16x128xf32, #tpu.memory_space<vmem>>
    %dma_start3A_377 = arith.constant 0 : i32
    %dma_start3A_378 = tpu.memref_slice %arg5[%dma_start3A_377, %multiple_of3A_363] : memref<32x1000000xf32, #tpu.memory_space<hbm>> -> memref<16x128xf32, #tpu.memory_space<hbm>>
    %dma_start3A_379 = arith.constant 176 : i32
    %dma_start3A_380 = arith.constant 0 : i32
    %dma_start3A_381 = tpu.memref_slice %arg12[%dma_start3A_379, %dma_start3A_380] : memref<256x128xf32, #tpu.memory_space<vmem>> -> memref<16x128xf32, #tpu.memory_space<vmem>>
    %dma_start3A_382 = arith.constant 0 : i32
    %dma_start3A_383 = tpu.memref_slice %arg5[%dma_start3A_382, %multiple_of3A_363] : memref<32x1000000xf32, #tpu.memory_space<hbm>> -> memref<16x128xf32, #tpu.memory_space<hbm>>
    tpu.enqueue_dma source(%dma_start3A_383 : memref<16x128xf32, #tpu.memory_space<hbm>>) target(%dma_start3A_381 : memref<16x128xf32, #tpu.memory_space<vmem>>) target_semaphore(%arg18 : memref<!tpu.dma_semaphore, #tpu.memory_space<semaphore_mem>>)
    %slice3A_384 = vector.extract_strided_slice %and3A_276 {offsets = [12], sizes = [1], strides = [1]} : vector<16xi32> to vector<1xi32>
    %squeeze3A_385 = vector.extract %slice3A_384[0] : i32 from vector<1xi32>
    %multiple_of3A_386 = tpu.assume_multiple %squeeze3A_385, 128 : i32
    %slice3A_387 = vector.extract_strided_slice %and3A_279 {offsets = [12], sizes = [1], strides = [1]} : vector<16xi32> to vector<1xi32>
    %squeeze3A_388 = vector.extract %slice3A_387[0] : i32 from vector<1xi32>
    %multiple_of3A_389 = tpu.assume_multiple %squeeze3A_388, 128 : i32
    %dma_start3A_390 = arith.constant 192 : i32
    %dma_start3A_391 = arith.constant 0 : i32
    %dma_start3A_392 = tpu.memref_slice %arg11[%dma_start3A_390, %dma_start3A_391] : memref<256x128xf32, #tpu.memory_space<vmem>> -> memref<16x128xf32, #tpu.memory_space<vmem>>
    %dma_start3A_393 = arith.constant 0 : i32
    %dma_start3A_394 = tpu.memref_slice %arg4[%dma_start3A_393, %multiple_of3A_386] : memref<32x1000000xf32, #tpu.memory_space<hbm>> -> memref<16x128xf32, #tpu.memory_space<hbm>>
    %dma_start3A_395 = arith.constant 192 : i32
    %dma_start3A_396 = arith.constant 0 : i32
    %dma_start3A_397 = tpu.memref_slice %arg11[%dma_start3A_395, %dma_start3A_396] : memref<256x128xf32, #tpu.memory_space<vmem>> -> memref<16x128xf32, #tpu.memory_space<vmem>>
    %dma_start3A_398 = arith.constant 0 : i32
    %dma_start3A_399 = tpu.memref_slice %arg4[%dma_start3A_398, %multiple_of3A_386] : memref<32x1000000xf32, #tpu.memory_space<hbm>> -> memref<16x128xf32, #tpu.memory_space<hbm>>
    tpu.enqueue_dma source(%dma_start3A_399 : memref<16x128xf32, #tpu.memory_space<hbm>>) target(%dma_start3A_397 : memref<16x128xf32, #tpu.memory_space<vmem>>) target_semaphore(%arg18 : memref<!tpu.dma_semaphore, #tpu.memory_space<semaphore_mem>>)
    %dma_start3A_400 = arith.constant 192 : i32
    %dma_start3A_401 = arith.constant 0 : i32
    %dma_start3A_402 = tpu.memref_slice %arg12[%dma_start3A_400, %dma_start3A_401] : memref<256x128xf32, #tpu.memory_space<vmem>> -> memref<16x128xf32, #tpu.memory_space<vmem>>
    %dma_start3A_403 = arith.constant 0 : i32
    %dma_start3A_404 = tpu.memref_slice %arg5[%dma_start3A_403, %multiple_of3A_389] : memref<32x1000000xf32, #tpu.memory_space<hbm>> -> memref<16x128xf32, #tpu.memory_space<hbm>>
    %dma_start3A_405 = arith.constant 192 : i32
    %dma_start3A_406 = arith.constant 0 : i32
    %dma_start3A_407 = tpu.memref_slice %arg12[%dma_start3A_405, %dma_start3A_406] : memref<256x128xf32, #tpu.memory_space<vmem>> -> memref<16x128xf32, #tpu.memory_space<vmem>>
    %dma_start3A_408 = arith.constant 0 : i32
    %dma_start3A_409 = tpu.memref_slice %arg5[%dma_start3A_408, %multiple_of3A_389] : memref<32x1000000xf32, #tpu.memory_space<hbm>> -> memref<16x128xf32, #tpu.memory_space<hbm>>
    tpu.enqueue_dma source(%dma_start3A_409 : memref<16x128xf32, #tpu.memory_space<hbm>>) target(%dma_start3A_407 : memref<16x128xf32, #tpu.memory_space<vmem>>) target_semaphore(%arg18 : memref<!tpu.dma_semaphore, #tpu.memory_space<semaphore_mem>>)
    %slice3A_410 = vector.extract_strided_slice %and3A_276 {offsets = [13], sizes = [1], strides = [1]} : vector<16xi32> to vector<1xi32>
    %squeeze3A_411 = vector.extract %slice3A_410[0] : i32 from vector<1xi32>
    %multiple_of3A_412 = tpu.assume_multiple %squeeze3A_411, 128 : i32
    %slice3A_413 = vector.extract_strided_slice %and3A_279 {offsets = [13], sizes = [1], strides = [1]} : vector<16xi32> to vector<1xi32>
    %squeeze3A_414 = vector.extract %slice3A_413[0] : i32 from vector<1xi32>
    %multiple_of3A_415 = tpu.assume_multiple %squeeze3A_414, 128 : i32
    %dma_start3A_416 = arith.constant 208 : i32
    %dma_start3A_417 = arith.constant 0 : i32
    %dma_start3A_418 = tpu.memref_slice %arg11[%dma_start3A_416, %dma_start3A_417] : memref<256x128xf32, #tpu.memory_space<vmem>> -> memref<16x128xf32, #tpu.memory_space<vmem>>
    %dma_start3A_419 = arith.constant 0 : i32
    %dma_start3A_420 = tpu.memref_slice %arg4[%dma_start3A_419, %multiple_of3A_412] : memref<32x1000000xf32, #tpu.memory_space<hbm>> -> memref<16x128xf32, #tpu.memory_space<hbm>>
    %dma_start3A_421 = arith.constant 208 : i32
    %dma_start3A_422 = arith.constant 0 : i32
    %dma_start3A_423 = tpu.memref_slice %arg11[%dma_start3A_421, %dma_start3A_422] : memref<256x128xf32, #tpu.memory_space<vmem>> -> memref<16x128xf32, #tpu.memory_space<vmem>>
    %dma_start3A_424 = arith.constant 0 : i32
    %dma_start3A_425 = tpu.memref_slice %arg4[%dma_start3A_424, %multiple_of3A_412] : memref<32x1000000xf32, #tpu.memory_space<hbm>> -> memref<16x128xf32, #tpu.memory_space<hbm>>
    tpu.enqueue_dma source(%dma_start3A_425 : memref<16x128xf32, #tpu.memory_space<hbm>>) target(%dma_start3A_423 : memref<16x128xf32, #tpu.memory_space<vmem>>) target_semaphore(%arg18 : memref<!tpu.dma_semaphore, #tpu.memory_space<semaphore_mem>>)
    %dma_start3A_426 = arith.constant 208 : i32
    %dma_start3A_427 = arith.constant 0 : i32
    %dma_start3A_428 = tpu.memref_slice %arg12[%dma_start3A_426, %dma_start3A_427] : memref<256x128xf32, #tpu.memory_space<vmem>> -> memref<16x128xf32, #tpu.memory_space<vmem>>
    %dma_start3A_429 = arith.constant 0 : i32
    %dma_start3A_430 = tpu.memref_slice %arg5[%dma_start3A_429, %multiple_of3A_415] : memref<32x1000000xf32, #tpu.memory_space<hbm>> -> memref<16x128xf32, #tpu.memory_space<hbm>>
    %dma_start3A_431 = arith.constant 208 : i32
    %dma_start3A_432 = arith.constant 0 : i32
    %dma_start3A_433 = tpu.memref_slice %arg12[%dma_start3A_431, %dma_start3A_432] : memref<256x128xf32, #tpu.memory_space<vmem>> -> memref<16x128xf32, #tpu.memory_space<vmem>>
    %dma_start3A_434 = arith.constant 0 : i32
    %dma_start3A_435 = tpu.memref_slice %arg5[%dma_start3A_434, %multiple_of3A_415] : memref<32x1000000xf32, #tpu.memory_space<hbm>> -> memref<16x128xf32, #tpu.memory_space<hbm>>
    tpu.enqueue_dma source(%dma_start3A_435 : memref<16x128xf32, #tpu.memory_space<hbm>>) target(%dma_start3A_433 : memref<16x128xf32, #tpu.memory_space<vmem>>) target_semaphore(%arg18 : memref<!tpu.dma_semaphore, #tpu.memory_space<semaphore_mem>>)
    %slice3A_436 = vector.extract_strided_slice %and3A_276 {offsets = [14], sizes = [1], strides = [1]} : vector<16xi32> to vector<1xi32>
    %squeeze3A_437 = vector.extract %slice3A_436[0] : i32 from vector<1xi32>
    %multiple_of3A_438 = tpu.assume_multiple %squeeze3A_437, 128 : i32
    %slice3A_439 = vector.extract_strided_slice %and3A_279 {offsets = [14], sizes = [1], strides = [1]} : vector<16xi32> to vector<1xi32>
    %squeeze3A_440 = vector.extract %slice3A_439[0] : i32 from vector<1xi32>
    %multiple_of3A_441 = tpu.assume_multiple %squeeze3A_440, 128 : i32
    %dma_start3A_442 = arith.constant 224 : i32
    %dma_start3A_443 = arith.constant 0 : i32
    %dma_start3A_444 = tpu.memref_slice %arg11[%dma_start3A_442, %dma_start3A_443] : memref<256x128xf32, #tpu.memory_space<vmem>> -> memref<16x128xf32, #tpu.memory_space<vmem>>
    %dma_start3A_445 = arith.constant 0 : i32
    %dma_start3A_446 = tpu.memref_slice %arg4[%dma_start3A_445, %multiple_of3A_438] : memref<32x1000000xf32, #tpu.memory_space<hbm>> -> memref<16x128xf32, #tpu.memory_space<hbm>>
    %dma_start3A_447 = arith.constant 224 : i32
    %dma_start3A_448 = arith.constant 0 : i32
    %dma_start3A_449 = tpu.memref_slice %arg11[%dma_start3A_447, %dma_start3A_448] : memref<256x128xf32, #tpu.memory_space<vmem>> -> memref<16x128xf32, #tpu.memory_space<vmem>>
    %dma_start3A_450 = arith.constant 0 : i32
    %dma_start3A_451 = tpu.memref_slice %arg4[%dma_start3A_450, %multiple_of3A_438] : memref<32x1000000xf32, #tpu.memory_space<hbm>> -> memref<16x128xf32, #tpu.memory_space<hbm>>
    tpu.enqueue_dma source(%dma_start3A_451 : memref<16x128xf32, #tpu.memory_space<hbm>>) target(%dma_start3A_449 : memref<16x128xf32, #tpu.memory_space<vmem>>) target_semaphore(%arg18 : memref<!tpu.dma_semaphore, #tpu.memory_space<semaphore_mem>>)
    %dma_start3A_452 = arith.constant 224 : i32
    %dma_start3A_453 = arith.constant 0 : i32
    %dma_start3A_454 = tpu.memref_slice %arg12[%dma_start3A_452, %dma_start3A_453] : memref<256x128xf32, #tpu.memory_space<vmem>> -> memref<16x128xf32, #tpu.memory_space<vmem>>
    %dma_start3A_455 = arith.constant 0 : i32
    %dma_start3A_456 = tpu.memref_slice %arg5[%dma_start3A_455, %multiple_of3A_441] : memref<32x1000000xf32, #tpu.memory_space<hbm>> -> memref<16x128xf32, #tpu.memory_space<hbm>>
    %dma_start3A_457 = arith.constant 224 : i32
    %dma_start3A_458 = arith.constant 0 : i32
    %dma_start3A_459 = tpu.memref_slice %arg12[%dma_start3A_457, %dma_start3A_458] : memref<256x128xf32, #tpu.memory_space<vmem>> -> memref<16x128xf32, #tpu.memory_space<vmem>>
    %dma_start3A_460 = arith.constant 0 : i32
    %dma_start3A_461 = tpu.memref_slice %arg5[%dma_start3A_460, %multiple_of3A_441] : memref<32x1000000xf32, #tpu.memory_space<hbm>> -> memref<16x128xf32, #tpu.memory_space<hbm>>
    tpu.enqueue_dma source(%dma_start3A_461 : memref<16x128xf32, #tpu.memory_space<hbm>>) target(%dma_start3A_459 : memref<16x128xf32, #tpu.memory_space<vmem>>) target_semaphore(%arg18 : memref<!tpu.dma_semaphore, #tpu.memory_space<semaphore_mem>>)
    %slice3A_462 = vector.extract_strided_slice %and3A_276 {offsets = [15], sizes = [1], strides = [1]} : vector<16xi32> to vector<1xi32>
    %squeeze3A_463 = vector.extract %slice3A_462[0] : i32 from vector<1xi32>
    %multiple_of3A_464 = tpu.assume_multiple %squeeze3A_463, 128 : i32
    %slice3A_465 = vector.extract_strided_slice %and3A_279 {offsets = [15], sizes = [1], strides = [1]} : vector<16xi32> to vector<1xi32>
    %squeeze3A_466 = vector.extract %slice3A_465[0] : i32 from vector<1xi32>
    %multiple_of3A_467 = tpu.assume_multiple %squeeze3A_466, 128 : i32
    %dma_start3A_468 = arith.constant 240 : i32
    %dma_start3A_469 = arith.constant 0 : i32
    %dma_start3A_470 = tpu.memref_slice %arg11[%dma_start3A_468, %dma_start3A_469] : memref<256x128xf32, #tpu.memory_space<vmem>> -> memref<16x128xf32, #tpu.memory_space<vmem>>
    %dma_start3A_471 = arith.constant 0 : i32
    %dma_start3A_472 = tpu.memref_slice %arg4[%dma_start3A_471, %multiple_of3A_464] : memref<32x1000000xf32, #tpu.memory_space<hbm>> -> memref<16x128xf32, #tpu.memory_space<hbm>>
    %dma_start3A_473 = arith.constant 240 : i32
    %dma_start3A_474 = arith.constant 0 : i32
    %dma_start3A_475 = tpu.memref_slice %arg11[%dma_start3A_473, %dma_start3A_474] : memref<256x128xf32, #tpu.memory_space<vmem>> -> memref<16x128xf32, #tpu.memory_space<vmem>>
    %dma_start3A_476 = arith.constant 0 : i32
    %dma_start3A_477 = tpu.memref_slice %arg4[%dma_start3A_476, %multiple_of3A_464] : memref<32x1000000xf32, #tpu.memory_space<hbm>> -> memref<16x128xf32, #tpu.memory_space<hbm>>
    tpu.enqueue_dma source(%dma_start3A_477 : memref<16x128xf32, #tpu.memory_space<hbm>>) target(%dma_start3A_475 : memref<16x128xf32, #tpu.memory_space<vmem>>) target_semaphore(%arg18 : memref<!tpu.dma_semaphore, #tpu.memory_space<semaphore_mem>>)
    %dma_start3A_478 = arith.constant 240 : i32
    %dma_start3A_479 = arith.constant 0 : i32
    %dma_start3A_480 = tpu.memref_slice %arg12[%dma_start3A_478, %dma_start3A_479] : memref<256x128xf32, #tpu.memory_space<vmem>> -> memref<16x128xf32, #tpu.memory_space<vmem>>
    %dma_start3A_481 = arith.constant 0 : i32
    %dma_start3A_482 = tpu.memref_slice %arg5[%dma_start3A_481, %multiple_of3A_467] : memref<32x1000000xf32, #tpu.memory_space<hbm>> -> memref<16x128xf32, #tpu.memory_space<hbm>>
    %dma_start3A_483 = arith.constant 240 : i32
    %dma_start3A_484 = arith.constant 0 : i32
    %dma_start3A_485 = tpu.memref_slice %arg12[%dma_start3A_483, %dma_start3A_484] : memref<256x128xf32, #tpu.memory_space<vmem>> -> memref<16x128xf32, #tpu.memory_space<vmem>>
    %dma_start3A_486 = arith.constant 0 : i32
    %dma_start3A_487 = tpu.memref_slice %arg5[%dma_start3A_486, %multiple_of3A_467] : memref<32x1000000xf32, #tpu.memory_space<hbm>> -> memref<16x128xf32, #tpu.memory_space<hbm>>
    tpu.enqueue_dma source(%dma_start3A_487 : memref<16x128xf32, #tpu.memory_space<hbm>>) target(%dma_start3A_485 : memref<16x128xf32, #tpu.memory_space<vmem>>) target_semaphore(%arg18 : memref<!tpu.dma_semaphore, #tpu.memory_space<semaphore_mem>>)
    %scan3A = arith.constant 0 : i32
    %scan3A_488 = arith.constant 0 : i32
    %scan3A_489 = arith.constant 32 : i32
    %scan3A_490 = arith.addi %scan3A_488, %scan3A_489 : i32
    %scan3A_491 = arith.constant 1 : i32
    scf.for %scan3A_931 = %scan3A_488 to %scan3A_490 step %scan3A_491  : i32 {
      %mul3A_932 = arith.constant 16 : i32
      %mul3A_933 = arith.muli %scan3A_931, %mul3A_932 : i32
      %multiple_of3A_934 = tpu.assume_multiple %mul3A_933, 16 : i32
      %get3A_935 = arith.index_cast %multiple_of3A_934 : i32 to index
      %get3A_936 = tpu.vector_load %arg9[%get3A_935] {strides = array<i32>} : memref<512xi32, #tpu.memory_space<vmem>>, vector<16xi32>,
      %get3A_937 = arith.index_cast %multiple_of3A_934 : i32 to index
      %get3A_938 = tpu.vector_load %arg10[%get3A_937] {strides = array<i32>} : memref<512xi32, #tpu.memory_space<vmem>>, vector<16xi32>,
      %and3A_939 = arith.constant 127 : i32
      %and3A_940 = vector.broadcast %and3A_939 : i32 to vector<16xi32>
      %and3A_941 = arith.andi %get3A_936, %and3A_940 : vector<16xi32>
      %and3A_942 = arith.constant 127 : i32
      %and3A_943 = vector.broadcast %and3A_942 : i32 to vector<16xi32>
      %and3A_944 = arith.andi %get3A_938, %and3A_943 : vector<16xi32>
      %dma_wait3A_945 = arith.constant 0 : i32
      %dma_wait3A_946 = arith.constant 0 : i32
      %dma_wait3A_947 = tpu.memref_slice %arg11[%dma_wait3A_945, %dma_wait3A_946] : memref<256x128xf32, #tpu.memory_space<vmem>> -> memref<128x128xf32, #tpu.memory_space<vmem>>
      %dma_wait3A_948 = arith.constant 0 : i32
      %dma_wait3A_949 = arith.constant 0 : i32
      %dma_wait3A_950 = tpu.memref_slice %arg4[%dma_wait3A_948, %dma_wait3A_949] : memref<32x1000000xf32, #tpu.memory_space<hbm>> -> memref<16x128xf32, #tpu.memory_space<hbm>>
      %dma_wait3A_951 = arith.constant 0 : i32
      %dma_wait3A_952 = arith.constant 0 : i32
      %dma_wait3A_953 = tpu.memref_slice %arg11[%dma_wait3A_951, %dma_wait3A_952] : memref<256x128xf32, #tpu.memory_space<vmem>> -> memref<128x128xf32, #tpu.memory_space<vmem>>
      %dma_wait3A_954 = arith.constant 0 : i32
      %dma_wait3A_955 = arith.constant 0 : i32
      %dma_wait3A_956 = tpu.memref_slice %arg4[%dma_wait3A_954, %dma_wait3A_955] : memref<32x1000000xf32, #tpu.memory_space<hbm>> -> memref<16x128xf32, #tpu.memory_space<hbm>>
      tpu.wait_dma2 semaphore(%arg17 : memref<!tpu.dma_semaphore, #tpu.memory_space<semaphore_mem>>) src(%dma_wait3A_956 : memref<16x128xf32, #tpu.memory_space<hbm>>) dst(%dma_wait3A_953 : memref<128x128xf32, #tpu.memory_space<vmem>>)
      %dma_wait3A_957 = arith.constant 0 : i32
      %dma_wait3A_958 = arith.constant 0 : i32
      %dma_wait3A_959 = tpu.memref_slice %arg12[%dma_wait3A_957, %dma_wait3A_958] : memref<256x128xf32, #tpu.memory_space<vmem>> -> memref<128x128xf32, #tpu.memory_space<vmem>>
      %dma_wait3A_960 = arith.constant 0 : i32
      %dma_wait3A_961 = arith.constant 0 : i32
      %dma_wait3A_962 = tpu.memref_slice %arg5[%dma_wait3A_960, %dma_wait3A_961] : memref<32x1000000xf32, #tpu.memory_space<hbm>> -> memref<16x128xf32, #tpu.memory_space<hbm>>
      %dma_wait3A_963 = arith.constant 0 : i32
      %dma_wait3A_964 = arith.constant 0 : i32
      %dma_wait3A_965 = tpu.memref_slice %arg12[%dma_wait3A_963, %dma_wait3A_964] : memref<256x128xf32, #tpu.memory_space<vmem>> -> memref<128x128xf32, #tpu.memory_space<vmem>>
      %dma_wait3A_966 = arith.constant 0 : i32
      %dma_wait3A_967 = arith.constant 0 : i32
      %dma_wait3A_968 = tpu.memref_slice %arg5[%dma_wait3A_966, %dma_wait3A_967] : memref<32x1000000xf32, #tpu.memory_space<hbm>> -> memref<16x128xf32, #tpu.memory_space<hbm>>
      tpu.wait_dma2 semaphore(%arg17 : memref<!tpu.dma_semaphore, #tpu.memory_space<semaphore_mem>>) src(%dma_wait3A_968 : memref<16x128xf32, #tpu.memory_space<hbm>>) dst(%dma_wait3A_965 : memref<128x128xf32, #tpu.memory_space<vmem>>)
      %add3A_969 = arith.constant 0 : i32
      %add3A_970 = vector.broadcast %add3A_969 : i32 to vector<16xi32>
      %add3A_971 = arith.addi %add3A_970, %iota3A : vector<16xi32>
      %slice3A_972 = vector.extract_strided_slice %and3A_941 {offsets = [0], sizes = [1], strides = [1]} : vector<16xi32> to vector<1xi32>
      %squeeze3A_973 = vector.extract %slice3A_972[0] : i32 from vector<1xi32>
      %broadcast_in_dim3A = vector.broadcast %squeeze3A_973 : i32 to vector<16xi32>
      %gather3A = tpu.vector_load_idx %arg11[%add3A_971, %broadcast_in_dim3A] : memref<256x128xf32, #tpu.memory_space<vmem>>[vector<16xi32>, vector<16xi32>], vector<16xf32>,
      %slice3A_974 = vector.extract_strided_slice %and3A_944 {offsets = [0], sizes = [1], strides = [1]} : vector<16xi32> to vector<1xi32>
      %squeeze3A_975 = vector.extract %slice3A_974[0] : i32 from vector<1xi32>
      %broadcast_in_dim3A_976 = vector.broadcast %squeeze3A_975 : i32 to vector<16xi32>
      %gather3A_977 = tpu.vector_load_idx %arg12[%add3A_971, %broadcast_in_dim3A_976] : memref<256x128xf32, #tpu.memory_space<vmem>>[vector<16xi32>, vector<16xi32>], vector<16xf32>,
      %mul3A_978 = arith.mulf %gather3A, %gather3A_977 : vector<16xf32>
      %swap3A = arith.constant 0 : i32
      %swap3A_979 = arith.index_cast %swap3A : i32 to index
      %swap3A_980 = arith.constant 0 : index
      %swap3A_981 = tpu.vector_load %arg13[%swap3A_979, %swap3A_980] {strides = array<i32>} : memref<8x16xf32, #tpu.memory_space<vmem>>, vector<16xf32>,
      tpu.vector_store %arg13[%swap3A_979, %swap3A_980], %mul3A_978 {strides = array<i32>} : memref<8x16xf32, #tpu.memory_space<vmem>>, vector<16xf32>,
      %add3A_982 = arith.constant 16 : i32
      %add3A_983 = vector.broadcast %add3A_982 : i32 to vector<16xi32>
      %add3A_984 = arith.addi %add3A_983, %iota3A : vector<16xi32>
      %slice3A_985 = vector.extract_strided_slice %and3A_941 {offsets = [1], sizes = [1], strides = [1]} : vector<16xi32> to vector<1xi32>
      %squeeze3A_986 = vector.extract %slice3A_985[0] : i32 from vector<1xi32>
      %broadcast_in_dim3A_987 = vector.broadcast %squeeze3A_986 : i32 to vector<16xi32>
      %gather3A_988 = tpu.vector_load_idx %arg11[%add3A_984, %broadcast_in_dim3A_987] : memref<256x128xf32, #tpu.memory_space<vmem>>[vector<16xi32>, vector<16xi32>], vector<16xf32>,
      %slice3A_989 = vector.extract_strided_slice %and3A_944 {offsets = [1], sizes = [1], strides = [1]} : vector<16xi32> to vector<1xi32>
      %squeeze3A_990 = vector.extract %slice3A_989[0] : i32 from vector<1xi32>
      %broadcast_in_dim3A_991 = vector.broadcast %squeeze3A_990 : i32 to vector<16xi32>
      %gather3A_992 = tpu.vector_load_idx %arg12[%add3A_984, %broadcast_in_dim3A_991] : memref<256x128xf32, #tpu.memory_space<vmem>>[vector<16xi32>, vector<16xi32>], vector<16xf32>,
      %mul3A_993 = arith.mulf %gather3A_988, %gather3A_992 : vector<16xf32>
      %swap3A_994 = arith.constant 1 : i32
      %swap3A_995 = arith.index_cast %swap3A_994 : i32 to index
      %swap3A_996 = arith.constant 0 : index
      %swap3A_997 = tpu.vector_load %arg13[%swap3A_995, %swap3A_996] {strides = array<i32>} : memref<8x16xf32, #tpu.memory_space<vmem>>, vector<16xf32>,
      tpu.vector_store %arg13[%swap3A_995, %swap3A_996], %mul3A_993 {strides = array<i32>} : memref<8x16xf32, #tpu.memory_space<vmem>>, vector<16xf32>,
      %add3A_998 = arith.constant 32 : i32
      %add3A_999 = vector.broadcast %add3A_998 : i32 to vector<16xi32>
      %add3A_1000 = arith.addi %add3A_999, %iota3A : vector<16xi32>
      %slice3A_1001 = vector.extract_strided_slice %and3A_941 {offsets = [2], sizes = [1], strides = [1]} : vector<16xi32> to vector<1xi32>
      %squeeze3A_1002 = vector.extract %slice3A_1001[0] : i32 from vector<1xi32>
      %broadcast_in_dim3A_1003 = vector.broadcast %squeeze3A_1002 : i32 to vector<16xi32>
      %gather3A_1004 = tpu.vector_load_idx %arg11[%add3A_1000, %broadcast_in_dim3A_1003] : memref<256x128xf32, #tpu.memory_space<vmem>>[vector<16xi32>, vector<16xi32>], vector<16xf32>,
      %slice3A_1005 = vector.extract_strided_slice %and3A_944 {offsets = [2], sizes = [1], strides = [1]} : vector<16xi32> to vector<1xi32>
      %squeeze3A_1006 = vector.extract %slice3A_1005[0] : i32 from vector<1xi32>
      %broadcast_in_dim3A_1007 = vector.broadcast %squeeze3A_1006 : i32 to vector<16xi32>
      %gather3A_1008 = tpu.vector_load_idx %arg12[%add3A_1000, %broadcast_in_dim3A_1007] : memref<256x128xf32, #tpu.memory_space<vmem>>[vector<16xi32>, vector<16xi32>], vector<16xf32>,
      %mul3A_1009 = arith.mulf %gather3A_1004, %gather3A_1008 : vector<16xf32>
      %swap3A_1010 = arith.constant 2 : i32
      %swap3A_1011 = arith.index_cast %swap3A_1010 : i32 to index
      %swap3A_1012 = arith.constant 0 : index
      %swap3A_1013 = tpu.vector_load %arg13[%swap3A_1011, %swap3A_1012] {strides = array<i32>} : memref<8x16xf32, #tpu.memory_space<vmem>>, vector<16xf32>,
      tpu.vector_store %arg13[%swap3A_1011, %swap3A_1012], %mul3A_1009 {strides = array<i32>} : memref<8x16xf32, #tpu.memory_space<vmem>>, vector<16xf32>,
      %add3A_1014 = arith.constant 48 : i32
      %add3A_1015 = vector.broadcast %add3A_1014 : i32 to vector<16xi32>
      %add3A_1016 = arith.addi %add3A_1015, %iota3A : vector<16xi32>
      %slice3A_1017 = vector.extract_strided_slice %and3A_941 {offsets = [3], sizes = [1], strides = [1]} : vector<16xi32> to vector<1xi32>
      %squeeze3A_1018 = vector.extract %slice3A_1017[0] : i32 from vector<1xi32>
      %broadcast_in_dim3A_1019 = vector.broadcast %squeeze3A_1018 : i32 to vector<16xi32>
      %gather3A_1020 = tpu.vector_load_idx %arg11[%add3A_1016, %broadcast_in_dim3A_1019] : memref<256x128xf32, #tpu.memory_space<vmem>>[vector<16xi32>, vector<16xi32>], vector<16xf32>,
      %slice3A_1021 = vector.extract_strided_slice %and3A_944 {offsets = [3], sizes = [1], strides = [1]} : vector<16xi32> to vector<1xi32>
      %squeeze3A_1022 = vector.extract %slice3A_1021[0] : i32 from vector<1xi32>
      %broadcast_in_dim3A_1023 = vector.broadcast %squeeze3A_1022 : i32 to vector<16xi32>
      %gather3A_1024 = tpu.vector_load_idx %arg12[%add3A_1016, %broadcast_in_dim3A_1023] : memref<256x128xf32, #tpu.memory_space<vmem>>[vector<16xi32>, vector<16xi32>], vector<16xf32>,
      %mul3A_1025 = arith.mulf %gather3A_1020, %gather3A_1024 : vector<16xf32>
      %swap3A_1026 = arith.constant 3 : i32
      %swap3A_1027 = arith.index_cast %swap3A_1026 : i32 to index
      %swap3A_1028 = arith.constant 0 : index
      %swap3A_1029 = tpu.vector_load %arg13[%swap3A_1027, %swap3A_1028] {strides = array<i32>} : memref<8x16xf32, #tpu.memory_space<vmem>>, vector<16xf32>,
      tpu.vector_store %arg13[%swap3A_1027, %swap3A_1028], %mul3A_1025 {strides = array<i32>} : memref<8x16xf32, #tpu.memory_space<vmem>>, vector<16xf32>,
      %add3A_1030 = arith.constant 64 : i32
      %add3A_1031 = vector.broadcast %add3A_1030 : i32 to vector<16xi32>
      %add3A_1032 = arith.addi %add3A_1031, %iota3A : vector<16xi32>
      %slice3A_1033 = vector.extract_strided_slice %and3A_941 {offsets = [4], sizes = [1], strides = [1]} : vector<16xi32> to vector<1xi32>
      %squeeze3A_1034 = vector.extract %slice3A_1033[0] : i32 from vector<1xi32>
      %broadcast_in_dim3A_1035 = vector.broadcast %squeeze3A_1034 : i32 to vector<16xi32>
      %gather3A_1036 = tpu.vector_load_idx %arg11[%add3A_1032, %broadcast_in_dim3A_1035] : memref<256x128xf32, #tpu.memory_space<vmem>>[vector<16xi32>, vector<16xi32>], vector<16xf32>,
      %slice3A_1037 = vector.extract_strided_slice %and3A_944 {offsets = [4], sizes = [1], strides = [1]} : vector<16xi32> to vector<1xi32>
      %squeeze3A_1038 = vector.extract %slice3A_1037[0] : i32 from vector<1xi32>
      %broadcast_in_dim3A_1039 = vector.broadcast %squeeze3A_1038 : i32 to vector<16xi32>
      %gather3A_1040 = tpu.vector_load_idx %arg12[%add3A_1032, %broadcast_in_dim3A_1039] : memref<256x128xf32, #tpu.memory_space<vmem>>[vector<16xi32>, vector<16xi32>], vector<16xf32>,
      %mul3A_1041 = arith.mulf %gather3A_1036, %gather3A_1040 : vector<16xf32>
      %swap3A_1042 = arith.constant 4 : i32
      %swap3A_1043 = arith.index_cast %swap3A_1042 : i32 to index
      %swap3A_1044 = arith.constant 0 : index
      %swap3A_1045 = tpu.vector_load %arg13[%swap3A_1043, %swap3A_1044] {strides = array<i32>} : memref<8x16xf32, #tpu.memory_space<vmem>>, vector<16xf32>,
      tpu.vector_store %arg13[%swap3A_1043, %swap3A_1044], %mul3A_1041 {strides = array<i32>} : memref<8x16xf32, #tpu.memory_space<vmem>>, vector<16xf32>,
      %add3A_1046 = arith.constant 80 : i32
      %add3A_1047 = vector.broadcast %add3A_1046 : i32 to vector<16xi32>
      %add3A_1048 = arith.addi %add3A_1047, %iota3A : vector<16xi32>
      %slice3A_1049 = vector.extract_strided_slice %and3A_941 {offsets = [5], sizes = [1], strides = [1]} : vector<16xi32> to vector<1xi32>
      %squeeze3A_1050 = vector.extract %slice3A_1049[0] : i32 from vector<1xi32>
      %broadcast_in_dim3A_1051 = vector.broadcast %squeeze3A_1050 : i32 to vector<16xi32>
      %gather3A_1052 = tpu.vector_load_idx %arg11[%add3A_1048, %broadcast_in_dim3A_1051] : memref<256x128xf32, #tpu.memory_space<vmem>>[vector<16xi32>, vector<16xi32>], vector<16xf32>,
      %slice3A_1053 = vector.extract_strided_slice %and3A_944 {offsets = [5], sizes = [1], strides = [1]} : vector<16xi32> to vector<1xi32>
      %squeeze3A_1054 = vector.extract %slice3A_1053[0] : i32 from vector<1xi32>
      %broadcast_in_dim3A_1055 = vector.broadcast %squeeze3A_1054 : i32 to vector<16xi32>
      %gather3A_1056 = tpu.vector_load_idx %arg12[%add3A_1048, %broadcast_in_dim3A_1055] : memref<256x128xf32, #tpu.memory_space<vmem>>[vector<16xi32>, vector<16xi32>], vector<16xf32>,
      %mul3A_1057 = arith.mulf %gather3A_1052, %gather3A_1056 : vector<16xf32>
      %swap3A_1058 = arith.constant 5 : i32
      %swap3A_1059 = arith.index_cast %swap3A_1058 : i32 to index
      %swap3A_1060 = arith.constant 0 : index
      %swap3A_1061 = tpu.vector_load %arg13[%swap3A_1059, %swap3A_1060] {strides = array<i32>} : memref<8x16xf32, #tpu.memory_space<vmem>>, vector<16xf32>,
      tpu.vector_store %arg13[%swap3A_1059, %swap3A_1060], %mul3A_1057 {strides = array<i32>} : memref<8x16xf32, #tpu.memory_space<vmem>>, vector<16xf32>,
      %add3A_1062 = arith.constant 96 : i32
      %add3A_1063 = vector.broadcast %add3A_1062 : i32 to vector<16xi32>
      %add3A_1064 = arith.addi %add3A_1063, %iota3A : vector<16xi32>
      %slice3A_1065 = vector.extract_strided_slice %and3A_941 {offsets = [6], sizes = [1], strides = [1]} : vector<16xi32> to vector<1xi32>
      %squeeze3A_1066 = vector.extract %slice3A_1065[0] : i32 from vector<1xi32>
      %broadcast_in_dim3A_1067 = vector.broadcast %squeeze3A_1066 : i32 to vector<16xi32>
      %gather3A_1068 = tpu.vector_load_idx %arg11[%add3A_1064, %broadcast_in_dim3A_1067] : memref<256x128xf32, #tpu.memory_space<vmem>>[vector<16xi32>, vector<16xi32>], vector<16xf32>,
      %slice3A_1069 = vector.extract_strided_slice %and3A_944 {offsets = [6], sizes = [1], strides = [1]} : vector<16xi32> to vector<1xi32>
      %squeeze3A_1070 = vector.extract %slice3A_1069[0] : i32 from vector<1xi32>
      %broadcast_in_dim3A_1071 = vector.broadcast %squeeze3A_1070 : i32 to vector<16xi32>
      %gather3A_1072 = tpu.vector_load_idx %arg12[%add3A_1064, %broadcast_in_dim3A_1071] : memref<256x128xf32, #tpu.memory_space<vmem>>[vector<16xi32>, vector<16xi32>], vector<16xf32>,
      %mul3A_1073 = arith.mulf %gather3A_1068, %gather3A_1072 : vector<16xf32>
      %swap3A_1074 = arith.constant 6 : i32
      %swap3A_1075 = arith.index_cast %swap3A_1074 : i32 to index
      %swap3A_1076 = arith.constant 0 : index
      %swap3A_1077 = tpu.vector_load %arg13[%swap3A_1075, %swap3A_1076] {strides = array<i32>} : memref<8x16xf32, #tpu.memory_space<vmem>>, vector<16xf32>,
      tpu.vector_store %arg13[%swap3A_1075, %swap3A_1076], %mul3A_1073 {strides = array<i32>} : memref<8x16xf32, #tpu.memory_space<vmem>>, vector<16xf32>,
      %add3A_1078 = arith.constant 112 : i32
      %add3A_1079 = vector.broadcast %add3A_1078 : i32 to vector<16xi32>
      %add3A_1080 = arith.addi %add3A_1079, %iota3A : vector<16xi32>
      %slice3A_1081 = vector.extract_strided_slice %and3A_941 {offsets = [7], sizes = [1], strides = [1]} : vector<16xi32> to vector<1xi32>
      %squeeze3A_1082 = vector.extract %slice3A_1081[0] : i32 from vector<1xi32>
      %broadcast_in_dim3A_1083 = vector.broadcast %squeeze3A_1082 : i32 to vector<16xi32>
      %gather3A_1084 = tpu.vector_load_idx %arg11[%add3A_1080, %broadcast_in_dim3A_1083] : memref<256x128xf32, #tpu.memory_space<vmem>>[vector<16xi32>, vector<16xi32>], vector<16xf32>,
      %slice3A_1085 = vector.extract_strided_slice %and3A_944 {offsets = [7], sizes = [1], strides = [1]} : vector<16xi32> to vector<1xi32>
      %squeeze3A_1086 = vector.extract %slice3A_1085[0] : i32 from vector<1xi32>
      %broadcast_in_dim3A_1087 = vector.broadcast %squeeze3A_1086 : i32 to vector<16xi32>
      %gather3A_1088 = tpu.vector_load_idx %arg12[%add3A_1080, %broadcast_in_dim3A_1087] : memref<256x128xf32, #tpu.memory_space<vmem>>[vector<16xi32>, vector<16xi32>], vector<16xf32>,
      %mul3A_1089 = arith.mulf %gather3A_1084, %gather3A_1088 : vector<16xf32>
      %swap3A_1090 = arith.constant 7 : i32
      %swap3A_1091 = arith.index_cast %swap3A_1090 : i32 to index
      %swap3A_1092 = arith.constant 0 : index
      %swap3A_1093 = tpu.vector_load %arg13[%swap3A_1091, %swap3A_1092] {strides = array<i32>} : memref<8x16xf32, #tpu.memory_space<vmem>>, vector<16xf32>,
      tpu.vector_store %arg13[%swap3A_1091, %swap3A_1092], %mul3A_1089 {strides = array<i32>} : memref<8x16xf32, #tpu.memory_space<vmem>>, vector<16xf32>,
      %get3A_1094 = arith.constant 0 : i32
      %get3A_1095 = arith.index_cast %get3A_1094 : i32 to index
      %get3A_1096 = arith.constant 0 : index
      %get3A_1097 = tpu.vector_load %arg13[%get3A_1095, %get3A_1096] {strides = array<i32>} : memref<8x16xf32, #tpu.memory_space<vmem>>, vector<16xf32>,
      %mul3A_1098 = arith.constant 0.000000e+00 : f32
      %mul3A_1099 = vector.broadcast %mul3A_1098 : f32 to vector<16xf32>
      %mul3A_1100 = arith.mulf %get3A_1097, %mul3A_1099 : vector<16xf32>
      %broadcast_in_dim3A_1101 = arith.constant 0 : i32
      %broadcast_in_dim3A_1102 = vector.broadcast %broadcast_in_dim3A_1101 : i32 to vector<16xi32>
      %gather3A_1103 = tpu.vector_load_idx %arg13[%and3A_58, %broadcast_in_dim3A_1102] : memref<8x16xf32, #tpu.memory_space<vmem>>[vector<16xi32>, vector<16xi32>], vector<16xf32>,
      %add3A_1104 = arith.addf %mul3A_1100, %gather3A_1103 : vector<16xf32>
      %broadcast_in_dim3A_1105 = arith.constant 1 : i32
      %broadcast_in_dim3A_1106 = vector.broadcast %broadcast_in_dim3A_1105 : i32 to vector<16xi32>
      %gather3A_1107 = tpu.vector_load_idx %arg13[%and3A_58, %broadcast_in_dim3A_1106] : memref<8x16xf32, #tpu.memory_space<vmem>>[vector<16xi32>, vector<16xi32>], vector<16xf32>,
      %add3A_1108 = arith.addf %add3A_1104, %gather3A_1107 : vector<16xf32>
      %broadcast_in_dim3A_1109 = arith.constant 2 : i32
      %broadcast_in_dim3A_1110 = vector.broadcast %broadcast_in_dim3A_1109 : i32 to vector<16xi32>
      %gather3A_1111 = tpu.vector_load_idx %arg13[%and3A_58, %broadcast_in_dim3A_1110] : memref<8x16xf32, #tpu.memory_space<vmem>>[vector<16xi32>, vector<16xi32>], vector<16xf32>,
      %add3A_1112 = arith.addf %add3A_1108, %gather3A_1111 : vector<16xf32>
      %broadcast_in_dim3A_1113 = arith.constant 3 : i32
      %broadcast_in_dim3A_1114 = vector.broadcast %broadcast_in_dim3A_1113 : i32 to vector<16xi32>
      %gather3A_1115 = tpu.vector_load_idx %arg13[%and3A_58, %broadcast_in_dim3A_1114] : memref<8x16xf32, #tpu.memory_space<vmem>>[vector<16xi32>, vector<16xi32>], vector<16xf32>,
      %add3A_1116 = arith.addf %add3A_1112, %gather3A_1115 : vector<16xf32>
      %broadcast_in_dim3A_1117 = arith.constant 4 : i32
      %broadcast_in_dim3A_1118 = vector.broadcast %broadcast_in_dim3A_1117 : i32 to vector<16xi32>
      %gather3A_1119 = tpu.vector_load_idx %arg13[%and3A_58, %broadcast_in_dim3A_1118] : memref<8x16xf32, #tpu.memory_space<vmem>>[vector<16xi32>, vector<16xi32>], vector<16xf32>,
      %add3A_1120 = arith.addf %add3A_1116, %gather3A_1119 : vector<16xf32>
      %broadcast_in_dim3A_1121 = arith.constant 5 : i32
      %broadcast_in_dim3A_1122 = vector.broadcast %broadcast_in_dim3A_1121 : i32 to vector<16xi32>
      %gather3A_1123 = tpu.vector_load_idx %arg13[%and3A_58, %broadcast_in_dim3A_1122] : memref<8x16xf32, #tpu.memory_space<vmem>>[vector<16xi32>, vector<16xi32>], vector<16xf32>,
      %add3A_1124 = arith.addf %add3A_1120, %gather3A_1123 : vector<16xf32>
      %broadcast_in_dim3A_1125 = arith.constant 6 : i32
      %broadcast_in_dim3A_1126 = vector.broadcast %broadcast_in_dim3A_1125 : i32 to vector<16xi32>
      %gather3A_1127 = tpu.vector_load_idx %arg13[%and3A_58, %broadcast_in_dim3A_1126] : memref<8x16xf32, #tpu.memory_space<vmem>>[vector<16xi32>, vector<16xi32>], vector<16xf32>,
      %add3A_1128 = arith.addf %add3A_1124, %gather3A_1127 : vector<16xf32>
      %broadcast_in_dim3A_1129 = arith.constant 7 : i32
      %broadcast_in_dim3A_1130 = vector.broadcast %broadcast_in_dim3A_1129 : i32 to vector<16xi32>
      %gather3A_1131 = tpu.vector_load_idx %arg13[%and3A_58, %broadcast_in_dim3A_1130] : memref<8x16xf32, #tpu.memory_space<vmem>>[vector<16xi32>, vector<16xi32>], vector<16xf32>,
      %add3A_1132 = arith.addf %add3A_1128, %gather3A_1131 : vector<16xf32>
      %broadcast_in_dim3A_1133 = arith.constant 8 : i32
      %broadcast_in_dim3A_1134 = vector.broadcast %broadcast_in_dim3A_1133 : i32 to vector<16xi32>
      %gather3A_1135 = tpu.vector_load_idx %arg13[%and3A_58, %broadcast_in_dim3A_1134] : memref<8x16xf32, #tpu.memory_space<vmem>>[vector<16xi32>, vector<16xi32>], vector<16xf32>,
      %add3A_1136 = arith.addf %add3A_1132, %gather3A_1135 : vector<16xf32>
      %broadcast_in_dim3A_1137 = arith.constant 9 : i32
      %broadcast_in_dim3A_1138 = vector.broadcast %broadcast_in_dim3A_1137 : i32 to vector<16xi32>
      %gather3A_1139 = tpu.vector_load_idx %arg13[%and3A_58, %broadcast_in_dim3A_1138] : memref<8x16xf32, #tpu.memory_space<vmem>>[vector<16xi32>, vector<16xi32>], vector<16xf32>,
      %add3A_1140 = arith.addf %add3A_1136, %gather3A_1139 : vector<16xf32>
      %broadcast_in_dim3A_1141 = arith.constant 10 : i32
      %broadcast_in_dim3A_1142 = vector.broadcast %broadcast_in_dim3A_1141 : i32 to vector<16xi32>
      %gather3A_1143 = tpu.vector_load_idx %arg13[%and3A_58, %broadcast_in_dim3A_1142] : memref<8x16xf32, #tpu.memory_space<vmem>>[vector<16xi32>, vector<16xi32>], vector<16xf32>,
      %add3A_1144 = arith.addf %add3A_1140, %gather3A_1143 : vector<16xf32>
      %broadcast_in_dim3A_1145 = arith.constant 11 : i32
      %broadcast_in_dim3A_1146 = vector.broadcast %broadcast_in_dim3A_1145 : i32 to vector<16xi32>
      %gather3A_1147 = tpu.vector_load_idx %arg13[%and3A_58, %broadcast_in_dim3A_1146] : memref<8x16xf32, #tpu.memory_space<vmem>>[vector<16xi32>, vector<16xi32>], vector<16xf32>,
      %add3A_1148 = arith.addf %add3A_1144, %gather3A_1147 : vector<16xf32>
      %broadcast_in_dim3A_1149 = arith.constant 12 : i32
      %broadcast_in_dim3A_1150 = vector.broadcast %broadcast_in_dim3A_1149 : i32 to vector<16xi32>
      %gather3A_1151 = tpu.vector_load_idx %arg13[%and3A_58, %broadcast_in_dim3A_1150] : memref<8x16xf32, #tpu.memory_space<vmem>>[vector<16xi32>, vector<16xi32>], vector<16xf32>,
      %add3A_1152 = arith.addf %add3A_1148, %gather3A_1151 : vector<16xf32>
      %broadcast_in_dim3A_1153 = arith.constant 13 : i32
      %broadcast_in_dim3A_1154 = vector.broadcast %broadcast_in_dim3A_1153 : i32 to vector<16xi32>
      %gather3A_1155 = tpu.vector_load_idx %arg13[%and3A_58, %broadcast_in_dim3A_1154] : memref<8x16xf32, #tpu.memory_space<vmem>>[vector<16xi32>, vector<16xi32>], vector<16xf32>,
      %add3A_1156 = arith.addf %add3A_1152, %gather3A_1155 : vector<16xf32>
      %broadcast_in_dim3A_1157 = arith.constant 14 : i32
      %broadcast_in_dim3A_1158 = vector.broadcast %broadcast_in_dim3A_1157 : i32 to vector<16xi32>
      %gather3A_1159 = tpu.vector_load_idx %arg13[%and3A_58, %broadcast_in_dim3A_1158] : memref<8x16xf32, #tpu.memory_space<vmem>>[vector<16xi32>, vector<16xi32>], vector<16xf32>,
      %add3A_1160 = arith.addf %add3A_1156, %gather3A_1159 : vector<16xf32>
      %broadcast_in_dim3A_1161 = arith.constant 15 : i32
      %broadcast_in_dim3A_1162 = vector.broadcast %broadcast_in_dim3A_1161 : i32 to vector<16xi32>
      %gather3A_1163 = tpu.vector_load_idx %arg13[%and3A_58, %broadcast_in_dim3A_1162] : memref<8x16xf32, #tpu.memory_space<vmem>>[vector<16xi32>, vector<16xi32>], vector<16xf32>,
      %add3A_1164 = arith.addf %add3A_1160, %gather3A_1163 : vector<16xf32>
      %lt3A = arith.constant 31 : i32
      %lt3A_1165 = arith.cmpi slt, %scan3A_931, %lt3A : i32
      %convert_element_type3A = arith.extui %lt3A_1165 : i1 to i32
      %cond3A = arith.constant 0 : i32
      %cond3A_1166 = arith.cmpi ne, %convert_element_type3A, %cond3A : i32
      scf.if %cond3A_1166 {
        %add3A_1406 = arith.constant 1 : i32
        %add3A_1407 = arith.addi %scan3A_931, %add3A_1406 : i32
        %mul3A_1408 = arith.constant 16 : i32
        %mul3A_1409 = arith.muli %add3A_1407, %mul3A_1408 : i32
        %multiple_of3A_1410 = tpu.assume_multiple %mul3A_1409, 16 : i32
        %get3A_1411 = arith.index_cast %multiple_of3A_1410 : i32 to index
        %get3A_1412 = tpu.vector_load %arg9[%get3A_1411] {strides = array<i32>} : memref<512xi32, #tpu.memory_space<vmem>>, vector<16xi32>,
        %get3A_1413 = arith.index_cast %multiple_of3A_1410 : i32 to index
        %get3A_1414 = tpu.vector_load %arg10[%get3A_1413] {strides = array<i32>} : memref<512xi32, #tpu.memory_space<vmem>>, vector<16xi32>,
        %and3A_1415 = arith.constant -128 : i32
        %and3A_1416 = vector.broadcast %and3A_1415 : i32 to vector<16xi32>
        %and3A_1417 = arith.andi %get3A_1412, %and3A_1416 : vector<16xi32>
        %and3A_1418 = arith.constant -128 : i32
        %and3A_1419 = vector.broadcast %and3A_1418 : i32 to vector<16xi32>
        %and3A_1420 = arith.andi %get3A_1414, %and3A_1419 : vector<16xi32>
        %slice3A_1421 = vector.extract_strided_slice %and3A_1417 {offsets = [0], sizes = [1], strides = [1]} : vector<16xi32> to vector<1xi32>
        %squeeze3A_1422 = vector.extract %slice3A_1421[0] : i32 from vector<1xi32>
        %multiple_of3A_1423 = tpu.assume_multiple %squeeze3A_1422, 128 : i32
        %slice3A_1424 = vector.extract_strided_slice %and3A_1420 {offsets = [0], sizes = [1], strides = [1]} : vector<16xi32> to vector<1xi32>
        %squeeze3A_1425 = vector.extract %slice3A_1424[0] : i32 from vector<1xi32>
        %multiple_of3A_1426 = tpu.assume_multiple %squeeze3A_1425, 128 : i32
        %dma_start3A_1427 = arith.constant 0 : i32
        %dma_start3A_1428 = arith.constant 0 : i32
        %dma_start3A_1429 = tpu.memref_slice %arg11[%dma_start3A_1427, %dma_start3A_1428] : memref<256x128xf32, #tpu.memory_space<vmem>> -> memref<16x128xf32, #tpu.memory_space<vmem>>
        %dma_start3A_1430 = arith.constant 0 : i32
        %dma_start3A_1431 = tpu.memref_slice %arg4[%dma_start3A_1430, %multiple_of3A_1423] : memref<32x1000000xf32, #tpu.memory_space<hbm>> -> memref<16x128xf32, #tpu.memory_space<hbm>>
        %dma_start3A_1432 = arith.constant 0 : i32
        %dma_start3A_1433 = arith.constant 0 : i32
        %dma_start3A_1434 = tpu.memref_slice %arg11[%dma_start3A_1432, %dma_start3A_1433] : memref<256x128xf32, #tpu.memory_space<vmem>> -> memref<16x128xf32, #tpu.memory_space<vmem>>
        %dma_start3A_1435 = arith.constant 0 : i32
        %dma_start3A_1436 = tpu.memref_slice %arg4[%dma_start3A_1435, %multiple_of3A_1423] : memref<32x1000000xf32, #tpu.memory_space<hbm>> -> memref<16x128xf32, #tpu.memory_space<hbm>>
        tpu.enqueue_dma source(%dma_start3A_1436 : memref<16x128xf32, #tpu.memory_space<hbm>>) target(%dma_start3A_1434 : memref<16x128xf32, #tpu.memory_space<vmem>>) target_semaphore(%arg17 : memref<!tpu.dma_semaphore, #tpu.memory_space<semaphore_mem>>)
        %dma_start3A_1437 = arith.constant 0 : i32
        %dma_start3A_1438 = arith.constant 0 : i32
        %dma_start3A_1439 = tpu.memref_slice %arg12[%dma_start3A_1437, %dma_start3A_1438] : memref<256x128xf32, #tpu.memory_space<vmem>> -> memref<16x128xf32, #tpu.memory_space<vmem>>
        %dma_start3A_1440 = arith.constant 0 : i32
        %dma_start3A_1441 = tpu.memref_slice %arg5[%dma_start3A_1440, %multiple_of3A_1426] : memref<32x1000000xf32, #tpu.memory_space<hbm>> -> memref<16x128xf32, #tpu.memory_space<hbm>>
        %dma_start3A_1442 = arith.constant 0 : i32
        %dma_start3A_1443 = arith.constant 0 : i32
        %dma_start3A_1444 = tpu.memref_slice %arg12[%dma_start3A_1442, %dma_start3A_1443] : memref<256x128xf32, #tpu.memory_space<vmem>> -> memref<16x128xf32, #tpu.memory_space<vmem>>
        %dma_start3A_1445 = arith.constant 0 : i32
        %dma_start3A_1446 = tpu.memref_slice %arg5[%dma_start3A_1445, %multiple_of3A_1426] : memref<32x1000000xf32, #tpu.memory_space<hbm>> -> memref<16x128xf32, #tpu.memory_space<hbm>>
        tpu.enqueue_dma source(%dma_start3A_1446 : memref<16x128xf32, #tpu.memory_space<hbm>>) target(%dma_start3A_1444 : memref<16x128xf32, #tpu.memory_space<vmem>>) target_semaphore(%arg17 : memref<!tpu.dma_semaphore, #tpu.memory_space<semaphore_mem>>)
        %slice3A_1447 = vector.extract_strided_slice %and3A_1417 {offsets = [1], sizes = [1], strides = [1]} : vector<16xi32> to vector<1xi32>
        %squeeze3A_1448 = vector.extract %slice3A_1447[0] : i32 from vector<1xi32>
        %multiple_of3A_1449 = tpu.assume_multiple %squeeze3A_1448, 128 : i32
        %slice3A_1450 = vector.extract_strided_slice %and3A_1420 {offsets = [1], sizes = [1], strides = [1]} : vector<16xi32> to vector<1xi32>
        %squeeze3A_1451 = vector.extract %slice3A_1450[0] : i32 from vector<1xi32>
        %multiple_of3A_1452 = tpu.assume_multiple %squeeze3A_1451, 128 : i32
        %dma_start3A_1453 = arith.constant 16 : i32
        %dma_start3A_1454 = arith.constant 0 : i32
        %dma_start3A_1455 = tpu.memref_slice %arg11[%dma_start3A_1453, %dma_start3A_1454] : memref<256x128xf32, #tpu.memory_space<vmem>> -> memref<16x128xf32, #tpu.memory_space<vmem>>
        %dma_start3A_1456 = arith.constant 0 : i32
        %dma_start3A_1457 = tpu.memref_slice %arg4[%dma_start3A_1456, %multiple_of3A_1449] : memref<32x1000000xf32, #tpu.memory_space<hbm>> -> memref<16x128xf32, #tpu.memory_space<hbm>>
        %dma_start3A_1458 = arith.constant 16 : i32
        %dma_start3A_1459 = arith.constant 0 : i32
        %dma_start3A_1460 = tpu.memref_slice %arg11[%dma_start3A_1458, %dma_start3A_1459] : memref<256x128xf32, #tpu.memory_space<vmem>> -> memref<16x128xf32, #tpu.memory_space<vmem>>
        %dma_start3A_1461 = arith.constant 0 : i32
        %dma_start3A_1462 = tpu.memref_slice %arg4[%dma_start3A_1461, %multiple_of3A_1449] : memref<32x1000000xf32, #tpu.memory_space<hbm>> -> memref<16x128xf32, #tpu.memory_space<hbm>>
        tpu.enqueue_dma source(%dma_start3A_1462 : memref<16x128xf32, #tpu.memory_space<hbm>>) target(%dma_start3A_1460 : memref<16x128xf32, #tpu.memory_space<vmem>>) target_semaphore(%arg17 : memref<!tpu.dma_semaphore, #tpu.memory_space<semaphore_mem>>)
        %dma_start3A_1463 = arith.constant 16 : i32
        %dma_start3A_1464 = arith.constant 0 : i32
        %dma_start3A_1465 = tpu.memref_slice %arg12[%dma_start3A_1463, %dma_start3A_1464] : memref<256x128xf32, #tpu.memory_space<vmem>> -> memref<16x128xf32, #tpu.memory_space<vmem>>
        %dma_start3A_1466 = arith.constant 0 : i32
        %dma_start3A_1467 = tpu.memref_slice %arg5[%dma_start3A_1466, %multiple_of3A_1452] : memref<32x1000000xf32, #tpu.memory_space<hbm>> -> memref<16x128xf32, #tpu.memory_space<hbm>>
        %dma_start3A_1468 = arith.constant 16 : i32
        %dma_start3A_1469 = arith.constant 0 : i32
        %dma_start3A_1470 = tpu.memref_slice %arg12[%dma_start3A_1468, %dma_start3A_1469] : memref<256x128xf32, #tpu.memory_space<vmem>> -> memref<16x128xf32, #tpu.memory_space<vmem>>
        %dma_start3A_1471 = arith.constant 0 : i32
        %dma_start3A_1472 = tpu.memref_slice %arg5[%dma_start3A_1471, %multiple_of3A_1452] : memref<32x1000000xf32, #tpu.memory_space<hbm>> -> memref<16x128xf32, #tpu.memory_space<hbm>>
        tpu.enqueue_dma source(%dma_start3A_1472 : memref<16x128xf32, #tpu.memory_space<hbm>>) target(%dma_start3A_1470 : memref<16x128xf32, #tpu.memory_space<vmem>>) target_semaphore(%arg17 : memref<!tpu.dma_semaphore, #tpu.memory_space<semaphore_mem>>)
        %slice3A_1473 = vector.extract_strided_slice %and3A_1417 {offsets = [2], sizes = [1], strides = [1]} : vector<16xi32> to vector<1xi32>
        %squeeze3A_1474 = vector.extract %slice3A_1473[0] : i32 from vector<1xi32>
        %multiple_of3A_1475 = tpu.assume_multiple %squeeze3A_1474, 128 : i32
        %slice3A_1476 = vector.extract_strided_slice %and3A_1420 {offsets = [2], sizes = [1], strides = [1]} : vector<16xi32> to vector<1xi32>
        %squeeze3A_1477 = vector.extract %slice3A_1476[0] : i32 from vector<1xi32>
        %multiple_of3A_1478 = tpu.assume_multiple %squeeze3A_1477, 128 : i32
        %dma_start3A_1479 = arith.constant 32 : i32
        %dma_start3A_1480 = arith.constant 0 : i32
        %dma_start3A_1481 = tpu.memref_slice %arg11[%dma_start3A_1479, %dma_start3A_1480] : memref<256x128xf32, #tpu.memory_space<vmem>> -> memref<16x128xf32, #tpu.memory_space<vmem>>
        %dma_start3A_1482 = arith.constant 0 : i32
        %dma_start3A_1483 = tpu.memref_slice %arg4[%dma_start3A_1482, %multiple_of3A_1475] : memref<32x1000000xf32, #tpu.memory_space<hbm>> -> memref<16x128xf32, #tpu.memory_space<hbm>>
        %dma_start3A_1484 = arith.constant 32 : i32
        %dma_start3A_1485 = arith.constant 0 : i32
        %dma_start3A_1486 = tpu.memref_slice %arg11[%dma_start3A_1484, %dma_start3A_1485] : memref<256x128xf32, #tpu.memory_space<vmem>> -> memref<16x128xf32, #tpu.memory_space<vmem>>
        %dma_start3A_1487 = arith.constant 0 : i32
        %dma_start3A_1488 = tpu.memref_slice %arg4[%dma_start3A_1487, %multiple_of3A_1475] : memref<32x1000000xf32, #tpu.memory_space<hbm>> -> memref<16x128xf32, #tpu.memory_space<hbm>>
        tpu.enqueue_dma source(%dma_start3A_1488 : memref<16x128xf32, #tpu.memory_space<hbm>>) target(%dma_start3A_1486 : memref<16x128xf32, #tpu.memory_space<vmem>>) target_semaphore(%arg17 : memref<!tpu.dma_semaphore, #tpu.memory_space<semaphore_mem>>)
        %dma_start3A_1489 = arith.constant 32 : i32
        %dma_start3A_1490 = arith.constant 0 : i32
        %dma_start3A_1491 = tpu.memref_slice %arg12[%dma_start3A_1489, %dma_start3A_1490] : memref<256x128xf32, #tpu.memory_space<vmem>> -> memref<16x128xf32, #tpu.memory_space<vmem>>
        %dma_start3A_1492 = arith.constant 0 : i32
        %dma_start3A_1493 = tpu.memref_slice %arg5[%dma_start3A_1492, %multiple_of3A_1478] : memref<32x1000000xf32, #tpu.memory_space<hbm>> -> memref<16x128xf32, #tpu.memory_space<hbm>>
        %dma_start3A_1494 = arith.constant 32 : i32
        %dma_start3A_1495 = arith.constant 0 : i32
        %dma_start3A_1496 = tpu.memref_slice %arg12[%dma_start3A_1494, %dma_start3A_1495] : memref<256x128xf32, #tpu.memory_space<vmem>> -> memref<16x128xf32, #tpu.memory_space<vmem>>
        %dma_start3A_1497 = arith.constant 0 : i32
        %dma_start3A_1498 = tpu.memref_slice %arg5[%dma_start3A_1497, %multiple_of3A_1478] : memref<32x1000000xf32, #tpu.memory_space<hbm>> -> memref<16x128xf32, #tpu.memory_space<hbm>>
        tpu.enqueue_dma source(%dma_start3A_1498 : memref<16x128xf32, #tpu.memory_space<hbm>>) target(%dma_start3A_1496 : memref<16x128xf32, #tpu.memory_space<vmem>>) target_semaphore(%arg17 : memref<!tpu.dma_semaphore, #tpu.memory_space<semaphore_mem>>)
        %slice3A_1499 = vector.extract_strided_slice %and3A_1417 {offsets = [3], sizes = [1], strides = [1]} : vector<16xi32> to vector<1xi32>
        %squeeze3A_1500 = vector.extract %slice3A_1499[0] : i32 from vector<1xi32>
        %multiple_of3A_1501 = tpu.assume_multiple %squeeze3A_1500, 128 : i32
        %slice3A_1502 = vector.extract_strided_slice %and3A_1420 {offsets = [3], sizes = [1], strides = [1]} : vector<16xi32> to vector<1xi32>
        %squeeze3A_1503 = vector.extract %slice3A_1502[0] : i32 from vector<1xi32>
        %multiple_of3A_1504 = tpu.assume_multiple %squeeze3A_1503, 128 : i32
        %dma_start3A_1505 = arith.constant 48 : i32
        %dma_start3A_1506 = arith.constant 0 : i32
        %dma_start3A_1507 = tpu.memref_slice %arg11[%dma_start3A_1505, %dma_start3A_1506] : memref<256x128xf32, #tpu.memory_space<vmem>> -> memref<16x128xf32, #tpu.memory_space<vmem>>
        %dma_start3A_1508 = arith.constant 0 : i32
        %dma_start3A_1509 = tpu.memref_slice %arg4[%dma_start3A_1508, %multiple_of3A_1501] : memref<32x1000000xf32, #tpu.memory_space<hbm>> -> memref<16x128xf32, #tpu.memory_space<hbm>>
        %dma_start3A_1510 = arith.constant 48 : i32
        %dma_start3A_1511 = arith.constant 0 : i32
        %dma_start3A_1512 = tpu.memref_slice %arg11[%dma_start3A_1510, %dma_start3A_1511] : memref<256x128xf32, #tpu.memory_space<vmem>> -> memref<16x128xf32, #tpu.memory_space<vmem>>
        %dma_start3A_1513 = arith.constant 0 : i32
        %dma_start3A_1514 = tpu.memref_slice %arg4[%dma_start3A_1513, %multiple_of3A_1501] : memref<32x1000000xf32, #tpu.memory_space<hbm>> -> memref<16x128xf32, #tpu.memory_space<hbm>>
        tpu.enqueue_dma source(%dma_start3A_1514 : memref<16x128xf32, #tpu.memory_space<hbm>>) target(%dma_start3A_1512 : memref<16x128xf32, #tpu.memory_space<vmem>>) target_semaphore(%arg17 : memref<!tpu.dma_semaphore, #tpu.memory_space<semaphore_mem>>)
        %dma_start3A_1515 = arith.constant 48 : i32
        %dma_start3A_1516 = arith.constant 0 : i32
        %dma_start3A_1517 = tpu.memref_slice %arg12[%dma_start3A_1515, %dma_start3A_1516] : memref<256x128xf32, #tpu.memory_space<vmem>> -> memref<16x128xf32, #tpu.memory_space<vmem>>
        %dma_start3A_1518 = arith.constant 0 : i32
        %dma_start3A_1519 = tpu.memref_slice %arg5[%dma_start3A_1518, %multiple_of3A_1504] : memref<32x1000000xf32, #tpu.memory_space<hbm>> -> memref<16x128xf32, #tpu.memory_space<hbm>>
        %dma_start3A_1520 = arith.constant 48 : i32
        %dma_start3A_1521 = arith.constant 0 : i32
        %dma_start3A_1522 = tpu.memref_slice %arg12[%dma_start3A_1520, %dma_start3A_1521] : memref<256x128xf32, #tpu.memory_space<vmem>> -> memref<16x128xf32, #tpu.memory_space<vmem>>
        %dma_start3A_1523 = arith.constant 0 : i32
        %dma_start3A_1524 = tpu.memref_slice %arg5[%dma_start3A_1523, %multiple_of3A_1504] : memref<32x1000000xf32, #tpu.memory_space<hbm>> -> memref<16x128xf32, #tpu.memory_space<hbm>>
        tpu.enqueue_dma source(%dma_start3A_1524 : memref<16x128xf32, #tpu.memory_space<hbm>>) target(%dma_start3A_1522 : memref<16x128xf32, #tpu.memory_space<vmem>>) target_semaphore(%arg17 : memref<!tpu.dma_semaphore, #tpu.memory_space<semaphore_mem>>)
        %slice3A_1525 = vector.extract_strided_slice %and3A_1417 {offsets = [4], sizes = [1], strides = [1]} : vector<16xi32> to vector<1xi32>
        %squeeze3A_1526 = vector.extract %slice3A_1525[0] : i32 from vector<1xi32>
        %multiple_of3A_1527 = tpu.assume_multiple %squeeze3A_1526, 128 : i32
        %slice3A_1528 = vector.extract_strided_slice %and3A_1420 {offsets = [4], sizes = [1], strides = [1]} : vector<16xi32> to vector<1xi32>
        %squeeze3A_1529 = vector.extract %slice3A_1528[0] : i32 from vector<1xi32>
        %multiple_of3A_1530 = tpu.assume_multiple %squeeze3A_1529, 128 : i32
        %dma_start3A_1531 = arith.constant 64 : i32
        %dma_start3A_1532 = arith.constant 0 : i32
        %dma_start3A_1533 = tpu.memref_slice %arg11[%dma_start3A_1531, %dma_start3A_1532] : memref<256x128xf32, #tpu.memory_space<vmem>> -> memref<16x128xf32, #tpu.memory_space<vmem>>
        %dma_start3A_1534 = arith.constant 0 : i32
        %dma_start3A_1535 = tpu.memref_slice %arg4[%dma_start3A_1534, %multiple_of3A_1527] : memref<32x1000000xf32, #tpu.memory_space<hbm>> -> memref<16x128xf32, #tpu.memory_space<hbm>>
        %dma_start3A_1536 = arith.constant 64 : i32
        %dma_start3A_1537 = arith.constant 0 : i32
        %dma_start3A_1538 = tpu.memref_slice %arg11[%dma_start3A_1536, %dma_start3A_1537] : memref<256x128xf32, #tpu.memory_space<vmem>> -> memref<16x128xf32, #tpu.memory_space<vmem>>
        %dma_start3A_1539 = arith.constant 0 : i32
        %dma_start3A_1540 = tpu.memref_slice %arg4[%dma_start3A_1539, %multiple_of3A_1527] : memref<32x1000000xf32, #tpu.memory_space<hbm>> -> memref<16x128xf32, #tpu.memory_space<hbm>>
        tpu.enqueue_dma source(%dma_start3A_1540 : memref<16x128xf32, #tpu.memory_space<hbm>>) target(%dma_start3A_1538 : memref<16x128xf32, #tpu.memory_space<vmem>>) target_semaphore(%arg17 : memref<!tpu.dma_semaphore, #tpu.memory_space<semaphore_mem>>)
        %dma_start3A_1541 = arith.constant 64 : i32
        %dma_start3A_1542 = arith.constant 0 : i32
        %dma_start3A_1543 = tpu.memref_slice %arg12[%dma_start3A_1541, %dma_start3A_1542] : memref<256x128xf32, #tpu.memory_space<vmem>> -> memref<16x128xf32, #tpu.memory_space<vmem>>
        %dma_start3A_1544 = arith.constant 0 : i32
        %dma_start3A_1545 = tpu.memref_slice %arg5[%dma_start3A_1544, %multiple_of3A_1530] : memref<32x1000000xf32, #tpu.memory_space<hbm>> -> memref<16x128xf32, #tpu.memory_space<hbm>>
        %dma_start3A_1546 = arith.constant 64 : i32
        %dma_start3A_1547 = arith.constant 0 : i32
        %dma_start3A_1548 = tpu.memref_slice %arg12[%dma_start3A_1546, %dma_start3A_1547] : memref<256x128xf32, #tpu.memory_space<vmem>> -> memref<16x128xf32, #tpu.memory_space<vmem>>
        %dma_start3A_1549 = arith.constant 0 : i32
        %dma_start3A_1550 = tpu.memref_slice %arg5[%dma_start3A_1549, %multiple_of3A_1530] : memref<32x1000000xf32, #tpu.memory_space<hbm>> -> memref<16x128xf32, #tpu.memory_space<hbm>>
        tpu.enqueue_dma source(%dma_start3A_1550 : memref<16x128xf32, #tpu.memory_space<hbm>>) target(%dma_start3A_1548 : memref<16x128xf32, #tpu.memory_space<vmem>>) target_semaphore(%arg17 : memref<!tpu.dma_semaphore, #tpu.memory_space<semaphore_mem>>)
        %slice3A_1551 = vector.extract_strided_slice %and3A_1417 {offsets = [5], sizes = [1], strides = [1]} : vector<16xi32> to vector<1xi32>
        %squeeze3A_1552 = vector.extract %slice3A_1551[0] : i32 from vector<1xi32>
        %multiple_of3A_1553 = tpu.assume_multiple %squeeze3A_1552, 128 : i32
        %slice3A_1554 = vector.extract_strided_slice %and3A_1420 {offsets = [5], sizes = [1], strides = [1]} : vector<16xi32> to vector<1xi32>
        %squeeze3A_1555 = vector.extract %slice3A_1554[0] : i32 from vector<1xi32>
        %multiple_of3A_1556 = tpu.assume_multiple %squeeze3A_1555, 128 : i32
        %dma_start3A_1557 = arith.constant 80 : i32
        %dma_start3A_1558 = arith.constant 0 : i32
        %dma_start3A_1559 = tpu.memref_slice %arg11[%dma_start3A_1557, %dma_start3A_1558] : memref<256x128xf32, #tpu.memory_space<vmem>> -> memref<16x128xf32, #tpu.memory_space<vmem>>
        %dma_start3A_1560 = arith.constant 0 : i32
        %dma_start3A_1561 = tpu.memref_slice %arg4[%dma_start3A_1560, %multiple_of3A_1553] : memref<32x1000000xf32, #tpu.memory_space<hbm>> -> memref<16x128xf32, #tpu.memory_space<hbm>>
        %dma_start3A_1562 = arith.constant 80 : i32
        %dma_start3A_1563 = arith.constant 0 : i32
        %dma_start3A_1564 = tpu.memref_slice %arg11[%dma_start3A_1562, %dma_start3A_1563] : memref<256x128xf32, #tpu.memory_space<vmem>> -> memref<16x128xf32, #tpu.memory_space<vmem>>
        %dma_start3A_1565 = arith.constant 0 : i32
        %dma_start3A_1566 = tpu.memref_slice %arg4[%dma_start3A_1565, %multiple_of3A_1553] : memref<32x1000000xf32, #tpu.memory_space<hbm>> -> memref<16x128xf32, #tpu.memory_space<hbm>>
        tpu.enqueue_dma source(%dma_start3A_1566 : memref<16x128xf32, #tpu.memory_space<hbm>>) target(%dma_start3A_1564 : memref<16x128xf32, #tpu.memory_space<vmem>>) target_semaphore(%arg17 : memref<!tpu.dma_semaphore, #tpu.memory_space<semaphore_mem>>)
        %dma_start3A_1567 = arith.constant 80 : i32
        %dma_start3A_1568 = arith.constant 0 : i32
        %dma_start3A_1569 = tpu.memref_slice %arg12[%dma_start3A_1567, %dma_start3A_1568] : memref<256x128xf32, #tpu.memory_space<vmem>> -> memref<16x128xf32, #tpu.memory_space<vmem>>
        %dma_start3A_1570 = arith.constant 0 : i32
        %dma_start3A_1571 = tpu.memref_slice %arg5[%dma_start3A_1570, %multiple_of3A_1556] : memref<32x1000000xf32, #tpu.memory_space<hbm>> -> memref<16x128xf32, #tpu.memory_space<hbm>>
        %dma_start3A_1572 = arith.constant 80 : i32
        %dma_start3A_1573 = arith.constant 0 : i32
        %dma_start3A_1574 = tpu.memref_slice %arg12[%dma_start3A_1572, %dma_start3A_1573] : memref<256x128xf32, #tpu.memory_space<vmem>> -> memref<16x128xf32, #tpu.memory_space<vmem>>
        %dma_start3A_1575 = arith.constant 0 : i32
        %dma_start3A_1576 = tpu.memref_slice %arg5[%dma_start3A_1575, %multiple_of3A_1556] : memref<32x1000000xf32, #tpu.memory_space<hbm>> -> memref<16x128xf32, #tpu.memory_space<hbm>>
        tpu.enqueue_dma source(%dma_start3A_1576 : memref<16x128xf32, #tpu.memory_space<hbm>>) target(%dma_start3A_1574 : memref<16x128xf32, #tpu.memory_space<vmem>>) target_semaphore(%arg17 : memref<!tpu.dma_semaphore, #tpu.memory_space<semaphore_mem>>)
        %slice3A_1577 = vector.extract_strided_slice %and3A_1417 {offsets = [6], sizes = [1], strides = [1]} : vector<16xi32> to vector<1xi32>
        %squeeze3A_1578 = vector.extract %slice3A_1577[0] : i32 from vector<1xi32>
        %multiple_of3A_1579 = tpu.assume_multiple %squeeze3A_1578, 128 : i32
        %slice3A_1580 = vector.extract_strided_slice %and3A_1420 {offsets = [6], sizes = [1], strides = [1]} : vector<16xi32> to vector<1xi32>
        %squeeze3A_1581 = vector.extract %slice3A_1580[0] : i32 from vector<1xi32>
        %multiple_of3A_1582 = tpu.assume_multiple %squeeze3A_1581, 128 : i32
        %dma_start3A_1583 = arith.constant 96 : i32
        %dma_start3A_1584 = arith.constant 0 : i32
        %dma_start3A_1585 = tpu.memref_slice %arg11[%dma_start3A_1583, %dma_start3A_1584] : memref<256x128xf32, #tpu.memory_space<vmem>> -> memref<16x128xf32, #tpu.memory_space<vmem>>
        %dma_start3A_1586 = arith.constant 0 : i32
        %dma_start3A_1587 = tpu.memref_slice %arg4[%dma_start3A_1586, %multiple_of3A_1579] : memref<32x1000000xf32, #tpu.memory_space<hbm>> -> memref<16x128xf32, #tpu.memory_space<hbm>>
        %dma_start3A_1588 = arith.constant 96 : i32
        %dma_start3A_1589 = arith.constant 0 : i32
        %dma_start3A_1590 = tpu.memref_slice %arg11[%dma_start3A_1588, %dma_start3A_1589] : memref<256x128xf32, #tpu.memory_space<vmem>> -> memref<16x128xf32, #tpu.memory_space<vmem>>
        %dma_start3A_1591 = arith.constant 0 : i32
        %dma_start3A_1592 = tpu.memref_slice %arg4[%dma_start3A_1591, %multiple_of3A_1579] : memref<32x1000000xf32, #tpu.memory_space<hbm>> -> memref<16x128xf32, #tpu.memory_space<hbm>>
        tpu.enqueue_dma source(%dma_start3A_1592 : memref<16x128xf32, #tpu.memory_space<hbm>>) target(%dma_start3A_1590 : memref<16x128xf32, #tpu.memory_space<vmem>>) target_semaphore(%arg17 : memref<!tpu.dma_semaphore, #tpu.memory_space<semaphore_mem>>)
        %dma_start3A_1593 = arith.constant 96 : i32
        %dma_start3A_1594 = arith.constant 0 : i32
        %dma_start3A_1595 = tpu.memref_slice %arg12[%dma_start3A_1593, %dma_start3A_1594] : memref<256x128xf32, #tpu.memory_space<vmem>> -> memref<16x128xf32, #tpu.memory_space<vmem>>
        %dma_start3A_1596 = arith.constant 0 : i32
        %dma_start3A_1597 = tpu.memref_slice %arg5[%dma_start3A_1596, %multiple_of3A_1582] : memref<32x1000000xf32, #tpu.memory_space<hbm>> -> memref<16x128xf32, #tpu.memory_space<hbm>>
        %dma_start3A_1598 = arith.constant 96 : i32
        %dma_start3A_1599 = arith.constant 0 : i32
        %dma_start3A_1600 = tpu.memref_slice %arg12[%dma_start3A_1598, %dma_start3A_1599] : memref<256x128xf32, #tpu.memory_space<vmem>> -> memref<16x128xf32, #tpu.memory_space<vmem>>
        %dma_start3A_1601 = arith.constant 0 : i32
        %dma_start3A_1602 = tpu.memref_slice %arg5[%dma_start3A_1601, %multiple_of3A_1582] : memref<32x1000000xf32, #tpu.memory_space<hbm>> -> memref<16x128xf32, #tpu.memory_space<hbm>>
        tpu.enqueue_dma source(%dma_start3A_1602 : memref<16x128xf32, #tpu.memory_space<hbm>>) target(%dma_start3A_1600 : memref<16x128xf32, #tpu.memory_space<vmem>>) target_semaphore(%arg17 : memref<!tpu.dma_semaphore, #tpu.memory_space<semaphore_mem>>)
        %slice3A_1603 = vector.extract_strided_slice %and3A_1417 {offsets = [7], sizes = [1], strides = [1]} : vector<16xi32> to vector<1xi32>
        %squeeze3A_1604 = vector.extract %slice3A_1603[0] : i32 from vector<1xi32>
        %multiple_of3A_1605 = tpu.assume_multiple %squeeze3A_1604, 128 : i32
        %slice3A_1606 = vector.extract_strided_slice %and3A_1420 {offsets = [7], sizes = [1], strides = [1]} : vector<16xi32> to vector<1xi32>
        %squeeze3A_1607 = vector.extract %slice3A_1606[0] : i32 from vector<1xi32>
        %multiple_of3A_1608 = tpu.assume_multiple %squeeze3A_1607, 128 : i32
        %dma_start3A_1609 = arith.constant 112 : i32
        %dma_start3A_1610 = arith.constant 0 : i32
        %dma_start3A_1611 = tpu.memref_slice %arg11[%dma_start3A_1609, %dma_start3A_1610] : memref<256x128xf32, #tpu.memory_space<vmem>> -> memref<16x128xf32, #tpu.memory_space<vmem>>
        %dma_start3A_1612 = arith.constant 0 : i32
        %dma_start3A_1613 = tpu.memref_slice %arg4[%dma_start3A_1612, %multiple_of3A_1605] : memref<32x1000000xf32, #tpu.memory_space<hbm>> -> memref<16x128xf32, #tpu.memory_space<hbm>>
        %dma_start3A_1614 = arith.constant 112 : i32
        %dma_start3A_1615 = arith.constant 0 : i32
        %dma_start3A_1616 = tpu.memref_slice %arg11[%dma_start3A_1614, %dma_start3A_1615] : memref<256x128xf32, #tpu.memory_space<vmem>> -> memref<16x128xf32, #tpu.memory_space<vmem>>
        %dma_start3A_1617 = arith.constant 0 : i32
        %dma_start3A_1618 = tpu.memref_slice %arg4[%dma_start3A_1617, %multiple_of3A_1605] : memref<32x1000000xf32, #tpu.memory_space<hbm>> -> memref<16x128xf32, #tpu.memory_space<hbm>>
        tpu.enqueue_dma source(%dma_start3A_1618 : memref<16x128xf32, #tpu.memory_space<hbm>>) target(%dma_start3A_1616 : memref<16x128xf32, #tpu.memory_space<vmem>>) target_semaphore(%arg17 : memref<!tpu.dma_semaphore, #tpu.memory_space<semaphore_mem>>)
        %dma_start3A_1619 = arith.constant 112 : i32
        %dma_start3A_1620 = arith.constant 0 : i32
        %dma_start3A_1621 = tpu.memref_slice %arg12[%dma_start3A_1619, %dma_start3A_1620] : memref<256x128xf32, #tpu.memory_space<vmem>> -> memref<16x128xf32, #tpu.memory_space<vmem>>
        %dma_start3A_1622 = arith.constant 0 : i32
        %dma_start3A_1623 = tpu.memref_slice %arg5[%dma_start3A_1622, %multiple_of3A_1608] : memref<32x1000000xf32, #tpu.memory_space<hbm>> -> memref<16x128xf32, #tpu.memory_space<hbm>>
        %dma_start3A_1624 = arith.constant 112 : i32
        %dma_start3A_1625 = arith.constant 0 : i32
        %dma_start3A_1626 = tpu.memref_slice %arg12[%dma_start3A_1624, %dma_start3A_1625] : memref<256x128xf32, #tpu.memory_space<vmem>> -> memref<16x128xf32, #tpu.memory_space<vmem>>
        %dma_start3A_1627 = arith.constant 0 : i32
        %dma_start3A_1628 = tpu.memref_slice %arg5[%dma_start3A_1627, %multiple_of3A_1608] : memref<32x1000000xf32, #tpu.memory_space<hbm>> -> memref<16x128xf32, #tpu.memory_space<hbm>>
        tpu.enqueue_dma source(%dma_start3A_1628 : memref<16x128xf32, #tpu.memory_space<hbm>>) target(%dma_start3A_1626 : memref<16x128xf32, #tpu.memory_space<vmem>>) target_semaphore(%arg17 : memref<!tpu.dma_semaphore, #tpu.memory_space<semaphore_mem>>)
      } else {
      }
      %dma_wait3A_1167 = arith.constant 128 : i32
      %dma_wait3A_1168 = arith.constant 0 : i32
      %dma_wait3A_1169 = tpu.memref_slice %arg11[%dma_wait3A_1167, %dma_wait3A_1168] : memref<256x128xf32, #tpu.memory_space<vmem>> -> memref<128x128xf32, #tpu.memory_space<vmem>>
      %dma_wait3A_1170 = arith.constant 0 : i32
      %dma_wait3A_1171 = arith.constant 0 : i32
      %dma_wait3A_1172 = tpu.memref_slice %arg4[%dma_wait3A_1170, %dma_wait3A_1171] : memref<32x1000000xf32, #tpu.memory_space<hbm>> -> memref<16x128xf32, #tpu.memory_space<hbm>>
      %dma_wait3A_1173 = arith.constant 128 : i32
      %dma_wait3A_1174 = arith.constant 0 : i32
      %dma_wait3A_1175 = tpu.memref_slice %arg11[%dma_wait3A_1173, %dma_wait3A_1174] : memref<256x128xf32, #tpu.memory_space<vmem>> -> memref<128x128xf32, #tpu.memory_space<vmem>>
      %dma_wait3A_1176 = arith.constant 0 : i32
      %dma_wait3A_1177 = arith.constant 0 : i32
      %dma_wait3A_1178 = tpu.memref_slice %arg4[%dma_wait3A_1176, %dma_wait3A_1177] : memref<32x1000000xf32, #tpu.memory_space<hbm>> -> memref<16x128xf32, #tpu.memory_space<hbm>>
      tpu.wait_dma2 semaphore(%arg18 : memref<!tpu.dma_semaphore, #tpu.memory_space<semaphore_mem>>) src(%dma_wait3A_1178 : memref<16x128xf32, #tpu.memory_space<hbm>>) dst(%dma_wait3A_1175 : memref<128x128xf32, #tpu.memory_space<vmem>>)
      %dma_wait3A_1179 = arith.constant 128 : i32
      %dma_wait3A_1180 = arith.constant 0 : i32
      %dma_wait3A_1181 = tpu.memref_slice %arg12[%dma_wait3A_1179, %dma_wait3A_1180] : memref<256x128xf32, #tpu.memory_space<vmem>> -> memref<128x128xf32, #tpu.memory_space<vmem>>
      %dma_wait3A_1182 = arith.constant 0 : i32
      %dma_wait3A_1183 = arith.constant 0 : i32
      %dma_wait3A_1184 = tpu.memref_slice %arg5[%dma_wait3A_1182, %dma_wait3A_1183] : memref<32x1000000xf32, #tpu.memory_space<hbm>> -> memref<16x128xf32, #tpu.memory_space<hbm>>
      %dma_wait3A_1185 = arith.constant 128 : i32
      %dma_wait3A_1186 = arith.constant 0 : i32
      %dma_wait3A_1187 = tpu.memref_slice %arg12[%dma_wait3A_1185, %dma_wait3A_1186] : memref<256x128xf32, #tpu.memory_space<vmem>> -> memref<128x128xf32, #tpu.memory_space<vmem>>
      %dma_wait3A_1188 = arith.constant 0 : i32
      %dma_wait3A_1189 = arith.constant 0 : i32
      %dma_wait3A_1190 = tpu.memref_slice %arg5[%dma_wait3A_1188, %dma_wait3A_1189] : memref<32x1000000xf32, #tpu.memory_space<hbm>> -> memref<16x128xf32, #tpu.memory_space<hbm>>
      tpu.wait_dma2 semaphore(%arg18 : memref<!tpu.dma_semaphore, #tpu.memory_space<semaphore_mem>>) src(%dma_wait3A_1190 : memref<16x128xf32, #tpu.memory_space<hbm>>) dst(%dma_wait3A_1187 : memref<128x128xf32, #tpu.memory_space<vmem>>)
      %add3A_1191 = arith.constant 128 : i32
      %add3A_1192 = vector.broadcast %add3A_1191 : i32 to vector<16xi32>
      %add3A_1193 = arith.addi %add3A_1192, %iota3A : vector<16xi32>
      %slice3A_1194 = vector.extract_strided_slice %and3A_941 {offsets = [8], sizes = [1], strides = [1]} : vector<16xi32> to vector<1xi32>
      %squeeze3A_1195 = vector.extract %slice3A_1194[0] : i32 from vector<1xi32>
      %broadcast_in_dim3A_1196 = vector.broadcast %squeeze3A_1195 : i32 to vector<16xi32>
      %gather3A_1197 = tpu.vector_load_idx %arg11[%add3A_1193, %broadcast_in_dim3A_1196] : memref<256x128xf32, #tpu.memory_space<vmem>>[vector<16xi32>, vector<16xi32>], vector<16xf32>,
      %slice3A_1198 = vector.extract_strided_slice %and3A_944 {offsets = [8], sizes = [1], strides = [1]} : vector<16xi32> to vector<1xi32>
      %squeeze3A_1199 = vector.extract %slice3A_1198[0] : i32 from vector<1xi32>
      %broadcast_in_dim3A_1200 = vector.broadcast %squeeze3A_1199 : i32 to vector<16xi32>
      %gather3A_1201 = tpu.vector_load_idx %arg12[%add3A_1193, %broadcast_in_dim3A_1200] : memref<256x128xf32, #tpu.memory_space<vmem>>[vector<16xi32>, vector<16xi32>], vector<16xf32>,
      %mul3A_1202 = arith.mulf %gather3A_1197, %gather3A_1201 : vector<16xf32>
      %swap3A_1203 = arith.constant 0 : i32
      %swap3A_1204 = arith.index_cast %swap3A_1203 : i32 to index
      %swap3A_1205 = arith.constant 0 : index
      %swap3A_1206 = tpu.vector_load %arg13[%swap3A_1204, %swap3A_1205] {strides = array<i32>} : memref<8x16xf32, #tpu.memory_space<vmem>>, vector<16xf32>,
      tpu.vector_store %arg13[%swap3A_1204, %swap3A_1205], %mul3A_1202 {strides = array<i32>} : memref<8x16xf32, #tpu.memory_space<vmem>>, vector<16xf32>,
      %add3A_1207 = arith.constant 144 : i32
      %add3A_1208 = vector.broadcast %add3A_1207 : i32 to vector<16xi32>
      %add3A_1209 = arith.addi %add3A_1208, %iota3A : vector<16xi32>
      %slice3A_1210 = vector.extract_strided_slice %and3A_941 {offsets = [9], sizes = [1], strides = [1]} : vector<16xi32> to vector<1xi32>
      %squeeze3A_1211 = vector.extract %slice3A_1210[0] : i32 from vector<1xi32>
      %broadcast_in_dim3A_1212 = vector.broadcast %squeeze3A_1211 : i32 to vector<16xi32>
      %gather3A_1213 = tpu.vector_load_idx %arg11[%add3A_1209, %broadcast_in_dim3A_1212] : memref<256x128xf32, #tpu.memory_space<vmem>>[vector<16xi32>, vector<16xi32>], vector<16xf32>,
      %slice3A_1214 = vector.extract_strided_slice %and3A_944 {offsets = [9], sizes = [1], strides = [1]} : vector<16xi32> to vector<1xi32>
      %squeeze3A_1215 = vector.extract %slice3A_1214[0] : i32 from vector<1xi32>
      %broadcast_in_dim3A_1216 = vector.broadcast %squeeze3A_1215 : i32 to vector<16xi32>
      %gather3A_1217 = tpu.vector_load_idx %arg12[%add3A_1209, %broadcast_in_dim3A_1216] : memref<256x128xf32, #tpu.memory_space<vmem>>[vector<16xi32>, vector<16xi32>], vector<16xf32>,
      %mul3A_1218 = arith.mulf %gather3A_1213, %gather3A_1217 : vector<16xf32>
      %swap3A_1219 = arith.constant 1 : i32
      %swap3A_1220 = arith.index_cast %swap3A_1219 : i32 to index
      %swap3A_1221 = arith.constant 0 : index
      %swap3A_1222 = tpu.vector_load %arg13[%swap3A_1220, %swap3A_1221] {strides = array<i32>} : memref<8x16xf32, #tpu.memory_space<vmem>>, vector<16xf32>,
      tpu.vector_store %arg13[%swap3A_1220, %swap3A_1221], %mul3A_1218 {strides = array<i32>} : memref<8x16xf32, #tpu.memory_space<vmem>>, vector<16xf32>,
      %add3A_1223 = arith.constant 160 : i32
      %add3A_1224 = vector.broadcast %add3A_1223 : i32 to vector<16xi32>
      %add3A_1225 = arith.addi %add3A_1224, %iota3A : vector<16xi32>
      %slice3A_1226 = vector.extract_strided_slice %and3A_941 {offsets = [10], sizes = [1], strides = [1]} : vector<16xi32> to vector<1xi32>
      %squeeze3A_1227 = vector.extract %slice3A_1226[0] : i32 from vector<1xi32>
      %broadcast_in_dim3A_1228 = vector.broadcast %squeeze3A_1227 : i32 to vector<16xi32>
      %gather3A_1229 = tpu.vector_load_idx %arg11[%add3A_1225, %broadcast_in_dim3A_1228] : memref<256x128xf32, #tpu.memory_space<vmem>>[vector<16xi32>, vector<16xi32>], vector<16xf32>,
      %slice3A_1230 = vector.extract_strided_slice %and3A_944 {offsets = [10], sizes = [1], strides = [1]} : vector<16xi32> to vector<1xi32>
      %squeeze3A_1231 = vector.extract %slice3A_1230[0] : i32 from vector<1xi32>
      %broadcast_in_dim3A_1232 = vector.broadcast %squeeze3A_1231 : i32 to vector<16xi32>
      %gather3A_1233 = tpu.vector_load_idx %arg12[%add3A_1225, %broadcast_in_dim3A_1232] : memref<256x128xf32, #tpu.memory_space<vmem>>[vector<16xi32>, vector<16xi32>], vector<16xf32>,
      %mul3A_1234 = arith.mulf %gather3A_1229, %gather3A_1233 : vector<16xf32>
      %swap3A_1235 = arith.constant 2 : i32
      %swap3A_1236 = arith.index_cast %swap3A_1235 : i32 to index
      %swap3A_1237 = arith.constant 0 : index
      %swap3A_1238 = tpu.vector_load %arg13[%swap3A_1236, %swap3A_1237] {strides = array<i32>} : memref<8x16xf32, #tpu.memory_space<vmem>>, vector<16xf32>,
      tpu.vector_store %arg13[%swap3A_1236, %swap3A_1237], %mul3A_1234 {strides = array<i32>} : memref<8x16xf32, #tpu.memory_space<vmem>>, vector<16xf32>,
      %add3A_1239 = arith.constant 176 : i32
      %add3A_1240 = vector.broadcast %add3A_1239 : i32 to vector<16xi32>
      %add3A_1241 = arith.addi %add3A_1240, %iota3A : vector<16xi32>
      %slice3A_1242 = vector.extract_strided_slice %and3A_941 {offsets = [11], sizes = [1], strides = [1]} : vector<16xi32> to vector<1xi32>
      %squeeze3A_1243 = vector.extract %slice3A_1242[0] : i32 from vector<1xi32>
      %broadcast_in_dim3A_1244 = vector.broadcast %squeeze3A_1243 : i32 to vector<16xi32>
      %gather3A_1245 = tpu.vector_load_idx %arg11[%add3A_1241, %broadcast_in_dim3A_1244] : memref<256x128xf32, #tpu.memory_space<vmem>>[vector<16xi32>, vector<16xi32>], vector<16xf32>,
      %slice3A_1246 = vector.extract_strided_slice %and3A_944 {offsets = [11], sizes = [1], strides = [1]} : vector<16xi32> to vector<1xi32>
      %squeeze3A_1247 = vector.extract %slice3A_1246[0] : i32 from vector<1xi32>
      %broadcast_in_dim3A_1248 = vector.broadcast %squeeze3A_1247 : i32 to vector<16xi32>
      %gather3A_1249 = tpu.vector_load_idx %arg12[%add3A_1241, %broadcast_in_dim3A_1248] : memref<256x128xf32, #tpu.memory_space<vmem>>[vector<16xi32>, vector<16xi32>], vector<16xf32>,
      %mul3A_1250 = arith.mulf %gather3A_1245, %gather3A_1249 : vector<16xf32>
      %swap3A_1251 = arith.constant 3 : i32
      %swap3A_1252 = arith.index_cast %swap3A_1251 : i32 to index
      %swap3A_1253 = arith.constant 0 : index
      %swap3A_1254 = tpu.vector_load %arg13[%swap3A_1252, %swap3A_1253] {strides = array<i32>} : memref<8x16xf32, #tpu.memory_space<vmem>>, vector<16xf32>,
      tpu.vector_store %arg13[%swap3A_1252, %swap3A_1253], %mul3A_1250 {strides = array<i32>} : memref<8x16xf32, #tpu.memory_space<vmem>>, vector<16xf32>,
      %add3A_1255 = arith.constant 192 : i32
      %add3A_1256 = vector.broadcast %add3A_1255 : i32 to vector<16xi32>
      %add3A_1257 = arith.addi %add3A_1256, %iota3A : vector<16xi32>
      %slice3A_1258 = vector.extract_strided_slice %and3A_941 {offsets = [12], sizes = [1], strides = [1]} : vector<16xi32> to vector<1xi32>
      %squeeze3A_1259 = vector.extract %slice3A_1258[0] : i32 from vector<1xi32>
      %broadcast_in_dim3A_1260 = vector.broadcast %squeeze3A_1259 : i32 to vector<16xi32>
      %gather3A_1261 = tpu.vector_load_idx %arg11[%add3A_1257, %broadcast_in_dim3A_1260] : memref<256x128xf32, #tpu.memory_space<vmem>>[vector<16xi32>, vector<16xi32>], vector<16xf32>,
      %slice3A_1262 = vector.extract_strided_slice %and3A_944 {offsets = [12], sizes = [1], strides = [1]} : vector<16xi32> to vector<1xi32>
      %squeeze3A_1263 = vector.extract %slice3A_1262[0] : i32 from vector<1xi32>
      %broadcast_in_dim3A_1264 = vector.broadcast %squeeze3A_1263 : i32 to vector<16xi32>
      %gather3A_1265 = tpu.vector_load_idx %arg12[%add3A_1257, %broadcast_in_dim3A_1264] : memref<256x128xf32, #tpu.memory_space<vmem>>[vector<16xi32>, vector<16xi32>], vector<16xf32>,
      %mul3A_1266 = arith.mulf %gather3A_1261, %gather3A_1265 : vector<16xf32>
      %swap3A_1267 = arith.constant 4 : i32
      %swap3A_1268 = arith.index_cast %swap3A_1267 : i32 to index
      %swap3A_1269 = arith.constant 0 : index
      %swap3A_1270 = tpu.vector_load %arg13[%swap3A_1268, %swap3A_1269] {strides = array<i32>} : memref<8x16xf32, #tpu.memory_space<vmem>>, vector<16xf32>,
      tpu.vector_store %arg13[%swap3A_1268, %swap3A_1269], %mul3A_1266 {strides = array<i32>} : memref<8x16xf32, #tpu.memory_space<vmem>>, vector<16xf32>,
      %add3A_1271 = arith.constant 208 : i32
      %add3A_1272 = vector.broadcast %add3A_1271 : i32 to vector<16xi32>
      %add3A_1273 = arith.addi %add3A_1272, %iota3A : vector<16xi32>
      %slice3A_1274 = vector.extract_strided_slice %and3A_941 {offsets = [13], sizes = [1], strides = [1]} : vector<16xi32> to vector<1xi32>
      %squeeze3A_1275 = vector.extract %slice3A_1274[0] : i32 from vector<1xi32>
      %broadcast_in_dim3A_1276 = vector.broadcast %squeeze3A_1275 : i32 to vector<16xi32>
      %gather3A_1277 = tpu.vector_load_idx %arg11[%add3A_1273, %broadcast_in_dim3A_1276] : memref<256x128xf32, #tpu.memory_space<vmem>>[vector<16xi32>, vector<16xi32>], vector<16xf32>,
      %slice3A_1278 = vector.extract_strided_slice %and3A_944 {offsets = [13], sizes = [1], strides = [1]} : vector<16xi32> to vector<1xi32>
      %squeeze3A_1279 = vector.extract %slice3A_1278[0] : i32 from vector<1xi32>
      %broadcast_in_dim3A_1280 = vector.broadcast %squeeze3A_1279 : i32 to vector<16xi32>
      %gather3A_1281 = tpu.vector_load_idx %arg12[%add3A_1273, %broadcast_in_dim3A_1280] : memref<256x128xf32, #tpu.memory_space<vmem>>[vector<16xi32>, vector<16xi32>], vector<16xf32>,
      %mul3A_1282 = arith.mulf %gather3A_1277, %gather3A_1281 : vector<16xf32>
      %swap3A_1283 = arith.constant 5 : i32
      %swap3A_1284 = arith.index_cast %swap3A_1283 : i32 to index
      %swap3A_1285 = arith.constant 0 : index
      %swap3A_1286 = tpu.vector_load %arg13[%swap3A_1284, %swap3A_1285] {strides = array<i32>} : memref<8x16xf32, #tpu.memory_space<vmem>>, vector<16xf32>,
      tpu.vector_store %arg13[%swap3A_1284, %swap3A_1285], %mul3A_1282 {strides = array<i32>} : memref<8x16xf32, #tpu.memory_space<vmem>>, vector<16xf32>,
      %add3A_1287 = arith.constant 224 : i32
      %add3A_1288 = vector.broadcast %add3A_1287 : i32 to vector<16xi32>
      %add3A_1289 = arith.addi %add3A_1288, %iota3A : vector<16xi32>
      %slice3A_1290 = vector.extract_strided_slice %and3A_941 {offsets = [14], sizes = [1], strides = [1]} : vector<16xi32> to vector<1xi32>
      %squeeze3A_1291 = vector.extract %slice3A_1290[0] : i32 from vector<1xi32>
      %broadcast_in_dim3A_1292 = vector.broadcast %squeeze3A_1291 : i32 to vector<16xi32>
      %gather3A_1293 = tpu.vector_load_idx %arg11[%add3A_1289, %broadcast_in_dim3A_1292] : memref<256x128xf32, #tpu.memory_space<vmem>>[vector<16xi32>, vector<16xi32>], vector<16xf32>,
      %slice3A_1294 = vector.extract_strided_slice %and3A_944 {offsets = [14], sizes = [1], strides = [1]} : vector<16xi32> to vector<1xi32>
      %squeeze3A_1295 = vector.extract %slice3A_1294[0] : i32 from vector<1xi32>
      %broadcast_in_dim3A_1296 = vector.broadcast %squeeze3A_1295 : i32 to vector<16xi32>
      %gather3A_1297 = tpu.vector_load_idx %arg12[%add3A_1289, %broadcast_in_dim3A_1296] : memref<256x128xf32, #tpu.memory_space<vmem>>[vector<16xi32>, vector<16xi32>], vector<16xf32>,
      %mul3A_1298 = arith.mulf %gather3A_1293, %gather3A_1297 : vector<16xf32>
      %swap3A_1299 = arith.constant 6 : i32
      %swap3A_1300 = arith.index_cast %swap3A_1299 : i32 to index
      %swap3A_1301 = arith.constant 0 : index
      %swap3A_1302 = tpu.vector_load %arg13[%swap3A_1300, %swap3A_1301] {strides = array<i32>} : memref<8x16xf32, #tpu.memory_space<vmem>>, vector<16xf32>,
      tpu.vector_store %arg13[%swap3A_1300, %swap3A_1301], %mul3A_1298 {strides = array<i32>} : memref<8x16xf32, #tpu.memory_space<vmem>>, vector<16xf32>,
      %add3A_1303 = arith.constant 240 : i32
      %add3A_1304 = vector.broadcast %add3A_1303 : i32 to vector<16xi32>
      %add3A_1305 = arith.addi %add3A_1304, %iota3A : vector<16xi32>
      %slice3A_1306 = vector.extract_strided_slice %and3A_941 {offsets = [15], sizes = [1], strides = [1]} : vector<16xi32> to vector<1xi32>
      %squeeze3A_1307 = vector.extract %slice3A_1306[0] : i32 from vector<1xi32>
      %broadcast_in_dim3A_1308 = vector.broadcast %squeeze3A_1307 : i32 to vector<16xi32>
      %gather3A_1309 = tpu.vector_load_idx %arg11[%add3A_1305, %broadcast_in_dim3A_1308] : memref<256x128xf32, #tpu.memory_space<vmem>>[vector<16xi32>, vector<16xi32>], vector<16xf32>,
      %slice3A_1310 = vector.extract_strided_slice %and3A_944 {offsets = [15], sizes = [1], strides = [1]} : vector<16xi32> to vector<1xi32>
      %squeeze3A_1311 = vector.extract %slice3A_1310[0] : i32 from vector<1xi32>
      %broadcast_in_dim3A_1312 = vector.broadcast %squeeze3A_1311 : i32 to vector<16xi32>
      %gather3A_1313 = tpu.vector_load_idx %arg12[%add3A_1305, %broadcast_in_dim3A_1312] : memref<256x128xf32, #tpu.memory_space<vmem>>[vector<16xi32>, vector<16xi32>], vector<16xf32>,
      %mul3A_1314 = arith.mulf %gather3A_1309, %gather3A_1313 : vector<16xf32>
      %swap3A_1315 = arith.constant 7 : i32
      %swap3A_1316 = arith.index_cast %swap3A_1315 : i32 to index
      %swap3A_1317 = arith.constant 0 : index
      %swap3A_1318 = tpu.vector_load %arg13[%swap3A_1316, %swap3A_1317] {strides = array<i32>} : memref<8x16xf32, #tpu.memory_space<vmem>>, vector<16xf32>,
      tpu.vector_store %arg13[%swap3A_1316, %swap3A_1317], %mul3A_1314 {strides = array<i32>} : memref<8x16xf32, #tpu.memory_space<vmem>>, vector<16xf32>,
      %get3A_1319 = arith.constant 0 : i32
      %get3A_1320 = arith.index_cast %get3A_1319 : i32 to index
      %get3A_1321 = arith.constant 0 : index
      %get3A_1322 = tpu.vector_load %arg13[%get3A_1320, %get3A_1321] {strides = array<i32>} : memref<8x16xf32, #tpu.memory_space<vmem>>, vector<16xf32>,
      %mul3A_1323 = arith.constant 0.000000e+00 : f32
      %mul3A_1324 = vector.broadcast %mul3A_1323 : f32 to vector<16xf32>
      %mul3A_1325 = arith.mulf %get3A_1322, %mul3A_1324 : vector<16xf32>
      %broadcast_in_dim3A_1326 = arith.constant 0 : i32
      %broadcast_in_dim3A_1327 = vector.broadcast %broadcast_in_dim3A_1326 : i32 to vector<16xi32>
      %gather3A_1328 = tpu.vector_load_idx %arg13[%and3A_58, %broadcast_in_dim3A_1327] : memref<8x16xf32, #tpu.memory_space<vmem>>[vector<16xi32>, vector<16xi32>], vector<16xf32>,
      %add3A_1329 = arith.addf %mul3A_1325, %gather3A_1328 : vector<16xf32>
      %broadcast_in_dim3A_1330 = arith.constant 1 : i32
      %broadcast_in_dim3A_1331 = vector.broadcast %broadcast_in_dim3A_1330 : i32 to vector<16xi32>
      %gather3A_1332 = tpu.vector_load_idx %arg13[%and3A_58, %broadcast_in_dim3A_1331] : memref<8x16xf32, #tpu.memory_space<vmem>>[vector<16xi32>, vector<16xi32>], vector<16xf32>,
      %add3A_1333 = arith.addf %add3A_1329, %gather3A_1332 : vector<16xf32>
      %broadcast_in_dim3A_1334 = arith.constant 2 : i32
      %broadcast_in_dim3A_1335 = vector.broadcast %broadcast_in_dim3A_1334 : i32 to vector<16xi32>
      %gather3A_1336 = tpu.vector_load_idx %arg13[%and3A_58, %broadcast_in_dim3A_1335] : memref<8x16xf32, #tpu.memory_space<vmem>>[vector<16xi32>, vector<16xi32>], vector<16xf32>,
      %add3A_1337 = arith.addf %add3A_1333, %gather3A_1336 : vector<16xf32>
      %broadcast_in_dim3A_1338 = arith.constant 3 : i32
      %broadcast_in_dim3A_1339 = vector.broadcast %broadcast_in_dim3A_1338 : i32 to vector<16xi32>
      %gather3A_1340 = tpu.vector_load_idx %arg13[%and3A_58, %broadcast_in_dim3A_1339] : memref<8x16xf32, #tpu.memory_space<vmem>>[vector<16xi32>, vector<16xi32>], vector<16xf32>,
      %add3A_1341 = arith.addf %add3A_1337, %gather3A_1340 : vector<16xf32>
      %broadcast_in_dim3A_1342 = arith.constant 4 : i32
      %broadcast_in_dim3A_1343 = vector.broadcast %broadcast_in_dim3A_1342 : i32 to vector<16xi32>
      %gather3A_1344 = tpu.vector_load_idx %arg13[%and3A_58, %broadcast_in_dim3A_1343] : memref<8x16xf32, #tpu.memory_space<vmem>>[vector<16xi32>, vector<16xi32>], vector<16xf32>,
      %add3A_1345 = arith.addf %add3A_1341, %gather3A_1344 : vector<16xf32>
      %broadcast_in_dim3A_1346 = arith.constant 5 : i32
      %broadcast_in_dim3A_1347 = vector.broadcast %broadcast_in_dim3A_1346 : i32 to vector<16xi32>
      %gather3A_1348 = tpu.vector_load_idx %arg13[%and3A_58, %broadcast_in_dim3A_1347] : memref<8x16xf32, #tpu.memory_space<vmem>>[vector<16xi32>, vector<16xi32>], vector<16xf32>,
      %add3A_1349 = arith.addf %add3A_1345, %gather3A_1348 : vector<16xf32>
      %broadcast_in_dim3A_1350 = arith.constant 6 : i32
      %broadcast_in_dim3A_1351 = vector.broadcast %broadcast_in_dim3A_1350 : i32 to vector<16xi32>
      %gather3A_1352 = tpu.vector_load_idx %arg13[%and3A_58, %broadcast_in_dim3A_1351] : memref<8x16xf32, #tpu.memory_space<vmem>>[vector<16xi32>, vector<16xi32>], vector<16xf32>,
      %add3A_1353 = arith.addf %add3A_1349, %gather3A_1352 : vector<16xf32>
      %broadcast_in_dim3A_1354 = arith.constant 7 : i32
      %broadcast_in_dim3A_1355 = vector.broadcast %broadcast_in_dim3A_1354 : i32 to vector<16xi32>
      %gather3A_1356 = tpu.vector_load_idx %arg13[%and3A_58, %broadcast_in_dim3A_1355] : memref<8x16xf32, #tpu.memory_space<vmem>>[vector<16xi32>, vector<16xi32>], vector<16xf32>,
      %add3A_1357 = arith.addf %add3A_1353, %gather3A_1356 : vector<16xf32>
      %broadcast_in_dim3A_1358 = arith.constant 8 : i32
      %broadcast_in_dim3A_1359 = vector.broadcast %broadcast_in_dim3A_1358 : i32 to vector<16xi32>
      %gather3A_1360 = tpu.vector_load_idx %arg13[%and3A_58, %broadcast_in_dim3A_1359] : memref<8x16xf32, #tpu.memory_space<vmem>>[vector<16xi32>, vector<16xi32>], vector<16xf32>,
      %add3A_1361 = arith.addf %add3A_1357, %gather3A_1360 : vector<16xf32>
      %broadcast_in_dim3A_1362 = arith.constant 9 : i32
      %broadcast_in_dim3A_1363 = vector.broadcast %broadcast_in_dim3A_1362 : i32 to vector<16xi32>
      %gather3A_1364 = tpu.vector_load_idx %arg13[%and3A_58, %broadcast_in_dim3A_1363] : memref<8x16xf32, #tpu.memory_space<vmem>>[vector<16xi32>, vector<16xi32>], vector<16xf32>,
      %add3A_1365 = arith.addf %add3A_1361, %gather3A_1364 : vector<16xf32>
      %broadcast_in_dim3A_1366 = arith.constant 10 : i32
      %broadcast_in_dim3A_1367 = vector.broadcast %broadcast_in_dim3A_1366 : i32 to vector<16xi32>
      %gather3A_1368 = tpu.vector_load_idx %arg13[%and3A_58, %broadcast_in_dim3A_1367] : memref<8x16xf32, #tpu.memory_space<vmem>>[vector<16xi32>, vector<16xi32>], vector<16xf32>,
      %add3A_1369 = arith.addf %add3A_1365, %gather3A_1368 : vector<16xf32>
      %broadcast_in_dim3A_1370 = arith.constant 11 : i32
      %broadcast_in_dim3A_1371 = vector.broadcast %broadcast_in_dim3A_1370 : i32 to vector<16xi32>
      %gather3A_1372 = tpu.vector_load_idx %arg13[%and3A_58, %broadcast_in_dim3A_1371] : memref<8x16xf32, #tpu.memory_space<vmem>>[vector<16xi32>, vector<16xi32>], vector<16xf32>,
      %add3A_1373 = arith.addf %add3A_1369, %gather3A_1372 : vector<16xf32>
      %broadcast_in_dim3A_1374 = arith.constant 12 : i32
      %broadcast_in_dim3A_1375 = vector.broadcast %broadcast_in_dim3A_1374 : i32 to vector<16xi32>
      %gather3A_1376 = tpu.vector_load_idx %arg13[%and3A_58, %broadcast_in_dim3A_1375] : memref<8x16xf32, #tpu.memory_space<vmem>>[vector<16xi32>, vector<16xi32>], vector<16xf32>,
      %add3A_1377 = arith.addf %add3A_1373, %gather3A_1376 : vector<16xf32>
      %broadcast_in_dim3A_1378 = arith.constant 13 : i32
      %broadcast_in_dim3A_1379 = vector.broadcast %broadcast_in_dim3A_1378 : i32 to vector<16xi32>
      %gather3A_1380 = tpu.vector_load_idx %arg13[%and3A_58, %broadcast_in_dim3A_1379] : memref<8x16xf32, #tpu.memory_space<vmem>>[vector<16xi32>, vector<16xi32>], vector<16xf32>,
      %add3A_1381 = arith.addf %add3A_1377, %gather3A_1380 : vector<16xf32>
      %broadcast_in_dim3A_1382 = arith.constant 14 : i32
      %broadcast_in_dim3A_1383 = vector.broadcast %broadcast_in_dim3A_1382 : i32 to vector<16xi32>
      %gather3A_1384 = tpu.vector_load_idx %arg13[%and3A_58, %broadcast_in_dim3A_1383] : memref<8x16xf32, #tpu.memory_space<vmem>>[vector<16xi32>, vector<16xi32>], vector<16xf32>,
      %add3A_1385 = arith.addf %add3A_1381, %gather3A_1384 : vector<16xf32>
      %broadcast_in_dim3A_1386 = arith.constant 15 : i32
      %broadcast_in_dim3A_1387 = vector.broadcast %broadcast_in_dim3A_1386 : i32 to vector<16xi32>
      %gather3A_1388 = tpu.vector_load_idx %arg13[%and3A_58, %broadcast_in_dim3A_1387] : memref<8x16xf32, #tpu.memory_space<vmem>>[vector<16xi32>, vector<16xi32>], vector<16xf32>,
      %add3A_1389 = arith.addf %add3A_1385, %gather3A_1388 : vector<16xf32>
      %lt3A_1390 = arith.constant 31 : i32
      %lt3A_1391 = arith.cmpi slt, %scan3A_931, %lt3A_1390 : i32
      %convert_element_type3A_1392 = arith.extui %lt3A_1391 : i1 to i32
      %cond3A_1393 = arith.constant 0 : i32
      %cond3A_1394 = arith.cmpi ne, %convert_element_type3A_1392, %cond3A_1393 : i32
      scf.if %cond3A_1394 {
        %add3A_1406 = arith.constant 1 : i32
        %add3A_1407 = arith.addi %scan3A_931, %add3A_1406 : i32
        %mul3A_1408 = arith.constant 16 : i32
        %mul3A_1409 = arith.muli %add3A_1407, %mul3A_1408 : i32
        %multiple_of3A_1410 = tpu.assume_multiple %mul3A_1409, 16 : i32
        %get3A_1411 = arith.index_cast %multiple_of3A_1410 : i32 to index
        %get3A_1412 = tpu.vector_load %arg9[%get3A_1411] {strides = array<i32>} : memref<512xi32, #tpu.memory_space<vmem>>, vector<16xi32>,
        %get3A_1413 = arith.index_cast %multiple_of3A_1410 : i32 to index
        %get3A_1414 = tpu.vector_load %arg10[%get3A_1413] {strides = array<i32>} : memref<512xi32, #tpu.memory_space<vmem>>, vector<16xi32>,
        %and3A_1415 = arith.constant -128 : i32
        %and3A_1416 = vector.broadcast %and3A_1415 : i32 to vector<16xi32>
        %and3A_1417 = arith.andi %get3A_1412, %and3A_1416 : vector<16xi32>
        %and3A_1418 = arith.constant -128 : i32
        %and3A_1419 = vector.broadcast %and3A_1418 : i32 to vector<16xi32>
        %and3A_1420 = arith.andi %get3A_1414, %and3A_1419 : vector<16xi32>
        %slice3A_1421 = vector.extract_strided_slice %and3A_1417 {offsets = [8], sizes = [1], strides = [1]} : vector<16xi32> to vector<1xi32>
        %squeeze3A_1422 = vector.extract %slice3A_1421[0] : i32 from vector<1xi32>
        %multiple_of3A_1423 = tpu.assume_multiple %squeeze3A_1422, 128 : i32
        %slice3A_1424 = vector.extract_strided_slice %and3A_1420 {offsets = [8], sizes = [1], strides = [1]} : vector<16xi32> to vector<1xi32>
        %squeeze3A_1425 = vector.extract %slice3A_1424[0] : i32 from vector<1xi32>
        %multiple_of3A_1426 = tpu.assume_multiple %squeeze3A_1425, 128 : i32
        %dma_start3A_1427 = arith.constant 128 : i32
        %dma_start3A_1428 = arith.constant 0 : i32
        %dma_start3A_1429 = tpu.memref_slice %arg11[%dma_start3A_1427, %dma_start3A_1428] : memref<256x128xf32, #tpu.memory_space<vmem>> -> memref<16x128xf32, #tpu.memory_space<vmem>>
        %dma_start3A_1430 = arith.constant 0 : i32
        %dma_start3A_1431 = tpu.memref_slice %arg4[%dma_start3A_1430, %multiple_of3A_1423] : memref<32x1000000xf32, #tpu.memory_space<hbm>> -> memref<16x128xf32, #tpu.memory_space<hbm>>
        %dma_start3A_1432 = arith.constant 128 : i32
        %dma_start3A_1433 = arith.constant 0 : i32
        %dma_start3A_1434 = tpu.memref_slice %arg11[%dma_start3A_1432, %dma_start3A_1433] : memref<256x128xf32, #tpu.memory_space<vmem>> -> memref<16x128xf32, #tpu.memory_space<vmem>>
        %dma_start3A_1435 = arith.constant 0 : i32
        %dma_start3A_1436 = tpu.memref_slice %arg4[%dma_start3A_1435, %multiple_of3A_1423] : memref<32x1000000xf32, #tpu.memory_space<hbm>> -> memref<16x128xf32, #tpu.memory_space<hbm>>
        tpu.enqueue_dma source(%dma_start3A_1436 : memref<16x128xf32, #tpu.memory_space<hbm>>) target(%dma_start3A_1434 : memref<16x128xf32, #tpu.memory_space<vmem>>) target_semaphore(%arg18 : memref<!tpu.dma_semaphore, #tpu.memory_space<semaphore_mem>>)
        %dma_start3A_1437 = arith.constant 128 : i32
        %dma_start3A_1438 = arith.constant 0 : i32
        %dma_start3A_1439 = tpu.memref_slice %arg12[%dma_start3A_1437, %dma_start3A_1438] : memref<256x128xf32, #tpu.memory_space<vmem>> -> memref<16x128xf32, #tpu.memory_space<vmem>>
        %dma_start3A_1440 = arith.constant 0 : i32
        %dma_start3A_1441 = tpu.memref_slice %arg5[%dma_start3A_1440, %multiple_of3A_1426] : memref<32x1000000xf32, #tpu.memory_space<hbm>> -> memref<16x128xf32, #tpu.memory_space<hbm>>
        %dma_start3A_1442 = arith.constant 128 : i32
        %dma_start3A_1443 = arith.constant 0 : i32
        %dma_start3A_1444 = tpu.memref_slice %arg12[%dma_start3A_1442, %dma_start3A_1443] : memref<256x128xf32, #tpu.memory_space<vmem>> -> memref<16x128xf32, #tpu.memory_space<vmem>>
        %dma_start3A_1445 = arith.constant 0 : i32
        %dma_start3A_1446 = tpu.memref_slice %arg5[%dma_start3A_1445, %multiple_of3A_1426] : memref<32x1000000xf32, #tpu.memory_space<hbm>> -> memref<16x128xf32, #tpu.memory_space<hbm>>
        tpu.enqueue_dma source(%dma_start3A_1446 : memref<16x128xf32, #tpu.memory_space<hbm>>) target(%dma_start3A_1444 : memref<16x128xf32, #tpu.memory_space<vmem>>) target_semaphore(%arg18 : memref<!tpu.dma_semaphore, #tpu.memory_space<semaphore_mem>>)
        %slice3A_1447 = vector.extract_strided_slice %and3A_1417 {offsets = [9], sizes = [1], strides = [1]} : vector<16xi32> to vector<1xi32>
        %squeeze3A_1448 = vector.extract %slice3A_1447[0] : i32 from vector<1xi32>
        %multiple_of3A_1449 = tpu.assume_multiple %squeeze3A_1448, 128 : i32
        %slice3A_1450 = vector.extract_strided_slice %and3A_1420 {offsets = [9], sizes = [1], strides = [1]} : vector<16xi32> to vector<1xi32>
        %squeeze3A_1451 = vector.extract %slice3A_1450[0] : i32 from vector<1xi32>
        %multiple_of3A_1452 = tpu.assume_multiple %squeeze3A_1451, 128 : i32
        %dma_start3A_1453 = arith.constant 144 : i32
        %dma_start3A_1454 = arith.constant 0 : i32
        %dma_start3A_1455 = tpu.memref_slice %arg11[%dma_start3A_1453, %dma_start3A_1454] : memref<256x128xf32, #tpu.memory_space<vmem>> -> memref<16x128xf32, #tpu.memory_space<vmem>>
        %dma_start3A_1456 = arith.constant 0 : i32
        %dma_start3A_1457 = tpu.memref_slice %arg4[%dma_start3A_1456, %multiple_of3A_1449] : memref<32x1000000xf32, #tpu.memory_space<hbm>> -> memref<16x128xf32, #tpu.memory_space<hbm>>
        %dma_start3A_1458 = arith.constant 144 : i32
        %dma_start3A_1459 = arith.constant 0 : i32
        %dma_start3A_1460 = tpu.memref_slice %arg11[%dma_start3A_1458, %dma_start3A_1459] : memref<256x128xf32, #tpu.memory_space<vmem>> -> memref<16x128xf32, #tpu.memory_space<vmem>>
        %dma_start3A_1461 = arith.constant 0 : i32
        %dma_start3A_1462 = tpu.memref_slice %arg4[%dma_start3A_1461, %multiple_of3A_1449] : memref<32x1000000xf32, #tpu.memory_space<hbm>> -> memref<16x128xf32, #tpu.memory_space<hbm>>
        tpu.enqueue_dma source(%dma_start3A_1462 : memref<16x128xf32, #tpu.memory_space<hbm>>) target(%dma_start3A_1460 : memref<16x128xf32, #tpu.memory_space<vmem>>) target_semaphore(%arg18 : memref<!tpu.dma_semaphore, #tpu.memory_space<semaphore_mem>>)
        %dma_start3A_1463 = arith.constant 144 : i32
        %dma_start3A_1464 = arith.constant 0 : i32
        %dma_start3A_1465 = tpu.memref_slice %arg12[%dma_start3A_1463, %dma_start3A_1464] : memref<256x128xf32, #tpu.memory_space<vmem>> -> memref<16x128xf32, #tpu.memory_space<vmem>>
        %dma_start3A_1466 = arith.constant 0 : i32
        %dma_start3A_1467 = tpu.memref_slice %arg5[%dma_start3A_1466, %multiple_of3A_1452] : memref<32x1000000xf32, #tpu.memory_space<hbm>> -> memref<16x128xf32, #tpu.memory_space<hbm>>
        %dma_start3A_1468 = arith.constant 144 : i32
        %dma_start3A_1469 = arith.constant 0 : i32
        %dma_start3A_1470 = tpu.memref_slice %arg12[%dma_start3A_1468, %dma_start3A_1469] : memref<256x128xf32, #tpu.memory_space<vmem>> -> memref<16x128xf32, #tpu.memory_space<vmem>>
        %dma_start3A_1471 = arith.constant 0 : i32
        %dma_start3A_1472 = tpu.memref_slice %arg5[%dma_start3A_1471, %multiple_of3A_1452] : memref<32x1000000xf32, #tpu.memory_space<hbm>> -> memref<16x128xf32, #tpu.memory_space<hbm>>
        tpu.enqueue_dma source(%dma_start3A_1472 : memref<16x128xf32, #tpu.memory_space<hbm>>) target(%dma_start3A_1470 : memref<16x128xf32, #tpu.memory_space<vmem>>) target_semaphore(%arg18 : memref<!tpu.dma_semaphore, #tpu.memory_space<semaphore_mem>>)
        %slice3A_1473 = vector.extract_strided_slice %and3A_1417 {offsets = [10], sizes = [1], strides = [1]} : vector<16xi32> to vector<1xi32>
        %squeeze3A_1474 = vector.extract %slice3A_1473[0] : i32 from vector<1xi32>
        %multiple_of3A_1475 = tpu.assume_multiple %squeeze3A_1474, 128 : i32
        %slice3A_1476 = vector.extract_strided_slice %and3A_1420 {offsets = [10], sizes = [1], strides = [1]} : vector<16xi32> to vector<1xi32>
        %squeeze3A_1477 = vector.extract %slice3A_1476[0] : i32 from vector<1xi32>
        %multiple_of3A_1478 = tpu.assume_multiple %squeeze3A_1477, 128 : i32
        %dma_start3A_1479 = arith.constant 160 : i32
        %dma_start3A_1480 = arith.constant 0 : i32
        %dma_start3A_1481 = tpu.memref_slice %arg11[%dma_start3A_1479, %dma_start3A_1480] : memref<256x128xf32, #tpu.memory_space<vmem>> -> memref<16x128xf32, #tpu.memory_space<vmem>>
        %dma_start3A_1482 = arith.constant 0 : i32
        %dma_start3A_1483 = tpu.memref_slice %arg4[%dma_start3A_1482, %multiple_of3A_1475] : memref<32x1000000xf32, #tpu.memory_space<hbm>> -> memref<16x128xf32, #tpu.memory_space<hbm>>
        %dma_start3A_1484 = arith.constant 160 : i32
        %dma_start3A_1485 = arith.constant 0 : i32
        %dma_start3A_1486 = tpu.memref_slice %arg11[%dma_start3A_1484, %dma_start3A_1485] : memref<256x128xf32, #tpu.memory_space<vmem>> -> memref<16x128xf32, #tpu.memory_space<vmem>>
        %dma_start3A_1487 = arith.constant 0 : i32
        %dma_start3A_1488 = tpu.memref_slice %arg4[%dma_start3A_1487, %multiple_of3A_1475] : memref<32x1000000xf32, #tpu.memory_space<hbm>> -> memref<16x128xf32, #tpu.memory_space<hbm>>
        tpu.enqueue_dma source(%dma_start3A_1488 : memref<16x128xf32, #tpu.memory_space<hbm>>) target(%dma_start3A_1486 : memref<16x128xf32, #tpu.memory_space<vmem>>) target_semaphore(%arg18 : memref<!tpu.dma_semaphore, #tpu.memory_space<semaphore_mem>>)
        %dma_start3A_1489 = arith.constant 160 : i32
        %dma_start3A_1490 = arith.constant 0 : i32
        %dma_start3A_1491 = tpu.memref_slice %arg12[%dma_start3A_1489, %dma_start3A_1490] : memref<256x128xf32, #tpu.memory_space<vmem>> -> memref<16x128xf32, #tpu.memory_space<vmem>>
        %dma_start3A_1492 = arith.constant 0 : i32
        %dma_start3A_1493 = tpu.memref_slice %arg5[%dma_start3A_1492, %multiple_of3A_1478] : memref<32x1000000xf32, #tpu.memory_space<hbm>> -> memref<16x128xf32, #tpu.memory_space<hbm>>
        %dma_start3A_1494 = arith.constant 160 : i32
        %dma_start3A_1495 = arith.constant 0 : i32
        %dma_start3A_1496 = tpu.memref_slice %arg12[%dma_start3A_1494, %dma_start3A_1495] : memref<256x128xf32, #tpu.memory_space<vmem>> -> memref<16x128xf32, #tpu.memory_space<vmem>>
        %dma_start3A_1497 = arith.constant 0 : i32
        %dma_start3A_1498 = tpu.memref_slice %arg5[%dma_start3A_1497, %multiple_of3A_1478] : memref<32x1000000xf32, #tpu.memory_space<hbm>> -> memref<16x128xf32, #tpu.memory_space<hbm>>
        tpu.enqueue_dma source(%dma_start3A_1498 : memref<16x128xf32, #tpu.memory_space<hbm>>) target(%dma_start3A_1496 : memref<16x128xf32, #tpu.memory_space<vmem>>) target_semaphore(%arg18 : memref<!tpu.dma_semaphore, #tpu.memory_space<semaphore_mem>>)
        %slice3A_1499 = vector.extract_strided_slice %and3A_1417 {offsets = [11], sizes = [1], strides = [1]} : vector<16xi32> to vector<1xi32>
        %squeeze3A_1500 = vector.extract %slice3A_1499[0] : i32 from vector<1xi32>
        %multiple_of3A_1501 = tpu.assume_multiple %squeeze3A_1500, 128 : i32
        %slice3A_1502 = vector.extract_strided_slice %and3A_1420 {offsets = [11], sizes = [1], strides = [1]} : vector<16xi32> to vector<1xi32>
        %squeeze3A_1503 = vector.extract %slice3A_1502[0] : i32 from vector<1xi32>
        %multiple_of3A_1504 = tpu.assume_multiple %squeeze3A_1503, 128 : i32
        %dma_start3A_1505 = arith.constant 176 : i32
        %dma_start3A_1506 = arith.constant 0 : i32
        %dma_start3A_1507 = tpu.memref_slice %arg11[%dma_start3A_1505, %dma_start3A_1506] : memref<256x128xf32, #tpu.memory_space<vmem>> -> memref<16x128xf32, #tpu.memory_space<vmem>>
        %dma_start3A_1508 = arith.constant 0 : i32
        %dma_start3A_1509 = tpu.memref_slice %arg4[%dma_start3A_1508, %multiple_of3A_1501] : memref<32x1000000xf32, #tpu.memory_space<hbm>> -> memref<16x128xf32, #tpu.memory_space<hbm>>
        %dma_start3A_1510 = arith.constant 176 : i32
        %dma_start3A_1511 = arith.constant 0 : i32
        %dma_start3A_1512 = tpu.memref_slice %arg11[%dma_start3A_1510, %dma_start3A_1511] : memref<256x128xf32, #tpu.memory_space<vmem>> -> memref<16x128xf32, #tpu.memory_space<vmem>>
        %dma_start3A_1513 = arith.constant 0 : i32
        %dma_start3A_1514 = tpu.memref_slice %arg4[%dma_start3A_1513, %multiple_of3A_1501] : memref<32x1000000xf32, #tpu.memory_space<hbm>> -> memref<16x128xf32, #tpu.memory_space<hbm>>
        tpu.enqueue_dma source(%dma_start3A_1514 : memref<16x128xf32, #tpu.memory_space<hbm>>) target(%dma_start3A_1512 : memref<16x128xf32, #tpu.memory_space<vmem>>) target_semaphore(%arg18 : memref<!tpu.dma_semaphore, #tpu.memory_space<semaphore_mem>>)
        %dma_start3A_1515 = arith.constant 176 : i32
        %dma_start3A_1516 = arith.constant 0 : i32
        %dma_start3A_1517 = tpu.memref_slice %arg12[%dma_start3A_1515, %dma_start3A_1516] : memref<256x128xf32, #tpu.memory_space<vmem>> -> memref<16x128xf32, #tpu.memory_space<vmem>>
        %dma_start3A_1518 = arith.constant 0 : i32
        %dma_start3A_1519 = tpu.memref_slice %arg5[%dma_start3A_1518, %multiple_of3A_1504] : memref<32x1000000xf32, #tpu.memory_space<hbm>> -> memref<16x128xf32, #tpu.memory_space<hbm>>
        %dma_start3A_1520 = arith.constant 176 : i32
        %dma_start3A_1521 = arith.constant 0 : i32
        %dma_start3A_1522 = tpu.memref_slice %arg12[%dma_start3A_1520, %dma_start3A_1521] : memref<256x128xf32, #tpu.memory_space<vmem>> -> memref<16x128xf32, #tpu.memory_space<vmem>>
        %dma_start3A_1523 = arith.constant 0 : i32
        %dma_start3A_1524 = tpu.memref_slice %arg5[%dma_start3A_1523, %multiple_of3A_1504] : memref<32x1000000xf32, #tpu.memory_space<hbm>> -> memref<16x128xf32, #tpu.memory_space<hbm>>
        tpu.enqueue_dma source(%dma_start3A_1524 : memref<16x128xf32, #tpu.memory_space<hbm>>) target(%dma_start3A_1522 : memref<16x128xf32, #tpu.memory_space<vmem>>) target_semaphore(%arg18 : memref<!tpu.dma_semaphore, #tpu.memory_space<semaphore_mem>>)
        %slice3A_1525 = vector.extract_strided_slice %and3A_1417 {offsets = [12], sizes = [1], strides = [1]} : vector<16xi32> to vector<1xi32>
        %squeeze3A_1526 = vector.extract %slice3A_1525[0] : i32 from vector<1xi32>
        %multiple_of3A_1527 = tpu.assume_multiple %squeeze3A_1526, 128 : i32
        %slice3A_1528 = vector.extract_strided_slice %and3A_1420 {offsets = [12], sizes = [1], strides = [1]} : vector<16xi32> to vector<1xi32>
        %squeeze3A_1529 = vector.extract %slice3A_1528[0] : i32 from vector<1xi32>
        %multiple_of3A_1530 = tpu.assume_multiple %squeeze3A_1529, 128 : i32
        %dma_start3A_1531 = arith.constant 192 : i32
        %dma_start3A_1532 = arith.constant 0 : i32
        %dma_start3A_1533 = tpu.memref_slice %arg11[%dma_start3A_1531, %dma_start3A_1532] : memref<256x128xf32, #tpu.memory_space<vmem>> -> memref<16x128xf32, #tpu.memory_space<vmem>>
        %dma_start3A_1534 = arith.constant 0 : i32
        %dma_start3A_1535 = tpu.memref_slice %arg4[%dma_start3A_1534, %multiple_of3A_1527] : memref<32x1000000xf32, #tpu.memory_space<hbm>> -> memref<16x128xf32, #tpu.memory_space<hbm>>
        %dma_start3A_1536 = arith.constant 192 : i32
        %dma_start3A_1537 = arith.constant 0 : i32
        %dma_start3A_1538 = tpu.memref_slice %arg11[%dma_start3A_1536, %dma_start3A_1537] : memref<256x128xf32, #tpu.memory_space<vmem>> -> memref<16x128xf32, #tpu.memory_space<vmem>>
        %dma_start3A_1539 = arith.constant 0 : i32
        %dma_start3A_1540 = tpu.memref_slice %arg4[%dma_start3A_1539, %multiple_of3A_1527] : memref<32x1000000xf32, #tpu.memory_space<hbm>> -> memref<16x128xf32, #tpu.memory_space<hbm>>
        tpu.enqueue_dma source(%dma_start3A_1540 : memref<16x128xf32, #tpu.memory_space<hbm>>) target(%dma_start3A_1538 : memref<16x128xf32, #tpu.memory_space<vmem>>) target_semaphore(%arg18 : memref<!tpu.dma_semaphore, #tpu.memory_space<semaphore_mem>>)
        %dma_start3A_1541 = arith.constant 192 : i32
        %dma_start3A_1542 = arith.constant 0 : i32
        %dma_start3A_1543 = tpu.memref_slice %arg12[%dma_start3A_1541, %dma_start3A_1542] : memref<256x128xf32, #tpu.memory_space<vmem>> -> memref<16x128xf32, #tpu.memory_space<vmem>>
        %dma_start3A_1544 = arith.constant 0 : i32
        %dma_start3A_1545 = tpu.memref_slice %arg5[%dma_start3A_1544, %multiple_of3A_1530] : memref<32x1000000xf32, #tpu.memory_space<hbm>> -> memref<16x128xf32, #tpu.memory_space<hbm>>
        %dma_start3A_1546 = arith.constant 192 : i32
        %dma_start3A_1547 = arith.constant 0 : i32
        %dma_start3A_1548 = tpu.memref_slice %arg12[%dma_start3A_1546, %dma_start3A_1547] : memref<256x128xf32, #tpu.memory_space<vmem>> -> memref<16x128xf32, #tpu.memory_space<vmem>>
        %dma_start3A_1549 = arith.constant 0 : i32
        %dma_start3A_1550 = tpu.memref_slice %arg5[%dma_start3A_1549, %multiple_of3A_1530] : memref<32x1000000xf32, #tpu.memory_space<hbm>> -> memref<16x128xf32, #tpu.memory_space<hbm>>
        tpu.enqueue_dma source(%dma_start3A_1550 : memref<16x128xf32, #tpu.memory_space<hbm>>) target(%dma_start3A_1548 : memref<16x128xf32, #tpu.memory_space<vmem>>) target_semaphore(%arg18 : memref<!tpu.dma_semaphore, #tpu.memory_space<semaphore_mem>>)
        %slice3A_1551 = vector.extract_strided_slice %and3A_1417 {offsets = [13], sizes = [1], strides = [1]} : vector<16xi32> to vector<1xi32>
        %squeeze3A_1552 = vector.extract %slice3A_1551[0] : i32 from vector<1xi32>
        %multiple_of3A_1553 = tpu.assume_multiple %squeeze3A_1552, 128 : i32
        %slice3A_1554 = vector.extract_strided_slice %and3A_1420 {offsets = [13], sizes = [1], strides = [1]} : vector<16xi32> to vector<1xi32>
        %squeeze3A_1555 = vector.extract %slice3A_1554[0] : i32 from vector<1xi32>
        %multiple_of3A_1556 = tpu.assume_multiple %squeeze3A_1555, 128 : i32
        %dma_start3A_1557 = arith.constant 208 : i32
        %dma_start3A_1558 = arith.constant 0 : i32
        %dma_start3A_1559 = tpu.memref_slice %arg11[%dma_start3A_1557, %dma_start3A_1558] : memref<256x128xf32, #tpu.memory_space<vmem>> -> memref<16x128xf32, #tpu.memory_space<vmem>>
        %dma_start3A_1560 = arith.constant 0 : i32
        %dma_start3A_1561 = tpu.memref_slice %arg4[%dma_start3A_1560, %multiple_of3A_1553] : memref<32x1000000xf32, #tpu.memory_space<hbm>> -> memref<16x128xf32, #tpu.memory_space<hbm>>
        %dma_start3A_1562 = arith.constant 208 : i32
        %dma_start3A_1563 = arith.constant 0 : i32
        %dma_start3A_1564 = tpu.memref_slice %arg11[%dma_start3A_1562, %dma_start3A_1563] : memref<256x128xf32, #tpu.memory_space<vmem>> -> memref<16x128xf32, #tpu.memory_space<vmem>>
        %dma_start3A_1565 = arith.constant 0 : i32
        %dma_start3A_1566 = tpu.memref_slice %arg4[%dma_start3A_1565, %multiple_of3A_1553] : memref<32x1000000xf32, #tpu.memory_space<hbm>> -> memref<16x128xf32, #tpu.memory_space<hbm>>
        tpu.enqueue_dma source(%dma_start3A_1566 : memref<16x128xf32, #tpu.memory_space<hbm>>) target(%dma_start3A_1564 : memref<16x128xf32, #tpu.memory_space<vmem>>) target_semaphore(%arg18 : memref<!tpu.dma_semaphore, #tpu.memory_space<semaphore_mem>>)
        %dma_start3A_1567 = arith.constant 208 : i32
        %dma_start3A_1568 = arith.constant 0 : i32
        %dma_start3A_1569 = tpu.memref_slice %arg12[%dma_start3A_1567, %dma_start3A_1568] : memref<256x128xf32, #tpu.memory_space<vmem>> -> memref<16x128xf32, #tpu.memory_space<vmem>>
        %dma_start3A_1570 = arith.constant 0 : i32
        %dma_start3A_1571 = tpu.memref_slice %arg5[%dma_start3A_1570, %multiple_of3A_1556] : memref<32x1000000xf32, #tpu.memory_space<hbm>> -> memref<16x128xf32, #tpu.memory_space<hbm>>
        %dma_start3A_1572 = arith.constant 208 : i32
        %dma_start3A_1573 = arith.constant 0 : i32
        %dma_start3A_1574 = tpu.memref_slice %arg12[%dma_start3A_1572, %dma_start3A_1573] : memref<256x128xf32, #tpu.memory_space<vmem>> -> memref<16x128xf32, #tpu.memory_space<vmem>>
        %dma_start3A_1575 = arith.constant 0 : i32
        %dma_start3A_1576 = tpu.memref_slice %arg5[%dma_start3A_1575, %multiple_of3A_1556] : memref<32x1000000xf32, #tpu.memory_space<hbm>> -> memref<16x128xf32, #tpu.memory_space<hbm>>
        tpu.enqueue_dma source(%dma_start3A_1576 : memref<16x128xf32, #tpu.memory_space<hbm>>) target(%dma_start3A_1574 : memref<16x128xf32, #tpu.memory_space<vmem>>) target_semaphore(%arg18 : memref<!tpu.dma_semaphore, #tpu.memory_space<semaphore_mem>>)
        %slice3A_1577 = vector.extract_strided_slice %and3A_1417 {offsets = [14], sizes = [1], strides = [1]} : vector<16xi32> to vector<1xi32>
        %squeeze3A_1578 = vector.extract %slice3A_1577[0] : i32 from vector<1xi32>
        %multiple_of3A_1579 = tpu.assume_multiple %squeeze3A_1578, 128 : i32
        %slice3A_1580 = vector.extract_strided_slice %and3A_1420 {offsets = [14], sizes = [1], strides = [1]} : vector<16xi32> to vector<1xi32>
        %squeeze3A_1581 = vector.extract %slice3A_1580[0] : i32 from vector<1xi32>
        %multiple_of3A_1582 = tpu.assume_multiple %squeeze3A_1581, 128 : i32
        %dma_start3A_1583 = arith.constant 224 : i32
        %dma_start3A_1584 = arith.constant 0 : i32
        %dma_start3A_1585 = tpu.memref_slice %arg11[%dma_start3A_1583, %dma_start3A_1584] : memref<256x128xf32, #tpu.memory_space<vmem>> -> memref<16x128xf32, #tpu.memory_space<vmem>>
        %dma_start3A_1586 = arith.constant 0 : i32
        %dma_start3A_1587 = tpu.memref_slice %arg4[%dma_start3A_1586, %multiple_of3A_1579] : memref<32x1000000xf32, #tpu.memory_space<hbm>> -> memref<16x128xf32, #tpu.memory_space<hbm>>
        %dma_start3A_1588 = arith.constant 224 : i32
        %dma_start3A_1589 = arith.constant 0 : i32
        %dma_start3A_1590 = tpu.memref_slice %arg11[%dma_start3A_1588, %dma_start3A_1589] : memref<256x128xf32, #tpu.memory_space<vmem>> -> memref<16x128xf32, #tpu.memory_space<vmem>>
        %dma_start3A_1591 = arith.constant 0 : i32
        %dma_start3A_1592 = tpu.memref_slice %arg4[%dma_start3A_1591, %multiple_of3A_1579] : memref<32x1000000xf32, #tpu.memory_space<hbm>> -> memref<16x128xf32, #tpu.memory_space<hbm>>
        tpu.enqueue_dma source(%dma_start3A_1592 : memref<16x128xf32, #tpu.memory_space<hbm>>) target(%dma_start3A_1590 : memref<16x128xf32, #tpu.memory_space<vmem>>) target_semaphore(%arg18 : memref<!tpu.dma_semaphore, #tpu.memory_space<semaphore_mem>>)
        %dma_start3A_1593 = arith.constant 224 : i32
        %dma_start3A_1594 = arith.constant 0 : i32
        %dma_start3A_1595 = tpu.memref_slice %arg12[%dma_start3A_1593, %dma_start3A_1594] : memref<256x128xf32, #tpu.memory_space<vmem>> -> memref<16x128xf32, #tpu.memory_space<vmem>>
        %dma_start3A_1596 = arith.constant 0 : i32
        %dma_start3A_1597 = tpu.memref_slice %arg5[%dma_start3A_1596, %multiple_of3A_1582] : memref<32x1000000xf32, #tpu.memory_space<hbm>> -> memref<16x128xf32, #tpu.memory_space<hbm>>
        %dma_start3A_1598 = arith.constant 224 : i32
        %dma_start3A_1599 = arith.constant 0 : i32
        %dma_start3A_1600 = tpu.memref_slice %arg12[%dma_start3A_1598, %dma_start3A_1599] : memref<256x128xf32, #tpu.memory_space<vmem>> -> memref<16x128xf32, #tpu.memory_space<vmem>>
        %dma_start3A_1601 = arith.constant 0 : i32
        %dma_start3A_1602 = tpu.memref_slice %arg5[%dma_start3A_1601, %multiple_of3A_1582] : memref<32x1000000xf32, #tpu.memory_space<hbm>> -> memref<16x128xf32, #tpu.memory_space<hbm>>
        tpu.enqueue_dma source(%dma_start3A_1602 : memref<16x128xf32, #tpu.memory_space<hbm>>) target(%dma_start3A_1600 : memref<16x128xf32, #tpu.memory_space<vmem>>) target_semaphore(%arg18 : memref<!tpu.dma_semaphore, #tpu.memory_space<semaphore_mem>>)
        %slice3A_1603 = vector.extract_strided_slice %and3A_1417 {offsets = [15], sizes = [1], strides = [1]} : vector<16xi32> to vector<1xi32>
        %squeeze3A_1604 = vector.extract %slice3A_1603[0] : i32 from vector<1xi32>
        %multiple_of3A_1605 = tpu.assume_multiple %squeeze3A_1604, 128 : i32
        %slice3A_1606 = vector.extract_strided_slice %and3A_1420 {offsets = [15], sizes = [1], strides = [1]} : vector<16xi32> to vector<1xi32>
        %squeeze3A_1607 = vector.extract %slice3A_1606[0] : i32 from vector<1xi32>
        %multiple_of3A_1608 = tpu.assume_multiple %squeeze3A_1607, 128 : i32
        %dma_start3A_1609 = arith.constant 240 : i32
        %dma_start3A_1610 = arith.constant 0 : i32
        %dma_start3A_1611 = tpu.memref_slice %arg11[%dma_start3A_1609, %dma_start3A_1610] : memref<256x128xf32, #tpu.memory_space<vmem>> -> memref<16x128xf32, #tpu.memory_space<vmem>>
        %dma_start3A_1612 = arith.constant 0 : i32
        %dma_start3A_1613 = tpu.memref_slice %arg4[%dma_start3A_1612, %multiple_of3A_1605] : memref<32x1000000xf32, #tpu.memory_space<hbm>> -> memref<16x128xf32, #tpu.memory_space<hbm>>
        %dma_start3A_1614 = arith.constant 240 : i32
        %dma_start3A_1615 = arith.constant 0 : i32
        %dma_start3A_1616 = tpu.memref_slice %arg11[%dma_start3A_1614, %dma_start3A_1615] : memref<256x128xf32, #tpu.memory_space<vmem>> -> memref<16x128xf32, #tpu.memory_space<vmem>>
        %dma_start3A_1617 = arith.constant 0 : i32
        %dma_start3A_1618 = tpu.memref_slice %arg4[%dma_start3A_1617, %multiple_of3A_1605] : memref<32x1000000xf32, #tpu.memory_space<hbm>> -> memref<16x128xf32, #tpu.memory_space<hbm>>
        tpu.enqueue_dma source(%dma_start3A_1618 : memref<16x128xf32, #tpu.memory_space<hbm>>) target(%dma_start3A_1616 : memref<16x128xf32, #tpu.memory_space<vmem>>) target_semaphore(%arg18 : memref<!tpu.dma_semaphore, #tpu.memory_space<semaphore_mem>>)
        %dma_start3A_1619 = arith.constant 240 : i32
        %dma_start3A_1620 = arith.constant 0 : i32
        %dma_start3A_1621 = tpu.memref_slice %arg12[%dma_start3A_1619, %dma_start3A_1620] : memref<256x128xf32, #tpu.memory_space<vmem>> -> memref<16x128xf32, #tpu.memory_space<vmem>>
        %dma_start3A_1622 = arith.constant 0 : i32
        %dma_start3A_1623 = tpu.memref_slice %arg5[%dma_start3A_1622, %multiple_of3A_1608] : memref<32x1000000xf32, #tpu.memory_space<hbm>> -> memref<16x128xf32, #tpu.memory_space<hbm>>
        %dma_start3A_1624 = arith.constant 240 : i32
        %dma_start3A_1625 = arith.constant 0 : i32
        %dma_start3A_1626 = tpu.memref_slice %arg12[%dma_start3A_1624, %dma_start3A_1625] : memref<256x128xf32, #tpu.memory_space<vmem>> -> memref<16x128xf32, #tpu.memory_space<vmem>>
        %dma_start3A_1627 = arith.constant 0 : i32
        %dma_start3A_1628 = tpu.memref_slice %arg5[%dma_start3A_1627, %multiple_of3A_1608] : memref<32x1000000xf32, #tpu.memory_space<hbm>> -> memref<16x128xf32, #tpu.memory_space<hbm>>
        tpu.enqueue_dma source(%dma_start3A_1628 : memref<16x128xf32, #tpu.memory_space<hbm>>) target(%dma_start3A_1626 : memref<16x128xf32, #tpu.memory_space<vmem>>) target_semaphore(%arg18 : memref<!tpu.dma_semaphore, #tpu.memory_space<semaphore_mem>>)
      } else {
      }
      %lt3A_1395 = arith.constant 8 : i32
      %lt3A_1396 = vector.broadcast %lt3A_1395 : i32 to vector<16xi32>
      %lt3A_1397 = arith.cmpi slt, %iota3A, %lt3A_1396 : vector<16xi32>
      %select_n3A = arith.select %lt3A_1397, %add3A_1164, %add3A_1389 : vector<16xi1>, vector<16xf32>
      %get3A_1398 = arith.index_cast %multiple_of3A_934 : i32 to index
      %get3A_1399 = tpu.vector_load %arg14[%get3A_1398] {strides = array<i32>} : memref<512xf32, #tpu.memory_space<vmem>>, vector<16xf32>,
      %add3A_1400 = arith.addf %select_n3A, %get3A_1399 : vector<16xf32>
      %get3A_1401 = arith.index_cast %multiple_of3A_934 : i32 to index
      %get3A_1402 = tpu.vector_load %arg15[%get3A_1401] {strides = array<i32>} : memref<512xf32, #tpu.memory_space<vmem>>, vector<16xf32>,
      %add3A_1403 = arith.addf %add3A_1400, %get3A_1402 : vector<16xf32>
      %swap3A_1404 = arith.index_cast %multiple_of3A_934 : i32 to index
      %swap3A_1405 = tpu.vector_load %arg16[%swap3A_1404] {strides = array<i32>} : memref<512xf32, #tpu.memory_space<vmem>>, vector<16xf32>,
      tpu.vector_store %arg16[%swap3A_1404], %add3A_1403 {strides = array<i32>} : memref<512xf32, #tpu.memory_space<vmem>>, vector<16xf32>,
    }
    %scan3A_492 = arith.constant 32 : i32
    %get3A_493 = arith.constant 0 : index
    %get3A_494 = tpu.vector_load %arg9[%get3A_493] {strides = array<i32>} : memref<512xi32, #tpu.memory_space<vmem>>, vector<16xi32>,
    %get3A_495 = arith.constant 0 : index
    %get3A_496 = tpu.vector_load %arg10[%get3A_495] {strides = array<i32>} : memref<512xi32, #tpu.memory_space<vmem>>, vector<16xi32>,
    %and3A_497 = arith.constant -128 : i32
    %and3A_498 = vector.broadcast %and3A_497 : i32 to vector<16xi32>
    %and3A_499 = arith.andi %get3A_494, %and3A_498 : vector<16xi32>
    %and3A_500 = arith.constant -128 : i32
    %and3A_501 = vector.broadcast %and3A_500 : i32 to vector<16xi32>
    %and3A_502 = arith.andi %get3A_496, %and3A_501 : vector<16xi32>
    %slice3A_503 = vector.extract_strided_slice %and3A_499 {offsets = [0], sizes = [1], strides = [1]} : vector<16xi32> to vector<1xi32>
    %squeeze3A_504 = vector.extract %slice3A_503[0] : i32 from vector<1xi32>
    %multiple_of3A_505 = tpu.assume_multiple %squeeze3A_504, 128 : i32
    %slice3A_506 = vector.extract_strided_slice %and3A_502 {offsets = [0], sizes = [1], strides = [1]} : vector<16xi32> to vector<1xi32>
    %squeeze3A_507 = vector.extract %slice3A_506[0] : i32 from vector<1xi32>
    %multiple_of3A_508 = tpu.assume_multiple %squeeze3A_507, 128 : i32
    %dma_start3A_509 = arith.constant 0 : i32
    %dma_start3A_510 = arith.constant 0 : i32
    %dma_start3A_511 = tpu.memref_slice %arg11[%dma_start3A_509, %dma_start3A_510] : memref<256x128xf32, #tpu.memory_space<vmem>> -> memref<16x128xf32, #tpu.memory_space<vmem>>
    %dma_start3A_512 = arith.constant 16 : i32
    %dma_start3A_513 = tpu.memref_slice %arg4[%dma_start3A_512, %multiple_of3A_505] : memref<32x1000000xf32, #tpu.memory_space<hbm>> -> memref<16x128xf32, #tpu.memory_space<hbm>>
    %dma_start3A_514 = arith.constant 0 : i32
    %dma_start3A_515 = arith.constant 0 : i32
    %dma_start3A_516 = tpu.memref_slice %arg11[%dma_start3A_514, %dma_start3A_515] : memref<256x128xf32, #tpu.memory_space<vmem>> -> memref<16x128xf32, #tpu.memory_space<vmem>>
    %dma_start3A_517 = arith.constant 16 : i32
    %dma_start3A_518 = tpu.memref_slice %arg4[%dma_start3A_517, %multiple_of3A_505] : memref<32x1000000xf32, #tpu.memory_space<hbm>> -> memref<16x128xf32, #tpu.memory_space<hbm>>
    tpu.enqueue_dma source(%dma_start3A_518 : memref<16x128xf32, #tpu.memory_space<hbm>>) target(%dma_start3A_516 : memref<16x128xf32, #tpu.memory_space<vmem>>) target_semaphore(%arg17 : memref<!tpu.dma_semaphore, #tpu.memory_space<semaphore_mem>>)
    %dma_start3A_519 = arith.constant 0 : i32
    %dma_start3A_520 = arith.constant 0 : i32
    %dma_start3A_521 = tpu.memref_slice %arg12[%dma_start3A_519, %dma_start3A_520] : memref<256x128xf32, #tpu.memory_space<vmem>> -> memref<16x128xf32, #tpu.memory_space<vmem>>
    %dma_start3A_522 = arith.constant 16 : i32
    %dma_start3A_523 = tpu.memref_slice %arg5[%dma_start3A_522, %multiple_of3A_508] : memref<32x1000000xf32, #tpu.memory_space<hbm>> -> memref<16x128xf32, #tpu.memory_space<hbm>>
    %dma_start3A_524 = arith.constant 0 : i32
    %dma_start3A_525 = arith.constant 0 : i32
    %dma_start3A_526 = tpu.memref_slice %arg12[%dma_start3A_524, %dma_start3A_525] : memref<256x128xf32, #tpu.memory_space<vmem>> -> memref<16x128xf32, #tpu.memory_space<vmem>>
    %dma_start3A_527 = arith.constant 16 : i32
    %dma_start3A_528 = tpu.memref_slice %arg5[%dma_start3A_527, %multiple_of3A_508] : memref<32x1000000xf32, #tpu.memory_space<hbm>> -> memref<16x128xf32, #tpu.memory_space<hbm>>
    tpu.enqueue_dma source(%dma_start3A_528 : memref<16x128xf32, #tpu.memory_space<hbm>>) target(%dma_start3A_526 : memref<16x128xf32, #tpu.memory_space<vmem>>) target_semaphore(%arg17 : memref<!tpu.dma_semaphore, #tpu.memory_space<semaphore_mem>>)
    %slice3A_529 = vector.extract_strided_slice %and3A_499 {offsets = [1], sizes = [1], strides = [1]} : vector<16xi32> to vector<1xi32>
    %squeeze3A_530 = vector.extract %slice3A_529[0] : i32 from vector<1xi32>
    %multiple_of3A_531 = tpu.assume_multiple %squeeze3A_530, 128 : i32
    %slice3A_532 = vector.extract_strided_slice %and3A_502 {offsets = [1], sizes = [1], strides = [1]} : vector<16xi32> to vector<1xi32>
    %squeeze3A_533 = vector.extract %slice3A_532[0] : i32 from vector<1xi32>
    %multiple_of3A_534 = tpu.assume_multiple %squeeze3A_533, 128 : i32
    %dma_start3A_535 = arith.constant 16 : i32
    %dma_start3A_536 = arith.constant 0 : i32
    %dma_start3A_537 = tpu.memref_slice %arg11[%dma_start3A_535, %dma_start3A_536] : memref<256x128xf32, #tpu.memory_space<vmem>> -> memref<16x128xf32, #tpu.memory_space<vmem>>
    %dma_start3A_538 = arith.constant 16 : i32
    %dma_start3A_539 = tpu.memref_slice %arg4[%dma_start3A_538, %multiple_of3A_531] : memref<32x1000000xf32, #tpu.memory_space<hbm>> -> memref<16x128xf32, #tpu.memory_space<hbm>>
    %dma_start3A_540 = arith.constant 16 : i32
    %dma_start3A_541 = arith.constant 0 : i32
    %dma_start3A_542 = tpu.memref_slice %arg11[%dma_start3A_540, %dma_start3A_541] : memref<256x128xf32, #tpu.memory_space<vmem>> -> memref<16x128xf32, #tpu.memory_space<vmem>>
    %dma_start3A_543 = arith.constant 16 : i32
    %dma_start3A_544 = tpu.memref_slice %arg4[%dma_start3A_543, %multiple_of3A_531] : memref<32x1000000xf32, #tpu.memory_space<hbm>> -> memref<16x128xf32, #tpu.memory_space<hbm>>
    tpu.enqueue_dma source(%dma_start3A_544 : memref<16x128xf32, #tpu.memory_space<hbm>>) target(%dma_start3A_542 : memref<16x128xf32, #tpu.memory_space<vmem>>) target_semaphore(%arg17 : memref<!tpu.dma_semaphore, #tpu.memory_space<semaphore_mem>>)
    %dma_start3A_545 = arith.constant 16 : i32
    %dma_start3A_546 = arith.constant 0 : i32
    %dma_start3A_547 = tpu.memref_slice %arg12[%dma_start3A_545, %dma_start3A_546] : memref<256x128xf32, #tpu.memory_space<vmem>> -> memref<16x128xf32, #tpu.memory_space<vmem>>
    %dma_start3A_548 = arith.constant 16 : i32
    %dma_start3A_549 = tpu.memref_slice %arg5[%dma_start3A_548, %multiple_of3A_534] : memref<32x1000000xf32, #tpu.memory_space<hbm>> -> memref<16x128xf32, #tpu.memory_space<hbm>>
    %dma_start3A_550 = arith.constant 16 : i32
    %dma_start3A_551 = arith.constant 0 : i32
    %dma_start3A_552 = tpu.memref_slice %arg12[%dma_start3A_550, %dma_start3A_551] : memref<256x128xf32, #tpu.memory_space<vmem>> -> memref<16x128xf32, #tpu.memory_space<vmem>>
    %dma_start3A_553 = arith.constant 16 : i32
    %dma_start3A_554 = tpu.memref_slice %arg5[%dma_start3A_553, %multiple_of3A_534] : memref<32x1000000xf32, #tpu.memory_space<hbm>> -> memref<16x128xf32, #tpu.memory_space<hbm>>
    tpu.enqueue_dma source(%dma_start3A_554 : memref<16x128xf32, #tpu.memory_space<hbm>>) target(%dma_start3A_552 : memref<16x128xf32, #tpu.memory_space<vmem>>) target_semaphore(%arg17 : memref<!tpu.dma_semaphore, #tpu.memory_space<semaphore_mem>>)
    %slice3A_555 = vector.extract_strided_slice %and3A_499 {offsets = [2], sizes = [1], strides = [1]} : vector<16xi32> to vector<1xi32>
    %squeeze3A_556 = vector.extract %slice3A_555[0] : i32 from vector<1xi32>
    %multiple_of3A_557 = tpu.assume_multiple %squeeze3A_556, 128 : i32
    %slice3A_558 = vector.extract_strided_slice %and3A_502 {offsets = [2], sizes = [1], strides = [1]} : vector<16xi32> to vector<1xi32>
    %squeeze3A_559 = vector.extract %slice3A_558[0] : i32 from vector<1xi32>
    %multiple_of3A_560 = tpu.assume_multiple %squeeze3A_559, 128 : i32
    %dma_start3A_561 = arith.constant 32 : i32
    %dma_start3A_562 = arith.constant 0 : i32
    %dma_start3A_563 = tpu.memref_slice %arg11[%dma_start3A_561, %dma_start3A_562] : memref<256x128xf32, #tpu.memory_space<vmem>> -> memref<16x128xf32, #tpu.memory_space<vmem>>
    %dma_start3A_564 = arith.constant 16 : i32
    %dma_start3A_565 = tpu.memref_slice %arg4[%dma_start3A_564, %multiple_of3A_557] : memref<32x1000000xf32, #tpu.memory_space<hbm>> -> memref<16x128xf32, #tpu.memory_space<hbm>>
    %dma_start3A_566 = arith.constant 32 : i32
    %dma_start3A_567 = arith.constant 0 : i32
    %dma_start3A_568 = tpu.memref_slice %arg11[%dma_start3A_566, %dma_start3A_567] : memref<256x128xf32, #tpu.memory_space<vmem>> -> memref<16x128xf32, #tpu.memory_space<vmem>>
    %dma_start3A_569 = arith.constant 16 : i32
    %dma_start3A_570 = tpu.memref_slice %arg4[%dma_start3A_569, %multiple_of3A_557] : memref<32x1000000xf32, #tpu.memory_space<hbm>> -> memref<16x128xf32, #tpu.memory_space<hbm>>
    tpu.enqueue_dma source(%dma_start3A_570 : memref<16x128xf32, #tpu.memory_space<hbm>>) target(%dma_start3A_568 : memref<16x128xf32, #tpu.memory_space<vmem>>) target_semaphore(%arg17 : memref<!tpu.dma_semaphore, #tpu.memory_space<semaphore_mem>>)
    %dma_start3A_571 = arith.constant 32 : i32
    %dma_start3A_572 = arith.constant 0 : i32
    %dma_start3A_573 = tpu.memref_slice %arg12[%dma_start3A_571, %dma_start3A_572] : memref<256x128xf32, #tpu.memory_space<vmem>> -> memref<16x128xf32, #tpu.memory_space<vmem>>
    %dma_start3A_574 = arith.constant 16 : i32
    %dma_start3A_575 = tpu.memref_slice %arg5[%dma_start3A_574, %multiple_of3A_560] : memref<32x1000000xf32, #tpu.memory_space<hbm>> -> memref<16x128xf32, #tpu.memory_space<hbm>>
    %dma_start3A_576 = arith.constant 32 : i32
    %dma_start3A_577 = arith.constant 0 : i32
    %dma_start3A_578 = tpu.memref_slice %arg12[%dma_start3A_576, %dma_start3A_577] : memref<256x128xf32, #tpu.memory_space<vmem>> -> memref<16x128xf32, #tpu.memory_space<vmem>>
    %dma_start3A_579 = arith.constant 16 : i32
    %dma_start3A_580 = tpu.memref_slice %arg5[%dma_start3A_579, %multiple_of3A_560] : memref<32x1000000xf32, #tpu.memory_space<hbm>> -> memref<16x128xf32, #tpu.memory_space<hbm>>
    tpu.enqueue_dma source(%dma_start3A_580 : memref<16x128xf32, #tpu.memory_space<hbm>>) target(%dma_start3A_578 : memref<16x128xf32, #tpu.memory_space<vmem>>) target_semaphore(%arg17 : memref<!tpu.dma_semaphore, #tpu.memory_space<semaphore_mem>>)
    %slice3A_581 = vector.extract_strided_slice %and3A_499 {offsets = [3], sizes = [1], strides = [1]} : vector<16xi32> to vector<1xi32>
    %squeeze3A_582 = vector.extract %slice3A_581[0] : i32 from vector<1xi32>
    %multiple_of3A_583 = tpu.assume_multiple %squeeze3A_582, 128 : i32
    %slice3A_584 = vector.extract_strided_slice %and3A_502 {offsets = [3], sizes = [1], strides = [1]} : vector<16xi32> to vector<1xi32>
    %squeeze3A_585 = vector.extract %slice3A_584[0] : i32 from vector<1xi32>
    %multiple_of3A_586 = tpu.assume_multiple %squeeze3A_585, 128 : i32
    %dma_start3A_587 = arith.constant 48 : i32
    %dma_start3A_588 = arith.constant 0 : i32
    %dma_start3A_589 = tpu.memref_slice %arg11[%dma_start3A_587, %dma_start3A_588] : memref<256x128xf32, #tpu.memory_space<vmem>> -> memref<16x128xf32, #tpu.memory_space<vmem>>
    %dma_start3A_590 = arith.constant 16 : i32
    %dma_start3A_591 = tpu.memref_slice %arg4[%dma_start3A_590, %multiple_of3A_583] : memref<32x1000000xf32, #tpu.memory_space<hbm>> -> memref<16x128xf32, #tpu.memory_space<hbm>>
    %dma_start3A_592 = arith.constant 48 : i32
    %dma_start3A_593 = arith.constant 0 : i32
    %dma_start3A_594 = tpu.memref_slice %arg11[%dma_start3A_592, %dma_start3A_593] : memref<256x128xf32, #tpu.memory_space<vmem>> -> memref<16x128xf32, #tpu.memory_space<vmem>>
    %dma_start3A_595 = arith.constant 16 : i32
    %dma_start3A_596 = tpu.memref_slice %arg4[%dma_start3A_595, %multiple_of3A_583] : memref<32x1000000xf32, #tpu.memory_space<hbm>> -> memref<16x128xf32, #tpu.memory_space<hbm>>
    tpu.enqueue_dma source(%dma_start3A_596 : memref<16x128xf32, #tpu.memory_space<hbm>>) target(%dma_start3A_594 : memref<16x128xf32, #tpu.memory_space<vmem>>) target_semaphore(%arg17 : memref<!tpu.dma_semaphore, #tpu.memory_space<semaphore_mem>>)
    %dma_start3A_597 = arith.constant 48 : i32
    %dma_start3A_598 = arith.constant 0 : i32
    %dma_start3A_599 = tpu.memref_slice %arg12[%dma_start3A_597, %dma_start3A_598] : memref<256x128xf32, #tpu.memory_space<vmem>> -> memref<16x128xf32, #tpu.memory_space<vmem>>
    %dma_start3A_600 = arith.constant 16 : i32
    %dma_start3A_601 = tpu.memref_slice %arg5[%dma_start3A_600, %multiple_of3A_586] : memref<32x1000000xf32, #tpu.memory_space<hbm>> -> memref<16x128xf32, #tpu.memory_space<hbm>>
    %dma_start3A_602 = arith.constant 48 : i32
    %dma_start3A_603 = arith.constant 0 : i32
    %dma_start3A_604 = tpu.memref_slice %arg12[%dma_start3A_602, %dma_start3A_603] : memref<256x128xf32, #tpu.memory_space<vmem>> -> memref<16x128xf32, #tpu.memory_space<vmem>>
    %dma_start3A_605 = arith.constant 16 : i32
    %dma_start3A_606 = tpu.memref_slice %arg5[%dma_start3A_605, %multiple_of3A_586] : memref<32x1000000xf32, #tpu.memory_space<hbm>> -> memref<16x128xf32, #tpu.memory_space<hbm>>
    tpu.enqueue_dma source(%dma_start3A_606 : memref<16x128xf32, #tpu.memory_space<hbm>>) target(%dma_start3A_604 : memref<16x128xf32, #tpu.memory_space<vmem>>) target_semaphore(%arg17 : memref<!tpu.dma_semaphore, #tpu.memory_space<semaphore_mem>>)
    %slice3A_607 = vector.extract_strided_slice %and3A_499 {offsets = [4], sizes = [1], strides = [1]} : vector<16xi32> to vector<1xi32>
    %squeeze3A_608 = vector.extract %slice3A_607[0] : i32 from vector<1xi32>
    %multiple_of3A_609 = tpu.assume_multiple %squeeze3A_608, 128 : i32
    %slice3A_610 = vector.extract_strided_slice %and3A_502 {offsets = [4], sizes = [1], strides = [1]} : vector<16xi32> to vector<1xi32>
    %squeeze3A_611 = vector.extract %slice3A_610[0] : i32 from vector<1xi32>
    %multiple_of3A_612 = tpu.assume_multiple %squeeze3A_611, 128 : i32
    %dma_start3A_613 = arith.constant 64 : i32
    %dma_start3A_614 = arith.constant 0 : i32
    %dma_start3A_615 = tpu.memref_slice %arg11[%dma_start3A_613, %dma_start3A_614] : memref<256x128xf32, #tpu.memory_space<vmem>> -> memref<16x128xf32, #tpu.memory_space<vmem>>
    %dma_start3A_616 = arith.constant 16 : i32
    %dma_start3A_617 = tpu.memref_slice %arg4[%dma_start3A_616, %multiple_of3A_609] : memref<32x1000000xf32, #tpu.memory_space<hbm>> -> memref<16x128xf32, #tpu.memory_space<hbm>>
    %dma_start3A_618 = arith.constant 64 : i32
    %dma_start3A_619 = arith.constant 0 : i32
    %dma_start3A_620 = tpu.memref_slice %arg11[%dma_start3A_618, %dma_start3A_619] : memref<256x128xf32, #tpu.memory_space<vmem>> -> memref<16x128xf32, #tpu.memory_space<vmem>>
    %dma_start3A_621 = arith.constant 16 : i32
    %dma_start3A_622 = tpu.memref_slice %arg4[%dma_start3A_621, %multiple_of3A_609] : memref<32x1000000xf32, #tpu.memory_space<hbm>> -> memref<16x128xf32, #tpu.memory_space<hbm>>
    tpu.enqueue_dma source(%dma_start3A_622 : memref<16x128xf32, #tpu.memory_space<hbm>>) target(%dma_start3A_620 : memref<16x128xf32, #tpu.memory_space<vmem>>) target_semaphore(%arg17 : memref<!tpu.dma_semaphore, #tpu.memory_space<semaphore_mem>>)
    %dma_start3A_623 = arith.constant 64 : i32
    %dma_start3A_624 = arith.constant 0 : i32
    %dma_start3A_625 = tpu.memref_slice %arg12[%dma_start3A_623, %dma_start3A_624] : memref<256x128xf32, #tpu.memory_space<vmem>> -> memref<16x128xf32, #tpu.memory_space<vmem>>
    %dma_start3A_626 = arith.constant 16 : i32
    %dma_start3A_627 = tpu.memref_slice %arg5[%dma_start3A_626, %multiple_of3A_612] : memref<32x1000000xf32, #tpu.memory_space<hbm>> -> memref<16x128xf32, #tpu.memory_space<hbm>>
    %dma_start3A_628 = arith.constant 64 : i32
    %dma_start3A_629 = arith.constant 0 : i32
    %dma_start3A_630 = tpu.memref_slice %arg12[%dma_start3A_628, %dma_start3A_629] : memref<256x128xf32, #tpu.memory_space<vmem>> -> memref<16x128xf32, #tpu.memory_space<vmem>>
    %dma_start3A_631 = arith.constant 16 : i32
    %dma_start3A_632 = tpu.memref_slice %arg5[%dma_start3A_631, %multiple_of3A_612] : memref<32x1000000xf32, #tpu.memory_space<hbm>> -> memref<16x128xf32, #tpu.memory_space<hbm>>
    tpu.enqueue_dma source(%dma_start3A_632 : memref<16x128xf32, #tpu.memory_space<hbm>>) target(%dma_start3A_630 : memref<16x128xf32, #tpu.memory_space<vmem>>) target_semaphore(%arg17 : memref<!tpu.dma_semaphore, #tpu.memory_space<semaphore_mem>>)
    %slice3A_633 = vector.extract_strided_slice %and3A_499 {offsets = [5], sizes = [1], strides = [1]} : vector<16xi32> to vector<1xi32>
    %squeeze3A_634 = vector.extract %slice3A_633[0] : i32 from vector<1xi32>
    %multiple_of3A_635 = tpu.assume_multiple %squeeze3A_634, 128 : i32
    %slice3A_636 = vector.extract_strided_slice %and3A_502 {offsets = [5], sizes = [1], strides = [1]} : vector<16xi32> to vector<1xi32>
    %squeeze3A_637 = vector.extract %slice3A_636[0] : i32 from vector<1xi32>
    %multiple_of3A_638 = tpu.assume_multiple %squeeze3A_637, 128 : i32
    %dma_start3A_639 = arith.constant 80 : i32
    %dma_start3A_640 = arith.constant 0 : i32
    %dma_start3A_641 = tpu.memref_slice %arg11[%dma_start3A_639, %dma_start3A_640] : memref<256x128xf32, #tpu.memory_space<vmem>> -> memref<16x128xf32, #tpu.memory_space<vmem>>
    %dma_start3A_642 = arith.constant 16 : i32
    %dma_start3A_643 = tpu.memref_slice %arg4[%dma_start3A_642, %multiple_of3A_635] : memref<32x1000000xf32, #tpu.memory_space<hbm>> -> memref<16x128xf32, #tpu.memory_space<hbm>>
    %dma_start3A_644 = arith.constant 80 : i32
    %dma_start3A_645 = arith.constant 0 : i32
    %dma_start3A_646 = tpu.memref_slice %arg11[%dma_start3A_644, %dma_start3A_645] : memref<256x128xf32, #tpu.memory_space<vmem>> -> memref<16x128xf32, #tpu.memory_space<vmem>>
    %dma_start3A_647 = arith.constant 16 : i32
    %dma_start3A_648 = tpu.memref_slice %arg4[%dma_start3A_647, %multiple_of3A_635] : memref<32x1000000xf32, #tpu.memory_space<hbm>> -> memref<16x128xf32, #tpu.memory_space<hbm>>
    tpu.enqueue_dma source(%dma_start3A_648 : memref<16x128xf32, #tpu.memory_space<hbm>>) target(%dma_start3A_646 : memref<16x128xf32, #tpu.memory_space<vmem>>) target_semaphore(%arg17 : memref<!tpu.dma_semaphore, #tpu.memory_space<semaphore_mem>>)
    %dma_start3A_649 = arith.constant 80 : i32
    %dma_start3A_650 = arith.constant 0 : i32
    %dma_start3A_651 = tpu.memref_slice %arg12[%dma_start3A_649, %dma_start3A_650] : memref<256x128xf32, #tpu.memory_space<vmem>> -> memref<16x128xf32, #tpu.memory_space<vmem>>
    %dma_start3A_652 = arith.constant 16 : i32
    %dma_start3A_653 = tpu.memref_slice %arg5[%dma_start3A_652, %multiple_of3A_638] : memref<32x1000000xf32, #tpu.memory_space<hbm>> -> memref<16x128xf32, #tpu.memory_space<hbm>>
    %dma_start3A_654 = arith.constant 80 : i32
    %dma_start3A_655 = arith.constant 0 : i32
    %dma_start3A_656 = tpu.memref_slice %arg12[%dma_start3A_654, %dma_start3A_655] : memref<256x128xf32, #tpu.memory_space<vmem>> -> memref<16x128xf32, #tpu.memory_space<vmem>>
    %dma_start3A_657 = arith.constant 16 : i32
    %dma_start3A_658 = tpu.memref_slice %arg5[%dma_start3A_657, %multiple_of3A_638] : memref<32x1000000xf32, #tpu.memory_space<hbm>> -> memref<16x128xf32, #tpu.memory_space<hbm>>
    tpu.enqueue_dma source(%dma_start3A_658 : memref<16x128xf32, #tpu.memory_space<hbm>>) target(%dma_start3A_656 : memref<16x128xf32, #tpu.memory_space<vmem>>) target_semaphore(%arg17 : memref<!tpu.dma_semaphore, #tpu.memory_space<semaphore_mem>>)
    %slice3A_659 = vector.extract_strided_slice %and3A_499 {offsets = [6], sizes = [1], strides = [1]} : vector<16xi32> to vector<1xi32>
    %squeeze3A_660 = vector.extract %slice3A_659[0] : i32 from vector<1xi32>
    %multiple_of3A_661 = tpu.assume_multiple %squeeze3A_660, 128 : i32
    %slice3A_662 = vector.extract_strided_slice %and3A_502 {offsets = [6], sizes = [1], strides = [1]} : vector<16xi32> to vector<1xi32>
    %squeeze3A_663 = vector.extract %slice3A_662[0] : i32 from vector<1xi32>
    %multiple_of3A_664 = tpu.assume_multiple %squeeze3A_663, 128 : i32
    %dma_start3A_665 = arith.constant 96 : i32
    %dma_start3A_666 = arith.constant 0 : i32
    %dma_start3A_667 = tpu.memref_slice %arg11[%dma_start3A_665, %dma_start3A_666] : memref<256x128xf32, #tpu.memory_space<vmem>> -> memref<16x128xf32, #tpu.memory_space<vmem>>
    %dma_start3A_668 = arith.constant 16 : i32
    %dma_start3A_669 = tpu.memref_slice %arg4[%dma_start3A_668, %multiple_of3A_661] : memref<32x1000000xf32, #tpu.memory_space<hbm>> -> memref<16x128xf32, #tpu.memory_space<hbm>>
    %dma_start3A_670 = arith.constant 96 : i32
    %dma_start3A_671 = arith.constant 0 : i32
    %dma_start3A_672 = tpu.memref_slice %arg11[%dma_start3A_670, %dma_start3A_671] : memref<256x128xf32, #tpu.memory_space<vmem>> -> memref<16x128xf32, #tpu.memory_space<vmem>>
    %dma_start3A_673 = arith.constant 16 : i32
    %dma_start3A_674 = tpu.memref_slice %arg4[%dma_start3A_673, %multiple_of3A_661] : memref<32x1000000xf32, #tpu.memory_space<hbm>> -> memref<16x128xf32, #tpu.memory_space<hbm>>
    tpu.enqueue_dma source(%dma_start3A_674 : memref<16x128xf32, #tpu.memory_space<hbm>>) target(%dma_start3A_672 : memref<16x128xf32, #tpu.memory_space<vmem>>) target_semaphore(%arg17 : memref<!tpu.dma_semaphore, #tpu.memory_space<semaphore_mem>>)
    %dma_start3A_675 = arith.constant 96 : i32
    %dma_start3A_676 = arith.constant 0 : i32
    %dma_start3A_677 = tpu.memref_slice %arg12[%dma_start3A_675, %dma_start3A_676] : memref<256x128xf32, #tpu.memory_space<vmem>> -> memref<16x128xf32, #tpu.memory_space<vmem>>
    %dma_start3A_678 = arith.constant 16 : i32
    %dma_start3A_679 = tpu.memref_slice %arg5[%dma_start3A_678, %multiple_of3A_664] : memref<32x1000000xf32, #tpu.memory_space<hbm>> -> memref<16x128xf32, #tpu.memory_space<hbm>>
    %dma_start3A_680 = arith.constant 96 : i32
    %dma_start3A_681 = arith.constant 0 : i32
    %dma_start3A_682 = tpu.memref_slice %arg12[%dma_start3A_680, %dma_start3A_681] : memref<256x128xf32, #tpu.memory_space<vmem>> -> memref<16x128xf32, #tpu.memory_space<vmem>>
    %dma_start3A_683 = arith.constant 16 : i32
    %dma_start3A_684 = tpu.memref_slice %arg5[%dma_start3A_683, %multiple_of3A_664] : memref<32x1000000xf32, #tpu.memory_space<hbm>> -> memref<16x128xf32, #tpu.memory_space<hbm>>
    tpu.enqueue_dma source(%dma_start3A_684 : memref<16x128xf32, #tpu.memory_space<hbm>>) target(%dma_start3A_682 : memref<16x128xf32, #tpu.memory_space<vmem>>) target_semaphore(%arg17 : memref<!tpu.dma_semaphore, #tpu.memory_space<semaphore_mem>>)
    %slice3A_685 = vector.extract_strided_slice %and3A_499 {offsets = [7], sizes = [1], strides = [1]} : vector<16xi32> to vector<1xi32>
    %squeeze3A_686 = vector.extract %slice3A_685[0] : i32 from vector<1xi32>
    %multiple_of3A_687 = tpu.assume_multiple %squeeze3A_686, 128 : i32
    %slice3A_688 = vector.extract_strided_slice %and3A_502 {offsets = [7], sizes = [1], strides = [1]} : vector<16xi32> to vector<1xi32>
    %squeeze3A_689 = vector.extract %slice3A_688[0] : i32 from vector<1xi32>
    %multiple_of3A_690 = tpu.assume_multiple %squeeze3A_689, 128 : i32
    %dma_start3A_691 = arith.constant 112 : i32
    %dma_start3A_692 = arith.constant 0 : i32
    %dma_start3A_693 = tpu.memref_slice %arg11[%dma_start3A_691, %dma_start3A_692] : memref<256x128xf32, #tpu.memory_space<vmem>> -> memref<16x128xf32, #tpu.memory_space<vmem>>
    %dma_start3A_694 = arith.constant 16 : i32
    %dma_start3A_695 = tpu.memref_slice %arg4[%dma_start3A_694, %multiple_of3A_687] : memref<32x1000000xf32, #tpu.memory_space<hbm>> -> memref<16x128xf32, #tpu.memory_space<hbm>>
    %dma_start3A_696 = arith.constant 112 : i32
    %dma_start3A_697 = arith.constant 0 : i32
    %dma_start3A_698 = tpu.memref_slice %arg11[%dma_start3A_696, %dma_start3A_697] : memref<256x128xf32, #tpu.memory_space<vmem>> -> memref<16x128xf32, #tpu.memory_space<vmem>>
    %dma_start3A_699 = arith.constant 16 : i32
    %dma_start3A_700 = tpu.memref_slice %arg4[%dma_start3A_699, %multiple_of3A_687] : memref<32x1000000xf32, #tpu.memory_space<hbm>> -> memref<16x128xf32, #tpu.memory_space<hbm>>
    tpu.enqueue_dma source(%dma_start3A_700 : memref<16x128xf32, #tpu.memory_space<hbm>>) target(%dma_start3A_698 : memref<16x128xf32, #tpu.memory_space<vmem>>) target_semaphore(%arg17 : memref<!tpu.dma_semaphore, #tpu.memory_space<semaphore_mem>>)
    %dma_start3A_701 = arith.constant 112 : i32
    %dma_start3A_702 = arith.constant 0 : i32
    %dma_start3A_703 = tpu.memref_slice %arg12[%dma_start3A_701, %dma_start3A_702] : memref<256x128xf32, #tpu.memory_space<vmem>> -> memref<16x128xf32, #tpu.memory_space<vmem>>
    %dma_start3A_704 = arith.constant 16 : i32
    %dma_start3A_705 = tpu.memref_slice %arg5[%dma_start3A_704, %multiple_of3A_690] : memref<32x1000000xf32, #tpu.memory_space<hbm>> -> memref<16x128xf32, #tpu.memory_space<hbm>>
    %dma_start3A_706 = arith.constant 112 : i32
    %dma_start3A_707 = arith.constant 0 : i32
    %dma_start3A_708 = tpu.memref_slice %arg12[%dma_start3A_706, %dma_start3A_707] : memref<256x128xf32, #tpu.memory_space<vmem>> -> memref<16x128xf32, #tpu.memory_space<vmem>>
    %dma_start3A_709 = arith.constant 16 : i32
    %dma_start3A_710 = tpu.memref_slice %arg5[%dma_start3A_709, %multiple_of3A_690] : memref<32x1000000xf32, #tpu.memory_space<hbm>> -> memref<16x128xf32, #tpu.memory_space<hbm>>
    tpu.enqueue_dma source(%dma_start3A_710 : memref<16x128xf32, #tpu.memory_space<hbm>>) target(%dma_start3A_708 : memref<16x128xf32, #tpu.memory_space<vmem>>) target_semaphore(%arg17 : memref<!tpu.dma_semaphore, #tpu.memory_space<semaphore_mem>>)
    %and3A_711 = arith.constant -128 : i32
    %and3A_712 = vector.broadcast %and3A_711 : i32 to vector<16xi32>
    %and3A_713 = arith.andi %get3A_494, %and3A_712 : vector<16xi32>
    %and3A_714 = arith.constant -128 : i32
    %and3A_715 = vector.broadcast %and3A_714 : i32 to vector<16xi32>
    %and3A_716 = arith.andi %get3A_496, %and3A_715 : vector<16xi32>
    %slice3A_717 = vector.extract_strided_slice %and3A_713 {offsets = [8], sizes = [1], strides = [1]} : vector<16xi32> to vector<1xi32>
    %squeeze3A_718 = vector.extract %slice3A_717[0] : i32 from vector<1xi32>
    %multiple_of3A_719 = tpu.assume_multiple %squeeze3A_718, 128 : i32
    %slice3A_720 = vector.extract_strided_slice %and3A_716 {offsets = [8], sizes = [1], strides = [1]} : vector<16xi32> to vector<1xi32>
    %squeeze3A_721 = vector.extract %slice3A_720[0] : i32 from vector<1xi32>
    %multiple_of3A_722 = tpu.assume_multiple %squeeze3A_721, 128 : i32
    %dma_start3A_723 = arith.constant 128 : i32
    %dma_start3A_724 = arith.constant 0 : i32
    %dma_start3A_725 = tpu.memref_slice %arg11[%dma_start3A_723, %dma_start3A_724] : memref<256x128xf32, #tpu.memory_space<vmem>> -> memref<16x128xf32, #tpu.memory_space<vmem>>
    %dma_start3A_726 = arith.constant 16 : i32
    %dma_start3A_727 = tpu.memref_slice %arg4[%dma_start3A_726, %multiple_of3A_719] : memref<32x1000000xf32, #tpu.memory_space<hbm>> -> memref<16x128xf32, #tpu.memory_space<hbm>>
    %dma_start3A_728 = arith.constant 128 : i32
    %dma_start3A_729 = arith.constant 0 : i32
    %dma_start3A_730 = tpu.memref_slice %arg11[%dma_start3A_728, %dma_start3A_729] : memref<256x128xf32, #tpu.memory_space<vmem>> -> memref<16x128xf32, #tpu.memory_space<vmem>>
    %dma_start3A_731 = arith.constant 16 : i32
    %dma_start3A_732 = tpu.memref_slice %arg4[%dma_start3A_731, %multiple_of3A_719] : memref<32x1000000xf32, #tpu.memory_space<hbm>> -> memref<16x128xf32, #tpu.memory_space<hbm>>
    tpu.enqueue_dma source(%dma_start3A_732 : memref<16x128xf32, #tpu.memory_space<hbm>>) target(%dma_start3A_730 : memref<16x128xf32, #tpu.memory_space<vmem>>) target_semaphore(%arg18 : memref<!tpu.dma_semaphore, #tpu.memory_space<semaphore_mem>>)
    %dma_start3A_733 = arith.constant 128 : i32
    %dma_start3A_734 = arith.constant 0 : i32
    %dma_start3A_735 = tpu.memref_slice %arg12[%dma_start3A_733, %dma_start3A_734] : memref<256x128xf32, #tpu.memory_space<vmem>> -> memref<16x128xf32, #tpu.memory_space<vmem>>
    %dma_start3A_736 = arith.constant 16 : i32
    %dma_start3A_737 = tpu.memref_slice %arg5[%dma_start3A_736, %multiple_of3A_722] : memref<32x1000000xf32, #tpu.memory_space<hbm>> -> memref<16x128xf32, #tpu.memory_space<hbm>>
    %dma_start3A_738 = arith.constant 128 : i32
    %dma_start3A_739 = arith.constant 0 : i32
    %dma_start3A_740 = tpu.memref_slice %arg12[%dma_start3A_738, %dma_start3A_739] : memref<256x128xf32, #tpu.memory_space<vmem>> -> memref<16x128xf32, #tpu.memory_space<vmem>>
    %dma_start3A_741 = arith.constant 16 : i32
    %dma_start3A_742 = tpu.memref_slice %arg5[%dma_start3A_741, %multiple_of3A_722] : memref<32x1000000xf32, #tpu.memory_space<hbm>> -> memref<16x128xf32, #tpu.memory_space<hbm>>
    tpu.enqueue_dma source(%dma_start3A_742 : memref<16x128xf32, #tpu.memory_space<hbm>>) target(%dma_start3A_740 : memref<16x128xf32, #tpu.memory_space<vmem>>) target_semaphore(%arg18 : memref<!tpu.dma_semaphore, #tpu.memory_space<semaphore_mem>>)
    %slice3A_743 = vector.extract_strided_slice %and3A_713 {offsets = [9], sizes = [1], strides = [1]} : vector<16xi32> to vector<1xi32>
    %squeeze3A_744 = vector.extract %slice3A_743[0] : i32 from vector<1xi32>
    %multiple_of3A_745 = tpu.assume_multiple %squeeze3A_744, 128 : i32
    %slice3A_746 = vector.extract_strided_slice %and3A_716 {offsets = [9], sizes = [1], strides = [1]} : vector<16xi32> to vector<1xi32>
    %squeeze3A_747 = vector.extract %slice3A_746[0] : i32 from vector<1xi32>
    %multiple_of3A_748 = tpu.assume_multiple %squeeze3A_747, 128 : i32
    %dma_start3A_749 = arith.constant 144 : i32
    %dma_start3A_750 = arith.constant 0 : i32
    %dma_start3A_751 = tpu.memref_slice %arg11[%dma_start3A_749, %dma_start3A_750] : memref<256x128xf32, #tpu.memory_space<vmem>> -> memref<16x128xf32, #tpu.memory_space<vmem>>
    %dma_start3A_752 = arith.constant 16 : i32
    %dma_start3A_753 = tpu.memref_slice %arg4[%dma_start3A_752, %multiple_of3A_745] : memref<32x1000000xf32, #tpu.memory_space<hbm>> -> memref<16x128xf32, #tpu.memory_space<hbm>>
    %dma_start3A_754 = arith.constant 144 : i32
    %dma_start3A_755 = arith.constant 0 : i32
    %dma_start3A_756 = tpu.memref_slice %arg11[%dma_start3A_754, %dma_start3A_755] : memref<256x128xf32, #tpu.memory_space<vmem>> -> memref<16x128xf32, #tpu.memory_space<vmem>>
    %dma_start3A_757 = arith.constant 16 : i32
    %dma_start3A_758 = tpu.memref_slice %arg4[%dma_start3A_757, %multiple_of3A_745] : memref<32x1000000xf32, #tpu.memory_space<hbm>> -> memref<16x128xf32, #tpu.memory_space<hbm>>
    tpu.enqueue_dma source(%dma_start3A_758 : memref<16x128xf32, #tpu.memory_space<hbm>>) target(%dma_start3A_756 : memref<16x128xf32, #tpu.memory_space<vmem>>) target_semaphore(%arg18 : memref<!tpu.dma_semaphore, #tpu.memory_space<semaphore_mem>>)
    %dma_start3A_759 = arith.constant 144 : i32
    %dma_start3A_760 = arith.constant 0 : i32
    %dma_start3A_761 = tpu.memref_slice %arg12[%dma_start3A_759, %dma_start3A_760] : memref<256x128xf32, #tpu.memory_space<vmem>> -> memref<16x128xf32, #tpu.memory_space<vmem>>
    %dma_start3A_762 = arith.constant 16 : i32
    %dma_start3A_763 = tpu.memref_slice %arg5[%dma_start3A_762, %multiple_of3A_748] : memref<32x1000000xf32, #tpu.memory_space<hbm>> -> memref<16x128xf32, #tpu.memory_space<hbm>>
    %dma_start3A_764 = arith.constant 144 : i32
    %dma_start3A_765 = arith.constant 0 : i32
    %dma_start3A_766 = tpu.memref_slice %arg12[%dma_start3A_764, %dma_start3A_765] : memref<256x128xf32, #tpu.memory_space<vmem>> -> memref<16x128xf32, #tpu.memory_space<vmem>>
    %dma_start3A_767 = arith.constant 16 : i32
    %dma_start3A_768 = tpu.memref_slice %arg5[%dma_start3A_767, %multiple_of3A_748] : memref<32x1000000xf32, #tpu.memory_space<hbm>> -> memref<16x128xf32, #tpu.memory_space<hbm>>
    tpu.enqueue_dma source(%dma_start3A_768 : memref<16x128xf32, #tpu.memory_space<hbm>>) target(%dma_start3A_766 : memref<16x128xf32, #tpu.memory_space<vmem>>) target_semaphore(%arg18 : memref<!tpu.dma_semaphore, #tpu.memory_space<semaphore_mem>>)
    %slice3A_769 = vector.extract_strided_slice %and3A_713 {offsets = [10], sizes = [1], strides = [1]} : vector<16xi32> to vector<1xi32>
    %squeeze3A_770 = vector.extract %slice3A_769[0] : i32 from vector<1xi32>
    %multiple_of3A_771 = tpu.assume_multiple %squeeze3A_770, 128 : i32
    %slice3A_772 = vector.extract_strided_slice %and3A_716 {offsets = [10], sizes = [1], strides = [1]} : vector<16xi32> to vector<1xi32>
    %squeeze3A_773 = vector.extract %slice3A_772[0] : i32 from vector<1xi32>
    %multiple_of3A_774 = tpu.assume_multiple %squeeze3A_773, 128 : i32
    %dma_start3A_775 = arith.constant 160 : i32
    %dma_start3A_776 = arith.constant 0 : i32
    %dma_start3A_777 = tpu.memref_slice %arg11[%dma_start3A_775, %dma_start3A_776] : memref<256x128xf32, #tpu.memory_space<vmem>> -> memref<16x128xf32, #tpu.memory_space<vmem>>
    %dma_start3A_778 = arith.constant 16 : i32
    %dma_start3A_779 = tpu.memref_slice %arg4[%dma_start3A_778, %multiple_of3A_771] : memref<32x1000000xf32, #tpu.memory_space<hbm>> -> memref<16x128xf32, #tpu.memory_space<hbm>>
    %dma_start3A_780 = arith.constant 160 : i32
    %dma_start3A_781 = arith.constant 0 : i32
    %dma_start3A_782 = tpu.memref_slice %arg11[%dma_start3A_780, %dma_start3A_781] : memref<256x128xf32, #tpu.memory_space<vmem>> -> memref<16x128xf32, #tpu.memory_space<vmem>>
    %dma_start3A_783 = arith.constant 16 : i32
    %dma_start3A_784 = tpu.memref_slice %arg4[%dma_start3A_783, %multiple_of3A_771] : memref<32x1000000xf32, #tpu.memory_space<hbm>> -> memref<16x128xf32, #tpu.memory_space<hbm>>
    tpu.enqueue_dma source(%dma_start3A_784 : memref<16x128xf32, #tpu.memory_space<hbm>>) target(%dma_start3A_782 : memref<16x128xf32, #tpu.memory_space<vmem>>) target_semaphore(%arg18 : memref<!tpu.dma_semaphore, #tpu.memory_space<semaphore_mem>>)
    %dma_start3A_785 = arith.constant 160 : i32
    %dma_start3A_786 = arith.constant 0 : i32
    %dma_start3A_787 = tpu.memref_slice %arg12[%dma_start3A_785, %dma_start3A_786] : memref<256x128xf32, #tpu.memory_space<vmem>> -> memref<16x128xf32, #tpu.memory_space<vmem>>
    %dma_start3A_788 = arith.constant 16 : i32
    %dma_start3A_789 = tpu.memref_slice %arg5[%dma_start3A_788, %multiple_of3A_774] : memref<32x1000000xf32, #tpu.memory_space<hbm>> -> memref<16x128xf32, #tpu.memory_space<hbm>>
    %dma_start3A_790 = arith.constant 160 : i32
    %dma_start3A_791 = arith.constant 0 : i32
    %dma_start3A_792 = tpu.memref_slice %arg12[%dma_start3A_790, %dma_start3A_791] : memref<256x128xf32, #tpu.memory_space<vmem>> -> memref<16x128xf32, #tpu.memory_space<vmem>>
    %dma_start3A_793 = arith.constant 16 : i32
    %dma_start3A_794 = tpu.memref_slice %arg5[%dma_start3A_793, %multiple_of3A_774] : memref<32x1000000xf32, #tpu.memory_space<hbm>> -> memref<16x128xf32, #tpu.memory_space<hbm>>
    tpu.enqueue_dma source(%dma_start3A_794 : memref<16x128xf32, #tpu.memory_space<hbm>>) target(%dma_start3A_792 : memref<16x128xf32, #tpu.memory_space<vmem>>) target_semaphore(%arg18 : memref<!tpu.dma_semaphore, #tpu.memory_space<semaphore_mem>>)
    %slice3A_795 = vector.extract_strided_slice %and3A_713 {offsets = [11], sizes = [1], strides = [1]} : vector<16xi32> to vector<1xi32>
    %squeeze3A_796 = vector.extract %slice3A_795[0] : i32 from vector<1xi32>
    %multiple_of3A_797 = tpu.assume_multiple %squeeze3A_796, 128 : i32
    %slice3A_798 = vector.extract_strided_slice %and3A_716 {offsets = [11], sizes = [1], strides = [1]} : vector<16xi32> to vector<1xi32>
    %squeeze3A_799 = vector.extract %slice3A_798[0] : i32 from vector<1xi32>
    %multiple_of3A_800 = tpu.assume_multiple %squeeze3A_799, 128 : i32
    %dma_start3A_801 = arith.constant 176 : i32
    %dma_start3A_802 = arith.constant 0 : i32
    %dma_start3A_803 = tpu.memref_slice %arg11[%dma_start3A_801, %dma_start3A_802] : memref<256x128xf32, #tpu.memory_space<vmem>> -> memref<16x128xf32, #tpu.memory_space<vmem>>
    %dma_start3A_804 = arith.constant 16 : i32
    %dma_start3A_805 = tpu.memref_slice %arg4[%dma_start3A_804, %multiple_of3A_797] : memref<32x1000000xf32, #tpu.memory_space<hbm>> -> memref<16x128xf32, #tpu.memory_space<hbm>>
    %dma_start3A_806 = arith.constant 176 : i32
    %dma_start3A_807 = arith.constant 0 : i32
    %dma_start3A_808 = tpu.memref_slice %arg11[%dma_start3A_806, %dma_start3A_807] : memref<256x128xf32, #tpu.memory_space<vmem>> -> memref<16x128xf32, #tpu.memory_space<vmem>>
    %dma_start3A_809 = arith.constant 16 : i32
    %dma_start3A_810 = tpu.memref_slice %arg4[%dma_start3A_809, %multiple_of3A_797] : memref<32x1000000xf32, #tpu.memory_space<hbm>> -> memref<16x128xf32, #tpu.memory_space<hbm>>
    tpu.enqueue_dma source(%dma_start3A_810 : memref<16x128xf32, #tpu.memory_space<hbm>>) target(%dma_start3A_808 : memref<16x128xf32, #tpu.memory_space<vmem>>) target_semaphore(%arg18 : memref<!tpu.dma_semaphore, #tpu.memory_space<semaphore_mem>>)
    %dma_start3A_811 = arith.constant 176 : i32
    %dma_start3A_812 = arith.constant 0 : i32
    %dma_start3A_813 = tpu.memref_slice %arg12[%dma_start3A_811, %dma_start3A_812] : memref<256x128xf32, #tpu.memory_space<vmem>> -> memref<16x128xf32, #tpu.memory_space<vmem>>
    %dma_start3A_814 = arith.constant 16 : i32
    %dma_start3A_815 = tpu.memref_slice %arg5[%dma_start3A_814, %multiple_of3A_800] : memref<32x1000000xf32, #tpu.memory_space<hbm>> -> memref<16x128xf32, #tpu.memory_space<hbm>>
    %dma_start3A_816 = arith.constant 176 : i32
    %dma_start3A_817 = arith.constant 0 : i32
    %dma_start3A_818 = tpu.memref_slice %arg12[%dma_start3A_816, %dma_start3A_817] : memref<256x128xf32, #tpu.memory_space<vmem>> -> memref<16x128xf32, #tpu.memory_space<vmem>>
    %dma_start3A_819 = arith.constant 16 : i32
    %dma_start3A_820 = tpu.memref_slice %arg5[%dma_start3A_819, %multiple_of3A_800] : memref<32x1000000xf32, #tpu.memory_space<hbm>> -> memref<16x128xf32, #tpu.memory_space<hbm>>
    tpu.enqueue_dma source(%dma_start3A_820 : memref<16x128xf32, #tpu.memory_space<hbm>>) target(%dma_start3A_818 : memref<16x128xf32, #tpu.memory_space<vmem>>) target_semaphore(%arg18 : memref<!tpu.dma_semaphore, #tpu.memory_space<semaphore_mem>>)
    %slice3A_821 = vector.extract_strided_slice %and3A_713 {offsets = [12], sizes = [1], strides = [1]} : vector<16xi32> to vector<1xi32>
    %squeeze3A_822 = vector.extract %slice3A_821[0] : i32 from vector<1xi32>
    %multiple_of3A_823 = tpu.assume_multiple %squeeze3A_822, 128 : i32
    %slice3A_824 = vector.extract_strided_slice %and3A_716 {offsets = [12], sizes = [1], strides = [1]} : vector<16xi32> to vector<1xi32>
    %squeeze3A_825 = vector.extract %slice3A_824[0] : i32 from vector<1xi32>
    %multiple_of3A_826 = tpu.assume_multiple %squeeze3A_825, 128 : i32
    %dma_start3A_827 = arith.constant 192 : i32
    %dma_start3A_828 = arith.constant 0 : i32
    %dma_start3A_829 = tpu.memref_slice %arg11[%dma_start3A_827, %dma_start3A_828] : memref<256x128xf32, #tpu.memory_space<vmem>> -> memref<16x128xf32, #tpu.memory_space<vmem>>
    %dma_start3A_830 = arith.constant 16 : i32
    %dma_start3A_831 = tpu.memref_slice %arg4[%dma_start3A_830, %multiple_of3A_823] : memref<32x1000000xf32, #tpu.memory_space<hbm>> -> memref<16x128xf32, #tpu.memory_space<hbm>>
    %dma_start3A_832 = arith.constant 192 : i32
    %dma_start3A_833 = arith.constant 0 : i32
    %dma_start3A_834 = tpu.memref_slice %arg11[%dma_start3A_832, %dma_start3A_833] : memref<256x128xf32, #tpu.memory_space<vmem>> -> memref<16x128xf32, #tpu.memory_space<vmem>>
    %dma_start3A_835 = arith.constant 16 : i32
    %dma_start3A_836 = tpu.memref_slice %arg4[%dma_start3A_835, %multiple_of3A_823] : memref<32x1000000xf32, #tpu.memory_space<hbm>> -> memref<16x128xf32, #tpu.memory_space<hbm>>
    tpu.enqueue_dma source(%dma_start3A_836 : memref<16x128xf32, #tpu.memory_space<hbm>>) target(%dma_start3A_834 : memref<16x128xf32, #tpu.memory_space<vmem>>) target_semaphore(%arg18 : memref<!tpu.dma_semaphore, #tpu.memory_space<semaphore_mem>>)
    %dma_start3A_837 = arith.constant 192 : i32
    %dma_start3A_838 = arith.constant 0 : i32
    %dma_start3A_839 = tpu.memref_slice %arg12[%dma_start3A_837, %dma_start3A_838] : memref<256x128xf32, #tpu.memory_space<vmem>> -> memref<16x128xf32, #tpu.memory_space<vmem>>
    %dma_start3A_840 = arith.constant 16 : i32
    %dma_start3A_841 = tpu.memref_slice %arg5[%dma_start3A_840, %multiple_of3A_826] : memref<32x1000000xf32, #tpu.memory_space<hbm>> -> memref<16x128xf32, #tpu.memory_space<hbm>>
    %dma_start3A_842 = arith.constant 192 : i32
    %dma_start3A_843 = arith.constant 0 : i32
    %dma_start3A_844 = tpu.memref_slice %arg12[%dma_start3A_842, %dma_start3A_843] : memref<256x128xf32, #tpu.memory_space<vmem>> -> memref<16x128xf32, #tpu.memory_space<vmem>>
    %dma_start3A_845 = arith.constant 16 : i32
    %dma_start3A_846 = tpu.memref_slice %arg5[%dma_start3A_845, %multiple_of3A_826] : memref<32x1000000xf32, #tpu.memory_space<hbm>> -> memref<16x128xf32, #tpu.memory_space<hbm>>
    tpu.enqueue_dma source(%dma_start3A_846 : memref<16x128xf32, #tpu.memory_space<hbm>>) target(%dma_start3A_844 : memref<16x128xf32, #tpu.memory_space<vmem>>) target_semaphore(%arg18 : memref<!tpu.dma_semaphore, #tpu.memory_space<semaphore_mem>>)
    %slice3A_847 = vector.extract_strided_slice %and3A_713 {offsets = [13], sizes = [1], strides = [1]} : vector<16xi32> to vector<1xi32>
    %squeeze3A_848 = vector.extract %slice3A_847[0] : i32 from vector<1xi32>
    %multiple_of3A_849 = tpu.assume_multiple %squeeze3A_848, 128 : i32
    %slice3A_850 = vector.extract_strided_slice %and3A_716 {offsets = [13], sizes = [1], strides = [1]} : vector<16xi32> to vector<1xi32>
    %squeeze3A_851 = vector.extract %slice3A_850[0] : i32 from vector<1xi32>
    %multiple_of3A_852 = tpu.assume_multiple %squeeze3A_851, 128 : i32
    %dma_start3A_853 = arith.constant 208 : i32
    %dma_start3A_854 = arith.constant 0 : i32
    %dma_start3A_855 = tpu.memref_slice %arg11[%dma_start3A_853, %dma_start3A_854] : memref<256x128xf32, #tpu.memory_space<vmem>> -> memref<16x128xf32, #tpu.memory_space<vmem>>
    %dma_start3A_856 = arith.constant 16 : i32
    %dma_start3A_857 = tpu.memref_slice %arg4[%dma_start3A_856, %multiple_of3A_849] : memref<32x1000000xf32, #tpu.memory_space<hbm>> -> memref<16x128xf32, #tpu.memory_space<hbm>>
    %dma_start3A_858 = arith.constant 208 : i32
    %dma_start3A_859 = arith.constant 0 : i32
    %dma_start3A_860 = tpu.memref_slice %arg11[%dma_start3A_858, %dma_start3A_859] : memref<256x128xf32, #tpu.memory_space<vmem>> -> memref<16x128xf32, #tpu.memory_space<vmem>>
    %dma_start3A_861 = arith.constant 16 : i32
    %dma_start3A_862 = tpu.memref_slice %arg4[%dma_start3A_861, %multiple_of3A_849] : memref<32x1000000xf32, #tpu.memory_space<hbm>> -> memref<16x128xf32, #tpu.memory_space<hbm>>
    tpu.enqueue_dma source(%dma_start3A_862 : memref<16x128xf32, #tpu.memory_space<hbm>>) target(%dma_start3A_860 : memref<16x128xf32, #tpu.memory_space<vmem>>) target_semaphore(%arg18 : memref<!tpu.dma_semaphore, #tpu.memory_space<semaphore_mem>>)
    %dma_start3A_863 = arith.constant 208 : i32
    %dma_start3A_864 = arith.constant 0 : i32
    %dma_start3A_865 = tpu.memref_slice %arg12[%dma_start3A_863, %dma_start3A_864] : memref<256x128xf32, #tpu.memory_space<vmem>> -> memref<16x128xf32, #tpu.memory_space<vmem>>
    %dma_start3A_866 = arith.constant 16 : i32
    %dma_start3A_867 = tpu.memref_slice %arg5[%dma_start3A_866, %multiple_of3A_852] : memref<32x1000000xf32, #tpu.memory_space<hbm>> -> memref<16x128xf32, #tpu.memory_space<hbm>>
    %dma_start3A_868 = arith.constant 208 : i32
    %dma_start3A_869 = arith.constant 0 : i32
    %dma_start3A_870 = tpu.memref_slice %arg12[%dma_start3A_868, %dma_start3A_869] : memref<256x128xf32, #tpu.memory_space<vmem>> -> memref<16x128xf32, #tpu.memory_space<vmem>>
    %dma_start3A_871 = arith.constant 16 : i32
    %dma_start3A_872 = tpu.memref_slice %arg5[%dma_start3A_871, %multiple_of3A_852] : memref<32x1000000xf32, #tpu.memory_space<hbm>> -> memref<16x128xf32, #tpu.memory_space<hbm>>
    tpu.enqueue_dma source(%dma_start3A_872 : memref<16x128xf32, #tpu.memory_space<hbm>>) target(%dma_start3A_870 : memref<16x128xf32, #tpu.memory_space<vmem>>) target_semaphore(%arg18 : memref<!tpu.dma_semaphore, #tpu.memory_space<semaphore_mem>>)
    %slice3A_873 = vector.extract_strided_slice %and3A_713 {offsets = [14], sizes = [1], strides = [1]} : vector<16xi32> to vector<1xi32>
    %squeeze3A_874 = vector.extract %slice3A_873[0] : i32 from vector<1xi32>
    %multiple_of3A_875 = tpu.assume_multiple %squeeze3A_874, 128 : i32
    %slice3A_876 = vector.extract_strided_slice %and3A_716 {offsets = [14], sizes = [1], strides = [1]} : vector<16xi32> to vector<1xi32>
    %squeeze3A_877 = vector.extract %slice3A_876[0] : i32 from vector<1xi32>
    %multiple_of3A_878 = tpu.assume_multiple %squeeze3A_877, 128 : i32
    %dma_start3A_879 = arith.constant 224 : i32
    %dma_start3A_880 = arith.constant 0 : i32
    %dma_start3A_881 = tpu.memref_slice %arg11[%dma_start3A_879, %dma_start3A_880] : memref<256x128xf32, #tpu.memory_space<vmem>> -> memref<16x128xf32, #tpu.memory_space<vmem>>
    %dma_start3A_882 = arith.constant 16 : i32
    %dma_start3A_883 = tpu.memref_slice %arg4[%dma_start3A_882, %multiple_of3A_875] : memref<32x1000000xf32, #tpu.memory_space<hbm>> -> memref<16x128xf32, #tpu.memory_space<hbm>>
    %dma_start3A_884 = arith.constant 224 : i32
    %dma_start3A_885 = arith.constant 0 : i32
    %dma_start3A_886 = tpu.memref_slice %arg11[%dma_start3A_884, %dma_start3A_885] : memref<256x128xf32, #tpu.memory_space<vmem>> -> memref<16x128xf32, #tpu.memory_space<vmem>>
    %dma_start3A_887 = arith.constant 16 : i32
    %dma_start3A_888 = tpu.memref_slice %arg4[%dma_start3A_887, %multiple_of3A_875] : memref<32x1000000xf32, #tpu.memory_space<hbm>> -> memref<16x128xf32, #tpu.memory_space<hbm>>
    tpu.enqueue_dma source(%dma_start3A_888 : memref<16x128xf32, #tpu.memory_space<hbm>>) target(%dma_start3A_886 : memref<16x128xf32, #tpu.memory_space<vmem>>) target_semaphore(%arg18 : memref<!tpu.dma_semaphore, #tpu.memory_space<semaphore_mem>>)
    %dma_start3A_889 = arith.constant 224 : i32
    %dma_start3A_890 = arith.constant 0 : i32
    %dma_start3A_891 = tpu.memref_slice %arg12[%dma_start3A_889, %dma_start3A_890] : memref<256x128xf32, #tpu.memory_space<vmem>> -> memref<16x128xf32, #tpu.memory_space<vmem>>
    %dma_start3A_892 = arith.constant 16 : i32
    %dma_start3A_893 = tpu.memref_slice %arg5[%dma_start3A_892, %multiple_of3A_878] : memref<32x1000000xf32, #tpu.memory_space<hbm>> -> memref<16x128xf32, #tpu.memory_space<hbm>>
    %dma_start3A_894 = arith.constant 224 : i32
    %dma_start3A_895 = arith.constant 0 : i32
    %dma_start3A_896 = tpu.memref_slice %arg12[%dma_start3A_894, %dma_start3A_895] : memref<256x128xf32, #tpu.memory_space<vmem>> -> memref<16x128xf32, #tpu.memory_space<vmem>>
    %dma_start3A_897 = arith.constant 16 : i32
    %dma_start3A_898 = tpu.memref_slice %arg5[%dma_start3A_897, %multiple_of3A_878] : memref<32x1000000xf32, #tpu.memory_space<hbm>> -> memref<16x128xf32, #tpu.memory_space<hbm>>
    tpu.enqueue_dma source(%dma_start3A_898 : memref<16x128xf32, #tpu.memory_space<hbm>>) target(%dma_start3A_896 : memref<16x128xf32, #tpu.memory_space<vmem>>) target_semaphore(%arg18 : memref<!tpu.dma_semaphore, #tpu.memory_space<semaphore_mem>>)
    %slice3A_899 = vector.extract_strided_slice %and3A_713 {offsets = [15], sizes = [1], strides = [1]} : vector<16xi32> to vector<1xi32>
    %squeeze3A_900 = vector.extract %slice3A_899[0] : i32 from vector<1xi32>
    %multiple_of3A_901 = tpu.assume_multiple %squeeze3A_900, 128 : i32
    %slice3A_902 = vector.extract_strided_slice %and3A_716 {offsets = [15], sizes = [1], strides = [1]} : vector<16xi32> to vector<1xi32>
    %squeeze3A_903 = vector.extract %slice3A_902[0] : i32 from vector<1xi32>
    %multiple_of3A_904 = tpu.assume_multiple %squeeze3A_903, 128 : i32
    %dma_start3A_905 = arith.constant 240 : i32
    %dma_start3A_906 = arith.constant 0 : i32
    %dma_start3A_907 = tpu.memref_slice %arg11[%dma_start3A_905, %dma_start3A_906] : memref<256x128xf32, #tpu.memory_space<vmem>> -> memref<16x128xf32, #tpu.memory_space<vmem>>
    %dma_start3A_908 = arith.constant 16 : i32
    %dma_start3A_909 = tpu.memref_slice %arg4[%dma_start3A_908, %multiple_of3A_901] : memref<32x1000000xf32, #tpu.memory_space<hbm>> -> memref<16x128xf32, #tpu.memory_space<hbm>>
    %dma_start3A_910 = arith.constant 240 : i32
    %dma_start3A_911 = arith.constant 0 : i32
    %dma_start3A_912 = tpu.memref_slice %arg11[%dma_start3A_910, %dma_start3A_911] : memref<256x128xf32, #tpu.memory_space<vmem>> -> memref<16x128xf32, #tpu.memory_space<vmem>>
    %dma_start3A_913 = arith.constant 16 : i32
    %dma_start3A_914 = tpu.memref_slice %arg4[%dma_start3A_913, %multiple_of3A_901] : memref<32x1000000xf32, #tpu.memory_space<hbm>> -> memref<16x128xf32, #tpu.memory_space<hbm>>
    tpu.enqueue_dma source(%dma_start3A_914 : memref<16x128xf32, #tpu.memory_space<hbm>>) target(%dma_start3A_912 : memref<16x128xf32, #tpu.memory_space<vmem>>) target_semaphore(%arg18 : memref<!tpu.dma_semaphore, #tpu.memory_space<semaphore_mem>>)
    %dma_start3A_915 = arith.constant 240 : i32
    %dma_start3A_916 = arith.constant 0 : i32
    %dma_start3A_917 = tpu.memref_slice %arg12[%dma_start3A_915, %dma_start3A_916] : memref<256x128xf32, #tpu.memory_space<vmem>> -> memref<16x128xf32, #tpu.memory_space<vmem>>
    %dma_start3A_918 = arith.constant 16 : i32
    %dma_start3A_919 = tpu.memref_slice %arg5[%dma_start3A_918, %multiple_of3A_904] : memref<32x1000000xf32, #tpu.memory_space<hbm>> -> memref<16x128xf32, #tpu.memory_space<hbm>>
    %dma_start3A_920 = arith.constant 240 : i32
    %dma_start3A_921 = arith.constant 0 : i32
    %dma_start3A_922 = tpu.memref_slice %arg12[%dma_start3A_920, %dma_start3A_921] : memref<256x128xf32, #tpu.memory_space<vmem>> -> memref<16x128xf32, #tpu.memory_space<vmem>>
    %dma_start3A_923 = arith.constant 16 : i32
    %dma_start3A_924 = tpu.memref_slice %arg5[%dma_start3A_923, %multiple_of3A_904] : memref<32x1000000xf32, #tpu.memory_space<hbm>> -> memref<16x128xf32, #tpu.memory_space<hbm>>
    tpu.enqueue_dma source(%dma_start3A_924 : memref<16x128xf32, #tpu.memory_space<hbm>>) target(%dma_start3A_922 : memref<16x128xf32, #tpu.memory_space<vmem>>) target_semaphore(%arg18 : memref<!tpu.dma_semaphore, #tpu.memory_space<semaphore_mem>>)
    %scan3A_925 = arith.constant 0 : i32
    %scan3A_926 = arith.constant 0 : i32
    %scan3A_927 = arith.constant 32 : i32
    %scan3A_928 = arith.addi %scan3A_926, %scan3A_927 : i32
    %scan3A_929 = arith.constant 1 : i32
    scf.for %scan3A_931 = %scan3A_926 to %scan3A_928 step %scan3A_929  : i32 {
      %mul3A_932 = arith.constant 16 : i32
      %mul3A_933 = arith.muli %scan3A_931, %mul3A_932 : i32
      %multiple_of3A_934 = tpu.assume_multiple %mul3A_933, 16 : i32
      %get3A_935 = arith.index_cast %multiple_of3A_934 : i32 to index
      %get3A_936 = tpu.vector_load %arg9[%get3A_935] {strides = array<i32>} : memref<512xi32, #tpu.memory_space<vmem>>, vector<16xi32>,
      %get3A_937 = arith.index_cast %multiple_of3A_934 : i32 to index
      %get3A_938 = tpu.vector_load %arg10[%get3A_937] {strides = array<i32>} : memref<512xi32, #tpu.memory_space<vmem>>, vector<16xi32>,
      %and3A_939 = arith.constant 127 : i32
      %and3A_940 = vector.broadcast %and3A_939 : i32 to vector<16xi32>
      %and3A_941 = arith.andi %get3A_936, %and3A_940 : vector<16xi32>
      %and3A_942 = arith.constant 127 : i32
      %and3A_943 = vector.broadcast %and3A_942 : i32 to vector<16xi32>
      %and3A_944 = arith.andi %get3A_938, %and3A_943 : vector<16xi32>
      %dma_wait3A_945 = arith.constant 0 : i32
      %dma_wait3A_946 = arith.constant 0 : i32
      %dma_wait3A_947 = tpu.memref_slice %arg11[%dma_wait3A_945, %dma_wait3A_946] : memref<256x128xf32, #tpu.memory_space<vmem>> -> memref<128x128xf32, #tpu.memory_space<vmem>>
      %dma_wait3A_948 = arith.constant 0 : i32
      %dma_wait3A_949 = arith.constant 0 : i32
      %dma_wait3A_950 = tpu.memref_slice %arg4[%dma_wait3A_948, %dma_wait3A_949] : memref<32x1000000xf32, #tpu.memory_space<hbm>> -> memref<16x128xf32, #tpu.memory_space<hbm>>
      %dma_wait3A_951 = arith.constant 0 : i32
      %dma_wait3A_952 = arith.constant 0 : i32
      %dma_wait3A_953 = tpu.memref_slice %arg11[%dma_wait3A_951, %dma_wait3A_952] : memref<256x128xf32, #tpu.memory_space<vmem>> -> memref<128x128xf32, #tpu.memory_space<vmem>>
      %dma_wait3A_954 = arith.constant 0 : i32
      %dma_wait3A_955 = arith.constant 0 : i32
      %dma_wait3A_956 = tpu.memref_slice %arg4[%dma_wait3A_954, %dma_wait3A_955] : memref<32x1000000xf32, #tpu.memory_space<hbm>> -> memref<16x128xf32, #tpu.memory_space<hbm>>
      tpu.wait_dma2 semaphore(%arg17 : memref<!tpu.dma_semaphore, #tpu.memory_space<semaphore_mem>>) src(%dma_wait3A_956 : memref<16x128xf32, #tpu.memory_space<hbm>>) dst(%dma_wait3A_953 : memref<128x128xf32, #tpu.memory_space<vmem>>)
      %dma_wait3A_957 = arith.constant 0 : i32
      %dma_wait3A_958 = arith.constant 0 : i32
      %dma_wait3A_959 = tpu.memref_slice %arg12[%dma_wait3A_957, %dma_wait3A_958] : memref<256x128xf32, #tpu.memory_space<vmem>> -> memref<128x128xf32, #tpu.memory_space<vmem>>
      %dma_wait3A_960 = arith.constant 0 : i32
      %dma_wait3A_961 = arith.constant 0 : i32
      %dma_wait3A_962 = tpu.memref_slice %arg5[%dma_wait3A_960, %dma_wait3A_961] : memref<32x1000000xf32, #tpu.memory_space<hbm>> -> memref<16x128xf32, #tpu.memory_space<hbm>>
      %dma_wait3A_963 = arith.constant 0 : i32
      %dma_wait3A_964 = arith.constant 0 : i32
      %dma_wait3A_965 = tpu.memref_slice %arg12[%dma_wait3A_963, %dma_wait3A_964] : memref<256x128xf32, #tpu.memory_space<vmem>> -> memref<128x128xf32, #tpu.memory_space<vmem>>
      %dma_wait3A_966 = arith.constant 0 : i32
      %dma_wait3A_967 = arith.constant 0 : i32
      %dma_wait3A_968 = tpu.memref_slice %arg5[%dma_wait3A_966, %dma_wait3A_967] : memref<32x1000000xf32, #tpu.memory_space<hbm>> -> memref<16x128xf32, #tpu.memory_space<hbm>>
      tpu.wait_dma2 semaphore(%arg17 : memref<!tpu.dma_semaphore, #tpu.memory_space<semaphore_mem>>) src(%dma_wait3A_968 : memref<16x128xf32, #tpu.memory_space<hbm>>) dst(%dma_wait3A_965 : memref<128x128xf32, #tpu.memory_space<vmem>>)
      %add3A_969 = arith.constant 0 : i32
      %add3A_970 = vector.broadcast %add3A_969 : i32 to vector<16xi32>
      %add3A_971 = arith.addi %add3A_970, %iota3A : vector<16xi32>
      %slice3A_972 = vector.extract_strided_slice %and3A_941 {offsets = [0], sizes = [1], strides = [1]} : vector<16xi32> to vector<1xi32>
      %squeeze3A_973 = vector.extract %slice3A_972[0] : i32 from vector<1xi32>
      %broadcast_in_dim3A = vector.broadcast %squeeze3A_973 : i32 to vector<16xi32>
      %gather3A = tpu.vector_load_idx %arg11[%add3A_971, %broadcast_in_dim3A] : memref<256x128xf32, #tpu.memory_space<vmem>>[vector<16xi32>, vector<16xi32>], vector<16xf32>,
      %slice3A_974 = vector.extract_strided_slice %and3A_944 {offsets = [0], sizes = [1], strides = [1]} : vector<16xi32> to vector<1xi32>
      %squeeze3A_975 = vector.extract %slice3A_974[0] : i32 from vector<1xi32>
      %broadcast_in_dim3A_976 = vector.broadcast %squeeze3A_975 : i32 to vector<16xi32>
      %gather3A_977 = tpu.vector_load_idx %arg12[%add3A_971, %broadcast_in_dim3A_976] : memref<256x128xf32, #tpu.memory_space<vmem>>[vector<16xi32>, vector<16xi32>], vector<16xf32>,
      %mul3A_978 = arith.mulf %gather3A, %gather3A_977 : vector<16xf32>
      %swap3A = arith.constant 0 : i32
      %swap3A_979 = arith.index_cast %swap3A : i32 to index
      %swap3A_980 = arith.constant 0 : index
      %swap3A_981 = tpu.vector_load %arg13[%swap3A_979, %swap3A_980] {strides = array<i32>} : memref<8x16xf32, #tpu.memory_space<vmem>>, vector<16xf32>,
      tpu.vector_store %arg13[%swap3A_979, %swap3A_980], %mul3A_978 {strides = array<i32>} : memref<8x16xf32, #tpu.memory_space<vmem>>, vector<16xf32>,
      %add3A_982 = arith.constant 16 : i32
      %add3A_983 = vector.broadcast %add3A_982 : i32 to vector<16xi32>
      %add3A_984 = arith.addi %add3A_983, %iota3A : vector<16xi32>
      %slice3A_985 = vector.extract_strided_slice %and3A_941 {offsets = [1], sizes = [1], strides = [1]} : vector<16xi32> to vector<1xi32>
      %squeeze3A_986 = vector.extract %slice3A_985[0] : i32 from vector<1xi32>
      %broadcast_in_dim3A_987 = vector.broadcast %squeeze3A_986 : i32 to vector<16xi32>
      %gather3A_988 = tpu.vector_load_idx %arg11[%add3A_984, %broadcast_in_dim3A_987] : memref<256x128xf32, #tpu.memory_space<vmem>>[vector<16xi32>, vector<16xi32>], vector<16xf32>,
      %slice3A_989 = vector.extract_strided_slice %and3A_944 {offsets = [1], sizes = [1], strides = [1]} : vector<16xi32> to vector<1xi32>
      %squeeze3A_990 = vector.extract %slice3A_989[0] : i32 from vector<1xi32>
      %broadcast_in_dim3A_991 = vector.broadcast %squeeze3A_990 : i32 to vector<16xi32>
      %gather3A_992 = tpu.vector_load_idx %arg12[%add3A_984, %broadcast_in_dim3A_991] : memref<256x128xf32, #tpu.memory_space<vmem>>[vector<16xi32>, vector<16xi32>], vector<16xf32>,
      %mul3A_993 = arith.mulf %gather3A_988, %gather3A_992 : vector<16xf32>
      %swap3A_994 = arith.constant 1 : i32
      %swap3A_995 = arith.index_cast %swap3A_994 : i32 to index
      %swap3A_996 = arith.constant 0 : index
      %swap3A_997 = tpu.vector_load %arg13[%swap3A_995, %swap3A_996] {strides = array<i32>} : memref<8x16xf32, #tpu.memory_space<vmem>>, vector<16xf32>,
      tpu.vector_store %arg13[%swap3A_995, %swap3A_996], %mul3A_993 {strides = array<i32>} : memref<8x16xf32, #tpu.memory_space<vmem>>, vector<16xf32>,
      %add3A_998 = arith.constant 32 : i32
      %add3A_999 = vector.broadcast %add3A_998 : i32 to vector<16xi32>
      %add3A_1000 = arith.addi %add3A_999, %iota3A : vector<16xi32>
      %slice3A_1001 = vector.extract_strided_slice %and3A_941 {offsets = [2], sizes = [1], strides = [1]} : vector<16xi32> to vector<1xi32>
      %squeeze3A_1002 = vector.extract %slice3A_1001[0] : i32 from vector<1xi32>
      %broadcast_in_dim3A_1003 = vector.broadcast %squeeze3A_1002 : i32 to vector<16xi32>
      %gather3A_1004 = tpu.vector_load_idx %arg11[%add3A_1000, %broadcast_in_dim3A_1003] : memref<256x128xf32, #tpu.memory_space<vmem>>[vector<16xi32>, vector<16xi32>], vector<16xf32>,
      %slice3A_1005 = vector.extract_strided_slice %and3A_944 {offsets = [2], sizes = [1], strides = [1]} : vector<16xi32> to vector<1xi32>
      %squeeze3A_1006 = vector.extract %slice3A_1005[0] : i32 from vector<1xi32>
      %broadcast_in_dim3A_1007 = vector.broadcast %squeeze3A_1006 : i32 to vector<16xi32>
      %gather3A_1008 = tpu.vector_load_idx %arg12[%add3A_1000, %broadcast_in_dim3A_1007] : memref<256x128xf32, #tpu.memory_space<vmem>>[vector<16xi32>, vector<16xi32>], vector<16xf32>,
      %mul3A_1009 = arith.mulf %gather3A_1004, %gather3A_1008 : vector<16xf32>
      %swap3A_1010 = arith.constant 2 : i32
      %swap3A_1011 = arith.index_cast %swap3A_1010 : i32 to index
      %swap3A_1012 = arith.constant 0 : index
      %swap3A_1013 = tpu.vector_load %arg13[%swap3A_1011, %swap3A_1012] {strides = array<i32>} : memref<8x16xf32, #tpu.memory_space<vmem>>, vector<16xf32>,
      tpu.vector_store %arg13[%swap3A_1011, %swap3A_1012], %mul3A_1009 {strides = array<i32>} : memref<8x16xf32, #tpu.memory_space<vmem>>, vector<16xf32>,
      %add3A_1014 = arith.constant 48 : i32
      %add3A_1015 = vector.broadcast %add3A_1014 : i32 to vector<16xi32>
      %add3A_1016 = arith.addi %add3A_1015, %iota3A : vector<16xi32>
      %slice3A_1017 = vector.extract_strided_slice %and3A_941 {offsets = [3], sizes = [1], strides = [1]} : vector<16xi32> to vector<1xi32>
      %squeeze3A_1018 = vector.extract %slice3A_1017[0] : i32 from vector<1xi32>
      %broadcast_in_dim3A_1019 = vector.broadcast %squeeze3A_1018 : i32 to vector<16xi32>
      %gather3A_1020 = tpu.vector_load_idx %arg11[%add3A_1016, %broadcast_in_dim3A_1019] : memref<256x128xf32, #tpu.memory_space<vmem>>[vector<16xi32>, vector<16xi32>], vector<16xf32>,
      %slice3A_1021 = vector.extract_strided_slice %and3A_944 {offsets = [3], sizes = [1], strides = [1]} : vector<16xi32> to vector<1xi32>
      %squeeze3A_1022 = vector.extract %slice3A_1021[0] : i32 from vector<1xi32>
      %broadcast_in_dim3A_1023 = vector.broadcast %squeeze3A_1022 : i32 to vector<16xi32>
      %gather3A_1024 = tpu.vector_load_idx %arg12[%add3A_1016, %broadcast_in_dim3A_1023] : memref<256x128xf32, #tpu.memory_space<vmem>>[vector<16xi32>, vector<16xi32>], vector<16xf32>,
      %mul3A_1025 = arith.mulf %gather3A_1020, %gather3A_1024 : vector<16xf32>
      %swap3A_1026 = arith.constant 3 : i32
      %swap3A_1027 = arith.index_cast %swap3A_1026 : i32 to index
      %swap3A_1028 = arith.constant 0 : index
      %swap3A_1029 = tpu.vector_load %arg13[%swap3A_1027, %swap3A_1028] {strides = array<i32>} : memref<8x16xf32, #tpu.memory_space<vmem>>, vector<16xf32>,
      tpu.vector_store %arg13[%swap3A_1027, %swap3A_1028], %mul3A_1025 {strides = array<i32>} : memref<8x16xf32, #tpu.memory_space<vmem>>, vector<16xf32>,
      %add3A_1030 = arith.constant 64 : i32
      %add3A_1031 = vector.broadcast %add3A_1030 : i32 to vector<16xi32>
      %add3A_1032 = arith.addi %add3A_1031, %iota3A : vector<16xi32>
      %slice3A_1033 = vector.extract_strided_slice %and3A_941 {offsets = [4], sizes = [1], strides = [1]} : vector<16xi32> to vector<1xi32>
      %squeeze3A_1034 = vector.extract %slice3A_1033[0] : i32 from vector<1xi32>
      %broadcast_in_dim3A_1035 = vector.broadcast %squeeze3A_1034 : i32 to vector<16xi32>
      %gather3A_1036 = tpu.vector_load_idx %arg11[%add3A_1032, %broadcast_in_dim3A_1035] : memref<256x128xf32, #tpu.memory_space<vmem>>[vector<16xi32>, vector<16xi32>], vector<16xf32>,
      %slice3A_1037 = vector.extract_strided_slice %and3A_944 {offsets = [4], sizes = [1], strides = [1]} : vector<16xi32> to vector<1xi32>
      %squeeze3A_1038 = vector.extract %slice3A_1037[0] : i32 from vector<1xi32>
      %broadcast_in_dim3A_1039 = vector.broadcast %squeeze3A_1038 : i32 to vector<16xi32>
      %gather3A_1040 = tpu.vector_load_idx %arg12[%add3A_1032, %broadcast_in_dim3A_1039] : memref<256x128xf32, #tpu.memory_space<vmem>>[vector<16xi32>, vector<16xi32>], vector<16xf32>,
      %mul3A_1041 = arith.mulf %gather3A_1036, %gather3A_1040 : vector<16xf32>
      %swap3A_1042 = arith.constant 4 : i32
      %swap3A_1043 = arith.index_cast %swap3A_1042 : i32 to index
      %swap3A_1044 = arith.constant 0 : index
      %swap3A_1045 = tpu.vector_load %arg13[%swap3A_1043, %swap3A_1044] {strides = array<i32>} : memref<8x16xf32, #tpu.memory_space<vmem>>, vector<16xf32>,
      tpu.vector_store %arg13[%swap3A_1043, %swap3A_1044], %mul3A_1041 {strides = array<i32>} : memref<8x16xf32, #tpu.memory_space<vmem>>, vector<16xf32>,
      %add3A_1046 = arith.constant 80 : i32
      %add3A_1047 = vector.broadcast %add3A_1046 : i32 to vector<16xi32>
      %add3A_1048 = arith.addi %add3A_1047, %iota3A : vector<16xi32>
      %slice3A_1049 = vector.extract_strided_slice %and3A_941 {offsets = [5], sizes = [1], strides = [1]} : vector<16xi32> to vector<1xi32>
      %squeeze3A_1050 = vector.extract %slice3A_1049[0] : i32 from vector<1xi32>
      %broadcast_in_dim3A_1051 = vector.broadcast %squeeze3A_1050 : i32 to vector<16xi32>
      %gather3A_1052 = tpu.vector_load_idx %arg11[%add3A_1048, %broadcast_in_dim3A_1051] : memref<256x128xf32, #tpu.memory_space<vmem>>[vector<16xi32>, vector<16xi32>], vector<16xf32>,
      %slice3A_1053 = vector.extract_strided_slice %and3A_944 {offsets = [5], sizes = [1], strides = [1]} : vector<16xi32> to vector<1xi32>
      %squeeze3A_1054 = vector.extract %slice3A_1053[0] : i32 from vector<1xi32>
      %broadcast_in_dim3A_1055 = vector.broadcast %squeeze3A_1054 : i32 to vector<16xi32>
      %gather3A_1056 = tpu.vector_load_idx %arg12[%add3A_1048, %broadcast_in_dim3A_1055] : memref<256x128xf32, #tpu.memory_space<vmem>>[vector<16xi32>, vector<16xi32>], vector<16xf32>,
      %mul3A_1057 = arith.mulf %gather3A_1052, %gather3A_1056 : vector<16xf32>
      %swap3A_1058 = arith.constant 5 : i32
      %swap3A_1059 = arith.index_cast %swap3A_1058 : i32 to index
      %swap3A_1060 = arith.constant 0 : index
      %swap3A_1061 = tpu.vector_load %arg13[%swap3A_1059, %swap3A_1060] {strides = array<i32>} : memref<8x16xf32, #tpu.memory_space<vmem>>, vector<16xf32>,
      tpu.vector_store %arg13[%swap3A_1059, %swap3A_1060], %mul3A_1057 {strides = array<i32>} : memref<8x16xf32, #tpu.memory_space<vmem>>, vector<16xf32>,
      %add3A_1062 = arith.constant 96 : i32
      %add3A_1063 = vector.broadcast %add3A_1062 : i32 to vector<16xi32>
      %add3A_1064 = arith.addi %add3A_1063, %iota3A : vector<16xi32>
      %slice3A_1065 = vector.extract_strided_slice %and3A_941 {offsets = [6], sizes = [1], strides = [1]} : vector<16xi32> to vector<1xi32>
      %squeeze3A_1066 = vector.extract %slice3A_1065[0] : i32 from vector<1xi32>
      %broadcast_in_dim3A_1067 = vector.broadcast %squeeze3A_1066 : i32 to vector<16xi32>
      %gather3A_1068 = tpu.vector_load_idx %arg11[%add3A_1064, %broadcast_in_dim3A_1067] : memref<256x128xf32, #tpu.memory_space<vmem>>[vector<16xi32>, vector<16xi32>], vector<16xf32>,
      %slice3A_1069 = vector.extract_strided_slice %and3A_944 {offsets = [6], sizes = [1], strides = [1]} : vector<16xi32> to vector<1xi32>
      %squeeze3A_1070 = vector.extract %slice3A_1069[0] : i32 from vector<1xi32>
      %broadcast_in_dim3A_1071 = vector.broadcast %squeeze3A_1070 : i32 to vector<16xi32>
      %gather3A_1072 = tpu.vector_load_idx %arg12[%add3A_1064, %broadcast_in_dim3A_1071] : memref<256x128xf32, #tpu.memory_space<vmem>>[vector<16xi32>, vector<16xi32>], vector<16xf32>,
      %mul3A_1073 = arith.mulf %gather3A_1068, %gather3A_1072 : vector<16xf32>
      %swap3A_1074 = arith.constant 6 : i32
      %swap3A_1075 = arith.index_cast %swap3A_1074 : i32 to index
      %swap3A_1076 = arith.constant 0 : index
      %swap3A_1077 = tpu.vector_load %arg13[%swap3A_1075, %swap3A_1076] {strides = array<i32>} : memref<8x16xf32, #tpu.memory_space<vmem>>, vector<16xf32>,
      tpu.vector_store %arg13[%swap3A_1075, %swap3A_1076], %mul3A_1073 {strides = array<i32>} : memref<8x16xf32, #tpu.memory_space<vmem>>, vector<16xf32>,
      %add3A_1078 = arith.constant 112 : i32
      %add3A_1079 = vector.broadcast %add3A_1078 : i32 to vector<16xi32>
      %add3A_1080 = arith.addi %add3A_1079, %iota3A : vector<16xi32>
      %slice3A_1081 = vector.extract_strided_slice %and3A_941 {offsets = [7], sizes = [1], strides = [1]} : vector<16xi32> to vector<1xi32>
      %squeeze3A_1082 = vector.extract %slice3A_1081[0] : i32 from vector<1xi32>
      %broadcast_in_dim3A_1083 = vector.broadcast %squeeze3A_1082 : i32 to vector<16xi32>
      %gather3A_1084 = tpu.vector_load_idx %arg11[%add3A_1080, %broadcast_in_dim3A_1083] : memref<256x128xf32, #tpu.memory_space<vmem>>[vector<16xi32>, vector<16xi32>], vector<16xf32>,
      %slice3A_1085 = vector.extract_strided_slice %and3A_944 {offsets = [7], sizes = [1], strides = [1]} : vector<16xi32> to vector<1xi32>
      %squeeze3A_1086 = vector.extract %slice3A_1085[0] : i32 from vector<1xi32>
      %broadcast_in_dim3A_1087 = vector.broadcast %squeeze3A_1086 : i32 to vector<16xi32>
      %gather3A_1088 = tpu.vector_load_idx %arg12[%add3A_1080, %broadcast_in_dim3A_1087] : memref<256x128xf32, #tpu.memory_space<vmem>>[vector<16xi32>, vector<16xi32>], vector<16xf32>,
      %mul3A_1089 = arith.mulf %gather3A_1084, %gather3A_1088 : vector<16xf32>
      %swap3A_1090 = arith.constant 7 : i32
      %swap3A_1091 = arith.index_cast %swap3A_1090 : i32 to index
      %swap3A_1092 = arith.constant 0 : index
      %swap3A_1093 = tpu.vector_load %arg13[%swap3A_1091, %swap3A_1092] {strides = array<i32>} : memref<8x16xf32, #tpu.memory_space<vmem>>, vector<16xf32>,
      tpu.vector_store %arg13[%swap3A_1091, %swap3A_1092], %mul3A_1089 {strides = array<i32>} : memref<8x16xf32, #tpu.memory_space<vmem>>, vector<16xf32>,
      %get3A_1094 = arith.constant 0 : i32
      %get3A_1095 = arith.index_cast %get3A_1094 : i32 to index
      %get3A_1096 = arith.constant 0 : index
      %get3A_1097 = tpu.vector_load %arg13[%get3A_1095, %get3A_1096] {strides = array<i32>} : memref<8x16xf32, #tpu.memory_space<vmem>>, vector<16xf32>,
      %mul3A_1098 = arith.constant 0.000000e+00 : f32
      %mul3A_1099 = vector.broadcast %mul3A_1098 : f32 to vector<16xf32>
      %mul3A_1100 = arith.mulf %get3A_1097, %mul3A_1099 : vector<16xf32>
      %broadcast_in_dim3A_1101 = arith.constant 0 : i32
      %broadcast_in_dim3A_1102 = vector.broadcast %broadcast_in_dim3A_1101 : i32 to vector<16xi32>
      %gather3A_1103 = tpu.vector_load_idx %arg13[%and3A_58, %broadcast_in_dim3A_1102] : memref<8x16xf32, #tpu.memory_space<vmem>>[vector<16xi32>, vector<16xi32>], vector<16xf32>,
      %add3A_1104 = arith.addf %mul3A_1100, %gather3A_1103 : vector<16xf32>
      %broadcast_in_dim3A_1105 = arith.constant 1 : i32
      %broadcast_in_dim3A_1106 = vector.broadcast %broadcast_in_dim3A_1105 : i32 to vector<16xi32>
      %gather3A_1107 = tpu.vector_load_idx %arg13[%and3A_58, %broadcast_in_dim3A_1106] : memref<8x16xf32, #tpu.memory_space<vmem>>[vector<16xi32>, vector<16xi32>], vector<16xf32>,
      %add3A_1108 = arith.addf %add3A_1104, %gather3A_1107 : vector<16xf32>
      %broadcast_in_dim3A_1109 = arith.constant 2 : i32
      %broadcast_in_dim3A_1110 = vector.broadcast %broadcast_in_dim3A_1109 : i32 to vector<16xi32>
      %gather3A_1111 = tpu.vector_load_idx %arg13[%and3A_58, %broadcast_in_dim3A_1110] : memref<8x16xf32, #tpu.memory_space<vmem>>[vector<16xi32>, vector<16xi32>], vector<16xf32>,
      %add3A_1112 = arith.addf %add3A_1108, %gather3A_1111 : vector<16xf32>
      %broadcast_in_dim3A_1113 = arith.constant 3 : i32
      %broadcast_in_dim3A_1114 = vector.broadcast %broadcast_in_dim3A_1113 : i32 to vector<16xi32>
      %gather3A_1115 = tpu.vector_load_idx %arg13[%and3A_58, %broadcast_in_dim3A_1114] : memref<8x16xf32, #tpu.memory_space<vmem>>[vector<16xi32>, vector<16xi32>], vector<16xf32>,
      %add3A_1116 = arith.addf %add3A_1112, %gather3A_1115 : vector<16xf32>
      %broadcast_in_dim3A_1117 = arith.constant 4 : i32
      %broadcast_in_dim3A_1118 = vector.broadcast %broadcast_in_dim3A_1117 : i32 to vector<16xi32>
      %gather3A_1119 = tpu.vector_load_idx %arg13[%and3A_58, %broadcast_in_dim3A_1118] : memref<8x16xf32, #tpu.memory_space<vmem>>[vector<16xi32>, vector<16xi32>], vector<16xf32>,
      %add3A_1120 = arith.addf %add3A_1116, %gather3A_1119 : vector<16xf32>
      %broadcast_in_dim3A_1121 = arith.constant 5 : i32
      %broadcast_in_dim3A_1122 = vector.broadcast %broadcast_in_dim3A_1121 : i32 to vector<16xi32>
      %gather3A_1123 = tpu.vector_load_idx %arg13[%and3A_58, %broadcast_in_dim3A_1122] : memref<8x16xf32, #tpu.memory_space<vmem>>[vector<16xi32>, vector<16xi32>], vector<16xf32>,
      %add3A_1124 = arith.addf %add3A_1120, %gather3A_1123 : vector<16xf32>
      %broadcast_in_dim3A_1125 = arith.constant 6 : i32
      %broadcast_in_dim3A_1126 = vector.broadcast %broadcast_in_dim3A_1125 : i32 to vector<16xi32>
      %gather3A_1127 = tpu.vector_load_idx %arg13[%and3A_58, %broadcast_in_dim3A_1126] : memref<8x16xf32, #tpu.memory_space<vmem>>[vector<16xi32>, vector<16xi32>], vector<16xf32>,
      %add3A_1128 = arith.addf %add3A_1124, %gather3A_1127 : vector<16xf32>
      %broadcast_in_dim3A_1129 = arith.constant 7 : i32
      %broadcast_in_dim3A_1130 = vector.broadcast %broadcast_in_dim3A_1129 : i32 to vector<16xi32>
      %gather3A_1131 = tpu.vector_load_idx %arg13[%and3A_58, %broadcast_in_dim3A_1130] : memref<8x16xf32, #tpu.memory_space<vmem>>[vector<16xi32>, vector<16xi32>], vector<16xf32>,
      %add3A_1132 = arith.addf %add3A_1128, %gather3A_1131 : vector<16xf32>
      %broadcast_in_dim3A_1133 = arith.constant 8 : i32
      %broadcast_in_dim3A_1134 = vector.broadcast %broadcast_in_dim3A_1133 : i32 to vector<16xi32>
      %gather3A_1135 = tpu.vector_load_idx %arg13[%and3A_58, %broadcast_in_dim3A_1134] : memref<8x16xf32, #tpu.memory_space<vmem>>[vector<16xi32>, vector<16xi32>], vector<16xf32>,
      %add3A_1136 = arith.addf %add3A_1132, %gather3A_1135 : vector<16xf32>
      %broadcast_in_dim3A_1137 = arith.constant 9 : i32
      %broadcast_in_dim3A_1138 = vector.broadcast %broadcast_in_dim3A_1137 : i32 to vector<16xi32>
      %gather3A_1139 = tpu.vector_load_idx %arg13[%and3A_58, %broadcast_in_dim3A_1138] : memref<8x16xf32, #tpu.memory_space<vmem>>[vector<16xi32>, vector<16xi32>], vector<16xf32>,
      %add3A_1140 = arith.addf %add3A_1136, %gather3A_1139 : vector<16xf32>
      %broadcast_in_dim3A_1141 = arith.constant 10 : i32
      %broadcast_in_dim3A_1142 = vector.broadcast %broadcast_in_dim3A_1141 : i32 to vector<16xi32>
      %gather3A_1143 = tpu.vector_load_idx %arg13[%and3A_58, %broadcast_in_dim3A_1142] : memref<8x16xf32, #tpu.memory_space<vmem>>[vector<16xi32>, vector<16xi32>], vector<16xf32>,
      %add3A_1144 = arith.addf %add3A_1140, %gather3A_1143 : vector<16xf32>
      %broadcast_in_dim3A_1145 = arith.constant 11 : i32
      %broadcast_in_dim3A_1146 = vector.broadcast %broadcast_in_dim3A_1145 : i32 to vector<16xi32>
      %gather3A_1147 = tpu.vector_load_idx %arg13[%and3A_58, %broadcast_in_dim3A_1146] : memref<8x16xf32, #tpu.memory_space<vmem>>[vector<16xi32>, vector<16xi32>], vector<16xf32>,
      %add3A_1148 = arith.addf %add3A_1144, %gather3A_1147 : vector<16xf32>
      %broadcast_in_dim3A_1149 = arith.constant 12 : i32
      %broadcast_in_dim3A_1150 = vector.broadcast %broadcast_in_dim3A_1149 : i32 to vector<16xi32>
      %gather3A_1151 = tpu.vector_load_idx %arg13[%and3A_58, %broadcast_in_dim3A_1150] : memref<8x16xf32, #tpu.memory_space<vmem>>[vector<16xi32>, vector<16xi32>], vector<16xf32>,
      %add3A_1152 = arith.addf %add3A_1148, %gather3A_1151 : vector<16xf32>
      %broadcast_in_dim3A_1153 = arith.constant 13 : i32
      %broadcast_in_dim3A_1154 = vector.broadcast %broadcast_in_dim3A_1153 : i32 to vector<16xi32>
      %gather3A_1155 = tpu.vector_load_idx %arg13[%and3A_58, %broadcast_in_dim3A_1154] : memref<8x16xf32, #tpu.memory_space<vmem>>[vector<16xi32>, vector<16xi32>], vector<16xf32>,
      %add3A_1156 = arith.addf %add3A_1152, %gather3A_1155 : vector<16xf32>
      %broadcast_in_dim3A_1157 = arith.constant 14 : i32
      %broadcast_in_dim3A_1158 = vector.broadcast %broadcast_in_dim3A_1157 : i32 to vector<16xi32>
      %gather3A_1159 = tpu.vector_load_idx %arg13[%and3A_58, %broadcast_in_dim3A_1158] : memref<8x16xf32, #tpu.memory_space<vmem>>[vector<16xi32>, vector<16xi32>], vector<16xf32>,
      %add3A_1160 = arith.addf %add3A_1156, %gather3A_1159 : vector<16xf32>
      %broadcast_in_dim3A_1161 = arith.constant 15 : i32
      %broadcast_in_dim3A_1162 = vector.broadcast %broadcast_in_dim3A_1161 : i32 to vector<16xi32>
      %gather3A_1163 = tpu.vector_load_idx %arg13[%and3A_58, %broadcast_in_dim3A_1162] : memref<8x16xf32, #tpu.memory_space<vmem>>[vector<16xi32>, vector<16xi32>], vector<16xf32>,
      %add3A_1164 = arith.addf %add3A_1160, %gather3A_1163 : vector<16xf32>
      %lt3A = arith.constant 31 : i32
      %lt3A_1165 = arith.cmpi slt, %scan3A_931, %lt3A : i32
      %convert_element_type3A = arith.extui %lt3A_1165 : i1 to i32
      %cond3A = arith.constant 0 : i32
      %cond3A_1166 = arith.cmpi ne, %convert_element_type3A, %cond3A : i32
      scf.if %cond3A_1166 {
        %add3A_1403 = arith.constant 1 : i32
        %add3A_1404 = arith.addi %scan3A_931, %add3A_1403 : i32
        %mul3A_1405 = arith.constant 16 : i32
        %mul3A_1406 = arith.muli %add3A_1404, %mul3A_1405 : i32
        %multiple_of3A_1407 = tpu.assume_multiple %mul3A_1406, 16 : i32
        %get3A_1408 = arith.index_cast %multiple_of3A_1407 : i32 to index
        %get3A_1409 = tpu.vector_load %arg9[%get3A_1408] {strides = array<i32>} : memref<512xi32, #tpu.memory_space<vmem>>, vector<16xi32>,
        %get3A_1410 = arith.index_cast %multiple_of3A_1407 : i32 to index
        %get3A_1411 = tpu.vector_load %arg10[%get3A_1410] {strides = array<i32>} : memref<512xi32, #tpu.memory_space<vmem>>, vector<16xi32>,
        %and3A_1412 = arith.constant -128 : i32
        %and3A_1413 = vector.broadcast %and3A_1412 : i32 to vector<16xi32>
        %and3A_1414 = arith.andi %get3A_1409, %and3A_1413 : vector<16xi32>
        %and3A_1415 = arith.constant -128 : i32
        %and3A_1416 = vector.broadcast %and3A_1415 : i32 to vector<16xi32>
        %and3A_1417 = arith.andi %get3A_1411, %and3A_1416 : vector<16xi32>
        %slice3A_1418 = vector.extract_strided_slice %and3A_1414 {offsets = [0], sizes = [1], strides = [1]} : vector<16xi32> to vector<1xi32>
        %squeeze3A_1419 = vector.extract %slice3A_1418[0] : i32 from vector<1xi32>
        %multiple_of3A_1420 = tpu.assume_multiple %squeeze3A_1419, 128 : i32
        %slice3A_1421 = vector.extract_strided_slice %and3A_1417 {offsets = [0], sizes = [1], strides = [1]} : vector<16xi32> to vector<1xi32>
        %squeeze3A_1422 = vector.extract %slice3A_1421[0] : i32 from vector<1xi32>
        %multiple_of3A_1423 = tpu.assume_multiple %squeeze3A_1422, 128 : i32
        %dma_start3A_1424 = arith.constant 0 : i32
        %dma_start3A_1425 = arith.constant 0 : i32
        %dma_start3A_1426 = tpu.memref_slice %arg11[%dma_start3A_1424, %dma_start3A_1425] : memref<256x128xf32, #tpu.memory_space<vmem>> -> memref<16x128xf32, #tpu.memory_space<vmem>>
        %dma_start3A_1427 = arith.constant 16 : i32
        %dma_start3A_1428 = tpu.memref_slice %arg4[%dma_start3A_1427, %multiple_of3A_1420] : memref<32x1000000xf32, #tpu.memory_space<hbm>> -> memref<16x128xf32, #tpu.memory_space<hbm>>
        %dma_start3A_1429 = arith.constant 0 : i32
        %dma_start3A_1430 = arith.constant 0 : i32
        %dma_start3A_1431 = tpu.memref_slice %arg11[%dma_start3A_1429, %dma_start3A_1430] : memref<256x128xf32, #tpu.memory_space<vmem>> -> memref<16x128xf32, #tpu.memory_space<vmem>>
        %dma_start3A_1432 = arith.constant 16 : i32
        %dma_start3A_1433 = tpu.memref_slice %arg4[%dma_start3A_1432, %multiple_of3A_1420] : memref<32x1000000xf32, #tpu.memory_space<hbm>> -> memref<16x128xf32, #tpu.memory_space<hbm>>
        tpu.enqueue_dma source(%dma_start3A_1433 : memref<16x128xf32, #tpu.memory_space<hbm>>) target(%dma_start3A_1431 : memref<16x128xf32, #tpu.memory_space<vmem>>) target_semaphore(%arg17 : memref<!tpu.dma_semaphore, #tpu.memory_space<semaphore_mem>>)
        %dma_start3A_1434 = arith.constant 0 : i32
        %dma_start3A_1435 = arith.constant 0 : i32
        %dma_start3A_1436 = tpu.memref_slice %arg12[%dma_start3A_1434, %dma_start3A_1435] : memref<256x128xf32, #tpu.memory_space<vmem>> -> memref<16x128xf32, #tpu.memory_space<vmem>>
        %dma_start3A_1437 = arith.constant 16 : i32
        %dma_start3A_1438 = tpu.memref_slice %arg5[%dma_start3A_1437, %multiple_of3A_1423] : memref<32x1000000xf32, #tpu.memory_space<hbm>> -> memref<16x128xf32, #tpu.memory_space<hbm>>
        %dma_start3A_1439 = arith.constant 0 : i32
        %dma_start3A_1440 = arith.constant 0 : i32
        %dma_start3A_1441 = tpu.memref_slice %arg12[%dma_start3A_1439, %dma_start3A_1440] : memref<256x128xf32, #tpu.memory_space<vmem>> -> memref<16x128xf32, #tpu.memory_space<vmem>>
        %dma_start3A_1442 = arith.constant 16 : i32
        %dma_start3A_1443 = tpu.memref_slice %arg5[%dma_start3A_1442, %multiple_of3A_1423] : memref<32x1000000xf32, #tpu.memory_space<hbm>> -> memref<16x128xf32, #tpu.memory_space<hbm>>
        tpu.enqueue_dma source(%dma_start3A_1443 : memref<16x128xf32, #tpu.memory_space<hbm>>) target(%dma_start3A_1441 : memref<16x128xf32, #tpu.memory_space<vmem>>) target_semaphore(%arg17 : memref<!tpu.dma_semaphore, #tpu.memory_space<semaphore_mem>>)
        %slice3A_1444 = vector.extract_strided_slice %and3A_1414 {offsets = [1], sizes = [1], strides = [1]} : vector<16xi32> to vector<1xi32>
        %squeeze3A_1445 = vector.extract %slice3A_1444[0] : i32 from vector<1xi32>
        %multiple_of3A_1446 = tpu.assume_multiple %squeeze3A_1445, 128 : i32
        %slice3A_1447 = vector.extract_strided_slice %and3A_1417 {offsets = [1], sizes = [1], strides = [1]} : vector<16xi32> to vector<1xi32>
        %squeeze3A_1448 = vector.extract %slice3A_1447[0] : i32 from vector<1xi32>
        %multiple_of3A_1449 = tpu.assume_multiple %squeeze3A_1448, 128 : i32
        %dma_start3A_1450 = arith.constant 16 : i32
        %dma_start3A_1451 = arith.constant 0 : i32
        %dma_start3A_1452 = tpu.memref_slice %arg11[%dma_start3A_1450, %dma_start3A_1451] : memref<256x128xf32, #tpu.memory_space<vmem>> -> memref<16x128xf32, #tpu.memory_space<vmem>>
        %dma_start3A_1453 = arith.constant 16 : i32
        %dma_start3A_1454 = tpu.memref_slice %arg4[%dma_start3A_1453, %multiple_of3A_1446] : memref<32x1000000xf32, #tpu.memory_space<hbm>> -> memref<16x128xf32, #tpu.memory_space<hbm>>
        %dma_start3A_1455 = arith.constant 16 : i32
        %dma_start3A_1456 = arith.constant 0 : i32
        %dma_start3A_1457 = tpu.memref_slice %arg11[%dma_start3A_1455, %dma_start3A_1456] : memref<256x128xf32, #tpu.memory_space<vmem>> -> memref<16x128xf32, #tpu.memory_space<vmem>>
        %dma_start3A_1458 = arith.constant 16 : i32
        %dma_start3A_1459 = tpu.memref_slice %arg4[%dma_start3A_1458, %multiple_of3A_1446] : memref<32x1000000xf32, #tpu.memory_space<hbm>> -> memref<16x128xf32, #tpu.memory_space<hbm>>
        tpu.enqueue_dma source(%dma_start3A_1459 : memref<16x128xf32, #tpu.memory_space<hbm>>) target(%dma_start3A_1457 : memref<16x128xf32, #tpu.memory_space<vmem>>) target_semaphore(%arg17 : memref<!tpu.dma_semaphore, #tpu.memory_space<semaphore_mem>>)
        %dma_start3A_1460 = arith.constant 16 : i32
        %dma_start3A_1461 = arith.constant 0 : i32
        %dma_start3A_1462 = tpu.memref_slice %arg12[%dma_start3A_1460, %dma_start3A_1461] : memref<256x128xf32, #tpu.memory_space<vmem>> -> memref<16x128xf32, #tpu.memory_space<vmem>>
        %dma_start3A_1463 = arith.constant 16 : i32
        %dma_start3A_1464 = tpu.memref_slice %arg5[%dma_start3A_1463, %multiple_of3A_1449] : memref<32x1000000xf32, #tpu.memory_space<hbm>> -> memref<16x128xf32, #tpu.memory_space<hbm>>
        %dma_start3A_1465 = arith.constant 16 : i32
        %dma_start3A_1466 = arith.constant 0 : i32
        %dma_start3A_1467 = tpu.memref_slice %arg12[%dma_start3A_1465, %dma_start3A_1466] : memref<256x128xf32, #tpu.memory_space<vmem>> -> memref<16x128xf32, #tpu.memory_space<vmem>>
        %dma_start3A_1468 = arith.constant 16 : i32
        %dma_start3A_1469 = tpu.memref_slice %arg5[%dma_start3A_1468, %multiple_of3A_1449] : memref<32x1000000xf32, #tpu.memory_space<hbm>> -> memref<16x128xf32, #tpu.memory_space<hbm>>
        tpu.enqueue_dma source(%dma_start3A_1469 : memref<16x128xf32, #tpu.memory_space<hbm>>) target(%dma_start3A_1467 : memref<16x128xf32, #tpu.memory_space<vmem>>) target_semaphore(%arg17 : memref<!tpu.dma_semaphore, #tpu.memory_space<semaphore_mem>>)
        %slice3A_1470 = vector.extract_strided_slice %and3A_1414 {offsets = [2], sizes = [1], strides = [1]} : vector<16xi32> to vector<1xi32>
        %squeeze3A_1471 = vector.extract %slice3A_1470[0] : i32 from vector<1xi32>
        %multiple_of3A_1472 = tpu.assume_multiple %squeeze3A_1471, 128 : i32
        %slice3A_1473 = vector.extract_strided_slice %and3A_1417 {offsets = [2], sizes = [1], strides = [1]} : vector<16xi32> to vector<1xi32>
        %squeeze3A_1474 = vector.extract %slice3A_1473[0] : i32 from vector<1xi32>
        %multiple_of3A_1475 = tpu.assume_multiple %squeeze3A_1474, 128 : i32
        %dma_start3A_1476 = arith.constant 32 : i32
        %dma_start3A_1477 = arith.constant 0 : i32
        %dma_start3A_1478 = tpu.memref_slice %arg11[%dma_start3A_1476, %dma_start3A_1477] : memref<256x128xf32, #tpu.memory_space<vmem>> -> memref<16x128xf32, #tpu.memory_space<vmem>>
        %dma_start3A_1479 = arith.constant 16 : i32
        %dma_start3A_1480 = tpu.memref_slice %arg4[%dma_start3A_1479, %multiple_of3A_1472] : memref<32x1000000xf32, #tpu.memory_space<hbm>> -> memref<16x128xf32, #tpu.memory_space<hbm>>
        %dma_start3A_1481 = arith.constant 32 : i32
        %dma_start3A_1482 = arith.constant 0 : i32
        %dma_start3A_1483 = tpu.memref_slice %arg11[%dma_start3A_1481, %dma_start3A_1482] : memref<256x128xf32, #tpu.memory_space<vmem>> -> memref<16x128xf32, #tpu.memory_space<vmem>>
        %dma_start3A_1484 = arith.constant 16 : i32
        %dma_start3A_1485 = tpu.memref_slice %arg4[%dma_start3A_1484, %multiple_of3A_1472] : memref<32x1000000xf32, #tpu.memory_space<hbm>> -> memref<16x128xf32, #tpu.memory_space<hbm>>
        tpu.enqueue_dma source(%dma_start3A_1485 : memref<16x128xf32, #tpu.memory_space<hbm>>) target(%dma_start3A_1483 : memref<16x128xf32, #tpu.memory_space<vmem>>) target_semaphore(%arg17 : memref<!tpu.dma_semaphore, #tpu.memory_space<semaphore_mem>>)
        %dma_start3A_1486 = arith.constant 32 : i32
        %dma_start3A_1487 = arith.constant 0 : i32
        %dma_start3A_1488 = tpu.memref_slice %arg12[%dma_start3A_1486, %dma_start3A_1487] : memref<256x128xf32, #tpu.memory_space<vmem>> -> memref<16x128xf32, #tpu.memory_space<vmem>>
        %dma_start3A_1489 = arith.constant 16 : i32
        %dma_start3A_1490 = tpu.memref_slice %arg5[%dma_start3A_1489, %multiple_of3A_1475] : memref<32x1000000xf32, #tpu.memory_space<hbm>> -> memref<16x128xf32, #tpu.memory_space<hbm>>
        %dma_start3A_1491 = arith.constant 32 : i32
        %dma_start3A_1492 = arith.constant 0 : i32
        %dma_start3A_1493 = tpu.memref_slice %arg12[%dma_start3A_1491, %dma_start3A_1492] : memref<256x128xf32, #tpu.memory_space<vmem>> -> memref<16x128xf32, #tpu.memory_space<vmem>>
        %dma_start3A_1494 = arith.constant 16 : i32
        %dma_start3A_1495 = tpu.memref_slice %arg5[%dma_start3A_1494, %multiple_of3A_1475] : memref<32x1000000xf32, #tpu.memory_space<hbm>> -> memref<16x128xf32, #tpu.memory_space<hbm>>
        tpu.enqueue_dma source(%dma_start3A_1495 : memref<16x128xf32, #tpu.memory_space<hbm>>) target(%dma_start3A_1493 : memref<16x128xf32, #tpu.memory_space<vmem>>) target_semaphore(%arg17 : memref<!tpu.dma_semaphore, #tpu.memory_space<semaphore_mem>>)
        %slice3A_1496 = vector.extract_strided_slice %and3A_1414 {offsets = [3], sizes = [1], strides = [1]} : vector<16xi32> to vector<1xi32>
        %squeeze3A_1497 = vector.extract %slice3A_1496[0] : i32 from vector<1xi32>
        %multiple_of3A_1498 = tpu.assume_multiple %squeeze3A_1497, 128 : i32
        %slice3A_1499 = vector.extract_strided_slice %and3A_1417 {offsets = [3], sizes = [1], strides = [1]} : vector<16xi32> to vector<1xi32>
        %squeeze3A_1500 = vector.extract %slice3A_1499[0] : i32 from vector<1xi32>
        %multiple_of3A_1501 = tpu.assume_multiple %squeeze3A_1500, 128 : i32
        %dma_start3A_1502 = arith.constant 48 : i32
        %dma_start3A_1503 = arith.constant 0 : i32
        %dma_start3A_1504 = tpu.memref_slice %arg11[%dma_start3A_1502, %dma_start3A_1503] : memref<256x128xf32, #tpu.memory_space<vmem>> -> memref<16x128xf32, #tpu.memory_space<vmem>>
        %dma_start3A_1505 = arith.constant 16 : i32
        %dma_start3A_1506 = tpu.memref_slice %arg4[%dma_start3A_1505, %multiple_of3A_1498] : memref<32x1000000xf32, #tpu.memory_space<hbm>> -> memref<16x128xf32, #tpu.memory_space<hbm>>
        %dma_start3A_1507 = arith.constant 48 : i32
        %dma_start3A_1508 = arith.constant 0 : i32
        %dma_start3A_1509 = tpu.memref_slice %arg11[%dma_start3A_1507, %dma_start3A_1508] : memref<256x128xf32, #tpu.memory_space<vmem>> -> memref<16x128xf32, #tpu.memory_space<vmem>>
        %dma_start3A_1510 = arith.constant 16 : i32
        %dma_start3A_1511 = tpu.memref_slice %arg4[%dma_start3A_1510, %multiple_of3A_1498] : memref<32x1000000xf32, #tpu.memory_space<hbm>> -> memref<16x128xf32, #tpu.memory_space<hbm>>
        tpu.enqueue_dma source(%dma_start3A_1511 : memref<16x128xf32, #tpu.memory_space<hbm>>) target(%dma_start3A_1509 : memref<16x128xf32, #tpu.memory_space<vmem>>) target_semaphore(%arg17 : memref<!tpu.dma_semaphore, #tpu.memory_space<semaphore_mem>>)
        %dma_start3A_1512 = arith.constant 48 : i32
        %dma_start3A_1513 = arith.constant 0 : i32
        %dma_start3A_1514 = tpu.memref_slice %arg12[%dma_start3A_1512, %dma_start3A_1513] : memref<256x128xf32, #tpu.memory_space<vmem>> -> memref<16x128xf32, #tpu.memory_space<vmem>>
        %dma_start3A_1515 = arith.constant 16 : i32
        %dma_start3A_1516 = tpu.memref_slice %arg5[%dma_start3A_1515, %multiple_of3A_1501] : memref<32x1000000xf32, #tpu.memory_space<hbm>> -> memref<16x128xf32, #tpu.memory_space<hbm>>
        %dma_start3A_1517 = arith.constant 48 : i32
        %dma_start3A_1518 = arith.constant 0 : i32
        %dma_start3A_1519 = tpu.memref_slice %arg12[%dma_start3A_1517, %dma_start3A_1518] : memref<256x128xf32, #tpu.memory_space<vmem>> -> memref<16x128xf32, #tpu.memory_space<vmem>>
        %dma_start3A_1520 = arith.constant 16 : i32
        %dma_start3A_1521 = tpu.memref_slice %arg5[%dma_start3A_1520, %multiple_of3A_1501] : memref<32x1000000xf32, #tpu.memory_space<hbm>> -> memref<16x128xf32, #tpu.memory_space<hbm>>
        tpu.enqueue_dma source(%dma_start3A_1521 : memref<16x128xf32, #tpu.memory_space<hbm>>) target(%dma_start3A_1519 : memref<16x128xf32, #tpu.memory_space<vmem>>) target_semaphore(%arg17 : memref<!tpu.dma_semaphore, #tpu.memory_space<semaphore_mem>>)
        %slice3A_1522 = vector.extract_strided_slice %and3A_1414 {offsets = [4], sizes = [1], strides = [1]} : vector<16xi32> to vector<1xi32>
        %squeeze3A_1523 = vector.extract %slice3A_1522[0] : i32 from vector<1xi32>
        %multiple_of3A_1524 = tpu.assume_multiple %squeeze3A_1523, 128 : i32
        %slice3A_1525 = vector.extract_strided_slice %and3A_1417 {offsets = [4], sizes = [1], strides = [1]} : vector<16xi32> to vector<1xi32>
        %squeeze3A_1526 = vector.extract %slice3A_1525[0] : i32 from vector<1xi32>
        %multiple_of3A_1527 = tpu.assume_multiple %squeeze3A_1526, 128 : i32
        %dma_start3A_1528 = arith.constant 64 : i32
        %dma_start3A_1529 = arith.constant 0 : i32
        %dma_start3A_1530 = tpu.memref_slice %arg11[%dma_start3A_1528, %dma_start3A_1529] : memref<256x128xf32, #tpu.memory_space<vmem>> -> memref<16x128xf32, #tpu.memory_space<vmem>>
        %dma_start3A_1531 = arith.constant 16 : i32
        %dma_start3A_1532 = tpu.memref_slice %arg4[%dma_start3A_1531, %multiple_of3A_1524] : memref<32x1000000xf32, #tpu.memory_space<hbm>> -> memref<16x128xf32, #tpu.memory_space<hbm>>
        %dma_start3A_1533 = arith.constant 64 : i32
        %dma_start3A_1534 = arith.constant 0 : i32
        %dma_start3A_1535 = tpu.memref_slice %arg11[%dma_start3A_1533, %dma_start3A_1534] : memref<256x128xf32, #tpu.memory_space<vmem>> -> memref<16x128xf32, #tpu.memory_space<vmem>>
        %dma_start3A_1536 = arith.constant 16 : i32
        %dma_start3A_1537 = tpu.memref_slice %arg4[%dma_start3A_1536, %multiple_of3A_1524] : memref<32x1000000xf32, #tpu.memory_space<hbm>> -> memref<16x128xf32, #tpu.memory_space<hbm>>
        tpu.enqueue_dma source(%dma_start3A_1537 : memref<16x128xf32, #tpu.memory_space<hbm>>) target(%dma_start3A_1535 : memref<16x128xf32, #tpu.memory_space<vmem>>) target_semaphore(%arg17 : memref<!tpu.dma_semaphore, #tpu.memory_space<semaphore_mem>>)
        %dma_start3A_1538 = arith.constant 64 : i32
        %dma_start3A_1539 = arith.constant 0 : i32
        %dma_start3A_1540 = tpu.memref_slice %arg12[%dma_start3A_1538, %dma_start3A_1539] : memref<256x128xf32, #tpu.memory_space<vmem>> -> memref<16x128xf32, #tpu.memory_space<vmem>>
        %dma_start3A_1541 = arith.constant 16 : i32
        %dma_start3A_1542 = tpu.memref_slice %arg5[%dma_start3A_1541, %multiple_of3A_1527] : memref<32x1000000xf32, #tpu.memory_space<hbm>> -> memref<16x128xf32, #tpu.memory_space<hbm>>
        %dma_start3A_1543 = arith.constant 64 : i32
        %dma_start3A_1544 = arith.constant 0 : i32
        %dma_start3A_1545 = tpu.memref_slice %arg12[%dma_start3A_1543, %dma_start3A_1544] : memref<256x128xf32, #tpu.memory_space<vmem>> -> memref<16x128xf32, #tpu.memory_space<vmem>>
        %dma_start3A_1546 = arith.constant 16 : i32
        %dma_start3A_1547 = tpu.memref_slice %arg5[%dma_start3A_1546, %multiple_of3A_1527] : memref<32x1000000xf32, #tpu.memory_space<hbm>> -> memref<16x128xf32, #tpu.memory_space<hbm>>
        tpu.enqueue_dma source(%dma_start3A_1547 : memref<16x128xf32, #tpu.memory_space<hbm>>) target(%dma_start3A_1545 : memref<16x128xf32, #tpu.memory_space<vmem>>) target_semaphore(%arg17 : memref<!tpu.dma_semaphore, #tpu.memory_space<semaphore_mem>>)
        %slice3A_1548 = vector.extract_strided_slice %and3A_1414 {offsets = [5], sizes = [1], strides = [1]} : vector<16xi32> to vector<1xi32>
        %squeeze3A_1549 = vector.extract %slice3A_1548[0] : i32 from vector<1xi32>
        %multiple_of3A_1550 = tpu.assume_multiple %squeeze3A_1549, 128 : i32
        %slice3A_1551 = vector.extract_strided_slice %and3A_1417 {offsets = [5], sizes = [1], strides = [1]} : vector<16xi32> to vector<1xi32>
        %squeeze3A_1552 = vector.extract %slice3A_1551[0] : i32 from vector<1xi32>
        %multiple_of3A_1553 = tpu.assume_multiple %squeeze3A_1552, 128 : i32
        %dma_start3A_1554 = arith.constant 80 : i32
        %dma_start3A_1555 = arith.constant 0 : i32
        %dma_start3A_1556 = tpu.memref_slice %arg11[%dma_start3A_1554, %dma_start3A_1555] : memref<256x128xf32, #tpu.memory_space<vmem>> -> memref<16x128xf32, #tpu.memory_space<vmem>>
        %dma_start3A_1557 = arith.constant 16 : i32
        %dma_start3A_1558 = tpu.memref_slice %arg4[%dma_start3A_1557, %multiple_of3A_1550] : memref<32x1000000xf32, #tpu.memory_space<hbm>> -> memref<16x128xf32, #tpu.memory_space<hbm>>
        %dma_start3A_1559 = arith.constant 80 : i32
        %dma_start3A_1560 = arith.constant 0 : i32
        %dma_start3A_1561 = tpu.memref_slice %arg11[%dma_start3A_1559, %dma_start3A_1560] : memref<256x128xf32, #tpu.memory_space<vmem>> -> memref<16x128xf32, #tpu.memory_space<vmem>>
        %dma_start3A_1562 = arith.constant 16 : i32
        %dma_start3A_1563 = tpu.memref_slice %arg4[%dma_start3A_1562, %multiple_of3A_1550] : memref<32x1000000xf32, #tpu.memory_space<hbm>> -> memref<16x128xf32, #tpu.memory_space<hbm>>
        tpu.enqueue_dma source(%dma_start3A_1563 : memref<16x128xf32, #tpu.memory_space<hbm>>) target(%dma_start3A_1561 : memref<16x128xf32, #tpu.memory_space<vmem>>) target_semaphore(%arg17 : memref<!tpu.dma_semaphore, #tpu.memory_space<semaphore_mem>>)
        %dma_start3A_1564 = arith.constant 80 : i32
        %dma_start3A_1565 = arith.constant 0 : i32
        %dma_start3A_1566 = tpu.memref_slice %arg12[%dma_start3A_1564, %dma_start3A_1565] : memref<256x128xf32, #tpu.memory_space<vmem>> -> memref<16x128xf32, #tpu.memory_space<vmem>>
        %dma_start3A_1567 = arith.constant 16 : i32
        %dma_start3A_1568 = tpu.memref_slice %arg5[%dma_start3A_1567, %multiple_of3A_1553] : memref<32x1000000xf32, #tpu.memory_space<hbm>> -> memref<16x128xf32, #tpu.memory_space<hbm>>
        %dma_start3A_1569 = arith.constant 80 : i32
        %dma_start3A_1570 = arith.constant 0 : i32
        %dma_start3A_1571 = tpu.memref_slice %arg12[%dma_start3A_1569, %dma_start3A_1570] : memref<256x128xf32, #tpu.memory_space<vmem>> -> memref<16x128xf32, #tpu.memory_space<vmem>>
        %dma_start3A_1572 = arith.constant 16 : i32
        %dma_start3A_1573 = tpu.memref_slice %arg5[%dma_start3A_1572, %multiple_of3A_1553] : memref<32x1000000xf32, #tpu.memory_space<hbm>> -> memref<16x128xf32, #tpu.memory_space<hbm>>
        tpu.enqueue_dma source(%dma_start3A_1573 : memref<16x128xf32, #tpu.memory_space<hbm>>) target(%dma_start3A_1571 : memref<16x128xf32, #tpu.memory_space<vmem>>) target_semaphore(%arg17 : memref<!tpu.dma_semaphore, #tpu.memory_space<semaphore_mem>>)
        %slice3A_1574 = vector.extract_strided_slice %and3A_1414 {offsets = [6], sizes = [1], strides = [1]} : vector<16xi32> to vector<1xi32>
        %squeeze3A_1575 = vector.extract %slice3A_1574[0] : i32 from vector<1xi32>
        %multiple_of3A_1576 = tpu.assume_multiple %squeeze3A_1575, 128 : i32
        %slice3A_1577 = vector.extract_strided_slice %and3A_1417 {offsets = [6], sizes = [1], strides = [1]} : vector<16xi32> to vector<1xi32>
        %squeeze3A_1578 = vector.extract %slice3A_1577[0] : i32 from vector<1xi32>
        %multiple_of3A_1579 = tpu.assume_multiple %squeeze3A_1578, 128 : i32
        %dma_start3A_1580 = arith.constant 96 : i32
        %dma_start3A_1581 = arith.constant 0 : i32
        %dma_start3A_1582 = tpu.memref_slice %arg11[%dma_start3A_1580, %dma_start3A_1581] : memref<256x128xf32, #tpu.memory_space<vmem>> -> memref<16x128xf32, #tpu.memory_space<vmem>>
        %dma_start3A_1583 = arith.constant 16 : i32
        %dma_start3A_1584 = tpu.memref_slice %arg4[%dma_start3A_1583, %multiple_of3A_1576] : memref<32x1000000xf32, #tpu.memory_space<hbm>> -> memref<16x128xf32, #tpu.memory_space<hbm>>
        %dma_start3A_1585 = arith.constant 96 : i32
        %dma_start3A_1586 = arith.constant 0 : i32
        %dma_start3A_1587 = tpu.memref_slice %arg11[%dma_start3A_1585, %dma_start3A_1586] : memref<256x128xf32, #tpu.memory_space<vmem>> -> memref<16x128xf32, #tpu.memory_space<vmem>>
        %dma_start3A_1588 = arith.constant 16 : i32
        %dma_start3A_1589 = tpu.memref_slice %arg4[%dma_start3A_1588, %multiple_of3A_1576] : memref<32x1000000xf32, #tpu.memory_space<hbm>> -> memref<16x128xf32, #tpu.memory_space<hbm>>
        tpu.enqueue_dma source(%dma_start3A_1589 : memref<16x128xf32, #tpu.memory_space<hbm>>) target(%dma_start3A_1587 : memref<16x128xf32, #tpu.memory_space<vmem>>) target_semaphore(%arg17 : memref<!tpu.dma_semaphore, #tpu.memory_space<semaphore_mem>>)
        %dma_start3A_1590 = arith.constant 96 : i32
        %dma_start3A_1591 = arith.constant 0 : i32
        %dma_start3A_1592 = tpu.memref_slice %arg12[%dma_start3A_1590, %dma_start3A_1591] : memref<256x128xf32, #tpu.memory_space<vmem>> -> memref<16x128xf32, #tpu.memory_space<vmem>>
        %dma_start3A_1593 = arith.constant 16 : i32
        %dma_start3A_1594 = tpu.memref_slice %arg5[%dma_start3A_1593, %multiple_of3A_1579] : memref<32x1000000xf32, #tpu.memory_space<hbm>> -> memref<16x128xf32, #tpu.memory_space<hbm>>
        %dma_start3A_1595 = arith.constant 96 : i32
        %dma_start3A_1596 = arith.constant 0 : i32
        %dma_start3A_1597 = tpu.memref_slice %arg12[%dma_start3A_1595, %dma_start3A_1596] : memref<256x128xf32, #tpu.memory_space<vmem>> -> memref<16x128xf32, #tpu.memory_space<vmem>>
        %dma_start3A_1598 = arith.constant 16 : i32
        %dma_start3A_1599 = tpu.memref_slice %arg5[%dma_start3A_1598, %multiple_of3A_1579] : memref<32x1000000xf32, #tpu.memory_space<hbm>> -> memref<16x128xf32, #tpu.memory_space<hbm>>
        tpu.enqueue_dma source(%dma_start3A_1599 : memref<16x128xf32, #tpu.memory_space<hbm>>) target(%dma_start3A_1597 : memref<16x128xf32, #tpu.memory_space<vmem>>) target_semaphore(%arg17 : memref<!tpu.dma_semaphore, #tpu.memory_space<semaphore_mem>>)
        %slice3A_1600 = vector.extract_strided_slice %and3A_1414 {offsets = [7], sizes = [1], strides = [1]} : vector<16xi32> to vector<1xi32>
        %squeeze3A_1601 = vector.extract %slice3A_1600[0] : i32 from vector<1xi32>
        %multiple_of3A_1602 = tpu.assume_multiple %squeeze3A_1601, 128 : i32
        %slice3A_1603 = vector.extract_strided_slice %and3A_1417 {offsets = [7], sizes = [1], strides = [1]} : vector<16xi32> to vector<1xi32>
        %squeeze3A_1604 = vector.extract %slice3A_1603[0] : i32 from vector<1xi32>
        %multiple_of3A_1605 = tpu.assume_multiple %squeeze3A_1604, 128 : i32
        %dma_start3A_1606 = arith.constant 112 : i32
        %dma_start3A_1607 = arith.constant 0 : i32
        %dma_start3A_1608 = tpu.memref_slice %arg11[%dma_start3A_1606, %dma_start3A_1607] : memref<256x128xf32, #tpu.memory_space<vmem>> -> memref<16x128xf32, #tpu.memory_space<vmem>>
        %dma_start3A_1609 = arith.constant 16 : i32
        %dma_start3A_1610 = tpu.memref_slice %arg4[%dma_start3A_1609, %multiple_of3A_1602] : memref<32x1000000xf32, #tpu.memory_space<hbm>> -> memref<16x128xf32, #tpu.memory_space<hbm>>
        %dma_start3A_1611 = arith.constant 112 : i32
        %dma_start3A_1612 = arith.constant 0 : i32
        %dma_start3A_1613 = tpu.memref_slice %arg11[%dma_start3A_1611, %dma_start3A_1612] : memref<256x128xf32, #tpu.memory_space<vmem>> -> memref<16x128xf32, #tpu.memory_space<vmem>>
        %dma_start3A_1614 = arith.constant 16 : i32
        %dma_start3A_1615 = tpu.memref_slice %arg4[%dma_start3A_1614, %multiple_of3A_1602] : memref<32x1000000xf32, #tpu.memory_space<hbm>> -> memref<16x128xf32, #tpu.memory_space<hbm>>
        tpu.enqueue_dma source(%dma_start3A_1615 : memref<16x128xf32, #tpu.memory_space<hbm>>) target(%dma_start3A_1613 : memref<16x128xf32, #tpu.memory_space<vmem>>) target_semaphore(%arg17 : memref<!tpu.dma_semaphore, #tpu.memory_space<semaphore_mem>>)
        %dma_start3A_1616 = arith.constant 112 : i32
        %dma_start3A_1617 = arith.constant 0 : i32
        %dma_start3A_1618 = tpu.memref_slice %arg12[%dma_start3A_1616, %dma_start3A_1617] : memref<256x128xf32, #tpu.memory_space<vmem>> -> memref<16x128xf32, #tpu.memory_space<vmem>>
        %dma_start3A_1619 = arith.constant 16 : i32
        %dma_start3A_1620 = tpu.memref_slice %arg5[%dma_start3A_1619, %multiple_of3A_1605] : memref<32x1000000xf32, #tpu.memory_space<hbm>> -> memref<16x128xf32, #tpu.memory_space<hbm>>
        %dma_start3A_1621 = arith.constant 112 : i32
        %dma_start3A_1622 = arith.constant 0 : i32
        %dma_start3A_1623 = tpu.memref_slice %arg12[%dma_start3A_1621, %dma_start3A_1622] : memref<256x128xf32, #tpu.memory_space<vmem>> -> memref<16x128xf32, #tpu.memory_space<vmem>>
        %dma_start3A_1624 = arith.constant 16 : i32
        %dma_start3A_1625 = tpu.memref_slice %arg5[%dma_start3A_1624, %multiple_of3A_1605] : memref<32x1000000xf32, #tpu.memory_space<hbm>> -> memref<16x128xf32, #tpu.memory_space<hbm>>
        tpu.enqueue_dma source(%dma_start3A_1625 : memref<16x128xf32, #tpu.memory_space<hbm>>) target(%dma_start3A_1623 : memref<16x128xf32, #tpu.memory_space<vmem>>) target_semaphore(%arg17 : memref<!tpu.dma_semaphore, #tpu.memory_space<semaphore_mem>>)
      } else {
      }
      %dma_wait3A_1167 = arith.constant 128 : i32
      %dma_wait3A_1168 = arith.constant 0 : i32
      %dma_wait3A_1169 = tpu.memref_slice %arg11[%dma_wait3A_1167, %dma_wait3A_1168] : memref<256x128xf32, #tpu.memory_space<vmem>> -> memref<128x128xf32, #tpu.memory_space<vmem>>
      %dma_wait3A_1170 = arith.constant 0 : i32
      %dma_wait3A_1171 = arith.constant 0 : i32
      %dma_wait3A_1172 = tpu.memref_slice %arg4[%dma_wait3A_1170, %dma_wait3A_1171] : memref<32x1000000xf32, #tpu.memory_space<hbm>> -> memref<16x128xf32, #tpu.memory_space<hbm>>
      %dma_wait3A_1173 = arith.constant 128 : i32
      %dma_wait3A_1174 = arith.constant 0 : i32
      %dma_wait3A_1175 = tpu.memref_slice %arg11[%dma_wait3A_1173, %dma_wait3A_1174] : memref<256x128xf32, #tpu.memory_space<vmem>> -> memref<128x128xf32, #tpu.memory_space<vmem>>
      %dma_wait3A_1176 = arith.constant 0 : i32
      %dma_wait3A_1177 = arith.constant 0 : i32
      %dma_wait3A_1178 = tpu.memref_slice %arg4[%dma_wait3A_1176, %dma_wait3A_1177] : memref<32x1000000xf32, #tpu.memory_space<hbm>> -> memref<16x128xf32, #tpu.memory_space<hbm>>
      tpu.wait_dma2 semaphore(%arg18 : memref<!tpu.dma_semaphore, #tpu.memory_space<semaphore_mem>>) src(%dma_wait3A_1178 : memref<16x128xf32, #tpu.memory_space<hbm>>) dst(%dma_wait3A_1175 : memref<128x128xf32, #tpu.memory_space<vmem>>)
      %dma_wait3A_1179 = arith.constant 128 : i32
      %dma_wait3A_1180 = arith.constant 0 : i32
      %dma_wait3A_1181 = tpu.memref_slice %arg12[%dma_wait3A_1179, %dma_wait3A_1180] : memref<256x128xf32, #tpu.memory_space<vmem>> -> memref<128x128xf32, #tpu.memory_space<vmem>>
      %dma_wait3A_1182 = arith.constant 0 : i32
      %dma_wait3A_1183 = arith.constant 0 : i32
      %dma_wait3A_1184 = tpu.memref_slice %arg5[%dma_wait3A_1182, %dma_wait3A_1183] : memref<32x1000000xf32, #tpu.memory_space<hbm>> -> memref<16x128xf32, #tpu.memory_space<hbm>>
      %dma_wait3A_1185 = arith.constant 128 : i32
      %dma_wait3A_1186 = arith.constant 0 : i32
      %dma_wait3A_1187 = tpu.memref_slice %arg12[%dma_wait3A_1185, %dma_wait3A_1186] : memref<256x128xf32, #tpu.memory_space<vmem>> -> memref<128x128xf32, #tpu.memory_space<vmem>>
      %dma_wait3A_1188 = arith.constant 0 : i32
      %dma_wait3A_1189 = arith.constant 0 : i32
      %dma_wait3A_1190 = tpu.memref_slice %arg5[%dma_wait3A_1188, %dma_wait3A_1189] : memref<32x1000000xf32, #tpu.memory_space<hbm>> -> memref<16x128xf32, #tpu.memory_space<hbm>>
      tpu.wait_dma2 semaphore(%arg18 : memref<!tpu.dma_semaphore, #tpu.memory_space<semaphore_mem>>) src(%dma_wait3A_1190 : memref<16x128xf32, #tpu.memory_space<hbm>>) dst(%dma_wait3A_1187 : memref<128x128xf32, #tpu.memory_space<vmem>>)
      %add3A_1191 = arith.constant 128 : i32
      %add3A_1192 = vector.broadcast %add3A_1191 : i32 to vector<16xi32>
      %add3A_1193 = arith.addi %add3A_1192, %iota3A : vector<16xi32>
      %slice3A_1194 = vector.extract_strided_slice %and3A_941 {offsets = [8], sizes = [1], strides = [1]} : vector<16xi32> to vector<1xi32>
      %squeeze3A_1195 = vector.extract %slice3A_1194[0] : i32 from vector<1xi32>
      %broadcast_in_dim3A_1196 = vector.broadcast %squeeze3A_1195 : i32 to vector<16xi32>
      %gather3A_1197 = tpu.vector_load_idx %arg11[%add3A_1193, %broadcast_in_dim3A_1196] : memref<256x128xf32, #tpu.memory_space<vmem>>[vector<16xi32>, vector<16xi32>], vector<16xf32>,
      %slice3A_1198 = vector.extract_strided_slice %and3A_944 {offsets = [8], sizes = [1], strides = [1]} : vector<16xi32> to vector<1xi32>
      %squeeze3A_1199 = vector.extract %slice3A_1198[0] : i32 from vector<1xi32>
      %broadcast_in_dim3A_1200 = vector.broadcast %squeeze3A_1199 : i32 to vector<16xi32>
      %gather3A_1201 = tpu.vector_load_idx %arg12[%add3A_1193, %broadcast_in_dim3A_1200] : memref<256x128xf32, #tpu.memory_space<vmem>>[vector<16xi32>, vector<16xi32>], vector<16xf32>,
      %mul3A_1202 = arith.mulf %gather3A_1197, %gather3A_1201 : vector<16xf32>
      %swap3A_1203 = arith.constant 0 : i32
      %swap3A_1204 = arith.index_cast %swap3A_1203 : i32 to index
      %swap3A_1205 = arith.constant 0 : index
      %swap3A_1206 = tpu.vector_load %arg13[%swap3A_1204, %swap3A_1205] {strides = array<i32>} : memref<8x16xf32, #tpu.memory_space<vmem>>, vector<16xf32>,
      tpu.vector_store %arg13[%swap3A_1204, %swap3A_1205], %mul3A_1202 {strides = array<i32>} : memref<8x16xf32, #tpu.memory_space<vmem>>, vector<16xf32>,
      %add3A_1207 = arith.constant 144 : i32
      %add3A_1208 = vector.broadcast %add3A_1207 : i32 to vector<16xi32>
      %add3A_1209 = arith.addi %add3A_1208, %iota3A : vector<16xi32>
      %slice3A_1210 = vector.extract_strided_slice %and3A_941 {offsets = [9], sizes = [1], strides = [1]} : vector<16xi32> to vector<1xi32>
      %squeeze3A_1211 = vector.extract %slice3A_1210[0] : i32 from vector<1xi32>
      %broadcast_in_dim3A_1212 = vector.broadcast %squeeze3A_1211 : i32 to vector<16xi32>
      %gather3A_1213 = tpu.vector_load_idx %arg11[%add3A_1209, %broadcast_in_dim3A_1212] : memref<256x128xf32, #tpu.memory_space<vmem>>[vector<16xi32>, vector<16xi32>], vector<16xf32>,
      %slice3A_1214 = vector.extract_strided_slice %and3A_944 {offsets = [9], sizes = [1], strides = [1]} : vector<16xi32> to vector<1xi32>
      %squeeze3A_1215 = vector.extract %slice3A_1214[0] : i32 from vector<1xi32>
      %broadcast_in_dim3A_1216 = vector.broadcast %squeeze3A_1215 : i32 to vector<16xi32>
      %gather3A_1217 = tpu.vector_load_idx %arg12[%add3A_1209, %broadcast_in_dim3A_1216] : memref<256x128xf32, #tpu.memory_space<vmem>>[vector<16xi32>, vector<16xi32>], vector<16xf32>,
      %mul3A_1218 = arith.mulf %gather3A_1213, %gather3A_1217 : vector<16xf32>
      %swap3A_1219 = arith.constant 1 : i32
      %swap3A_1220 = arith.index_cast %swap3A_1219 : i32 to index
      %swap3A_1221 = arith.constant 0 : index
      %swap3A_1222 = tpu.vector_load %arg13[%swap3A_1220, %swap3A_1221] {strides = array<i32>} : memref<8x16xf32, #tpu.memory_space<vmem>>, vector<16xf32>,
      tpu.vector_store %arg13[%swap3A_1220, %swap3A_1221], %mul3A_1218 {strides = array<i32>} : memref<8x16xf32, #tpu.memory_space<vmem>>, vector<16xf32>,
      %add3A_1223 = arith.constant 160 : i32
      %add3A_1224 = vector.broadcast %add3A_1223 : i32 to vector<16xi32>
      %add3A_1225 = arith.addi %add3A_1224, %iota3A : vector<16xi32>
      %slice3A_1226 = vector.extract_strided_slice %and3A_941 {offsets = [10], sizes = [1], strides = [1]} : vector<16xi32> to vector<1xi32>
      %squeeze3A_1227 = vector.extract %slice3A_1226[0] : i32 from vector<1xi32>
      %broadcast_in_dim3A_1228 = vector.broadcast %squeeze3A_1227 : i32 to vector<16xi32>
      %gather3A_1229 = tpu.vector_load_idx %arg11[%add3A_1225, %broadcast_in_dim3A_1228] : memref<256x128xf32, #tpu.memory_space<vmem>>[vector<16xi32>, vector<16xi32>], vector<16xf32>,
      %slice3A_1230 = vector.extract_strided_slice %and3A_944 {offsets = [10], sizes = [1], strides = [1]} : vector<16xi32> to vector<1xi32>
      %squeeze3A_1231 = vector.extract %slice3A_1230[0] : i32 from vector<1xi32>
      %broadcast_in_dim3A_1232 = vector.broadcast %squeeze3A_1231 : i32 to vector<16xi32>
      %gather3A_1233 = tpu.vector_load_idx %arg12[%add3A_1225, %broadcast_in_dim3A_1232] : memref<256x128xf32, #tpu.memory_space<vmem>>[vector<16xi32>, vector<16xi32>], vector<16xf32>,
      %mul3A_1234 = arith.mulf %gather3A_1229, %gather3A_1233 : vector<16xf32>
      %swap3A_1235 = arith.constant 2 : i32
      %swap3A_1236 = arith.index_cast %swap3A_1235 : i32 to index
      %swap3A_1237 = arith.constant 0 : index
      %swap3A_1238 = tpu.vector_load %arg13[%swap3A_1236, %swap3A_1237] {strides = array<i32>} : memref<8x16xf32, #tpu.memory_space<vmem>>, vector<16xf32>,
      tpu.vector_store %arg13[%swap3A_1236, %swap3A_1237], %mul3A_1234 {strides = array<i32>} : memref<8x16xf32, #tpu.memory_space<vmem>>, vector<16xf32>,
      %add3A_1239 = arith.constant 176 : i32
      %add3A_1240 = vector.broadcast %add3A_1239 : i32 to vector<16xi32>
      %add3A_1241 = arith.addi %add3A_1240, %iota3A : vector<16xi32>
      %slice3A_1242 = vector.extract_strided_slice %and3A_941 {offsets = [11], sizes = [1], strides = [1]} : vector<16xi32> to vector<1xi32>
      %squeeze3A_1243 = vector.extract %slice3A_1242[0] : i32 from vector<1xi32>
      %broadcast_in_dim3A_1244 = vector.broadcast %squeeze3A_1243 : i32 to vector<16xi32>
      %gather3A_1245 = tpu.vector_load_idx %arg11[%add3A_1241, %broadcast_in_dim3A_1244] : memref<256x128xf32, #tpu.memory_space<vmem>>[vector<16xi32>, vector<16xi32>], vector<16xf32>,
      %slice3A_1246 = vector.extract_strided_slice %and3A_944 {offsets = [11], sizes = [1], strides = [1]} : vector<16xi32> to vector<1xi32>
      %squeeze3A_1247 = vector.extract %slice3A_1246[0] : i32 from vector<1xi32>
      %broadcast_in_dim3A_1248 = vector.broadcast %squeeze3A_1247 : i32 to vector<16xi32>
      %gather3A_1249 = tpu.vector_load_idx %arg12[%add3A_1241, %broadcast_in_dim3A_1248] : memref<256x128xf32, #tpu.memory_space<vmem>>[vector<16xi32>, vector<16xi32>], vector<16xf32>,
      %mul3A_1250 = arith.mulf %gather3A_1245, %gather3A_1249 : vector<16xf32>
      %swap3A_1251 = arith.constant 3 : i32
      %swap3A_1252 = arith.index_cast %swap3A_1251 : i32 to index
      %swap3A_1253 = arith.constant 0 : index
      %swap3A_1254 = tpu.vector_load %arg13[%swap3A_1252, %swap3A_1253] {strides = array<i32>} : memref<8x16xf32, #tpu.memory_space<vmem>>, vector<16xf32>,
      tpu.vector_store %arg13[%swap3A_1252, %swap3A_1253], %mul3A_1250 {strides = array<i32>} : memref<8x16xf32, #tpu.memory_space<vmem>>, vector<16xf32>,
      %add3A_1255 = arith.constant 192 : i32
      %add3A_1256 = vector.broadcast %add3A_1255 : i32 to vector<16xi32>
      %add3A_1257 = arith.addi %add3A_1256, %iota3A : vector<16xi32>
      %slice3A_1258 = vector.extract_strided_slice %and3A_941 {offsets = [12], sizes = [1], strides = [1]} : vector<16xi32> to vector<1xi32>
      %squeeze3A_1259 = vector.extract %slice3A_1258[0] : i32 from vector<1xi32>
      %broadcast_in_dim3A_1260 = vector.broadcast %squeeze3A_1259 : i32 to vector<16xi32>
      %gather3A_1261 = tpu.vector_load_idx %arg11[%add3A_1257, %broadcast_in_dim3A_1260] : memref<256x128xf32, #tpu.memory_space<vmem>>[vector<16xi32>, vector<16xi32>], vector<16xf32>,
      %slice3A_1262 = vector.extract_strided_slice %and3A_944 {offsets = [12], sizes = [1], strides = [1]} : vector<16xi32> to vector<1xi32>
      %squeeze3A_1263 = vector.extract %slice3A_1262[0] : i32 from vector<1xi32>
      %broadcast_in_dim3A_1264 = vector.broadcast %squeeze3A_1263 : i32 to vector<16xi32>
      %gather3A_1265 = tpu.vector_load_idx %arg12[%add3A_1257, %broadcast_in_dim3A_1264] : memref<256x128xf32, #tpu.memory_space<vmem>>[vector<16xi32>, vector<16xi32>], vector<16xf32>,
      %mul3A_1266 = arith.mulf %gather3A_1261, %gather3A_1265 : vector<16xf32>
      %swap3A_1267 = arith.constant 4 : i32
      %swap3A_1268 = arith.index_cast %swap3A_1267 : i32 to index
      %swap3A_1269 = arith.constant 0 : index
      %swap3A_1270 = tpu.vector_load %arg13[%swap3A_1268, %swap3A_1269] {strides = array<i32>} : memref<8x16xf32, #tpu.memory_space<vmem>>, vector<16xf32>,
      tpu.vector_store %arg13[%swap3A_1268, %swap3A_1269], %mul3A_1266 {strides = array<i32>} : memref<8x16xf32, #tpu.memory_space<vmem>>, vector<16xf32>,
      %add3A_1271 = arith.constant 208 : i32
      %add3A_1272 = vector.broadcast %add3A_1271 : i32 to vector<16xi32>
      %add3A_1273 = arith.addi %add3A_1272, %iota3A : vector<16xi32>
      %slice3A_1274 = vector.extract_strided_slice %and3A_941 {offsets = [13], sizes = [1], strides = [1]} : vector<16xi32> to vector<1xi32>
      %squeeze3A_1275 = vector.extract %slice3A_1274[0] : i32 from vector<1xi32>
      %broadcast_in_dim3A_1276 = vector.broadcast %squeeze3A_1275 : i32 to vector<16xi32>
      %gather3A_1277 = tpu.vector_load_idx %arg11[%add3A_1273, %broadcast_in_dim3A_1276] : memref<256x128xf32, #tpu.memory_space<vmem>>[vector<16xi32>, vector<16xi32>], vector<16xf32>,
      %slice3A_1278 = vector.extract_strided_slice %and3A_944 {offsets = [13], sizes = [1], strides = [1]} : vector<16xi32> to vector<1xi32>
      %squeeze3A_1279 = vector.extract %slice3A_1278[0] : i32 from vector<1xi32>
      %broadcast_in_dim3A_1280 = vector.broadcast %squeeze3A_1279 : i32 to vector<16xi32>
      %gather3A_1281 = tpu.vector_load_idx %arg12[%add3A_1273, %broadcast_in_dim3A_1280] : memref<256x128xf32, #tpu.memory_space<vmem>>[vector<16xi32>, vector<16xi32>], vector<16xf32>,
      %mul3A_1282 = arith.mulf %gather3A_1277, %gather3A_1281 : vector<16xf32>
      %swap3A_1283 = arith.constant 5 : i32
      %swap3A_1284 = arith.index_cast %swap3A_1283 : i32 to index
      %swap3A_1285 = arith.constant 0 : index
      %swap3A_1286 = tpu.vector_load %arg13[%swap3A_1284, %swap3A_1285] {strides = array<i32>} : memref<8x16xf32, #tpu.memory_space<vmem>>, vector<16xf32>,
      tpu.vector_store %arg13[%swap3A_1284, %swap3A_1285], %mul3A_1282 {strides = array<i32>} : memref<8x16xf32, #tpu.memory_space<vmem>>, vector<16xf32>,
      %add3A_1287 = arith.constant 224 : i32
      %add3A_1288 = vector.broadcast %add3A_1287 : i32 to vector<16xi32>
      %add3A_1289 = arith.addi %add3A_1288, %iota3A : vector<16xi32>
      %slice3A_1290 = vector.extract_strided_slice %and3A_941 {offsets = [14], sizes = [1], strides = [1]} : vector<16xi32> to vector<1xi32>
      %squeeze3A_1291 = vector.extract %slice3A_1290[0] : i32 from vector<1xi32>
      %broadcast_in_dim3A_1292 = vector.broadcast %squeeze3A_1291 : i32 to vector<16xi32>
      %gather3A_1293 = tpu.vector_load_idx %arg11[%add3A_1289, %broadcast_in_dim3A_1292] : memref<256x128xf32, #tpu.memory_space<vmem>>[vector<16xi32>, vector<16xi32>], vector<16xf32>,
      %slice3A_1294 = vector.extract_strided_slice %and3A_944 {offsets = [14], sizes = [1], strides = [1]} : vector<16xi32> to vector<1xi32>
      %squeeze3A_1295 = vector.extract %slice3A_1294[0] : i32 from vector<1xi32>
      %broadcast_in_dim3A_1296 = vector.broadcast %squeeze3A_1295 : i32 to vector<16xi32>
      %gather3A_1297 = tpu.vector_load_idx %arg12[%add3A_1289, %broadcast_in_dim3A_1296] : memref<256x128xf32, #tpu.memory_space<vmem>>[vector<16xi32>, vector<16xi32>], vector<16xf32>,
      %mul3A_1298 = arith.mulf %gather3A_1293, %gather3A_1297 : vector<16xf32>
      %swap3A_1299 = arith.constant 6 : i32
      %swap3A_1300 = arith.index_cast %swap3A_1299 : i32 to index
      %swap3A_1301 = arith.constant 0 : index
      %swap3A_1302 = tpu.vector_load %arg13[%swap3A_1300, %swap3A_1301] {strides = array<i32>} : memref<8x16xf32, #tpu.memory_space<vmem>>, vector<16xf32>,
      tpu.vector_store %arg13[%swap3A_1300, %swap3A_1301], %mul3A_1298 {strides = array<i32>} : memref<8x16xf32, #tpu.memory_space<vmem>>, vector<16xf32>,
      %add3A_1303 = arith.constant 240 : i32
      %add3A_1304 = vector.broadcast %add3A_1303 : i32 to vector<16xi32>
      %add3A_1305 = arith.addi %add3A_1304, %iota3A : vector<16xi32>
      %slice3A_1306 = vector.extract_strided_slice %and3A_941 {offsets = [15], sizes = [1], strides = [1]} : vector<16xi32> to vector<1xi32>
      %squeeze3A_1307 = vector.extract %slice3A_1306[0] : i32 from vector<1xi32>
      %broadcast_in_dim3A_1308 = vector.broadcast %squeeze3A_1307 : i32 to vector<16xi32>
      %gather3A_1309 = tpu.vector_load_idx %arg11[%add3A_1305, %broadcast_in_dim3A_1308] : memref<256x128xf32, #tpu.memory_space<vmem>>[vector<16xi32>, vector<16xi32>], vector<16xf32>,
      %slice3A_1310 = vector.extract_strided_slice %and3A_944 {offsets = [15], sizes = [1], strides = [1]} : vector<16xi32> to vector<1xi32>
      %squeeze3A_1311 = vector.extract %slice3A_1310[0] : i32 from vector<1xi32>
      %broadcast_in_dim3A_1312 = vector.broadcast %squeeze3A_1311 : i32 to vector<16xi32>
      %gather3A_1313 = tpu.vector_load_idx %arg12[%add3A_1305, %broadcast_in_dim3A_1312] : memref<256x128xf32, #tpu.memory_space<vmem>>[vector<16xi32>, vector<16xi32>], vector<16xf32>,
      %mul3A_1314 = arith.mulf %gather3A_1309, %gather3A_1313 : vector<16xf32>
      %swap3A_1315 = arith.constant 7 : i32
      %swap3A_1316 = arith.index_cast %swap3A_1315 : i32 to index
      %swap3A_1317 = arith.constant 0 : index
      %swap3A_1318 = tpu.vector_load %arg13[%swap3A_1316, %swap3A_1317] {strides = array<i32>} : memref<8x16xf32, #tpu.memory_space<vmem>>, vector<16xf32>,
      tpu.vector_store %arg13[%swap3A_1316, %swap3A_1317], %mul3A_1314 {strides = array<i32>} : memref<8x16xf32, #tpu.memory_space<vmem>>, vector<16xf32>,
      %get3A_1319 = arith.constant 0 : i32
      %get3A_1320 = arith.index_cast %get3A_1319 : i32 to index
      %get3A_1321 = arith.constant 0 : index
      %get3A_1322 = tpu.vector_load %arg13[%get3A_1320, %get3A_1321] {strides = array<i32>} : memref<8x16xf32, #tpu.memory_space<vmem>>, vector<16xf32>,
      %mul3A_1323 = arith.constant 0.000000e+00 : f32
      %mul3A_1324 = vector.broadcast %mul3A_1323 : f32 to vector<16xf32>
      %mul3A_1325 = arith.mulf %get3A_1322, %mul3A_1324 : vector<16xf32>
      %broadcast_in_dim3A_1326 = arith.constant 0 : i32
      %broadcast_in_dim3A_1327 = vector.broadcast %broadcast_in_dim3A_1326 : i32 to vector<16xi32>
      %gather3A_1328 = tpu.vector_load_idx %arg13[%and3A_58, %broadcast_in_dim3A_1327] : memref<8x16xf32, #tpu.memory_space<vmem>>[vector<16xi32>, vector<16xi32>], vector<16xf32>,
      %add3A_1329 = arith.addf %mul3A_1325, %gather3A_1328 : vector<16xf32>
      %broadcast_in_dim3A_1330 = arith.constant 1 : i32
      %broadcast_in_dim3A_1331 = vector.broadcast %broadcast_in_dim3A_1330 : i32 to vector<16xi32>
      %gather3A_1332 = tpu.vector_load_idx %arg13[%and3A_58, %broadcast_in_dim3A_1331] : memref<8x16xf32, #tpu.memory_space<vmem>>[vector<16xi32>, vector<16xi32>], vector<16xf32>,
      %add3A_1333 = arith.addf %add3A_1329, %gather3A_1332 : vector<16xf32>
      %broadcast_in_dim3A_1334 = arith.constant 2 : i32
      %broadcast_in_dim3A_1335 = vector.broadcast %broadcast_in_dim3A_1334 : i32 to vector<16xi32>
      %gather3A_1336 = tpu.vector_load_idx %arg13[%and3A_58, %broadcast_in_dim3A_1335] : memref<8x16xf32, #tpu.memory_space<vmem>>[vector<16xi32>, vector<16xi32>], vector<16xf32>,
      %add3A_1337 = arith.addf %add3A_1333, %gather3A_1336 : vector<16xf32>
      %broadcast_in_dim3A_1338 = arith.constant 3 : i32
      %broadcast_in_dim3A_1339 = vector.broadcast %broadcast_in_dim3A_1338 : i32 to vector<16xi32>
      %gather3A_1340 = tpu.vector_load_idx %arg13[%and3A_58, %broadcast_in_dim3A_1339] : memref<8x16xf32, #tpu.memory_space<vmem>>[vector<16xi32>, vector<16xi32>], vector<16xf32>,
      %add3A_1341 = arith.addf %add3A_1337, %gather3A_1340 : vector<16xf32>
      %broadcast_in_dim3A_1342 = arith.constant 4 : i32
      %broadcast_in_dim3A_1343 = vector.broadcast %broadcast_in_dim3A_1342 : i32 to vector<16xi32>
      %gather3A_1344 = tpu.vector_load_idx %arg13[%and3A_58, %broadcast_in_dim3A_1343] : memref<8x16xf32, #tpu.memory_space<vmem>>[vector<16xi32>, vector<16xi32>], vector<16xf32>,
      %add3A_1345 = arith.addf %add3A_1341, %gather3A_1344 : vector<16xf32>
      %broadcast_in_dim3A_1346 = arith.constant 5 : i32
      %broadcast_in_dim3A_1347 = vector.broadcast %broadcast_in_dim3A_1346 : i32 to vector<16xi32>
      %gather3A_1348 = tpu.vector_load_idx %arg13[%and3A_58, %broadcast_in_dim3A_1347] : memref<8x16xf32, #tpu.memory_space<vmem>>[vector<16xi32>, vector<16xi32>], vector<16xf32>,
      %add3A_1349 = arith.addf %add3A_1345, %gather3A_1348 : vector<16xf32>
      %broadcast_in_dim3A_1350 = arith.constant 6 : i32
      %broadcast_in_dim3A_1351 = vector.broadcast %broadcast_in_dim3A_1350 : i32 to vector<16xi32>
      %gather3A_1352 = tpu.vector_load_idx %arg13[%and3A_58, %broadcast_in_dim3A_1351] : memref<8x16xf32, #tpu.memory_space<vmem>>[vector<16xi32>, vector<16xi32>], vector<16xf32>,
      %add3A_1353 = arith.addf %add3A_1349, %gather3A_1352 : vector<16xf32>
      %broadcast_in_dim3A_1354 = arith.constant 7 : i32
      %broadcast_in_dim3A_1355 = vector.broadcast %broadcast_in_dim3A_1354 : i32 to vector<16xi32>
      %gather3A_1356 = tpu.vector_load_idx %arg13[%and3A_58, %broadcast_in_dim3A_1355] : memref<8x16xf32, #tpu.memory_space<vmem>>[vector<16xi32>, vector<16xi32>], vector<16xf32>,
      %add3A_1357 = arith.addf %add3A_1353, %gather3A_1356 : vector<16xf32>
      %broadcast_in_dim3A_1358 = arith.constant 8 : i32
      %broadcast_in_dim3A_1359 = vector.broadcast %broadcast_in_dim3A_1358 : i32 to vector<16xi32>
      %gather3A_1360 = tpu.vector_load_idx %arg13[%and3A_58, %broadcast_in_dim3A_1359] : memref<8x16xf32, #tpu.memory_space<vmem>>[vector<16xi32>, vector<16xi32>], vector<16xf32>,
      %add3A_1361 = arith.addf %add3A_1357, %gather3A_1360 : vector<16xf32>
      %broadcast_in_dim3A_1362 = arith.constant 9 : i32
      %broadcast_in_dim3A_1363 = vector.broadcast %broadcast_in_dim3A_1362 : i32 to vector<16xi32>
      %gather3A_1364 = tpu.vector_load_idx %arg13[%and3A_58, %broadcast_in_dim3A_1363] : memref<8x16xf32, #tpu.memory_space<vmem>>[vector<16xi32>, vector<16xi32>], vector<16xf32>,
      %add3A_1365 = arith.addf %add3A_1361, %gather3A_1364 : vector<16xf32>
      %broadcast_in_dim3A_1366 = arith.constant 10 : i32
      %broadcast_in_dim3A_1367 = vector.broadcast %broadcast_in_dim3A_1366 : i32 to vector<16xi32>
      %gather3A_1368 = tpu.vector_load_idx %arg13[%and3A_58, %broadcast_in_dim3A_1367] : memref<8x16xf32, #tpu.memory_space<vmem>>[vector<16xi32>, vector<16xi32>], vector<16xf32>,
      %add3A_1369 = arith.addf %add3A_1365, %gather3A_1368 : vector<16xf32>
      %broadcast_in_dim3A_1370 = arith.constant 11 : i32
      %broadcast_in_dim3A_1371 = vector.broadcast %broadcast_in_dim3A_1370 : i32 to vector<16xi32>
      %gather3A_1372 = tpu.vector_load_idx %arg13[%and3A_58, %broadcast_in_dim3A_1371] : memref<8x16xf32, #tpu.memory_space<vmem>>[vector<16xi32>, vector<16xi32>], vector<16xf32>,
      %add3A_1373 = arith.addf %add3A_1369, %gather3A_1372 : vector<16xf32>
      %broadcast_in_dim3A_1374 = arith.constant 12 : i32
      %broadcast_in_dim3A_1375 = vector.broadcast %broadcast_in_dim3A_1374 : i32 to vector<16xi32>
      %gather3A_1376 = tpu.vector_load_idx %arg13[%and3A_58, %broadcast_in_dim3A_1375] : memref<8x16xf32, #tpu.memory_space<vmem>>[vector<16xi32>, vector<16xi32>], vector<16xf32>,
      %add3A_1377 = arith.addf %add3A_1373, %gather3A_1376 : vector<16xf32>
      %broadcast_in_dim3A_1378 = arith.constant 13 : i32
      %broadcast_in_dim3A_1379 = vector.broadcast %broadcast_in_dim3A_1378 : i32 to vector<16xi32>
      %gather3A_1380 = tpu.vector_load_idx %arg13[%and3A_58, %broadcast_in_dim3A_1379] : memref<8x16xf32, #tpu.memory_space<vmem>>[vector<16xi32>, vector<16xi32>], vector<16xf32>,
      %add3A_1381 = arith.addf %add3A_1377, %gather3A_1380 : vector<16xf32>
      %broadcast_in_dim3A_1382 = arith.constant 14 : i32
      %broadcast_in_dim3A_1383 = vector.broadcast %broadcast_in_dim3A_1382 : i32 to vector<16xi32>
      %gather3A_1384 = tpu.vector_load_idx %arg13[%and3A_58, %broadcast_in_dim3A_1383] : memref<8x16xf32, #tpu.memory_space<vmem>>[vector<16xi32>, vector<16xi32>], vector<16xf32>,
      %add3A_1385 = arith.addf %add3A_1381, %gather3A_1384 : vector<16xf32>
      %broadcast_in_dim3A_1386 = arith.constant 15 : i32
      %broadcast_in_dim3A_1387 = vector.broadcast %broadcast_in_dim3A_1386 : i32 to vector<16xi32>
      %gather3A_1388 = tpu.vector_load_idx %arg13[%and3A_58, %broadcast_in_dim3A_1387] : memref<8x16xf32, #tpu.memory_space<vmem>>[vector<16xi32>, vector<16xi32>], vector<16xf32>,
      %add3A_1389 = arith.addf %add3A_1385, %gather3A_1388 : vector<16xf32>
      %lt3A_1390 = arith.constant 31 : i32
      %lt3A_1391 = arith.cmpi slt, %scan3A_931, %lt3A_1390 : i32
      %convert_element_type3A_1392 = arith.extui %lt3A_1391 : i1 to i32
      %cond3A_1393 = arith.constant 0 : i32
      %cond3A_1394 = arith.cmpi ne, %convert_element_type3A_1392, %cond3A_1393 : i32
      scf.if %cond3A_1394 {
        %add3A_1403 = arith.constant 1 : i32
        %add3A_1404 = arith.addi %scan3A_931, %add3A_1403 : i32
        %mul3A_1405 = arith.constant 16 : i32
        %mul3A_1406 = arith.muli %add3A_1404, %mul3A_1405 : i32
        %multiple_of3A_1407 = tpu.assume_multiple %mul3A_1406, 16 : i32
        %get3A_1408 = arith.index_cast %multiple_of3A_1407 : i32 to index
        %get3A_1409 = tpu.vector_load %arg9[%get3A_1408] {strides = array<i32>} : memref<512xi32, #tpu.memory_space<vmem>>, vector<16xi32>,
        %get3A_1410 = arith.index_cast %multiple_of3A_1407 : i32 to index
        %get3A_1411 = tpu.vector_load %arg10[%get3A_1410] {strides = array<i32>} : memref<512xi32, #tpu.memory_space<vmem>>, vector<16xi32>,
        %and3A_1412 = arith.constant -128 : i32
        %and3A_1413 = vector.broadcast %and3A_1412 : i32 to vector<16xi32>
        %and3A_1414 = arith.andi %get3A_1409, %and3A_1413 : vector<16xi32>
        %and3A_1415 = arith.constant -128 : i32
        %and3A_1416 = vector.broadcast %and3A_1415 : i32 to vector<16xi32>
        %and3A_1417 = arith.andi %get3A_1411, %and3A_1416 : vector<16xi32>
        %slice3A_1418 = vector.extract_strided_slice %and3A_1414 {offsets = [8], sizes = [1], strides = [1]} : vector<16xi32> to vector<1xi32>
        %squeeze3A_1419 = vector.extract %slice3A_1418[0] : i32 from vector<1xi32>
        %multiple_of3A_1420 = tpu.assume_multiple %squeeze3A_1419, 128 : i32
        %slice3A_1421 = vector.extract_strided_slice %and3A_1417 {offsets = [8], sizes = [1], strides = [1]} : vector<16xi32> to vector<1xi32>
        %squeeze3A_1422 = vector.extract %slice3A_1421[0] : i32 from vector<1xi32>
        %multiple_of3A_1423 = tpu.assume_multiple %squeeze3A_1422, 128 : i32
        %dma_start3A_1424 = arith.constant 128 : i32
        %dma_start3A_1425 = arith.constant 0 : i32
        %dma_start3A_1426 = tpu.memref_slice %arg11[%dma_start3A_1424, %dma_start3A_1425] : memref<256x128xf32, #tpu.memory_space<vmem>> -> memref<16x128xf32, #tpu.memory_space<vmem>>
        %dma_start3A_1427 = arith.constant 16 : i32
        %dma_start3A_1428 = tpu.memref_slice %arg4[%dma_start3A_1427, %multiple_of3A_1420] : memref<32x1000000xf32, #tpu.memory_space<hbm>> -> memref<16x128xf32, #tpu.memory_space<hbm>>
        %dma_start3A_1429 = arith.constant 128 : i32
        %dma_start3A_1430 = arith.constant 0 : i32
        %dma_start3A_1431 = tpu.memref_slice %arg11[%dma_start3A_1429, %dma_start3A_1430] : memref<256x128xf32, #tpu.memory_space<vmem>> -> memref<16x128xf32, #tpu.memory_space<vmem>>
        %dma_start3A_1432 = arith.constant 16 : i32
        %dma_start3A_1433 = tpu.memref_slice %arg4[%dma_start3A_1432, %multiple_of3A_1420] : memref<32x1000000xf32, #tpu.memory_space<hbm>> -> memref<16x128xf32, #tpu.memory_space<hbm>>
        tpu.enqueue_dma source(%dma_start3A_1433 : memref<16x128xf32, #tpu.memory_space<hbm>>) target(%dma_start3A_1431 : memref<16x128xf32, #tpu.memory_space<vmem>>) target_semaphore(%arg18 : memref<!tpu.dma_semaphore, #tpu.memory_space<semaphore_mem>>)
        %dma_start3A_1434 = arith.constant 128 : i32
        %dma_start3A_1435 = arith.constant 0 : i32
        %dma_start3A_1436 = tpu.memref_slice %arg12[%dma_start3A_1434, %dma_start3A_1435] : memref<256x128xf32, #tpu.memory_space<vmem>> -> memref<16x128xf32, #tpu.memory_space<vmem>>
        %dma_start3A_1437 = arith.constant 16 : i32
        %dma_start3A_1438 = tpu.memref_slice %arg5[%dma_start3A_1437, %multiple_of3A_1423] : memref<32x1000000xf32, #tpu.memory_space<hbm>> -> memref<16x128xf32, #tpu.memory_space<hbm>>
        %dma_start3A_1439 = arith.constant 128 : i32
        %dma_start3A_1440 = arith.constant 0 : i32
        %dma_start3A_1441 = tpu.memref_slice %arg12[%dma_start3A_1439, %dma_start3A_1440] : memref<256x128xf32, #tpu.memory_space<vmem>> -> memref<16x128xf32, #tpu.memory_space<vmem>>
        %dma_start3A_1442 = arith.constant 16 : i32
        %dma_start3A_1443 = tpu.memref_slice %arg5[%dma_start3A_1442, %multiple_of3A_1423] : memref<32x1000000xf32, #tpu.memory_space<hbm>> -> memref<16x128xf32, #tpu.memory_space<hbm>>
        tpu.enqueue_dma source(%dma_start3A_1443 : memref<16x128xf32, #tpu.memory_space<hbm>>) target(%dma_start3A_1441 : memref<16x128xf32, #tpu.memory_space<vmem>>) target_semaphore(%arg18 : memref<!tpu.dma_semaphore, #tpu.memory_space<semaphore_mem>>)
        %slice3A_1444 = vector.extract_strided_slice %and3A_1414 {offsets = [9], sizes = [1], strides = [1]} : vector<16xi32> to vector<1xi32>
        %squeeze3A_1445 = vector.extract %slice3A_1444[0] : i32 from vector<1xi32>
        %multiple_of3A_1446 = tpu.assume_multiple %squeeze3A_1445, 128 : i32
        %slice3A_1447 = vector.extract_strided_slice %and3A_1417 {offsets = [9], sizes = [1], strides = [1]} : vector<16xi32> to vector<1xi32>
        %squeeze3A_1448 = vector.extract %slice3A_1447[0] : i32 from vector<1xi32>
        %multiple_of3A_1449 = tpu.assume_multiple %squeeze3A_1448, 128 : i32
        %dma_start3A_1450 = arith.constant 144 : i32
        %dma_start3A_1451 = arith.constant 0 : i32
        %dma_start3A_1452 = tpu.memref_slice %arg11[%dma_start3A_1450, %dma_start3A_1451] : memref<256x128xf32, #tpu.memory_space<vmem>> -> memref<16x128xf32, #tpu.memory_space<vmem>>
        %dma_start3A_1453 = arith.constant 16 : i32
        %dma_start3A_1454 = tpu.memref_slice %arg4[%dma_start3A_1453, %multiple_of3A_1446] : memref<32x1000000xf32, #tpu.memory_space<hbm>> -> memref<16x128xf32, #tpu.memory_space<hbm>>
        %dma_start3A_1455 = arith.constant 144 : i32
        %dma_start3A_1456 = arith.constant 0 : i32
        %dma_start3A_1457 = tpu.memref_slice %arg11[%dma_start3A_1455, %dma_start3A_1456] : memref<256x128xf32, #tpu.memory_space<vmem>> -> memref<16x128xf32, #tpu.memory_space<vmem>>
        %dma_start3A_1458 = arith.constant 16 : i32
        %dma_start3A_1459 = tpu.memref_slice %arg4[%dma_start3A_1458, %multiple_of3A_1446] : memref<32x1000000xf32, #tpu.memory_space<hbm>> -> memref<16x128xf32, #tpu.memory_space<hbm>>
        tpu.enqueue_dma source(%dma_start3A_1459 : memref<16x128xf32, #tpu.memory_space<hbm>>) target(%dma_start3A_1457 : memref<16x128xf32, #tpu.memory_space<vmem>>) target_semaphore(%arg18 : memref<!tpu.dma_semaphore, #tpu.memory_space<semaphore_mem>>)
        %dma_start3A_1460 = arith.constant 144 : i32
        %dma_start3A_1461 = arith.constant 0 : i32
        %dma_start3A_1462 = tpu.memref_slice %arg12[%dma_start3A_1460, %dma_start3A_1461] : memref<256x128xf32, #tpu.memory_space<vmem>> -> memref<16x128xf32, #tpu.memory_space<vmem>>
        %dma_start3A_1463 = arith.constant 16 : i32
        %dma_start3A_1464 = tpu.memref_slice %arg5[%dma_start3A_1463, %multiple_of3A_1449] : memref<32x1000000xf32, #tpu.memory_space<hbm>> -> memref<16x128xf32, #tpu.memory_space<hbm>>
        %dma_start3A_1465 = arith.constant 144 : i32
        %dma_start3A_1466 = arith.constant 0 : i32
        %dma_start3A_1467 = tpu.memref_slice %arg12[%dma_start3A_1465, %dma_start3A_1466] : memref<256x128xf32, #tpu.memory_space<vmem>> -> memref<16x128xf32, #tpu.memory_space<vmem>>
        %dma_start3A_1468 = arith.constant 16 : i32
        %dma_start3A_1469 = tpu.memref_slice %arg5[%dma_start3A_1468, %multiple_of3A_1449] : memref<32x1000000xf32, #tpu.memory_space<hbm>> -> memref<16x128xf32, #tpu.memory_space<hbm>>
        tpu.enqueue_dma source(%dma_start3A_1469 : memref<16x128xf32, #tpu.memory_space<hbm>>) target(%dma_start3A_1467 : memref<16x128xf32, #tpu.memory_space<vmem>>) target_semaphore(%arg18 : memref<!tpu.dma_semaphore, #tpu.memory_space<semaphore_mem>>)
        %slice3A_1470 = vector.extract_strided_slice %and3A_1414 {offsets = [10], sizes = [1], strides = [1]} : vector<16xi32> to vector<1xi32>
        %squeeze3A_1471 = vector.extract %slice3A_1470[0] : i32 from vector<1xi32>
        %multiple_of3A_1472 = tpu.assume_multiple %squeeze3A_1471, 128 : i32
        %slice3A_1473 = vector.extract_strided_slice %and3A_1417 {offsets = [10], sizes = [1], strides = [1]} : vector<16xi32> to vector<1xi32>
        %squeeze3A_1474 = vector.extract %slice3A_1473[0] : i32 from vector<1xi32>
        %multiple_of3A_1475 = tpu.assume_multiple %squeeze3A_1474, 128 : i32
        %dma_start3A_1476 = arith.constant 160 : i32
        %dma_start3A_1477 = arith.constant 0 : i32
        %dma_start3A_1478 = tpu.memref_slice %arg11[%dma_start3A_1476, %dma_start3A_1477] : memref<256x128xf32, #tpu.memory_space<vmem>> -> memref<16x128xf32, #tpu.memory_space<vmem>>
        %dma_start3A_1479 = arith.constant 16 : i32
        %dma_start3A_1480 = tpu.memref_slice %arg4[%dma_start3A_1479, %multiple_of3A_1472] : memref<32x1000000xf32, #tpu.memory_space<hbm>> -> memref<16x128xf32, #tpu.memory_space<hbm>>
        %dma_start3A_1481 = arith.constant 160 : i32
        %dma_start3A_1482 = arith.constant 0 : i32
        %dma_start3A_1483 = tpu.memref_slice %arg11[%dma_start3A_1481, %dma_start3A_1482] : memref<256x128xf32, #tpu.memory_space<vmem>> -> memref<16x128xf32, #tpu.memory_space<vmem>>
        %dma_start3A_1484 = arith.constant 16 : i32
        %dma_start3A_1485 = tpu.memref_slice %arg4[%dma_start3A_1484, %multiple_of3A_1472] : memref<32x1000000xf32, #tpu.memory_space<hbm>> -> memref<16x128xf32, #tpu.memory_space<hbm>>
        tpu.enqueue_dma source(%dma_start3A_1485 : memref<16x128xf32, #tpu.memory_space<hbm>>) target(%dma_start3A_1483 : memref<16x128xf32, #tpu.memory_space<vmem>>) target_semaphore(%arg18 : memref<!tpu.dma_semaphore, #tpu.memory_space<semaphore_mem>>)
        %dma_start3A_1486 = arith.constant 160 : i32
        %dma_start3A_1487 = arith.constant 0 : i32
        %dma_start3A_1488 = tpu.memref_slice %arg12[%dma_start3A_1486, %dma_start3A_1487] : memref<256x128xf32, #tpu.memory_space<vmem>> -> memref<16x128xf32, #tpu.memory_space<vmem>>
        %dma_start3A_1489 = arith.constant 16 : i32
        %dma_start3A_1490 = tpu.memref_slice %arg5[%dma_start3A_1489, %multiple_of3A_1475] : memref<32x1000000xf32, #tpu.memory_space<hbm>> -> memref<16x128xf32, #tpu.memory_space<hbm>>
        %dma_start3A_1491 = arith.constant 160 : i32
        %dma_start3A_1492 = arith.constant 0 : i32
        %dma_start3A_1493 = tpu.memref_slice %arg12[%dma_start3A_1491, %dma_start3A_1492] : memref<256x128xf32, #tpu.memory_space<vmem>> -> memref<16x128xf32, #tpu.memory_space<vmem>>
        %dma_start3A_1494 = arith.constant 16 : i32
        %dma_start3A_1495 = tpu.memref_slice %arg5[%dma_start3A_1494, %multiple_of3A_1475] : memref<32x1000000xf32, #tpu.memory_space<hbm>> -> memref<16x128xf32, #tpu.memory_space<hbm>>
        tpu.enqueue_dma source(%dma_start3A_1495 : memref<16x128xf32, #tpu.memory_space<hbm>>) target(%dma_start3A_1493 : memref<16x128xf32, #tpu.memory_space<vmem>>) target_semaphore(%arg18 : memref<!tpu.dma_semaphore, #tpu.memory_space<semaphore_mem>>)
        %slice3A_1496 = vector.extract_strided_slice %and3A_1414 {offsets = [11], sizes = [1], strides = [1]} : vector<16xi32> to vector<1xi32>
        %squeeze3A_1497 = vector.extract %slice3A_1496[0] : i32 from vector<1xi32>
        %multiple_of3A_1498 = tpu.assume_multiple %squeeze3A_1497, 128 : i32
        %slice3A_1499 = vector.extract_strided_slice %and3A_1417 {offsets = [11], sizes = [1], strides = [1]} : vector<16xi32> to vector<1xi32>
        %squeeze3A_1500 = vector.extract %slice3A_1499[0] : i32 from vector<1xi32>
        %multiple_of3A_1501 = tpu.assume_multiple %squeeze3A_1500, 128 : i32
        %dma_start3A_1502 = arith.constant 176 : i32
        %dma_start3A_1503 = arith.constant 0 : i32
        %dma_start3A_1504 = tpu.memref_slice %arg11[%dma_start3A_1502, %dma_start3A_1503] : memref<256x128xf32, #tpu.memory_space<vmem>> -> memref<16x128xf32, #tpu.memory_space<vmem>>
        %dma_start3A_1505 = arith.constant 16 : i32
        %dma_start3A_1506 = tpu.memref_slice %arg4[%dma_start3A_1505, %multiple_of3A_1498] : memref<32x1000000xf32, #tpu.memory_space<hbm>> -> memref<16x128xf32, #tpu.memory_space<hbm>>
        %dma_start3A_1507 = arith.constant 176 : i32
        %dma_start3A_1508 = arith.constant 0 : i32
        %dma_start3A_1509 = tpu.memref_slice %arg11[%dma_start3A_1507, %dma_start3A_1508] : memref<256x128xf32, #tpu.memory_space<vmem>> -> memref<16x128xf32, #tpu.memory_space<vmem>>
        %dma_start3A_1510 = arith.constant 16 : i32
        %dma_start3A_1511 = tpu.memref_slice %arg4[%dma_start3A_1510, %multiple_of3A_1498] : memref<32x1000000xf32, #tpu.memory_space<hbm>> -> memref<16x128xf32, #tpu.memory_space<hbm>>
        tpu.enqueue_dma source(%dma_start3A_1511 : memref<16x128xf32, #tpu.memory_space<hbm>>) target(%dma_start3A_1509 : memref<16x128xf32, #tpu.memory_space<vmem>>) target_semaphore(%arg18 : memref<!tpu.dma_semaphore, #tpu.memory_space<semaphore_mem>>)
        %dma_start3A_1512 = arith.constant 176 : i32
        %dma_start3A_1513 = arith.constant 0 : i32
        %dma_start3A_1514 = tpu.memref_slice %arg12[%dma_start3A_1512, %dma_start3A_1513] : memref<256x128xf32, #tpu.memory_space<vmem>> -> memref<16x128xf32, #tpu.memory_space<vmem>>
        %dma_start3A_1515 = arith.constant 16 : i32
        %dma_start3A_1516 = tpu.memref_slice %arg5[%dma_start3A_1515, %multiple_of3A_1501] : memref<32x1000000xf32, #tpu.memory_space<hbm>> -> memref<16x128xf32, #tpu.memory_space<hbm>>
        %dma_start3A_1517 = arith.constant 176 : i32
        %dma_start3A_1518 = arith.constant 0 : i32
        %dma_start3A_1519 = tpu.memref_slice %arg12[%dma_start3A_1517, %dma_start3A_1518] : memref<256x128xf32, #tpu.memory_space<vmem>> -> memref<16x128xf32, #tpu.memory_space<vmem>>
        %dma_start3A_1520 = arith.constant 16 : i32
        %dma_start3A_1521 = tpu.memref_slice %arg5[%dma_start3A_1520, %multiple_of3A_1501] : memref<32x1000000xf32, #tpu.memory_space<hbm>> -> memref<16x128xf32, #tpu.memory_space<hbm>>
        tpu.enqueue_dma source(%dma_start3A_1521 : memref<16x128xf32, #tpu.memory_space<hbm>>) target(%dma_start3A_1519 : memref<16x128xf32, #tpu.memory_space<vmem>>) target_semaphore(%arg18 : memref<!tpu.dma_semaphore, #tpu.memory_space<semaphore_mem>>)
        %slice3A_1522 = vector.extract_strided_slice %and3A_1414 {offsets = [12], sizes = [1], strides = [1]} : vector<16xi32> to vector<1xi32>
        %squeeze3A_1523 = vector.extract %slice3A_1522[0] : i32 from vector<1xi32>
        %multiple_of3A_1524 = tpu.assume_multiple %squeeze3A_1523, 128 : i32
        %slice3A_1525 = vector.extract_strided_slice %and3A_1417 {offsets = [12], sizes = [1], strides = [1]} : vector<16xi32> to vector<1xi32>
        %squeeze3A_1526 = vector.extract %slice3A_1525[0] : i32 from vector<1xi32>
        %multiple_of3A_1527 = tpu.assume_multiple %squeeze3A_1526, 128 : i32
        %dma_start3A_1528 = arith.constant 192 : i32
        %dma_start3A_1529 = arith.constant 0 : i32
        %dma_start3A_1530 = tpu.memref_slice %arg11[%dma_start3A_1528, %dma_start3A_1529] : memref<256x128xf32, #tpu.memory_space<vmem>> -> memref<16x128xf32, #tpu.memory_space<vmem>>
        %dma_start3A_1531 = arith.constant 16 : i32
        %dma_start3A_1532 = tpu.memref_slice %arg4[%dma_start3A_1531, %multiple_of3A_1524] : memref<32x1000000xf32, #tpu.memory_space<hbm>> -> memref<16x128xf32, #tpu.memory_space<hbm>>
        %dma_start3A_1533 = arith.constant 192 : i32
        %dma_start3A_1534 = arith.constant 0 : i32
        %dma_start3A_1535 = tpu.memref_slice %arg11[%dma_start3A_1533, %dma_start3A_1534] : memref<256x128xf32, #tpu.memory_space<vmem>> -> memref<16x128xf32, #tpu.memory_space<vmem>>
        %dma_start3A_1536 = arith.constant 16 : i32
        %dma_start3A_1537 = tpu.memref_slice %arg4[%dma_start3A_1536, %multiple_of3A_1524] : memref<32x1000000xf32, #tpu.memory_space<hbm>> -> memref<16x128xf32, #tpu.memory_space<hbm>>
        tpu.enqueue_dma source(%dma_start3A_1537 : memref<16x128xf32, #tpu.memory_space<hbm>>) target(%dma_start3A_1535 : memref<16x128xf32, #tpu.memory_space<vmem>>) target_semaphore(%arg18 : memref<!tpu.dma_semaphore, #tpu.memory_space<semaphore_mem>>)
        %dma_start3A_1538 = arith.constant 192 : i32
        %dma_start3A_1539 = arith.constant 0 : i32
        %dma_start3A_1540 = tpu.memref_slice %arg12[%dma_start3A_1538, %dma_start3A_1539] : memref<256x128xf32, #tpu.memory_space<vmem>> -> memref<16x128xf32, #tpu.memory_space<vmem>>
        %dma_start3A_1541 = arith.constant 16 : i32
        %dma_start3A_1542 = tpu.memref_slice %arg5[%dma_start3A_1541, %multiple_of3A_1527] : memref<32x1000000xf32, #tpu.memory_space<hbm>> -> memref<16x128xf32, #tpu.memory_space<hbm>>
        %dma_start3A_1543 = arith.constant 192 : i32
        %dma_start3A_1544 = arith.constant 0 : i32
        %dma_start3A_1545 = tpu.memref_slice %arg12[%dma_start3A_1543, %dma_start3A_1544] : memref<256x128xf32, #tpu.memory_space<vmem>> -> memref<16x128xf32, #tpu.memory_space<vmem>>
        %dma_start3A_1546 = arith.constant 16 : i32
        %dma_start3A_1547 = tpu.memref_slice %arg5[%dma_start3A_1546, %multiple_of3A_1527] : memref<32x1000000xf32, #tpu.memory_space<hbm>> -> memref<16x128xf32, #tpu.memory_space<hbm>>
        tpu.enqueue_dma source(%dma_start3A_1547 : memref<16x128xf32, #tpu.memory_space<hbm>>) target(%dma_start3A_1545 : memref<16x128xf32, #tpu.memory_space<vmem>>) target_semaphore(%arg18 : memref<!tpu.dma_semaphore, #tpu.memory_space<semaphore_mem>>)
        %slice3A_1548 = vector.extract_strided_slice %and3A_1414 {offsets = [13], sizes = [1], strides = [1]} : vector<16xi32> to vector<1xi32>
        %squeeze3A_1549 = vector.extract %slice3A_1548[0] : i32 from vector<1xi32>
        %multiple_of3A_1550 = tpu.assume_multiple %squeeze3A_1549, 128 : i32
        %slice3A_1551 = vector.extract_strided_slice %and3A_1417 {offsets = [13], sizes = [1], strides = [1]} : vector<16xi32> to vector<1xi32>
        %squeeze3A_1552 = vector.extract %slice3A_1551[0] : i32 from vector<1xi32>
        %multiple_of3A_1553 = tpu.assume_multiple %squeeze3A_1552, 128 : i32
        %dma_start3A_1554 = arith.constant 208 : i32
        %dma_start3A_1555 = arith.constant 0 : i32
        %dma_start3A_1556 = tpu.memref_slice %arg11[%dma_start3A_1554, %dma_start3A_1555] : memref<256x128xf32, #tpu.memory_space<vmem>> -> memref<16x128xf32, #tpu.memory_space<vmem>>
        %dma_start3A_1557 = arith.constant 16 : i32
        %dma_start3A_1558 = tpu.memref_slice %arg4[%dma_start3A_1557, %multiple_of3A_1550] : memref<32x1000000xf32, #tpu.memory_space<hbm>> -> memref<16x128xf32, #tpu.memory_space<hbm>>
        %dma_start3A_1559 = arith.constant 208 : i32
        %dma_start3A_1560 = arith.constant 0 : i32
        %dma_start3A_1561 = tpu.memref_slice %arg11[%dma_start3A_1559, %dma_start3A_1560] : memref<256x128xf32, #tpu.memory_space<vmem>> -> memref<16x128xf32, #tpu.memory_space<vmem>>
        %dma_start3A_1562 = arith.constant 16 : i32
        %dma_start3A_1563 = tpu.memref_slice %arg4[%dma_start3A_1562, %multiple_of3A_1550] : memref<32x1000000xf32, #tpu.memory_space<hbm>> -> memref<16x128xf32, #tpu.memory_space<hbm>>
        tpu.enqueue_dma source(%dma_start3A_1563 : memref<16x128xf32, #tpu.memory_space<hbm>>) target(%dma_start3A_1561 : memref<16x128xf32, #tpu.memory_space<vmem>>) target_semaphore(%arg18 : memref<!tpu.dma_semaphore, #tpu.memory_space<semaphore_mem>>)
        %dma_start3A_1564 = arith.constant 208 : i32
        %dma_start3A_1565 = arith.constant 0 : i32
        %dma_start3A_1566 = tpu.memref_slice %arg12[%dma_start3A_1564, %dma_start3A_1565] : memref<256x128xf32, #tpu.memory_space<vmem>> -> memref<16x128xf32, #tpu.memory_space<vmem>>
        %dma_start3A_1567 = arith.constant 16 : i32
        %dma_start3A_1568 = tpu.memref_slice %arg5[%dma_start3A_1567, %multiple_of3A_1553] : memref<32x1000000xf32, #tpu.memory_space<hbm>> -> memref<16x128xf32, #tpu.memory_space<hbm>>
        %dma_start3A_1569 = arith.constant 208 : i32
        %dma_start3A_1570 = arith.constant 0 : i32
        %dma_start3A_1571 = tpu.memref_slice %arg12[%dma_start3A_1569, %dma_start3A_1570] : memref<256x128xf32, #tpu.memory_space<vmem>> -> memref<16x128xf32, #tpu.memory_space<vmem>>
        %dma_start3A_1572 = arith.constant 16 : i32
        %dma_start3A_1573 = tpu.memref_slice %arg5[%dma_start3A_1572, %multiple_of3A_1553] : memref<32x1000000xf32, #tpu.memory_space<hbm>> -> memref<16x128xf32, #tpu.memory_space<hbm>>
        tpu.enqueue_dma source(%dma_start3A_1573 : memref<16x128xf32, #tpu.memory_space<hbm>>) target(%dma_start3A_1571 : memref<16x128xf32, #tpu.memory_space<vmem>>) target_semaphore(%arg18 : memref<!tpu.dma_semaphore, #tpu.memory_space<semaphore_mem>>)
        %slice3A_1574 = vector.extract_strided_slice %and3A_1414 {offsets = [14], sizes = [1], strides = [1]} : vector<16xi32> to vector<1xi32>
        %squeeze3A_1575 = vector.extract %slice3A_1574[0] : i32 from vector<1xi32>
        %multiple_of3A_1576 = tpu.assume_multiple %squeeze3A_1575, 128 : i32
        %slice3A_1577 = vector.extract_strided_slice %and3A_1417 {offsets = [14], sizes = [1], strides = [1]} : vector<16xi32> to vector<1xi32>
        %squeeze3A_1578 = vector.extract %slice3A_1577[0] : i32 from vector<1xi32>
        %multiple_of3A_1579 = tpu.assume_multiple %squeeze3A_1578, 128 : i32
        %dma_start3A_1580 = arith.constant 224 : i32
        %dma_start3A_1581 = arith.constant 0 : i32
        %dma_start3A_1582 = tpu.memref_slice %arg11[%dma_start3A_1580, %dma_start3A_1581] : memref<256x128xf32, #tpu.memory_space<vmem>> -> memref<16x128xf32, #tpu.memory_space<vmem>>
        %dma_start3A_1583 = arith.constant 16 : i32
        %dma_start3A_1584 = tpu.memref_slice %arg4[%dma_start3A_1583, %multiple_of3A_1576] : memref<32x1000000xf32, #tpu.memory_space<hbm>> -> memref<16x128xf32, #tpu.memory_space<hbm>>
        %dma_start3A_1585 = arith.constant 224 : i32
        %dma_start3A_1586 = arith.constant 0 : i32
        %dma_start3A_1587 = tpu.memref_slice %arg11[%dma_start3A_1585, %dma_start3A_1586] : memref<256x128xf32, #tpu.memory_space<vmem>> -> memref<16x128xf32, #tpu.memory_space<vmem>>
        %dma_start3A_1588 = arith.constant 16 : i32
        %dma_start3A_1589 = tpu.memref_slice %arg4[%dma_start3A_1588, %multiple_of3A_1576] : memref<32x1000000xf32, #tpu.memory_space<hbm>> -> memref<16x128xf32, #tpu.memory_space<hbm>>
        tpu.enqueue_dma source(%dma_start3A_1589 : memref<16x128xf32, #tpu.memory_space<hbm>>) target(%dma_start3A_1587 : memref<16x128xf32, #tpu.memory_space<vmem>>) target_semaphore(%arg18 : memref<!tpu.dma_semaphore, #tpu.memory_space<semaphore_mem>>)
        %dma_start3A_1590 = arith.constant 224 : i32
        %dma_start3A_1591 = arith.constant 0 : i32
        %dma_start3A_1592 = tpu.memref_slice %arg12[%dma_start3A_1590, %dma_start3A_1591] : memref<256x128xf32, #tpu.memory_space<vmem>> -> memref<16x128xf32, #tpu.memory_space<vmem>>
        %dma_start3A_1593 = arith.constant 16 : i32
        %dma_start3A_1594 = tpu.memref_slice %arg5[%dma_start3A_1593, %multiple_of3A_1579] : memref<32x1000000xf32, #tpu.memory_space<hbm>> -> memref<16x128xf32, #tpu.memory_space<hbm>>
        %dma_start3A_1595 = arith.constant 224 : i32
        %dma_start3A_1596 = arith.constant 0 : i32
        %dma_start3A_1597 = tpu.memref_slice %arg12[%dma_start3A_1595, %dma_start3A_1596] : memref<256x128xf32, #tpu.memory_space<vmem>> -> memref<16x128xf32, #tpu.memory_space<vmem>>
        %dma_start3A_1598 = arith.constant 16 : i32
        %dma_start3A_1599 = tpu.memref_slice %arg5[%dma_start3A_1598, %multiple_of3A_1579] : memref<32x1000000xf32, #tpu.memory_space<hbm>> -> memref<16x128xf32, #tpu.memory_space<hbm>>
        tpu.enqueue_dma source(%dma_start3A_1599 : memref<16x128xf32, #tpu.memory_space<hbm>>) target(%dma_start3A_1597 : memref<16x128xf32, #tpu.memory_space<vmem>>) target_semaphore(%arg18 : memref<!tpu.dma_semaphore, #tpu.memory_space<semaphore_mem>>)
        %slice3A_1600 = vector.extract_strided_slice %and3A_1414 {offsets = [15], sizes = [1], strides = [1]} : vector<16xi32> to vector<1xi32>
        %squeeze3A_1601 = vector.extract %slice3A_1600[0] : i32 from vector<1xi32>
        %multiple_of3A_1602 = tpu.assume_multiple %squeeze3A_1601, 128 : i32
        %slice3A_1603 = vector.extract_strided_slice %and3A_1417 {offsets = [15], sizes = [1], strides = [1]} : vector<16xi32> to vector<1xi32>
        %squeeze3A_1604 = vector.extract %slice3A_1603[0] : i32 from vector<1xi32>
        %multiple_of3A_1605 = tpu.assume_multiple %squeeze3A_1604, 128 : i32
        %dma_start3A_1606 = arith.constant 240 : i32
        %dma_start3A_1607 = arith.constant 0 : i32
        %dma_start3A_1608 = tpu.memref_slice %arg11[%dma_start3A_1606, %dma_start3A_1607] : memref<256x128xf32, #tpu.memory_space<vmem>> -> memref<16x128xf32, #tpu.memory_space<vmem>>
        %dma_start3A_1609 = arith.constant 16 : i32
        %dma_start3A_1610 = tpu.memref_slice %arg4[%dma_start3A_1609, %multiple_of3A_1602] : memref<32x1000000xf32, #tpu.memory_space<hbm>> -> memref<16x128xf32, #tpu.memory_space<hbm>>
        %dma_start3A_1611 = arith.constant 240 : i32
        %dma_start3A_1612 = arith.constant 0 : i32
        %dma_start3A_1613 = tpu.memref_slice %arg11[%dma_start3A_1611, %dma_start3A_1612] : memref<256x128xf32, #tpu.memory_space<vmem>> -> memref<16x128xf32, #tpu.memory_space<vmem>>
        %dma_start3A_1614 = arith.constant 16 : i32
        %dma_start3A_1615 = tpu.memref_slice %arg4[%dma_start3A_1614, %multiple_of3A_1602] : memref<32x1000000xf32, #tpu.memory_space<hbm>> -> memref<16x128xf32, #tpu.memory_space<hbm>>
        tpu.enqueue_dma source(%dma_start3A_1615 : memref<16x128xf32, #tpu.memory_space<hbm>>) target(%dma_start3A_1613 : memref<16x128xf32, #tpu.memory_space<vmem>>) target_semaphore(%arg18 : memref<!tpu.dma_semaphore, #tpu.memory_space<semaphore_mem>>)
        %dma_start3A_1616 = arith.constant 240 : i32
        %dma_start3A_1617 = arith.constant 0 : i32
        %dma_start3A_1618 = tpu.memref_slice %arg12[%dma_start3A_1616, %dma_start3A_1617] : memref<256x128xf32, #tpu.memory_space<vmem>> -> memref<16x128xf32, #tpu.memory_space<vmem>>
        %dma_start3A_1619 = arith.constant 16 : i32
        %dma_start3A_1620 = tpu.memref_slice %arg5[%dma_start3A_1619, %multiple_of3A_1605] : memref<32x1000000xf32, #tpu.memory_space<hbm>> -> memref<16x128xf32, #tpu.memory_space<hbm>>
        %dma_start3A_1621 = arith.constant 240 : i32
        %dma_start3A_1622 = arith.constant 0 : i32
        %dma_start3A_1623 = tpu.memref_slice %arg12[%dma_start3A_1621, %dma_start3A_1622] : memref<256x128xf32, #tpu.memory_space<vmem>> -> memref<16x128xf32, #tpu.memory_space<vmem>>
        %dma_start3A_1624 = arith.constant 16 : i32
        %dma_start3A_1625 = tpu.memref_slice %arg5[%dma_start3A_1624, %multiple_of3A_1605] : memref<32x1000000xf32, #tpu.memory_space<hbm>> -> memref<16x128xf32, #tpu.memory_space<hbm>>
        tpu.enqueue_dma source(%dma_start3A_1625 : memref<16x128xf32, #tpu.memory_space<hbm>>) target(%dma_start3A_1623 : memref<16x128xf32, #tpu.memory_space<vmem>>) target_semaphore(%arg18 : memref<!tpu.dma_semaphore, #tpu.memory_space<semaphore_mem>>)
      } else {
      }
      %lt3A_1395 = arith.constant 8 : i32
      %lt3A_1396 = vector.broadcast %lt3A_1395 : i32 to vector<16xi32>
      %lt3A_1397 = arith.cmpi slt, %iota3A, %lt3A_1396 : vector<16xi32>
      %select_n3A = arith.select %lt3A_1397, %add3A_1164, %add3A_1389 : vector<16xi1>, vector<16xf32>
      %get3A_1398 = arith.index_cast %multiple_of3A_934 : i32 to index
      %get3A_1399 = tpu.vector_load %arg16[%get3A_1398] {strides = array<i32>} : memref<512xf32, #tpu.memory_space<vmem>>, vector<16xf32>,
      %add3A_1400 = arith.addf %select_n3A, %get3A_1399 : vector<16xf32>
      %swap3A_1401 = arith.index_cast %multiple_of3A_934 : i32 to index
      %swap3A_1402 = tpu.vector_load %arg16[%swap3A_1401] {strides = array<i32>} : memref<512xf32, #tpu.memory_space<vmem>>, vector<16xf32>,
      tpu.vector_store %arg16[%swap3A_1401], %add3A_1400 {strides = array<i32>} : memref<512xf32, #tpu.memory_space<vmem>>, vector<16xf32>,
    }
    %scan3A_930 = arith.constant 32 : i32
    "tpu.region"() ({
      %run_scoped3A = tpu.sem_alloc : memref<!tpu.dma_semaphore, #tpu.memory_space<semaphore_mem>>
      %dma_start3A_931 = tpu.memref_slice %arg8[%multiple_of3A] : memref<16384xf32, #tpu.memory_space<hbm>> -> memref<512xf32, #tpu.memory_space<hbm>>
      %dma_start3A_932 = tpu.memref_slice %arg8[%multiple_of3A] : memref<16384xf32, #tpu.memory_space<hbm>> -> memref<512xf32, #tpu.memory_space<hbm>>
      tpu.enqueue_dma source(%arg16 : memref<512xf32, #tpu.memory_space<vmem>>) target(%dma_start3A_932 : memref<512xf32, #tpu.memory_space<hbm>>) target_semaphore(%run_scoped3A : memref<!tpu.dma_semaphore, #tpu.memory_space<semaphore_mem>>)
      %dma_wait3A_933 = tpu.memref_slice %arg8[%multiple_of3A] : memref<16384xf32, #tpu.memory_space<hbm>> -> memref<512xf32, #tpu.memory_space<hbm>>
      %dma_wait3A_934 = tpu.memref_slice %arg8[%multiple_of3A] : memref<16384xf32, #tpu.memory_space<hbm>> -> memref<512xf32, #tpu.memory_space<hbm>>
      tpu.wait_dma2 semaphore(%run_scoped3A : memref<!tpu.dma_semaphore, #tpu.memory_space<semaphore_mem>>) src(%arg16 : memref<512xf32, #tpu.memory_space<vmem>>) dst(%dma_wait3A_934 : memref<512xf32, #tpu.memory_space<hbm>>)
      tpu.yield
    }) : () -> ()
    return
  }
}

</mosaic_0001>

<sc_bundles>
// kernel: _run.3.cloned.1.call-start
scs
__scs_entry_jumppad:
0x0: {  	(pc) =	sbr.rel $0x88, $3  }
0x1: {  	(tag) =	ssettag $0x0;
	lr =	simm.s32 $0x1  }
0x2: {  	[smem:$0x3F9B] =	sst lr;
	_ =	strace $0xD0000000  }
0x3: {  	_ = 	snop  }
0x4: {  	_ = 	snop  }
0x5: {  	_ = 	snop  }
0x6: {  	_ = 	snop  }
0x7: {  	_ = 	snop  }
__scs_overlays_trampoline_lowered:
0x8: {  	[smem:$0x3FAA] =	sst s0  }
0x9: {  	[smem:$0x3FAB] =	sst s1  }
0xa: {  	[smem:$0x3FAC] =	sst s2  }
0xb: {  	[smem:$0x3FAD] =	sst s3  }
0xc: {  	[smem:$0x3FAE] =	sst s4  }
0xd: {  	[smem:$0x3FAF] =	sst s5  }
0xe: {  	[smem:$0x3FB0] =	sst s6  }
0xf: {  	[smem:$0x3FB1] =	sst s7  }
0x10: {  	[smem:$0x3FB2] =	sst s8  }
0x11: {  	[smem:$0x3FB3] =	sst s9;
	s0 =	simm.s32 @!p0 $0x0  }
0x12: {  	s1 =	sld [smem:$0x3F99];
	s0 =	simm.s32 @p0 $0x1  }
0x13: {  	[smem:$0x3FB4] =	sst s0;
	s0 =	simm.s32 @!p1 $0x0  }
0x14: {  	s2 =	sld [smem:$0x3F98];
	s0 =	simm.s32 @p1 $0x1  }
0x15: {  	[smem:$0x3FB5] =	sst s0;
	s0 =	simm.s32 @!p2 $0x0  }
0x16: {  	s3 =	sld [smem:$0x3FDB];
	s0 =	simm.s32 @p2 $0x1  }
0x17: {  	s4 =	simm.s32 $0x1BF5;
	[smem:$0x3FB7] =	sst s0  }
0x18: {  	s0 =	sld [smem:$0x3F9A];
	_ =	swait.ge [sflag:s4], $0x0  }
0x19: {  	s7 =	sld [smem:$0x3F9B]  }
0x1a: {  	s8 =	sadd.s32 $0xFFFFE003, lr  }
0x1b: {  	s9 =	sadd.s32 $0xFFFFFEF7, lr;
	s5 =	simm.s32 $0xFFFFFFFF;
	p2 =	slt.u32 s8, $0xFFFFF086  }
0x1c: {  	p1 =	slt.u32 s9, $0xF7A;
	s5 =	simm.s32 @!p2 $0x0  }
0x1d: {  	s5 =	simm.s32 @p1 $0x1;
	p0 =	seq.s32 s7, s2  }
0x1e: {  	s7 =	smul.u32 @!p0 $0xF7A, s2;
	p2 =	seq.s32 @!p0 s5, $0x0  }
0x1f: {  	s9 =	smul.u32 $0xF7A, s1;
	s8 =	simm.s32 @!p0 $0x1BF5;
	p2 =	por !p2, p0  }
0x20: {  	[sflag:s8] =	ssyncset.s32 @!p0 $0xFFFFF086;
	s6 =	sadd.s32 @!p0 s3, s7;
	s7 =	simm.s32 @!p0 $0x108  }
0x21: {  	s3 =	sadd.s32 s3, s9;
	s6 =	sadd.s32 @!p0 $0x88, s6;
	s7 =	simm.s32 @p2 $0x1082  }
0x22: {  	[simem:s7], [sflag:s8] =	dma.local @!p0 [hbm:s6], $0xF7A  }
0x23: {  	s9 =	sor.u32 $0xD0000000, s2;
	s6 =	simm.s32 $0x108;
	_ =	swait.ge @!p0 [sflag:s8], $0x0  }
0x24: {  	s3 =	sadd.s32 $0x88, s3;
	s6 =	simm.s32 @!p1 $0x1082;
	[sflag:s4] =	ssyncset.s32 $0xFFFFF086  }
0x25: {  	[simem:s6], [sflag:s4] =	dma.local [hbm:s3], $0xF7A  }
0x26: {  	[smem:$0x3F9B] =	sst s1;
	(tag) =	ssettag s2;
	_ =	strace s9  }
0x27: {  	s1 =	sld [smem:$0x3FAB]  }
0x28: {  	s2 =	sld [smem:$0x3FAC]  }
0x29: {  	s4 =	sld [smem:$0x3FAE]  }
0x2a: {  	p0 =	seq.s32 s5, $0x0;
	s5 =	sld [smem:$0x3FAF]  }
0x2b: {  	s6 =	sld [smem:$0x3FB0]  }
0x2c: {  	s7 =	sld [smem:$0x3FB1]  }
0x2d: {  	s3 =	simm.s32 $0x108;
	s8 =	sld [smem:$0x3FB2]  }
0x2e: {  	s3 =	simm.s32 @!p0 $0x1082;
	s9 =	sld [smem:$0x3FB3]  }
0x2f: {  	lr =	sadd.s32 s0, s3;
	s0 =	sld [smem:$0x3FAA]  }
0x30: {  	s3 =	sld [smem:$0x3FAD]  }
0x31: {  	[smem:$0x3FB6] =	sst s10  }
0x32: {  	s10 =	sld [smem:$0x3FB4];
	_ =	sdelay $0x3  }
0x33: {  	p0 =	seq.s32 s10, $0x1;
	s10 =	sld [smem:$0x3FB6];
	_ =	sdelay $0x3  }
0x34: {  	[smem:$0x3FB6] =	sst s10  }
0x35: {  	s10 =	sld [smem:$0x3FB5];
	_ =	sdelay $0x3  }
0x36: {  	p1 =	seq.s32 s10, $0x1;
	s10 =	sld [smem:$0x3FB6];
	_ =	sdelay $0x3  }
0x37: {  	[smem:$0x3FB6] =	sst s10  }
0x38: {  	s10 =	sld [smem:$0x3FB7]  }
0x39: {  	_ = 	snop;
	(pc) =	sbr.ind lr, $3  }
0x3a: {  	_ = 	snop  }
0x3b: {  	_ = 	snop  }
0x3c: {  	p2 =	seq.s32 s10, $0x1;
	s10 =	sld [smem:$0x3FB6]  }
0x3d: {  	_ =	shalt  }
0x3e: {  	_ =	shalt  }
0x3f: {  	_ =	shalt  }
0x40: {  	_ =	shalt  }
0x41: {  	_ =	shalt  }
0x42: {  	_ =	shalt  }
0x43: {  	_ =	shalt  }
0x44: {  	_ =	shalt  }
0x45: {  	_ =	shalt  }
0x46: {  	_ =	shalt  }
0x47: {  	_ =	shalt  }
0x48: {  	_ =	shalt  }
0x49: {  	_ =	shalt  }
0x4a: {  	_ =	shalt  }
0x4b: {  	_ =	shalt  }
0x4c: {  	_ =	shalt  }
0x4d: {  	_ =	shalt  }
0x4e: {  	_ =	shalt  }
0x4f: {  	_ =	shalt  }
0x50: {  	_ =	shalt  }
0x51: {  	_ =	shalt  }
0x52: {  	_ =	shalt  }
0x53: {  	_ =	shalt  }
0x54: {  	_ =	shalt  }
0x55: {  	_ =	shalt  }
0x56: {  	_ =	shalt  }
0x57: {  	_ =	shalt  }
0x58: {  	_ =	shalt  }
0x59: {  	_ =	shalt  }
0x5a: {  	_ =	shalt  }
0x5b: {  	_ =	shalt  }
0x5c: {  	_ =	shalt  }
0x5d: {  	_ =	shalt  }
0x5e: {  	_ =	shalt  }
0x5f: {  	_ =	shalt  }
0x60: {  	_ =	shalt  }
0x61: {  	_ =	shalt  }
0x62: {  	_ =	shalt  }
0x63: {  	_ =	shalt  }
0x64: {  	_ =	shalt  }
0x65: {  	_ =	shalt  }
0x66: {  	_ =	shalt  }
0x67: {  	_ =	shalt  }
0x68: {  	_ =	shalt  }
0x69: {  	_ =	shalt  }
0x6a: {  	_ =	shalt  }
0x6b: {  	_ =	shalt  }
0x6c: {  	_ =	shalt  }
0x6d: {  	_ =	shalt  }
0x6e: {  	_ =	shalt  }
0x6f: {  	_ =	shalt  }
0x70: {  	_ =	shalt  }
0x71: {  	_ =	shalt  }
0x72: {  	_ =	shalt  }
0x73: {  	_ =	shalt  }
0x74: {  	_ =	shalt  }
0x75: {  	_ =	shalt  }
0x76: {  	_ =	shalt  }
0x77: {  	_ =	shalt  }
0x78: {  	_ =	shalt  }
0x79: {  	_ =	shalt  }
0x7a: {  	_ =	shalt  }
0x7b: {  	_ =	shalt  }
0x7c: {  	_ =	shalt  }
0x7d: {  	_ =	shalt  }
0x7e: {  	_ =	shalt  }
0x7f: {  	_ =	shalt  }
0x80: {  	_ =	shalt  }
0x81: {  	_ =	shalt  }
0x82: {  	_ =	shalt  }
0x83: {  	_ =	shalt  }
0x84: {  	_ =	shalt  }
0x85: {  	_ =	shalt  }
0x86: {  	_ =	shalt  }
0x87: {  	_ =	shalt  }
.Lfunc_end0:
.L_simem_size_0:
called_computation_lowered:
.L_overlay_start_0:
0x88: {  	s2 =	sld [smem:$0x3FD9]  }
0x89: {  	s3 =	sld [smem:$0x3FFE];
	_ =	sdelay $0x1  }
0x8a: {  	s1 =	srdreg.scid  }
0x8b: {  	s0 =	sand.u32 $0x1, s1  }
0x8c: {  	s18 =	sshll.u32 s0, $0xA;
	s2 =	sadd.s32 s3, s2  }
0x8d: {  	s2 =	sadd.s32 s2, s18  }
0x8e: {  	[smem:$0x3FC2] =	sst s2  }
0x8f: {  	_ = 	snop  }
0x90: {  	s2 =	sld [smem:$0x3FC9]  }
0x91: {  	s19 =	sld [smem:$0x3FC8]  }
0x92: {  	s4 =	sld [smem:$0x3FC7]  }
0x93: {  	s5 =	sld [smem:$0x3FC6]  }
0x94: {  	s6 =	sld [smem:$0x3FC5]  }
0x95: {  	s7 =	sld [smem:$0x3FC4]  }
0x96: {  	s8 =	sld [smem:$0x3FD0];
	(tm) =	ssettm $0x1  }
0x97: {  	s9 =	sld [smem:$0x3FFB];
	_ =	sdelay $0x3  }
0x98: {  	_ =	strace s9  }
0x99: {  	s9 =	sld [smem:$0x3FFC];
	_ =	sdelay $0x3  }
0x9a: {  	_ =	strace s9  }
0x9b: {  	s9 =	sld [smem:$0x3FFD];
	_ =	sdelay $0x3  }
0x9c: {  	_ =	strace s9  }
0x9d: {  	_ =	strace $0x8FFFFFFF  }
0x9e: {  	s20 =	sld [smem:$0x3FDB];
	_ =	sdelay $0x1  }
0x9f: {  	s10 =	simm.s32 $_scs_section_size  }
0xa0: {  	s11 =	simm.s32 $_size__tile_overlayer_lowered;
	s12 =	simm.s32 $_tile_overlayer_lowered  }
0xa1: {  	s23 =	simm.s32 $0x1BFF;
	s22 =	sshll.u32 s12, $0x1;
	s9 =	sadd.s32 s10, s20  }
0xa2: {  	s13 =	simm.s32 $0x0;
	s21 =	sshll.u32 s11, $0x1;
	s11 =	sadd.s32 s22, s9  }
0xa3: {  	[timem:s13], [sflag:s23] =	dma.local [hbm:s11], s21  }
0xa4: {  	_ =	swait.ge [sflag:s23], s21  }
0xa5: {  	s10 =	ssub.s32 $0x0, s21;
	[sflag:s23] =	ssyncset.done $0x0  }
0xa6: {  	[sflag:s23] =	ssyncadd.s32 s10;
	_ =	sdelay $0x1  }
0xa7: {  	s24 =	simm.s32 $0x1B8B  }
0xa8: {  	_ =	swait.ge [sflag:s24], $0x1  }
0xa9: {  	[sflag:s24] =	ssyncset.done $0x0  }
0xaa: {  	s25 =	simm.s32 $0x1B8E;
	[sflag:s24] =	ssyncadd.s32 $0xFFFFFFFF  }
0xab: {  	s26 =	simm.s32 $execute0_lowered;
	[smem:$0x3FD2] =	sst s25  }
0xac: {  	s10 =	sshll.u32 s26, $0x1;
	_ =	strace $0x80000046;
	[dreg:$0x1] =	wrdreg $0xFFFFFFFF  }
0xad: {  	s28 =	simm.s32 $_size_execute0_lowered;
	s9 =	sadd.s32 s9, s10;
	[dreg:$0x0] =	wrdreg $0x0  }
0xae: {  	s10 =	sshll.u32 s28, $0x1;
	[dreg:$0x2] =	wrdreg s9  }
0xaf: {  	[dreg:$0x3] =	wrdreg s10  }
0xb0: {  	[dreg:$0x4] =	wrdreg $0xC0  }
0xb1: {  	_ =	task [dreg:s13], $0x5FFFF  }
0xb2: {  	[dreg:$0x1] =	wrdreg $0xFFFFFFFF  }
0xb3: {  	[dreg:$0x0] =	wrdreg $0x60  }
0xb4: {  	[dreg:$0x2] =	wrdreg s2  }
0xb5: {  	[dreg:$0x3] =	wrdreg s19  }
0xb6: {  	[dreg:$0x4] =	wrdreg s4  }
0xb7: {  	[dreg:$0x5] =	wrdreg s5  }
0xb8: {  	[dreg:$0x6] =	wrdreg s6  }
0xb9: {  	[dreg:$0x7] =	wrdreg s7  }
0xba: {  	[dreg:$0x8] =	wrdreg s8  }
0xbb: {  	[dreg:$0x9] =	wrdreg $0x9  }
0xbc: {  	_ =	task.clear_ibuf [dreg:s13], $0xAFFFF;
	_ =	strace $0x90000046  }
0xbd: {  	s29 =	simm.s32 $0x9;
	_ =	strace $0x80000048  }
0xbe: {  	_ =	swait.ge [sflag:s29], $0x1  }
0xbf: {  	[sflag:s29] =	ssyncadd.s32 $0xFFFFFFFF  }
0xc0: {  	_ =	strace $0x90000048  }
0xc1: {  	_ =	sfence  }
0xc2: {  	s30 =	sld [smem:$0x0];
	_ =	sdelay $0x2  }
0xc3: {  	s31 =	sshll.u32 s1, $0xD;
	s1 =	sshrl.u32 s1, $0x2  }
0xc4: {  	s3 =	sand.u32 $0x4000, s31;
	s1 =	sadd.s32 s1, s30  }
0xc5: {  	s0 =	sor.u32 s3, s0;
	s1 =	sshll.u32 s1, $0x11  }
0xc6: {  	s0 =	sor.u32 s1, s0  }
0xc7: {  	s0 =	sadd.s32 $0x8F2B, s0  }
0xc8: {  	[sflag:s0] =	ssyncadd.remote.s32 $0x1  }
0xc9: {  	_ =	sfence.sel $0xFFFF  }
0xca: {  	[dreg:$0x0] =	wrdreg $0xFFFFFFFF;
	(pc) =	sbr.abs _section_cstart, $3  }
0xcb: {  	[dreg:$0x1] =	wrdreg $0xFFFFFFFF  }
0xcc: {  	_ =	task.clear_ibuf [dreg:s13], $0x2FFFF;
	_ =	strace $0x9FFFFFFF  }
0xcd: {  	(tm) =	ssettm $0x7FFFFFFF  }
tec
execute0_lowered:
.L_overlay_start_1:
0x0: {  	(tag) =	ssettag $0x1  }
0x1: {  	s0 =	rddreg [dreg:$0x0]  }
0x2: {  	s1 =	rddreg [dreg:$0x1]  }
0x3: {  	s7 =	rddreg [dreg:$0x2]  }
0x4: {  	s8 =	rddreg [dreg:$0x3]  }
0x5: {  	s2 =	rddreg [dreg:$0x6];
	s3 =	srdreg.scid;
	s24 =	simm.s32 $0x0  }
0x6: {  	s5 =	stileid.u32;
	s31 =	simm.s32 $0x7A1400;
	s14 =	simm.s32 $0xBC00  }
0x7: {  	s11 =	simm.s32 $0x4C00;
	s12 =	simm.s32 $0xCC00;
	s30 =	simm.s32 $0xDC00  }
0x8: {  	v0 =	vlaneseq.u32;
	s15 =	simm.s32 $0x6400;
	s13 =	simm.s32 $0xE400;
	s16 =	simm.s32 $0x7400  }
0x9: {  	s17 =	simm.s32 $0xF400;
	s18 =	simm.s32 $0x7C00;
	s19 =	simm.s32 $0xFC00;
	v1 =	vmul.u32 $0x80, v0;
	v0 =	vand.u32 $0x7, v0  }
0xa: {  	s20 =	simm.s32 $0x1;
	s21 =	simm.s32 $0x10400;
	vm0 =	vmmov $0xff;
	s22 =	simm.s32 $0x2;
	v5 =	vmul.u32 $0x80, v0  }
0xb: {  	s25 =	simm.s32 $0x0;
	s3 =	sand.u32 $0x1, s3;
	s5 =	sshll.u32 s5, $0x7;
	v2 =	vor.u32 $0x800, v1;
	v62 =	vor.u32 $0x1000, v1;
	v63 =	vor.u32 $0x1800, v1  }
0xc: {  	[smem:$0x7FF] =	sst s24;
	s9 =	sadd.s32 $0x1E8500, s7;
	s10 =	sadd.s32 $0x1E8500, s8;
	v4 =	vor.u32 $0x2000, v1;
	v6 =	vor.u32 $0x2800, v1;
	v7 =	vor.u32 $0x3000, v1  }
0xd: {  	s7 =	simm.s32 $0x4400;
	s8 =	simm.s32 $0xC400;
	s4 =	ssub.s32 $0x2, s3;
	v8 =	vor.u32 $0x3800, v1;
	v24 =	vor.u32 $0x4000, v1;
	v25 =	vor.u32 $0x4800, v1  }
0xe: {  	s3 =	sshll.u32 s3, $0x6;
	_ =	strace $0x80000047;
	s6 =	sshrl.u32 s4, $0x1;
	v26 =	vor.u32 $0x5000, v1;
	v27 =	vor.u32 $0x5800, v1;
	v28 =	vor.u32 $0x6000, v1  }
0xf: {  	s3 =	sor.u32 s3, s5;
	s5 =	simm.s32 $0x8400;
	v29 =	vor.u32 $0x6800, v1;
	v30 =	vor.u32 $0x7000, v1;
	v31 =	vor.u32 $0x7800, v1;
	s4 =	ssub.s32 s4, s6  }
.Ltmp0:
0x10: {  	s0 =	sadd.s32 s0, s3;
	s26 =	sadd.s32 s1, s3;
	v9 =	vor.u32 $0x1, v5;
	v10 =	vor.u32 $0x2, v5;
	v11 =	vor.u32 $0x3, v5;
	(pc) =	sbr.rel .LBB2_1-.Ltmp0, $4  }
0x11: {  	[tilespmem:$0x1FFF0] =	vst v1;
	s28 =	sadd.s32 s2, s3;
	v12 =	vor.u32 $0x4, v5;
	v13 =	vor.u32 $0x5, v5;
	v14 =	vor.u32 $0x6, v5;
	s3 =	simm.s32 $0x5400;
	[dreg:$0x8] =	wrdreg s0  }
0x12: {  	[tilespmem:$0x1FFC0] =	vst v2;
	v15 =	vor.u32 $0x7, v5;
	v16 =	vor.u32 $0x8, v5;
	v17 =	vor.u32 $0x9, v5;
	s6 =	simm.s32 $0x5C00;
	s1 =	simm.s32 $0x6C00;
	[dreg:$0x9] =	wrdreg s26  }
0x13: {  	[tilespmem:$0x1FFD0] =	vst v62;
	v18 =	vor.u32 $0xA, v5;
	v19 =	vor.u32 $0xB, v5;
	v20 =	vor.u32 $0xC, v5;
	s2 =	simm.s32 $0xEC00;
	[dreg:$0xa] =	wrdreg s28;
	s29 =	smax.u32 s4, $0x1  }
0x14: {  	[tilespmem:$0x1FFE0] =	vst v63;
	v21 =	vor.u32 $0xD, v5;
	v22 =	vor.u32 $0xE, v5;
	v23 =	vor.u32 $0xF, v5;
	s0 =	simm.s32 $0x400;
	s4 =	simm.s32 $0xD400;
	[dreg:$0xb] =	wrdreg s29  }
.LBB2_13:
0x15: {  	s24 =	simm.s32 $0x0  }
0x16: {  	s23 =	rddreg [dreg:$0xa];
	s25 =	simm.s32 $0x10C00;
	s29 =	simm.s32 $0x4  }
0x17: {  	[hbm4b:s23+s24] =	stream.linear.scatter [tilespmem:s25], [sflag:$0x4], $0x200, $0x38;
	[tilespmem:$0x10E00] =	vst v63  }
0x18: {  	_ =	swait.ge [sflag:s29], $0x200  }
0x19: {  	s26 =	rddreg [dreg:$0xc]  }
0x1a: {  	s28 =	rddreg [dreg:$0xb];
	s25 =	sadd.s32 $0x1, s26  }
0x1b: {  	p0 =	sne.s32 s25, s28  }
.Ltmp1:
0x1c: {  	_ = 	snop;
	(pc) =	sbr.rel @!p0 .LBB2_14-.Ltmp1, $3  }
0x1d: {  	_ =	sdelay $0x1  }
0x1e: {  	[sflag:s29] =	ssyncset.done $0x0;
	s29 =	simm.s32 $0x4  }
0x1f: {  	[sflag:s29] =	ssyncadd.s32 $0xFFFFFE00  }
.LBB2_1:
0x20: {  	[dreg:$0xc] =	wrdreg s25  }
0x21: {  	s25 =	simm.s32 $0x4;
	s23 =	rddreg [dreg:$0x8]  }
0x22: {  	[tilespmem:s24], [sflag:$0x4] =	stream.linear.gather [hbm4b:s23+s24], $0x200, $0x38;
	[tilespmem:$0x10E00] =	vst v63  }
0x23: {  	_ =	swait.ge [sflag:s25], $0x200  }
0x24: {  	[sflag:s25] =	ssyncset.done $0x0  }
0x25: {  	s26 =	simm.s32 $0x200;
	s29 =	rddreg [dreg:$0x9];
	[sflag:s25] =	ssyncadd.s32 $0xFFFFFE00  }
0x26: {  	[tilespmem:s26], [sflag:$0x4] =	stream.linear.gather [hbm4b:s29+s24], $0x200, $0x38;
	[tilespmem:$0x10E00] =	vst v63  }
0x27: {  	_ =	swait.ge [sflag:s25], $0x200  }
0x28: {  	[sflag:s25] =	ssyncset.done $0x0  }
0x29: {  	[sflag:s25] =	ssyncadd.s32 $0xFFFFFE00  }
0x2a: {  	s28 =	simm.s32 $0x10800;
	s25 =	simm.s32 $0x80;
	s23 =	rddreg [dreg:$0x4]  }
0x2b: {  	[tilespmem:s28], [sflag:$0x3] =	stream.indirect.gather [hbm4b:s23+s25], $0x1, s24, s25, $0xb8;
	[tilespmem:$0x10E00] =	vst v63  }
0x2c: {  	s24 =	rddreg [dreg:$0x5];
	s28 =	simm.s32 $0x10A00  }
0x2d: {  	[tilespmem:s28], [sflag:$0x3] =	stream.indirect.gather [hbm4b:s24+s25], $0x1, s26, s25, $0xb8;
	[tilespmem:$0x10E00] =	vst v63  }
0x2e: {  	s29 =	simm.s32 $0x10880  }
0x2f: {  	[tilespmem:s29], [sflag:$0x3] =	stream.indirect.gather [hbm4b:s23+s25], $0x1, s25, s25, $0xb8;
	[tilespmem:$0x10E00] =	vst v63  }
0x30: {  	s28 =	simm.s32 $0x10A80;
	s29 =	simm.s32 $0x280  }
0x31: {  	[tilespmem:s28], [sflag:$0x3] =	stream.indirect.gather [hbm4b:s24+s25], $0x1, s29, s25, $0xb8;
	[tilespmem:$0x10E00] =	vst v63  }
0x32: {  	s29 =	simm.s32 $0x100;
	s28 =	simm.s32 $0x10900  }
0x33: {  	[tilespmem:s28], [sflag:$0x3] =	stream.indirect.gather [hbm4b:s23+s25], $0x1, s29, s25, $0xb8;
	[tilespmem:$0x10E00] =	vst v63  }
0x34: {  	s29 =	simm.s32 $0x300;
	s28 =	simm.s32 $0x10B00  }
0x35: {  	[tilespmem:s28], [sflag:$0x3] =	stream.indirect.gather [hbm4b:s24+s25], $0x1, s29, s25, $0xb8;
	[tilespmem:$0x10E00] =	vst v63  }
0x36: {  	s29 =	simm.s32 $0x180;
	s28 =	simm.s32 $0x10980  }
0x37: {  	[tilespmem:s28], [sflag:$0x3] =	stream.indirect.gather [hbm4b:s23+s25], $0x1, s29, s25, $0xb8;
	[tilespmem:$0x10E00] =	vst v63  }
0x38: {  	s26 =	simm.s32 $0x380;
	s29 =	simm.s32 $0x10B80  }
0x39: {  	[tilespmem:s29], [sflag:$0x3] =	stream.indirect.gather [hbm4b:s24+s25], $0x1, s26, s25, $0xb8;
	[tilespmem:$0x10E00] =	vst v63  }
0x3a: {  	s25 =	simm.s32 $0x3  }
0x3b: {  	_ =	swait.ge [sflag:s25], $0x200  }
0x3c: {  	[sflag:s25] =	ssyncset.done $0x0  }
0x3d: {  	[sflag:s25] =	ssyncadd.s32 $0xFFFFFE00  }
0x3e: {  	_ =	swait.ge [sflag:s25], $0x200  }
0x3f: {  	[sflag:s25] =	ssyncset.done $0x0  }
0x40: {  	[sflag:s25] =	ssyncadd.s32 $0xFFFFFE00  }
0x41: {  	v0 =	vld [tilespmem:$0x0];
	_ =	sdelay $0x1  }
0x42: {  	v1 =	vld [tilespmem:$0x200];
	_ =	sdelay $0x2  }
0x43: {  	s23 =	rddreg [dreg:$0x2];
	v0 =	vand.u32 $0xFFFFFF80, v0  }
0x44: {  	v0 =	vadd.s32 s23, v0  }
0x45: {  	s29 =	rddreg [dreg:$0x3];
	v1 =	vand.u32 $0xFFFFFF80, v1;
	(v2sf) =	vpush v0, $0x0  }
0x46: {  	v1 =	vadd.s32 s29, v1  }
0x47: {  	(v2sf) =	vpush v1, $0x0;
	_ =	sdelay $0x1  }
0x48: {  	(v2sf) =	vpush v0, $0x1;
	_ =	sdelay $0x1  }
0x49: {  	(v2sf) =	vpush v1, $0x1;
	_ =	sdelay $0x1  }
0x4a: {  	(v2sf) =	vpush v0, $0x2;
	_ =	sdelay $0x1  }
0x4b: {  	(v2sf) =	vpush v1, $0x2;
	_ =	sdelay $0x1  }
0x4c: {  	(v2sf) =	vpush v0, $0x3;
	_ =	sdelay $0x1  }
0x4d: {  	(v2sf) =	vpush v1, $0x3  }
0x4e: {  	s24 =	spop (v2sf)  }
0x4f: {  	(v2sf) =	vpush v0, $0x4;
	[tilespmem:s0], [sflag:$0x1] =	stream.strided.gather [hbm4b:s24+s0], $0x800, s31, s0, $0x38;
	[tilespmem:$0x10E00] =	vst v63  }
0x50: {  	s25 =	spop (v2sf)  }
0x51: {  	(v2sf) =	vpush v1, $0x4;
	[tilespmem:s5], [sflag:$0x1] =	stream.strided.gather [hbm4b:s25+s0], $0x800, s31, s0, $0x38;
	[tilespmem:$0x10E00] =	vst v63  }
0x52: {  	s26 =	simm.s32 $0xC00;
	s29 =	spop (v2sf)  }
0x53: {  	(v2sf) =	vpush v0, $0x5;
	[tilespmem:s26], [sflag:$0x1] =	stream.strided.gather [hbm4b:s29+s0], $0x800, s31, s0, $0x38;
	[tilespmem:$0x10E00] =	vst v63  }
0x54: {  	s28 =	simm.s32 $0x8C00;
	s24 =	spop (v2sf)  }
0x55: {  	(v2sf) =	vpush v1, $0x5;
	[tilespmem:s28], [sflag:$0x1] =	stream.strided.gather [hbm4b:s24+s0], $0x800, s31, s0, $0x38;
	[tilespmem:$0x10E00] =	vst v63  }
0x56: {  	s25 =	spop (v2sf);
	s29 =	simm.s32 $0x1400  }
0x57: {  	(v2sf) =	vpush v0, $0x6;
	[tilespmem:s29], [sflag:$0x1] =	stream.strided.gather [hbm4b:s25+s0], $0x800, s31, s0, $0x38;
	[tilespmem:$0x10E00] =	vst v63  }
0x58: {  	s25 =	spop (v2sf);
	s29 =	simm.s32 $0x9400  }
0x59: {  	(v2sf) =	vpush v1, $0x6;
	[tilespmem:s29], [sflag:$0x1] =	stream.strided.gather [hbm4b:s25+s0], $0x800, s31, s0, $0x38;
	[tilespmem:$0x10E00] =	vst v63  }
0x5a: {  	s25 =	spop (v2sf);
	s29 =	simm.s32 $0x1C00  }
0x5b: {  	(v2sf) =	vpush v0, $0x7;
	[tilespmem:s29], [sflag:$0x1] =	stream.strided.gather [hbm4b:s25+s0], $0x800, s31, s0, $0x38;
	[tilespmem:$0x10E00] =	vst v63  }
0x5c: {  	s25 =	spop (v2sf);
	s29 =	simm.s32 $0x9C00  }
0x5d: {  	(v2sf) =	vpush v1, $0x7;
	[tilespmem:s29], [sflag:$0x1] =	stream.strided.gather [hbm4b:s25+s0], $0x800, s31, s0, $0x38;
	[tilespmem:$0x10E00] =	vst v63  }
0x5e: {  	s25 =	spop (v2sf);
	s29 =	simm.s32 $0x2400  }
0x5f: {  	(v2sf) =	vpush v0, $0x8;
	[tilespmem:s29], [sflag:$0x1] =	stream.strided.gather [hbm4b:s25+s0], $0x800, s31, s0, $0x38;
	[tilespmem:$0x10E00] =	vst v63  }
0x60: {  	s25 =	spop (v2sf);
	s29 =	simm.s32 $0xA400  }
0x61: {  	(v2sf) =	vpush v1, $0x8;
	[tilespmem:s29], [sflag:$0x1] =	stream.strided.gather [hbm4b:s25+s0], $0x800, s31, s0, $0x38;
	[tilespmem:$0x10E00] =	vst v63  }
0x62: {  	s25 =	spop (v2sf);
	s29 =	simm.s32 $0x2C00  }
0x63: {  	(v2sf) =	vpush v0, $0x9;
	[tilespmem:s29], [sflag:$0x1] =	stream.strided.gather [hbm4b:s25+s0], $0x800, s31, s0, $0x38;
	[tilespmem:$0x10E00] =	vst v63  }
0x64: {  	s25 =	spop (v2sf);
	s29 =	simm.s32 $0xAC00  }
0x65: {  	(v2sf) =	vpush v1, $0x9;
	[tilespmem:s29], [sflag:$0x1] =	stream.strided.gather [hbm4b:s25+s0], $0x800, s31, s0, $0x38;
	[tilespmem:$0x10E00] =	vst v63  }
0x66: {  	s25 =	spop (v2sf);
	s29 =	simm.s32 $0x3400  }
0x67: {  	(v2sf) =	vpush v0, $0xA;
	[tilespmem:s29], [sflag:$0x1] =	stream.strided.gather [hbm4b:s25+s0], $0x800, s31, s0, $0x38;
	[tilespmem:$0x10E00] =	vst v63  }
0x68: {  	s25 =	spop (v2sf);
	s29 =	simm.s32 $0xB400  }
0x69: {  	(v2sf) =	vpush v1, $0xA;
	[tilespmem:s29], [sflag:$0x1] =	stream.strided.gather [hbm4b:s25+s0], $0x800, s31, s0, $0x38;
	[tilespmem:$0x10E00] =	vst v63  }
0x6a: {  	s25 =	spop (v2sf);
	s29 =	simm.s32 $0x3C00  }
0x6b: {  	(v2sf) =	vpush v0, $0xB;
	[tilespmem:s29], [sflag:$0x1] =	stream.strided.gather [hbm4b:s25+s0], $0x800, s31, s0, $0x38;
	[tilespmem:$0x10E00] =	vst v63  }
0x6c: {  	s25 =	spop (v2sf)  }
0x6d: {  	(v2sf) =	vpush v1, $0xB;
	[tilespmem:s14], [sflag:$0x1] =	stream.strided.gather [hbm4b:s25+s0], $0x800, s31, s0, $0x38;
	[tilespmem:$0x10E00] =	vst v63  }
0x6e: {  	s29 =	spop (v2sf)  }
0x6f: {  	(v2sf) =	vpush v0, $0xC;
	[tilespmem:s7], [sflag:$0x2] =	stream.strided.gather [hbm4b:s29+s0], $0x800, s31, s0, $0x38;
	[tilespmem:$0x10E00] =	vst v63  }
0x70: {  	s24 =	spop (v2sf)  }
0x71: {  	(v2sf) =	vpush v1, $0xC;
	[tilespmem:s8], [sflag:$0x2] =	stream.strided.gather [hbm4b:s24+s0], $0x800, s31, s0, $0x38;
	[tilespmem:$0x10E00] =	vst v63  }
0x72: {  	s25 =	spop (v2sf)  }
0x73: {  	(v2sf) =	vpush v0, $0xD;
	[tilespmem:s11], [sflag:$0x2] =	stream.strided.gather [hbm4b:s25+s0], $0x800, s31, s0, $0x38;
	[tilespmem:$0x10E00] =	vst v63  }
0x74: {  	s29 =	spop (v2sf)  }
0x75: {  	(v2sf) =	vpush v1, $0xD;
	[tilespmem:s12], [sflag:$0x2] =	stream.strided.gather [hbm4b:s29+s0], $0x800, s31, s0, $0x38;
	[tilespmem:$0x10E00] =	vst v63  }
0x76: {  	s24 =	spop (v2sf)  }
0x77: {  	(v2sf) =	vpush v0, $0xE;
	[tilespmem:s3], [sflag:$0x2] =	stream.strided.gather [hbm4b:s24+s0], $0x800, s31, s0, $0x38;
	[tilespmem:$0x10E00] =	vst v63  }
0x78: {  	s25 =	spop (v2sf)  }
0x79: {  	(v2sf) =	vpush v1, $0xE;
	[tilespmem:s4], [sflag:$0x2] =	stream.strided.gather [hbm4b:s25+s0], $0x800, s31, s0, $0x38;
	[tilespmem:$0x10E00] =	vst v63  }
0x7a: {  	s29 =	spop (v2sf)  }
0x7b: {  	[tilespmem:s6], [sflag:$0x2] =	stream.strided.gather [hbm4b:s29+s0], $0x800, s31, s0, $0x38;
	[tilespmem:$0x10E00] =	vst v63  }
0x7c: {  	(v2sf) =	vpush v0, $0xF;
	s24 =	spop (v2sf)  }
0x7d: {  	[tilespmem:s30], [sflag:$0x2] =	stream.strided.gather [hbm4b:s24+s0], $0x800, s31, s0, $0x38;
	[tilespmem:$0x10E00] =	vst v63  }
0x7e: {  	(v2sf) =	vpush v1, $0xF;
	s25 =	spop (v2sf)  }
0x7f: {  	[tilespmem:s15], [sflag:$0x2] =	stream.strided.gather [hbm4b:s25+s0], $0x800, s31, s0, $0x38;
	[tilespmem:$0x10E00] =	vst v63  }
0x80: {  	s29 =	spop (v2sf)  }
0x81: {  	[tilespmem:s13], [sflag:$0x2] =	stream.strided.gather [hbm4b:s29+s0], $0x800, s31, s0, $0x38;
	[tilespmem:$0x10E00] =	vst v63  }
0x82: {  	s24 =	spop (v2sf)  }
0x83: {  	[tilespmem:s1], [sflag:$0x2] =	stream.strided.gather [hbm4b:s24+s0], $0x800, s31, s0, $0x38;
	[tilespmem:$0x10E00] =	vst v63  }
0x84: {  	s25 =	spop (v2sf)  }
0x85: {  	[tilespmem:s2], [sflag:$0x2] =	stream.strided.gather [hbm4b:s25+s0], $0x800, s31, s0, $0x38;
	[tilespmem:$0x10E00] =	vst v63  }
0x86: {  	s29 =	spop (v2sf)  }
0x87: {  	[tilespmem:s16], [sflag:$0x2] =	stream.strided.gather [hbm4b:s29+s0], $0x800, s31, s0, $0x38;
	[tilespmem:$0x10E00] =	vst v63  }
0x88: {  	s24 =	spop (v2sf)  }
0x89: {  	[tilespmem:s17], [sflag:$0x2] =	stream.strided.gather [hbm4b:s24+s0], $0x800, s31, s0, $0x38;
	[tilespmem:$0x10E00] =	vst v63  }
.Ltmp2:
0x8a: {  	_ = 	snop;
	(pc) =	sbr.rel .LBB2_2-.Ltmp2, $4  }
0x8b: {  	s25 =	spop (v2sf)  }
0x8c: {  	[tilespmem:s18], [sflag:$0x2] =	stream.strided.gather [hbm4b:s25+s0], $0x800, s31, s0, $0x38;
	[tilespmem:$0x10E00] =	vst v63  }
0x8d: {  	s23 =	simm.s32 $0x0;
	s29 =	spop (v2sf)  }
0x8e: {  	[tilespmem:s19], [sflag:$0x2] =	stream.strided.gather [hbm4b:s29+s0], $0x800, s31, s0, $0x38;
	[tilespmem:$0x10E00] =	vst v63  }
.LBB2_6:
0x8f: {  	v2 =	vmul.f32 $0.0e+00, v32;
	v3 =	vmul.f32 $0.0e+00, v51;
	_ =	sdelay $0x1  }
0x90: {  	v2 =	vadd.f32 v48, v2;
	v1 =	vadd.f32 v1, v3;
	_ =	sdelay $0x1  }
0x91: {  	v2 =	vadd.f32 v47, v2;
	v0 =	vadd.f32 v0, v1;
	_ =	sdelay $0x1  }
0x92: {  	v51 =	vadd.f32 v46, v2;
	v0 =	vadd.f32 v63, v0;
	_ =	sdelay $0x1  }
0x93: {  	v1 =	vadd.f32 v45, v51;
	v0 =	vadd.f32 v62, v0;
	_ =	sdelay $0x1  }
0x94: {  	v1 =	vadd.f32 v44, v1;
	v0 =	vadd.f32 v61, v0;
	_ =	sdelay $0x1  }
0x95: {  	v1 =	vadd.f32 v43, v1;
	v0 =	vadd.f32 v60, v0;
	_ =	sdelay $0x1  }
0x96: {  	v1 =	vadd.f32 v42, v1;
	v0 =	vadd.f32 v59, v0;
	_ =	sdelay $0x1  }
0x97: {  	v1 =	vadd.f32 v41, v1;
	v0 =	vadd.f32 v58, v0;
	_ =	sdelay $0x1  }
0x98: {  	v1 =	vadd.f32 v40, v1;
	v0 =	vadd.f32 v57, v0;
	_ =	sdelay $0x1  }
0x99: {  	v1 =	vadd.f32 v39, v1;
	v0 =	vadd.f32 v56, v0;
	_ =	sdelay $0x1  }
0x9a: {  	v1 =	vadd.f32 v38, v1;
	v0 =	vadd.f32 v55, v0;
	_ =	sdelay $0x1  }
0x9b: {  	v1 =	vadd.f32 v37, v1;
	v0 =	vadd.f32 v54, v0;
	_ =	sdelay $0x1  }
0x9c: {  	v1 =	vadd.f32 v36, v1;
	v0 =	vadd.f32 v53, v0;
	_ =	sdelay $0x1  }
0x9d: {  	v1 =	vadd.f32 v35, v1;
	v0 =	vadd.f32 v52, v0;
	_ =	sdelay $0x1  }
0x9e: {  	v63 =	vld [tilespmem:s24+$0x10800];
	v1 =	vadd.f32 v34, v1;
	v0 =	vadd.f32 v50, v0;
	_ =	sdelay $0x1  }
0x9f: {  	v3 =	vld [tilespmem:s24+$0x10A00];
	v1 =	vadd.f32 v33, v1;
	v0 =	vadd.f32 v49, v0  }
0xa0: {  	s23 =	sadd.s32 $0x40, s23  }
0xa1: {  	p0 =	sne.s32 s23, $0x800;
	v0 =	vsel vm0, v1, v0  }
.Ltmp3:
0xa2: {  	v0 =	vadd.f32 v63, v0;
	(pc) =	sbr.rel @!p0 .LBB2_7-.Ltmp3, $3  }
0xa3: {  	_ = 	snop  }
0xa4: {  	v0 =	vadd.f32 v3, v0;
	_ =	sdelay $0x1  }
0xa5: {  	[tilespmem:s24+$0x10C00] =	vst v0  }
.LBB2_2:
0xa6: {  	s24 =	sshra.s32 s23, $0x2  }
0xa7: {  	v0 =	vld [tilespmem:s24+$0x0]  }
0xa8: {  	v1 =	vld [tilespmem:s24+$0x200]  }
0xa9: {  	_ =	swait.ge [sflag:s20], $0x4000  }
0xaa: {  	v2 =	vld [tilespmem:$0x1FFF0];
	_ =	sdelay $0x1  }
0xab: {  	v49 =	vand.u32 $0x7F, v0  }
0xac: {  	v50 =	vand.u32 $0x7F, v1;
	v0 =	vbroadcast v49, $0x0  }
0xad: {  	v1 =	vbroadcast v50, $0x0  }
0xae: {  	[sflag:s20] =	ssyncset.done $0x0;
	v0 =	vor.u32 v2, v0  }
0xaf: {  	[sflag:s20] =	ssyncadd.s32 $0xFFFFC000;
	v1 =	vor.u32 v2, v1  }
0xb0: {  	_ =	swait.ge [sflag:s20], $0x4000  }
0xb1: {  	[sflag:s20] =	ssyncset.done $0x0  }
0xb2: {  	v39 =	vld [tilespmem:$0x1FFC0];
	[sflag:s20] =	ssyncadd.s32 $0xFFFFC000  }
0xb3: {  	v0 =	vld.idx.msk [tilespmem:v0+s0+$0x0], $0xffff  }
0xb4: {  	v1 =	vld.idx.msk [tilespmem:v1+s5+$0x0], $0xffff  }
0xb5: {  	v32 =	vbroadcast v49, $0x1  }
0xb6: {  	v33 =	vbroadcast v50, $0x1  }
0xb7: {  	v34 =	vor.u32 v39, v32  }
0xb8: {  	v33 =	vor.u32 v39, v33  }
0xb9: {  	v32 =	vmul.f32 v1, v0;
	_ =	sdelay $0x1  }
0xba: {  	v44 =	vld [tilespmem:$0x1FFD0];
	[tilespmem:$0x10400] =	vst v32  }
0xbb: {  	v40 =	vld.idx.msk [tilespmem:v34+s0+$0x0], $0xffff  }
0xbc: {  	v41 =	vld.idx.msk [tilespmem:v33+s5+$0x0], $0xffff  }
0xbd: {  	v42 =	vbroadcast v49, $0x2  }
0xbe: {  	v43 =	vbroadcast v50, $0x2  }
0xbf: {  	v33 =	vor.u32 v44, v42  }
0xc0: {  	v34 =	vor.u32 v44, v43  }
0xc1: {  	v0 =	vmul.f32 v41, v40;
	_ =	sdelay $0x1  }
0xc2: {  	v48 =	vld [tilespmem:$0x1FFE0];
	[tilespmem:$0x10480] =	vst v0  }
0xc3: {  	v0 =	vld.idx.msk [tilespmem:v33+s0+$0x0], $0xffff  }
0xc4: {  	v45 =	vld.idx.msk [tilespmem:v34+s5+$0x0], $0xffff  }
0xc5: {  	v46 =	vbroadcast v49, $0x3  }
0xc6: {  	v47 =	vbroadcast v50, $0x3  }
0xc7: {  	v33 =	vor.u32 v48, v46  }
0xc8: {  	v34 =	vor.u32 v48, v47  }
0xc9: {  	v0 =	vmul.f32 v45, v0;
	_ =	sdelay $0x1  }
0xca: {  	[tilespmem:$0x10500] =	vst v0  }
0xcb: {  	v0 =	vld.idx.msk [tilespmem:v33+s0+$0x0], $0xffff  }
0xcc: {  	v51 =	vld.idx.msk [tilespmem:v34+s5+$0x0], $0xffff  }
0xcd: {  	v52 =	vbroadcast v49, $0x4  }
0xce: {  	v53 =	vbroadcast v50, $0x4  }
0xcf: {  	v33 =	vor.u32 v4, v52  }
0xd0: {  	v34 =	vor.u32 v4, v53  }
0xd1: {  	v0 =	vmul.f32 v51, v0;
	_ =	sdelay $0x1  }
0xd2: {  	[tilespmem:$0x10580] =	vst v0  }
0xd3: {  	v0 =	vld.idx.msk [tilespmem:v33+s0+$0x0], $0xffff  }
0xd4: {  	v54 =	vld.idx.msk [tilespmem:v34+s5+$0x0], $0xffff  }
0xd5: {  	v55 =	vbroadcast v49, $0x5  }
0xd6: {  	v56 =	vbroadcast v50, $0x5  }
0xd7: {  	v33 =	vor.u32 v6, v55  }
0xd8: {  	v34 =	vor.u32 v6, v56  }
0xd9: {  	v0 =	vmul.f32 v54, v0;
	_ =	sdelay $0x1  }
0xda: {  	[tilespmem:$0x10600] =	vst v0  }
0xdb: {  	v0 =	vld.idx.msk [tilespmem:v33+s0+$0x0], $0xffff  }
0xdc: {  	v57 =	vld.idx.msk [tilespmem:v34+s5+$0x0], $0xffff  }
0xdd: {  	v58 =	vbroadcast v49, $0x6  }
0xde: {  	v59 =	vbroadcast v50, $0x6  }
0xdf: {  	v33 =	vor.u32 v7, v58  }
0xe0: {  	v34 =	vor.u32 v7, v59  }
0xe1: {  	v0 =	vmul.f32 v57, v0;
	_ =	sdelay $0x1  }
0xe2: {  	[tilespmem:$0x10680] =	vst v0  }
0xe3: {  	v0 =	vld.idx.msk [tilespmem:v33+s0+$0x0], $0xffff  }
0xe4: {  	v60 =	vld.idx.msk [tilespmem:v34+s5+$0x0], $0xffff  }
0xe5: {  	v61 =	vbroadcast v49, $0x7  }
0xe6: {  	v62 =	vbroadcast v50, $0x7  }
0xe7: {  	v33 =	vor.u32 v8, v61  }
0xe8: {  	v34 =	vor.u32 v8, v62  }
0xe9: {  	v0 =	vmul.f32 v60, v0;
	_ =	sdelay $0x1  }
0xea: {  	[tilespmem:$0x10700] =	vst v0  }
0xeb: {  	v0 =	vld.idx.msk [tilespmem:v33+s0+$0x0], $0xffff  }
0xec: {  	v63 =	vld.idx.msk [tilespmem:v34+s5+$0x0], $0xffff;
	_ =	sdelay $0x4  }
0xed: {  	v0 =	vmul.f32 v63, v0;
	_ =	sdelay $0x1  }
0xee: {  	[tilespmem:$0x10780] =	vst v0  }
0xef: {  	v48 =	vld.idx.msk [tilespmem:v5+s21+$0x0], $0xffff  }
0xf0: {  	v47 =	vld.idx.msk [tilespmem:v9+s21+$0x0], $0xffff  }
0xf1: {  	v46 =	vld.idx.msk [tilespmem:v10+s21+$0x0], $0xffff  }
0xf2: {  	v45 =	vld.idx.msk [tilespmem:v11+s21+$0x0], $0xffff  }
0xf3: {  	v44 =	vld.idx.msk [tilespmem:v12+s21+$0x0], $0xffff  }
0xf4: {  	v43 =	vld.idx.msk [tilespmem:v13+s21+$0x0], $0xffff  }
0xf5: {  	v42 =	vld.idx.msk [tilespmem:v14+s21+$0x0], $0xffff  }
0xf6: {  	v41 =	vld.idx.msk [tilespmem:v15+s21+$0x0], $0xffff  }
0xf7: {  	v40 =	vld.idx.msk [tilespmem:v16+s21+$0x0], $0xffff  }
0xf8: {  	v39 =	vld.idx.msk [tilespmem:v17+s21+$0x0], $0xffff  }
0xf9: {  	p0 =	seq.s32 s23, $0x7C0;
	v38 =	vld.idx.msk [tilespmem:v18+s21+$0x0], $0xffff  }
.Ltmp4:
0xfa: {  	v37 =	vld.idx.msk [tilespmem:v19+s21+$0x0], $0xffff;
	(pc) =	sbr.rel @p0 .LBB2_4-.Ltmp4, $4  }
0xfb: {  	v36 =	vld.idx.msk [tilespmem:v20+s21+$0x0], $0xffff  }
0xfc: {  	v35 =	vld.idx.msk [tilespmem:v21+s21+$0x0], $0xffff  }
0xfd: {  	v34 =	vld.idx.msk [tilespmem:v22+s21+$0x0], $0xffff  }
0xfe: {  	v33 =	vld.idx.msk [tilespmem:v23+s21+$0x0], $0xffff  }
0xff: {  	v0 =	vld [tilespmem:s24+$0x10];
	_ =	sdelay $0x1  }
0x100: {  	v1 =	vld [tilespmem:s24+$0x210];
	_ =	sdelay $0x2  }
0x101: {  	s25 =	rddreg [dreg:$0x2];
	v0 =	vand.u32 $0xFFFFFF80, v0  }
0x102: {  	v0 =	vadd.s32 s25, v0  }
0x103: {  	s29 =	rddreg [dreg:$0x3];
	v1 =	vand.u32 $0xFFFFFF80, v1;
	(v2sf) =	vpush v0, $0x0  }
0x104: {  	v1 =	vadd.s32 s29, v1  }
0x105: {  	(v2sf) =	vpush v1, $0x0;
	_ =	sdelay $0x1  }
0x106: {  	(v2sf) =	vpush v0, $0x1;
	_ =	sdelay $0x1  }
0x107: {  	(v2sf) =	vpush v1, $0x1;
	_ =	sdelay $0x1  }
0x108: {  	(v2sf) =	vpush v0, $0x2;
	_ =	sdelay $0x1  }
0x109: {  	(v2sf) =	vpush v1, $0x2;
	_ =	sdelay $0x1  }
0x10a: {  	(v2sf) =	vpush v0, $0x3;
	_ =	sdelay $0x1  }
0x10b: {  	(v2sf) =	vpush v1, $0x3  }
0x10c: {  	s29 =	spop (v2sf)  }
0x10d: {  	(v2sf) =	vpush v0, $0x4;
	[tilespmem:s0], [sflag:$0x1] =	stream.strided.gather [hbm4b:s29+s0], $0x800, s31, s0, $0x38;
	[tilespmem:$0x10E00] =	vst v63  }
0x10e: {  	s29 =	spop (v2sf)  }
0x10f: {  	(v2sf) =	vpush v1, $0x4;
	[tilespmem:s5], [sflag:$0x1] =	stream.strided.gather [hbm4b:s29+s0], $0x800, s31, s0, $0x38;
	[tilespmem:$0x10E00] =	vst v63  }
0x110: {  	s29 =	spop (v2sf)  }
0x111: {  	(v2sf) =	vpush v0, $0x5;
	[tilespmem:s26], [sflag:$0x1] =	stream.strided.gather [hbm4b:s29+s0], $0x800, s31, s0, $0x38;
	[tilespmem:$0x10E00] =	vst v63  }
0x112: {  	s29 =	spop (v2sf)  }
0x113: {  	(v2sf) =	vpush v1, $0x5;
	[tilespmem:s28], [sflag:$0x1] =	stream.strided.gather [hbm4b:s29+s0], $0x800, s31, s0, $0x38;
	[tilespmem:$0x10E00] =	vst v63  }
0x114: {  	s25 =	spop (v2sf);
	s29 =	simm.s32 $0x1400  }
0x115: {  	(v2sf) =	vpush v0, $0x6;
	[tilespmem:s29], [sflag:$0x1] =	stream.strided.gather [hbm4b:s25+s0], $0x800, s31, s0, $0x38;
	[tilespmem:$0x10E00] =	vst v63  }
0x116: {  	s25 =	spop (v2sf);
	s29 =	simm.s32 $0x9400  }
0x117: {  	(v2sf) =	vpush v1, $0x6;
	[tilespmem:s29], [sflag:$0x1] =	stream.strided.gather [hbm4b:s25+s0], $0x800, s31, s0, $0x38;
	[tilespmem:$0x10E00] =	vst v63  }
0x118: {  	s25 =	spop (v2sf);
	s29 =	simm.s32 $0x1C00  }
0x119: {  	(v2sf) =	vpush v0, $0x7;
	[tilespmem:s29], [sflag:$0x1] =	stream.strided.gather [hbm4b:s25+s0], $0x800, s31, s0, $0x38;
	[tilespmem:$0x10E00] =	vst v63  }
0x11a: {  	s25 =	spop (v2sf);
	s29 =	simm.s32 $0x9C00  }
0x11b: {  	(v2sf) =	vpush v1, $0x7;
	[tilespmem:s29], [sflag:$0x1] =	stream.strided.gather [hbm4b:s25+s0], $0x800, s31, s0, $0x38;
	[tilespmem:$0x10E00] =	vst v63  }
0x11c: {  	s25 =	spop (v2sf);
	s29 =	simm.s32 $0x2400  }
0x11d: {  	[tilespmem:s29], [sflag:$0x1] =	stream.strided.gather [hbm4b:s25+s0], $0x800, s31, s0, $0x38;
	[tilespmem:$0x10E00] =	vst v63  }
0x11e: {  	s25 =	spop (v2sf);
	s29 =	simm.s32 $0xA400  }
0x11f: {  	[tilespmem:s29], [sflag:$0x1] =	stream.strided.gather [hbm4b:s25+s0], $0x800, s31, s0, $0x38;
	[tilespmem:$0x10E00] =	vst v63  }
0x120: {  	s25 =	spop (v2sf);
	s29 =	simm.s32 $0x2C00  }
0x121: {  	[tilespmem:s29], [sflag:$0x1] =	stream.strided.gather [hbm4b:s25+s0], $0x800, s31, s0, $0x38;
	[tilespmem:$0x10E00] =	vst v63  }
0x122: {  	s25 =	spop (v2sf);
	s29 =	simm.s32 $0xAC00  }
0x123: {  	[tilespmem:s29], [sflag:$0x1] =	stream.strided.gather [hbm4b:s25+s0], $0x800, s31, s0, $0x38;
	[tilespmem:$0x10E00] =	vst v63  }
0x124: {  	s25 =	spop (v2sf);
	s29 =	simm.s32 $0x3400  }
0x125: {  	[tilespmem:s29], [sflag:$0x1] =	stream.strided.gather [hbm4b:s25+s0], $0x800, s31, s0, $0x38;
	[tilespmem:$0x10E00] =	vst v63  }
0x126: {  	s25 =	spop (v2sf);
	s29 =	simm.s32 $0xB400  }
0x127: {  	[tilespmem:s29], [sflag:$0x1] =	stream.strided.gather [hbm4b:s25+s0], $0x800, s31, s0, $0x38;
	[tilespmem:$0x10E00] =	vst v63  }
0x128: {  	s25 =	spop (v2sf);
	s29 =	simm.s32 $0x3C00  }
0x129: {  	[tilespmem:s29], [sflag:$0x1] =	stream.strided.gather [hbm4b:s25+s0], $0x800, s31, s0, $0x38;
	[tilespmem:$0x10E00] =	vst v63  }
0x12a: {  	s29 =	spop (v2sf)  }
0x12b: {  	[tilespmem:s14], [sflag:$0x1] =	stream.strided.gather [hbm4b:s29+s0], $0x800, s31, s0, $0x38;
	[tilespmem:$0x10E00] =	vst v63  }
.LBB2_4:
0x12c: {  	v0 =	vbroadcast v49, $0x8  }
0x12d: {  	_ =	swait.ge [sflag:s22], $0x4000;
	v1 =	vbroadcast v50, $0x8  }
0x12e: {  	[sflag:s22] =	ssyncset.done $0x0;
	v0 =	vor.u32 v24, v0  }
0x12f: {  	[sflag:s22] =	ssyncadd.s32 $0xFFFFC000;
	v1 =	vor.u32 v24, v1  }
0x130: {  	_ =	swait.ge [sflag:s22], $0x4000  }
0x131: {  	[sflag:s22] =	ssyncset.done $0x0  }
0x132: {  	[sflag:s22] =	ssyncadd.s32 $0xFFFFC000  }
0x133: {  	v0 =	vld.idx.msk [tilespmem:v0+s0+$0x0], $0xffff  }
0x134: {  	v1 =	vld.idx.msk [tilespmem:v1+s5+$0x0], $0xffff  }
0x135: {  	v51 =	vbroadcast v49, $0x9  }
0x136: {  	v52 =	vbroadcast v50, $0x9  }
0x137: {  	v53 =	vor.u32 v25, v51  }
0x138: {  	v52 =	vor.u32 v25, v52  }
0x139: {  	v51 =	vmul.f32 v1, v0;
	_ =	sdelay $0x1  }
0x13a: {  	[tilespmem:$0x10400] =	vst v51  }
0x13b: {  	v0 =	vld.idx.msk [tilespmem:v53+s0+$0x0], $0xffff  }
0x13c: {  	v1 =	vld.idx.msk [tilespmem:v52+s5+$0x0], $0xffff  }
0x13d: {  	v60 =	vbroadcast v49, $0xA  }
0x13e: {  	v61 =	vbroadcast v50, $0xA  }
0x13f: {  	v52 =	vor.u32 v26, v60  }
0x140: {  	v53 =	vor.u32 v26, v61  }
0x141: {  	v0 =	vmul.f32 v1, v0;
	_ =	sdelay $0x1  }
0x142: {  	[tilespmem:$0x10480] =	vst v0  }
0x143: {  	v0 =	vld.idx.msk [tilespmem:v52+s0+$0x0], $0xffff  }
0x144: {  	v1 =	vld.idx.msk [tilespmem:v53+s5+$0x0], $0xffff  }
0x145: {  	v62 =	vbroadcast v49, $0xB  }
0x146: {  	v63 =	vbroadcast v50, $0xB  }
0x147: {  	v52 =	vor.u32 v27, v62  }
0x148: {  	v53 =	vor.u32 v27, v63  }
0x149: {  	v0 =	vmul.f32 v1, v0;
	_ =	sdelay $0x1  }
0x14a: {  	[tilespmem:$0x10500] =	vst v0  }
0x14b: {  	v0 =	vld.idx.msk [tilespmem:v52+s0+$0x0], $0xffff  }
0x14c: {  	v1 =	vld.idx.msk [tilespmem:v53+s5+$0x0], $0xffff  }
0x14d: {  	v56 =	vbroadcast v49, $0xC  }
0x14e: {  	v57 =	vbroadcast v50, $0xC  }
0x14f: {  	v52 =	vor.u32 v28, v56  }
0x150: {  	v53 =	vor.u32 v28, v57  }
0x151: {  	v0 =	vmul.f32 v1, v0;
	_ =	sdelay $0x1  }
0x152: {  	[tilespmem:$0x10580] =	vst v0  }
0x153: {  	v0 =	vld.idx.msk [tilespmem:v52+s0+$0x0], $0xffff  }
0x154: {  	v1 =	vld.idx.msk [tilespmem:v53+s5+$0x0], $0xffff  }
0x155: {  	v58 =	vbroadcast v49, $0xD  }
0x156: {  	v59 =	vbroadcast v50, $0xD  }
0x157: {  	v52 =	vor.u32 v29, v58  }
0x158: {  	v53 =	vor.u32 v29, v59  }
0x159: {  	v0 =	vmul.f32 v1, v0;
	_ =	sdelay $0x1  }
0x15a: {  	[tilespmem:$0x10600] =	vst v0  }
0x15b: {  	v0 =	vld.idx.msk [tilespmem:v52+s0+$0x0], $0xffff  }
0x15c: {  	v1 =	vld.idx.msk [tilespmem:v53+s5+$0x0], $0xffff  }
0x15d: {  	v60 =	vbroadcast v49, $0xE  }
0x15e: {  	v61 =	vbroadcast v50, $0xE  }
0x15f: {  	v52 =	vor.u32 v30, v60  }
0x160: {  	v53 =	vor.u32 v30, v61  }
0x161: {  	v0 =	vmul.f32 v1, v0;
	_ =	sdelay $0x1  }
0x162: {  	[tilespmem:$0x10680] =	vst v0  }
0x163: {  	v0 =	vld.idx.msk [tilespmem:v52+s0+$0x0], $0xffff  }
0x164: {  	v1 =	vld.idx.msk [tilespmem:v53+s5+$0x0], $0xffff  }
0x165: {  	v62 =	vbroadcast v49, $0xF  }
0x166: {  	v63 =	vbroadcast v50, $0xF  }
0x167: {  	v49 =	vor.u32 v31, v62  }
0x168: {  	v50 =	vor.u32 v31, v63  }
0x169: {  	v0 =	vmul.f32 v1, v0;
	_ =	sdelay $0x1  }
0x16a: {  	[tilespmem:$0x10700] =	vst v0  }
0x16b: {  	v0 =	vld.idx.msk [tilespmem:v49+s0+$0x0], $0xffff  }
0x16c: {  	v1 =	vld.idx.msk [tilespmem:v50+s5+$0x0], $0xffff;
	_ =	sdelay $0x4  }
0x16d: {  	v0 =	vmul.f32 v1, v0;
	_ =	sdelay $0x1  }
0x16e: {  	[tilespmem:$0x10780] =	vst v0  }
0x16f: {  	v1 =	vld.idx.msk [tilespmem:v5+s21+$0x0], $0xffff  }
0x170: {  	v0 =	vld.idx.msk [tilespmem:v9+s21+$0x0], $0xffff  }
0x171: {  	v63 =	vld.idx.msk [tilespmem:v10+s21+$0x0], $0xffff  }
0x172: {  	v62 =	vld.idx.msk [tilespmem:v11+s21+$0x0], $0xffff  }
0x173: {  	v61 =	vld.idx.msk [tilespmem:v12+s21+$0x0], $0xffff  }
0x174: {  	v60 =	vld.idx.msk [tilespmem:v13+s21+$0x0], $0xffff  }
0x175: {  	v59 =	vld.idx.msk [tilespmem:v14+s21+$0x0], $0xffff  }
0x176: {  	v58 =	vld.idx.msk [tilespmem:v15+s21+$0x0], $0xffff  }
0x177: {  	v57 =	vld.idx.msk [tilespmem:v16+s21+$0x0], $0xffff  }
0x178: {  	v56 =	vld.idx.msk [tilespmem:v17+s21+$0x0], $0xffff  }
0x179: {  	v55 =	vld.idx.msk [tilespmem:v18+s21+$0x0], $0xffff  }
.Ltmp5:
0x17a: {  	v54 =	vld.idx.msk [tilespmem:v19+s21+$0x0], $0xffff;
	(pc) =	sbr.rel @p0 .LBB2_6-.Ltmp5, $4  }
0x17b: {  	v53 =	vld.idx.msk [tilespmem:v20+s21+$0x0], $0xffff  }
0x17c: {  	v52 =	vld.idx.msk [tilespmem:v21+s21+$0x0], $0xffff  }
0x17d: {  	v50 =	vld.idx.msk [tilespmem:v22+s21+$0x0], $0xffff  }
0x17e: {  	v49 =	vld.idx.msk [tilespmem:v23+s21+$0x0], $0xffff  }
0x17f: {  	v2 =	vld [tilespmem:s24+$0x10];
	_ =	sdelay $0x1  }
0x180: {  	v3 =	vld [tilespmem:s24+$0x210];
	_ =	sdelay $0x2  }
0x181: {  	s25 =	rddreg [dreg:$0x2];
	v2 =	vand.u32 $0xFFFFFF80, v2  }
0x182: {  	v2 =	vadd.s32 s25, v2  }
0x183: {  	s29 =	rddreg [dreg:$0x3];
	v3 =	vand.u32 $0xFFFFFF80, v3;
	(v2sf) =	vpush v2, $0x8  }
0x184: {  	v3 =	vadd.s32 s29, v3  }
0x185: {  	(v2sf) =	vpush v3, $0x8;
	_ =	sdelay $0x1  }
0x186: {  	(v2sf) =	vpush v2, $0x9;
	_ =	sdelay $0x1  }
0x187: {  	(v2sf) =	vpush v3, $0x9;
	_ =	sdelay $0x1  }
0x188: {  	(v2sf) =	vpush v2, $0xA;
	_ =	sdelay $0x1  }
0x189: {  	(v2sf) =	vpush v3, $0xA;
	_ =	sdelay $0x1  }
0x18a: {  	(v2sf) =	vpush v2, $0xB;
	_ =	sdelay $0x1  }
0x18b: {  	(v2sf) =	vpush v3, $0xB  }
0x18c: {  	s29 =	spop (v2sf)  }
0x18d: {  	(v2sf) =	vpush v2, $0xC;
	[tilespmem:s7], [sflag:$0x2] =	stream.strided.gather [hbm4b:s29+s0], $0x800, s31, s0, $0x38;
	[tilespmem:$0x10E00] =	vst v63  }
0x18e: {  	s29 =	spop (v2sf)  }
0x18f: {  	(v2sf) =	vpush v3, $0xC;
	[tilespmem:s8], [sflag:$0x2] =	stream.strided.gather [hbm4b:s29+s0], $0x800, s31, s0, $0x38;
	[tilespmem:$0x10E00] =	vst v63  }
0x190: {  	s29 =	spop (v2sf)  }
0x191: {  	(v2sf) =	vpush v2, $0xD;
	[tilespmem:s11], [sflag:$0x2] =	stream.strided.gather [hbm4b:s29+s0], $0x800, s31, s0, $0x38;
	[tilespmem:$0x10E00] =	vst v63  }
0x192: {  	s29 =	spop (v2sf)  }
0x193: {  	(v2sf) =	vpush v3, $0xD;
	[tilespmem:s12], [sflag:$0x2] =	stream.strided.gather [hbm4b:s29+s0], $0x800, s31, s0, $0x38;
	[tilespmem:$0x10E00] =	vst v63  }
0x194: {  	s29 =	spop (v2sf)  }
0x195: {  	(v2sf) =	vpush v2, $0xE;
	[tilespmem:s3], [sflag:$0x2] =	stream.strided.gather [hbm4b:s29+s0], $0x800, s31, s0, $0x38;
	[tilespmem:$0x10E00] =	vst v63  }
0x196: {  	s29 =	spop (v2sf)  }
0x197: {  	(v2sf) =	vpush v3, $0xE;
	[tilespmem:s4], [sflag:$0x2] =	stream.strided.gather [hbm4b:s29+s0], $0x800, s31, s0, $0x38;
	[tilespmem:$0x10E00] =	vst v63  }
0x198: {  	s29 =	spop (v2sf)  }
0x199: {  	[tilespmem:s6], [sflag:$0x2] =	stream.strided.gather [hbm4b:s29+s0], $0x800, s31, s0, $0x38;
	[tilespmem:$0x10E00] =	vst v63  }
0x19a: {  	(v2sf) =	vpush v2, $0xF;
	s29 =	spop (v2sf)  }
0x19b: {  	[tilespmem:s30], [sflag:$0x2] =	stream.strided.gather [hbm4b:s29+s0], $0x800, s31, s0, $0x38;
	[tilespmem:$0x10E00] =	vst v63  }
0x19c: {  	(v2sf) =	vpush v3, $0xF;
	s29 =	spop (v2sf)  }
0x19d: {  	[tilespmem:s15], [sflag:$0x2] =	stream.strided.gather [hbm4b:s29+s0], $0x800, s31, s0, $0x38;
	[tilespmem:$0x10E00] =	vst v63  }
0x19e: {  	s29 =	spop (v2sf)  }
0x19f: {  	[tilespmem:s13], [sflag:$0x2] =	stream.strided.gather [hbm4b:s29+s0], $0x800, s31, s0, $0x38;
	[tilespmem:$0x10E00] =	vst v63  }
0x1a0: {  	s29 =	spop (v2sf)  }
0x1a1: {  	[tilespmem:s1], [sflag:$0x2] =	stream.strided.gather [hbm4b:s29+s0], $0x800, s31, s0, $0x38;
	[tilespmem:$0x10E00] =	vst v63  }
0x1a2: {  	s29 =	spop (v2sf)  }
0x1a3: {  	[tilespmem:s2], [sflag:$0x2] =	stream.strided.gather [hbm4b:s29+s0], $0x800, s31, s0, $0x38;
	[tilespmem:$0x10E00] =	vst v63  }
0x1a4: {  	s29 =	spop (v2sf)  }
0x1a5: {  	[tilespmem:s16], [sflag:$0x2] =	stream.strided.gather [hbm4b:s29+s0], $0x800, s31, s0, $0x38;
	[tilespmem:$0x10E00] =	vst v63  }
0x1a6: {  	s29 =	spop (v2sf)  }
0x1a7: {  	[tilespmem:s17], [sflag:$0x2] =	stream.strided.gather [hbm4b:s29+s0], $0x800, s31, s0, $0x38;
	[tilespmem:$0x10E00] =	vst v63  }
.Ltmp6:
0x1a8: {  	_ = 	snop;
	(pc) =	sbr.rel .LBB2_6-.Ltmp6, $4  }
0x1a9: {  	s29 =	spop (v2sf)  }
0x1aa: {  	[tilespmem:s18], [sflag:$0x2] =	stream.strided.gather [hbm4b:s29+s0], $0x800, s31, s0, $0x38;
	[tilespmem:$0x10E00] =	vst v63  }
0x1ab: {  	s29 =	spop (v2sf)  }
0x1ac: {  	[tilespmem:s19], [sflag:$0x2] =	stream.strided.gather [hbm4b:s29+s0], $0x800, s31, s0, $0x38;
	[tilespmem:$0x10E00] =	vst v63  }
.LBB2_7:
0x1ad: {  	v0 =	vld [tilespmem:$0x0];
	_ =	sdelay $0x1  }
0x1ae: {  	v1 =	vld [tilespmem:$0x200];
	_ =	sdelay $0x2  }
0x1af: {  	v0 =	vand.u32 $0xFFFFFF80, v0  }
0x1b0: {  	v0 =	vadd.s32 s9, v0  }
0x1b1: {  	v1 =	vand.u32 $0xFFFFFF80, v1;
	(v2sf) =	vpush v0, $0x0  }
0x1b2: {  	v1 =	vadd.s32 s10, v1  }
0x1b3: {  	(v2sf) =	vpush v1, $0x0;
	_ =	sdelay $0x1  }
0x1b4: {  	(v2sf) =	vpush v0, $0x1;
	_ =	sdelay $0x1  }
0x1b5: {  	(v2sf) =	vpush v1, $0x1;
	_ =	sdelay $0x1  }
0x1b6: {  	(v2sf) =	vpush v0, $0x2;
	_ =	sdelay $0x1  }
0x1b7: {  	(v2sf) =	vpush v1, $0x2;
	_ =	sdelay $0x1  }
0x1b8: {  	(v2sf) =	vpush v0, $0x3;
	_ =	sdelay $0x1  }
0x1b9: {  	(v2sf) =	vpush v1, $0x3  }
0x1ba: {  	s23 =	spop (v2sf)  }
0x1bb: {  	(v2sf) =	vpush v0, $0x4;
	[tilespmem:s0], [sflag:$0x1] =	stream.strided.gather [hbm4b:s23+s0], $0x800, s31, s0, $0x38;
	[tilespmem:$0x10E00] =	vst v63  }
0x1bc: {  	s29 =	spop (v2sf)  }
0x1bd: {  	(v2sf) =	vpush v1, $0x4;
	[tilespmem:s5], [sflag:$0x1] =	stream.strided.gather [hbm4b:s29+s0], $0x800, s31, s0, $0x38;
	[tilespmem:$0x10E00] =	vst v63  }
0x1be: {  	s24 =	spop (v2sf)  }
0x1bf: {  	(v2sf) =	vpush v0, $0x5;
	[tilespmem:s26], [sflag:$0x1] =	stream.strided.gather [hbm4b:s24+s0], $0x800, s31, s0, $0x38;
	[tilespmem:$0x10E00] =	vst v63  }
0x1c0: {  	s25 =	spop (v2sf)  }
0x1c1: {  	(v2sf) =	vpush v1, $0x5;
	[tilespmem:s28], [sflag:$0x1] =	stream.strided.gather [hbm4b:s25+s0], $0x800, s31, s0, $0x38;
	[tilespmem:$0x10E00] =	vst v63  }
0x1c2: {  	s29 =	spop (v2sf);
	s24 =	simm.s32 $0x1400  }
0x1c3: {  	(v2sf) =	vpush v0, $0x6;
	[tilespmem:s24], [sflag:$0x1] =	stream.strided.gather [hbm4b:s29+s0], $0x800, s31, s0, $0x38;
	[tilespmem:$0x10E00] =	vst v63  }
0x1c4: {  	s25 =	spop (v2sf);
	s29 =	simm.s32 $0x9400  }
0x1c5: {  	(v2sf) =	vpush v1, $0x6;
	[tilespmem:s29], [sflag:$0x1] =	stream.strided.gather [hbm4b:s25+s0], $0x800, s31, s0, $0x38;
	[tilespmem:$0x10E00] =	vst v63  }
0x1c6: {  	s25 =	spop (v2sf);
	s29 =	simm.s32 $0x1C00  }
0x1c7: {  	(v2sf) =	vpush v0, $0x7;
	[tilespmem:s29], [sflag:$0x1] =	stream.strided.gather [hbm4b:s25+s0], $0x800, s31, s0, $0x38;
	[tilespmem:$0x10E00] =	vst v63  }
0x1c8: {  	s25 =	spop (v2sf);
	s29 =	simm.s32 $0x9C00  }
0x1c9: {  	(v2sf) =	vpush v1, $0x7;
	[tilespmem:s29], [sflag:$0x1] =	stream.strided.gather [hbm4b:s25+s0], $0x800, s31, s0, $0x38;
	[tilespmem:$0x10E00] =	vst v63  }
0x1ca: {  	s25 =	spop (v2sf);
	s29 =	simm.s32 $0x2400  }
0x1cb: {  	(v2sf) =	vpush v0, $0x8;
	[tilespmem:s29], [sflag:$0x1] =	stream.strided.gather [hbm4b:s25+s0], $0x800, s31, s0, $0x38;
	[tilespmem:$0x10E00] =	vst v63  }
0x1cc: {  	s25 =	spop (v2sf);
	s29 =	simm.s32 $0xA400  }
0x1cd: {  	(v2sf) =	vpush v1, $0x8;
	[tilespmem:s29], [sflag:$0x1] =	stream.strided.gather [hbm4b:s25+s0], $0x800, s31, s0, $0x38;
	[tilespmem:$0x10E00] =	vst v63  }
0x1ce: {  	s25 =	spop (v2sf);
	s29 =	simm.s32 $0x2C00  }
0x1cf: {  	(v2sf) =	vpush v0, $0x9;
	[tilespmem:s29], [sflag:$0x1] =	stream.strided.gather [hbm4b:s25+s0], $0x800, s31, s0, $0x38;
	[tilespmem:$0x10E00] =	vst v63  }
0x1d0: {  	s25 =	spop (v2sf);
	s29 =	simm.s32 $0xAC00  }
0x1d1: {  	(v2sf) =	vpush v1, $0x9;
	[tilespmem:s29], [sflag:$0x1] =	stream.strided.gather [hbm4b:s25+s0], $0x800, s31, s0, $0x38;
	[tilespmem:$0x10E00] =	vst v63  }
0x1d2: {  	s25 =	spop (v2sf);
	s29 =	simm.s32 $0x3400  }
0x1d3: {  	(v2sf) =	vpush v0, $0xA;
	[tilespmem:s29], [sflag:$0x1] =	stream.strided.gather [hbm4b:s25+s0], $0x800, s31, s0, $0x38;
	[tilespmem:$0x10E00] =	vst v63  }
0x1d4: {  	s25 =	spop (v2sf);
	s29 =	simm.s32 $0xB400  }
0x1d5: {  	(v2sf) =	vpush v1, $0xA;
	[tilespmem:s29], [sflag:$0x1] =	stream.strided.gather [hbm4b:s25+s0], $0x800, s31, s0, $0x38;
	[tilespmem:$0x10E00] =	vst v63  }
0x1d6: {  	s25 =	spop (v2sf);
	s29 =	simm.s32 $0x3C00  }
0x1d7: {  	(v2sf) =	vpush v0, $0xB;
	[tilespmem:s29], [sflag:$0x1] =	stream.strided.gather [hbm4b:s25+s0], $0x800, s31, s0, $0x38;
	[tilespmem:$0x10E00] =	vst v63  }
0x1d8: {  	s25 =	spop (v2sf)  }
0x1d9: {  	(v2sf) =	vpush v1, $0xB;
	[tilespmem:s14], [sflag:$0x1] =	stream.strided.gather [hbm4b:s25+s0], $0x800, s31, s0, $0x38;
	[tilespmem:$0x10E00] =	vst v63  }
0x1da: {  	s29 =	spop (v2sf)  }
0x1db: {  	(v2sf) =	vpush v0, $0xC;
	[tilespmem:s7], [sflag:$0x2] =	stream.strided.gather [hbm4b:s29+s0], $0x800, s31, s0, $0x38;
	[tilespmem:$0x10E00] =	vst v63  }
0x1dc: {  	s24 =	spop (v2sf)  }
0x1dd: {  	(v2sf) =	vpush v1, $0xC;
	[tilespmem:s8], [sflag:$0x2] =	stream.strided.gather [hbm4b:s24+s0], $0x800, s31, s0, $0x38;
	[tilespmem:$0x10E00] =	vst v63  }
0x1de: {  	s25 =	spop (v2sf)  }
0x1df: {  	(v2sf) =	vpush v0, $0xD;
	[tilespmem:s11], [sflag:$0x2] =	stream.strided.gather [hbm4b:s25+s0], $0x800, s31, s0, $0x38;
	[tilespmem:$0x10E00] =	vst v63  }
0x1e0: {  	s29 =	spop (v2sf)  }
0x1e1: {  	(v2sf) =	vpush v1, $0xD;
	[tilespmem:s12], [sflag:$0x2] =	stream.strided.gather [hbm4b:s29+s0], $0x800, s31, s0, $0x38;
	[tilespmem:$0x10E00] =	vst v63  }
0x1e2: {  	s24 =	spop (v2sf)  }
0x1e3: {  	(v2sf) =	vpush v0, $0xE;
	[tilespmem:s3], [sflag:$0x2] =	stream.strided.gather [hbm4b:s24+s0], $0x800, s31, s0, $0x38;
	[tilespmem:$0x10E00] =	vst v63  }
0x1e4: {  	s25 =	spop (v2sf)  }
0x1e5: {  	(v2sf) =	vpush v1, $0xE;
	[tilespmem:s4], [sflag:$0x2] =	stream.strided.gather [hbm4b:s25+s0], $0x800, s31, s0, $0x38;
	[tilespmem:$0x10E00] =	vst v63  }
0x1e6: {  	s29 =	spop (v2sf)  }
0x1e7: {  	[tilespmem:s6], [sflag:$0x2] =	stream.strided.gather [hbm4b:s29+s0], $0x800, s31, s0, $0x38;
	[tilespmem:$0x10E00] =	vst v63  }
0x1e8: {  	(v2sf) =	vpush v0, $0xF;
	s24 =	spop (v2sf)  }
0x1e9: {  	[tilespmem:s30], [sflag:$0x2] =	stream.strided.gather [hbm4b:s24+s0], $0x800, s31, s0, $0x38;
	[tilespmem:$0x10E00] =	vst v63  }
0x1ea: {  	(v2sf) =	vpush v1, $0xF;
	s25 =	spop (v2sf)  }
0x1eb: {  	[tilespmem:s15], [sflag:$0x2] =	stream.strided.gather [hbm4b:s25+s0], $0x800, s31, s0, $0x38;
	[tilespmem:$0x10E00] =	vst v63  }
0x1ec: {  	s29 =	spop (v2sf)  }
0x1ed: {  	[tilespmem:s13], [sflag:$0x2] =	stream.strided.gather [hbm4b:s29+s0], $0x800, s31, s0, $0x38;
	[tilespmem:$0x10E00] =	vst v63  }
0x1ee: {  	s24 =	spop (v2sf)  }
0x1ef: {  	[tilespmem:s1], [sflag:$0x2] =	stream.strided.gather [hbm4b:s24+s0], $0x800, s31, s0, $0x38;
	[tilespmem:$0x10E00] =	vst v63  }
0x1f0: {  	s25 =	spop (v2sf)  }
0x1f1: {  	[tilespmem:s2], [sflag:$0x2] =	stream.strided.gather [hbm4b:s25+s0], $0x800, s31, s0, $0x38;
	[tilespmem:$0x10E00] =	vst v63  }
0x1f2: {  	s29 =	spop (v2sf)  }
0x1f3: {  	[tilespmem:s16], [sflag:$0x2] =	stream.strided.gather [hbm4b:s29+s0], $0x800, s31, s0, $0x38;
	[tilespmem:$0x10E00] =	vst v63  }
0x1f4: {  	s24 =	spop (v2sf)  }
0x1f5: {  	[tilespmem:s17], [sflag:$0x2] =	stream.strided.gather [hbm4b:s24+s0], $0x800, s31, s0, $0x38;
	[tilespmem:$0x10E00] =	vst v63  }
.Ltmp7:
0x1f6: {  	_ = 	snop;
	(pc) =	sbr.rel .LBB2_8-.Ltmp7, $4  }
0x1f7: {  	s25 =	spop (v2sf)  }
0x1f8: {  	[tilespmem:s18], [sflag:$0x2] =	stream.strided.gather [hbm4b:s25+s0], $0x800, s31, s0, $0x38;
	[tilespmem:$0x10E00] =	vst v63  }
0x1f9: {  	s23 =	simm.s32 $0x0;
	s29 =	spop (v2sf)  }
0x1fa: {  	[tilespmem:s19], [sflag:$0x2] =	stream.strided.gather [hbm4b:s29+s0], $0x800, s31, s0, $0x38;
	[tilespmem:$0x10E00] =	vst v63  }
.LBB2_12:
0x1fb: {  	v2 =	vmul.f32 $0.0e+00, v32;
	v3 =	vmul.f32 $0.0e+00, v51;
	_ =	sdelay $0x1  }
0x1fc: {  	v2 =	vadd.f32 v48, v2;
	v1 =	vadd.f32 v1, v3;
	_ =	sdelay $0x1  }
0x1fd: {  	v2 =	vadd.f32 v47, v2;
	v0 =	vadd.f32 v0, v1;
	_ =	sdelay $0x1  }
0x1fe: {  	v51 =	vadd.f32 v46, v2;
	v0 =	vadd.f32 v63, v0;
	_ =	sdelay $0x1  }
0x1ff: {  	v1 =	vadd.f32 v45, v51;
	v0 =	vadd.f32 v62, v0;
	_ =	sdelay $0x1  }
0x200: {  	v1 =	vadd.f32 v44, v1;
	v0 =	vadd.f32 v61, v0;
	_ =	sdelay $0x1  }
0x201: {  	v1 =	vadd.f32 v43, v1;
	v0 =	vadd.f32 v60, v0;
	_ =	sdelay $0x1  }
0x202: {  	v1 =	vadd.f32 v42, v1;
	v0 =	vadd.f32 v59, v0;
	_ =	sdelay $0x1  }
0x203: {  	v1 =	vadd.f32 v41, v1;
	v0 =	vadd.f32 v58, v0;
	_ =	sdelay $0x1  }
0x204: {  	v1 =	vadd.f32 v40, v1;
	v0 =	vadd.f32 v57, v0;
	_ =	sdelay $0x1  }
0x205: {  	v1 =	vadd.f32 v39, v1;
	v0 =	vadd.f32 v56, v0;
	_ =	sdelay $0x1  }
0x206: {  	v1 =	vadd.f32 v38, v1;
	v0 =	vadd.f32 v55, v0;
	_ =	sdelay $0x1  }
0x207: {  	v1 =	vadd.f32 v37, v1;
	v0 =	vadd.f32 v54, v0;
	_ =	sdelay $0x1  }
0x208: {  	v1 =	vadd.f32 v36, v1;
	v0 =	vadd.f32 v53, v0;
	_ =	sdelay $0x1  }
0x209: {  	v1 =	vadd.f32 v35, v1;
	v0 =	vadd.f32 v52, v0;
	_ =	sdelay $0x1  }
0x20a: {  	v63 =	vld [tilespmem:s24+$0x10C00];
	v1 =	vadd.f32 v34, v1;
	v0 =	vadd.f32 v50, v0  }
0x20b: {  	s23 =	sadd.s32 $0x40, s23  }
0x20c: {  	p0 =	sne.s32 s23, $0x800;
	v1 =	vadd.f32 v33, v1;
	v0 =	vadd.f32 v49, v0  }
.Ltmp8:
0x20d: {  	_ = 	snop;
	(pc) =	sbr.rel @!p0 .LBB2_13-.Ltmp8, $3  }
0x20e: {  	v0 =	vsel vm0, v1, v0  }
0x20f: {  	v0 =	vadd.f32 v63, v0;
	_ =	sdelay $0x1  }
0x210: {  	[tilespmem:s24+$0x10C00] =	vst v0  }
.LBB2_8:
0x211: {  	s24 =	sshra.s32 s23, $0x2  }
0x212: {  	v0 =	vld [tilespmem:s24+$0x0]  }
0x213: {  	v1 =	vld [tilespmem:s24+$0x200]  }
0x214: {  	_ =	swait.ge [sflag:s20], $0x4000  }
0x215: {  	v2 =	vld [tilespmem:$0x1FFF0];
	_ =	sdelay $0x1  }
0x216: {  	v49 =	vand.u32 $0x7F, v0  }
0x217: {  	v50 =	vand.u32 $0x7F, v1;
	v0 =	vbroadcast v49, $0x0  }
0x218: {  	v1 =	vbroadcast v50, $0x0  }
0x219: {  	[sflag:s20] =	ssyncset.done $0x0;
	v0 =	vor.u32 v2, v0  }
0x21a: {  	[sflag:s20] =	ssyncadd.s32 $0xFFFFC000;
	v1 =	vor.u32 v2, v1  }
0x21b: {  	_ =	swait.ge [sflag:s20], $0x4000  }
0x21c: {  	[sflag:s20] =	ssyncset.done $0x0  }
0x21d: {  	v32 =	vld [tilespmem:$0x1FFC0];
	[sflag:s20] =	ssyncadd.s32 $0xFFFFC000  }
0x21e: {  	v0 =	vld.idx.msk [tilespmem:v0+s0+$0x0], $0xffff  }
0x21f: {  	v1 =	vld.idx.msk [tilespmem:v1+s5+$0x0], $0xffff  }
0x220: {  	v46 =	vbroadcast v49, $0x1  }
0x221: {  	v3 =	vbroadcast v50, $0x1  }
0x222: {  	v2 =	vor.u32 v32, v46  }
0x223: {  	v3 =	vor.u32 v32, v3  }
0x224: {  	v32 =	vmul.f32 v1, v0;
	_ =	sdelay $0x1  }
0x225: {  	v33 =	vld [tilespmem:$0x1FFD0];
	[tilespmem:$0x10400] =	vst v32  }
0x226: {  	v47 =	vld.idx.msk [tilespmem:v2+s0+$0x0], $0xffff  }
0x227: {  	v48 =	vld.idx.msk [tilespmem:v3+s5+$0x0], $0xffff  }
0x228: {  	v51 =	vbroadcast v49, $0x2  }
0x229: {  	v3 =	vbroadcast v50, $0x2  }
0x22a: {  	v2 =	vor.u32 v33, v51  }
0x22b: {  	v3 =	vor.u32 v33, v3  }
0x22c: {  	v0 =	vmul.f32 v48, v47;
	_ =	sdelay $0x1  }
0x22d: {  	v54 =	vld [tilespmem:$0x1FFE0];
	[tilespmem:$0x10480] =	vst v0  }
0x22e: {  	v0 =	vld.idx.msk [tilespmem:v2+s0+$0x0], $0xffff  }
0x22f: {  	v52 =	vld.idx.msk [tilespmem:v3+s5+$0x0], $0xffff  }
0x230: {  	v53 =	vbroadcast v49, $0x3  }
0x231: {  	v3 =	vbroadcast v50, $0x3  }
0x232: {  	v2 =	vor.u32 v54, v53  }
0x233: {  	v3 =	vor.u32 v54, v3  }
0x234: {  	v0 =	vmul.f32 v52, v0;
	_ =	sdelay $0x1  }
0x235: {  	[tilespmem:$0x10500] =	vst v0  }
0x236: {  	v0 =	vld.idx.msk [tilespmem:v2+s0+$0x0], $0xffff  }
0x237: {  	v55 =	vld.idx.msk [tilespmem:v3+s5+$0x0], $0xffff  }
0x238: {  	v56 =	vbroadcast v49, $0x4  }
0x239: {  	v3 =	vbroadcast v50, $0x4  }
0x23a: {  	v2 =	vor.u32 v4, v56  }
0x23b: {  	v3 =	vor.u32 v4, v3  }
0x23c: {  	v0 =	vmul.f32 v55, v0;
	_ =	sdelay $0x1  }
0x23d: {  	[tilespmem:$0x10580] =	vst v0  }
0x23e: {  	v0 =	vld.idx.msk [tilespmem:v2+s0+$0x0], $0xffff  }
0x23f: {  	v57 =	vld.idx.msk [tilespmem:v3+s5+$0x0], $0xffff  }
0x240: {  	v58 =	vbroadcast v49, $0x5  }
0x241: {  	v3 =	vbroadcast v50, $0x5  }
0x242: {  	v2 =	vor.u32 v6, v58  }
0x243: {  	v3 =	vor.u32 v6, v3  }
0x244: {  	v0 =	vmul.f32 v57, v0;
	_ =	sdelay $0x1  }
0x245: {  	[tilespmem:$0x10600] =	vst v0  }
0x246: {  	v0 =	vld.idx.msk [tilespmem:v2+s0+$0x0], $0xffff  }
0x247: {  	v59 =	vld.idx.msk [tilespmem:v3+s5+$0x0], $0xffff  }
0x248: {  	v60 =	vbroadcast v49, $0x6  }
0x249: {  	v3 =	vbroadcast v50, $0x6  }
0x24a: {  	v2 =	vor.u32 v7, v60  }
0x24b: {  	v3 =	vor.u32 v7, v3  }
0x24c: {  	v0 =	vmul.f32 v59, v0;
	_ =	sdelay $0x1  }
0x24d: {  	[tilespmem:$0x10680] =	vst v0  }
0x24e: {  	v0 =	vld.idx.msk [tilespmem:v2+s0+$0x0], $0xffff  }
0x24f: {  	v61 =	vld.idx.msk [tilespmem:v3+s5+$0x0], $0xffff  }
0x250: {  	v62 =	vbroadcast v49, $0x7  }
0x251: {  	v3 =	vbroadcast v50, $0x7  }
0x252: {  	v2 =	vor.u32 v8, v62  }
0x253: {  	v3 =	vor.u32 v8, v3  }
0x254: {  	v0 =	vmul.f32 v61, v0;
	_ =	sdelay $0x1  }
0x255: {  	[tilespmem:$0x10700] =	vst v0  }
0x256: {  	v0 =	vld.idx.msk [tilespmem:v2+s0+$0x0], $0xffff  }
0x257: {  	v63 =	vld.idx.msk [tilespmem:v3+s5+$0x0], $0xffff;
	_ =	sdelay $0x4  }
0x258: {  	v0 =	vmul.f32 v63, v0;
	_ =	sdelay $0x1  }
0x259: {  	[tilespmem:$0x10780] =	vst v0  }
0x25a: {  	v48 =	vld.idx.msk [tilespmem:v5+s21+$0x0], $0xffff  }
0x25b: {  	v47 =	vld.idx.msk [tilespmem:v9+s21+$0x0], $0xffff  }
0x25c: {  	v46 =	vld.idx.msk [tilespmem:v10+s21+$0x0], $0xffff  }
0x25d: {  	v45 =	vld.idx.msk [tilespmem:v11+s21+$0x0], $0xffff  }
0x25e: {  	v44 =	vld.idx.msk [tilespmem:v12+s21+$0x0], $0xffff  }
0x25f: {  	v43 =	vld.idx.msk [tilespmem:v13+s21+$0x0], $0xffff  }
0x260: {  	v42 =	vld.idx.msk [tilespmem:v14+s21+$0x0], $0xffff  }
0x261: {  	v41 =	vld.idx.msk [tilespmem:v15+s21+$0x0], $0xffff  }
0x262: {  	v40 =	vld.idx.msk [tilespmem:v16+s21+$0x0], $0xffff  }
0x263: {  	v39 =	vld.idx.msk [tilespmem:v17+s21+$0x0], $0xffff  }
0x264: {  	p0 =	seq.s32 s23, $0x7C0;
	v38 =	vld.idx.msk [tilespmem:v18+s21+$0x0], $0xffff  }
.Ltmp9:
0x265: {  	v37 =	vld.idx.msk [tilespmem:v19+s21+$0x0], $0xffff;
	(pc) =	sbr.rel @p0 .LBB2_10-.Ltmp9, $4  }
0x266: {  	v36 =	vld.idx.msk [tilespmem:v20+s21+$0x0], $0xffff  }
0x267: {  	v35 =	vld.idx.msk [tilespmem:v21+s21+$0x0], $0xffff  }
0x268: {  	v34 =	vld.idx.msk [tilespmem:v22+s21+$0x0], $0xffff  }
0x269: {  	v33 =	vld.idx.msk [tilespmem:v23+s21+$0x0], $0xffff  }
0x26a: {  	v0 =	vld [tilespmem:s24+$0x10];
	_ =	sdelay $0x1  }
0x26b: {  	v1 =	vld [tilespmem:s24+$0x210];
	_ =	sdelay $0x2  }
0x26c: {  	v0 =	vand.u32 $0xFFFFFF80, v0  }
0x26d: {  	v0 =	vadd.s32 s9, v0  }
0x26e: {  	v1 =	vand.u32 $0xFFFFFF80, v1;
	(v2sf) =	vpush v0, $0x0  }
0x26f: {  	v1 =	vadd.s32 s10, v1  }
0x270: {  	(v2sf) =	vpush v1, $0x0;
	_ =	sdelay $0x1  }
0x271: {  	(v2sf) =	vpush v0, $0x1;
	_ =	sdelay $0x1  }
0x272: {  	(v2sf) =	vpush v1, $0x1;
	_ =	sdelay $0x1  }
0x273: {  	(v2sf) =	vpush v0, $0x2;
	_ =	sdelay $0x1  }
0x274: {  	(v2sf) =	vpush v1, $0x2;
	_ =	sdelay $0x1  }
0x275: {  	(v2sf) =	vpush v0, $0x3;
	_ =	sdelay $0x1  }
0x276: {  	(v2sf) =	vpush v1, $0x3  }
0x277: {  	s25 =	spop (v2sf)  }
0x278: {  	(v2sf) =	vpush v0, $0x4;
	[tilespmem:s0], [sflag:$0x1] =	stream.strided.gather [hbm4b:s25+s0], $0x800, s31, s0, $0x38;
	[tilespmem:$0x10E00] =	vst v63  }
0x279: {  	s29 =	spop (v2sf)  }
0x27a: {  	(v2sf) =	vpush v1, $0x4;
	[tilespmem:s5], [sflag:$0x1] =	stream.strided.gather [hbm4b:s29+s0], $0x800, s31, s0, $0x38;
	[tilespmem:$0x10E00] =	vst v63  }
0x27b: {  	s29 =	spop (v2sf)  }
0x27c: {  	(v2sf) =	vpush v0, $0x5;
	[tilespmem:s26], [sflag:$0x1] =	stream.strided.gather [hbm4b:s29+s0], $0x800, s31, s0, $0x38;
	[tilespmem:$0x10E00] =	vst v63  }
0x27d: {  	s29 =	spop (v2sf)  }
0x27e: {  	(v2sf) =	vpush v1, $0x5;
	[tilespmem:s28], [sflag:$0x1] =	stream.strided.gather [hbm4b:s29+s0], $0x800, s31, s0, $0x38;
	[tilespmem:$0x10E00] =	vst v63  }
0x27f: {  	s25 =	spop (v2sf);
	s29 =	simm.s32 $0x1400  }
0x280: {  	(v2sf) =	vpush v0, $0x6;
	[tilespmem:s29], [sflag:$0x1] =	stream.strided.gather [hbm4b:s25+s0], $0x800, s31, s0, $0x38;
	[tilespmem:$0x10E00] =	vst v63  }
0x281: {  	s25 =	spop (v2sf);
	s29 =	simm.s32 $0x9400  }
0x282: {  	(v2sf) =	vpush v1, $0x6;
	[tilespmem:s29], [sflag:$0x1] =	stream.strided.gather [hbm4b:s25+s0], $0x800, s31, s0, $0x38;
	[tilespmem:$0x10E00] =	vst v63  }
0x283: {  	s25 =	spop (v2sf);
	s29 =	simm.s32 $0x1C00  }
0x284: {  	(v2sf) =	vpush v0, $0x7;
	[tilespmem:s29], [sflag:$0x1] =	stream.strided.gather [hbm4b:s25+s0], $0x800, s31, s0, $0x38;
	[tilespmem:$0x10E00] =	vst v63  }
0x285: {  	s25 =	spop (v2sf);
	s29 =	simm.s32 $0x9C00  }
0x286: {  	(v2sf) =	vpush v1, $0x7;
	[tilespmem:s29], [sflag:$0x1] =	stream.strided.gather [hbm4b:s25+s0], $0x800, s31, s0, $0x38;
	[tilespmem:$0x10E00] =	vst v63  }
0x287: {  	s25 =	spop (v2sf);
	s29 =	simm.s32 $0x2400  }
0x288: {  	[tilespmem:s29], [sflag:$0x1] =	stream.strided.gather [hbm4b:s25+s0], $0x800, s31, s0, $0x38;
	[tilespmem:$0x10E00] =	vst v63  }
0x289: {  	s25 =	spop (v2sf);
	s29 =	simm.s32 $0xA400  }
0x28a: {  	[tilespmem:s29], [sflag:$0x1] =	stream.strided.gather [hbm4b:s25+s0], $0x800, s31, s0, $0x38;
	[tilespmem:$0x10E00] =	vst v63  }
0x28b: {  	s25 =	spop (v2sf);
	s29 =	simm.s32 $0x2C00  }
0x28c: {  	[tilespmem:s29], [sflag:$0x1] =	stream.strided.gather [hbm4b:s25+s0], $0x800, s31, s0, $0x38;
	[tilespmem:$0x10E00] =	vst v63  }
0x28d: {  	s25 =	spop (v2sf);
	s29 =	simm.s32 $0xAC00  }
0x28e: {  	[tilespmem:s29], [sflag:$0x1] =	stream.strided.gather [hbm4b:s25+s0], $0x800, s31, s0, $0x38;
	[tilespmem:$0x10E00] =	vst v63  }
0x28f: {  	s25 =	spop (v2sf);
	s29 =	simm.s32 $0x3400  }
0x290: {  	[tilespmem:s29], [sflag:$0x1] =	stream.strided.gather [hbm4b:s25+s0], $0x800, s31, s0, $0x38;
	[tilespmem:$0x10E00] =	vst v63  }
0x291: {  	s25 =	spop (v2sf);
	s29 =	simm.s32 $0xB400  }
0x292: {  	[tilespmem:s29], [sflag:$0x1] =	stream.strided.gather [hbm4b:s25+s0], $0x800, s31, s0, $0x38;
	[tilespmem:$0x10E00] =	vst v63  }
0x293: {  	s25 =	spop (v2sf);
	s29 =	simm.s32 $0x3C00  }
0x294: {  	[tilespmem:s29], [sflag:$0x1] =	stream.strided.gather [hbm4b:s25+s0], $0x800, s31, s0, $0x38;
	[tilespmem:$0x10E00] =	vst v63  }
0x295: {  	s29 =	spop (v2sf)  }
0x296: {  	[tilespmem:s14], [sflag:$0x1] =	stream.strided.gather [hbm4b:s29+s0], $0x800, s31, s0, $0x38;
	[tilespmem:$0x10E00] =	vst v63  }
.LBB2_10:
0x297: {  	v0 =	vbroadcast v49, $0x8  }
0x298: {  	_ =	swait.ge [sflag:s22], $0x4000;
	v1 =	vbroadcast v50, $0x8  }
0x299: {  	[sflag:s22] =	ssyncset.done $0x0;
	v0 =	vor.u32 v24, v0  }
0x29a: {  	[sflag:s22] =	ssyncadd.s32 $0xFFFFC000;
	v1 =	vor.u32 v24, v1  }
0x29b: {  	_ =	swait.ge [sflag:s22], $0x4000  }
0x29c: {  	[sflag:s22] =	ssyncset.done $0x0  }
0x29d: {  	[sflag:s22] =	ssyncadd.s32 $0xFFFFC000  }
0x29e: {  	v0 =	vld.idx.msk [tilespmem:v0+s0+$0x0], $0xffff  }
0x29f: {  	v1 =	vld.idx.msk [tilespmem:v1+s5+$0x0], $0xffff  }
0x2a0: {  	v2 =	vbroadcast v49, $0x9  }
0x2a1: {  	v3 =	vbroadcast v50, $0x9  }
0x2a2: {  	v2 =	vor.u32 v25, v2  }
0x2a3: {  	v3 =	vor.u32 v25, v3  }
0x2a4: {  	v51 =	vmul.f32 v1, v0;
	_ =	sdelay $0x1  }
0x2a5: {  	[tilespmem:$0x10400] =	vst v51  }
0x2a6: {  	v0 =	vld.idx.msk [tilespmem:v2+s0+$0x0], $0xffff  }
0x2a7: {  	v1 =	vld.idx.msk [tilespmem:v3+s5+$0x0], $0xffff  }
0x2a8: {  	v2 =	vbroadcast v49, $0xA  }
0x2a9: {  	v3 =	vbroadcast v50, $0xA  }
0x2aa: {  	v2 =	vor.u32 v26, v2  }
0x2ab: {  	v3 =	vor.u32 v26, v3  }
0x2ac: {  	v0 =	vmul.f32 v1, v0;
	_ =	sdelay $0x1  }
0x2ad: {  	[tilespmem:$0x10480] =	vst v0  }
0x2ae: {  	v0 =	vld.idx.msk [tilespmem:v2+s0+$0x0], $0xffff  }
0x2af: {  	v1 =	vld.idx.msk [tilespmem:v3+s5+$0x0], $0xffff  }
0x2b0: {  	v2 =	vbroadcast v49, $0xB  }
0x2b1: {  	v3 =	vbroadcast v50, $0xB  }
0x2b2: {  	v2 =	vor.u32 v27, v2  }
0x2b3: {  	v3 =	vor.u32 v27, v3  }
0x2b4: {  	v0 =	vmul.f32 v1, v0;
	_ =	sdelay $0x1  }
0x2b5: {  	[tilespmem:$0x10500] =	vst v0  }
0x2b6: {  	v0 =	vld.idx.msk [tilespmem:v2+s0+$0x0], $0xffff  }
0x2b7: {  	v1 =	vld.idx.msk [tilespmem:v3+s5+$0x0], $0xffff  }
0x2b8: {  	v2 =	vbroadcast v49, $0xC  }
0x2b9: {  	v3 =	vbroadcast v50, $0xC  }
0x2ba: {  	v2 =	vor.u32 v28, v2  }
0x2bb: {  	v3 =	vor.u32 v28, v3  }
0x2bc: {  	v0 =	vmul.f32 v1, v0;
	_ =	sdelay $0x1  }
0x2bd: {  	[tilespmem:$0x10580] =	vst v0  }
0x2be: {  	v0 =	vld.idx.msk [tilespmem:v2+s0+$0x0], $0xffff  }
0x2bf: {  	v1 =	vld.idx.msk [tilespmem:v3+s5+$0x0], $0xffff  }
0x2c0: {  	v2 =	vbroadcast v49, $0xD  }
0x2c1: {  	v3 =	vbroadcast v50, $0xD  }
0x2c2: {  	v2 =	vor.u32 v29, v2  }
0x2c3: {  	v3 =	vor.u32 v29, v3  }
0x2c4: {  	v0 =	vmul.f32 v1, v0;
	_ =	sdelay $0x1  }
0x2c5: {  	[tilespmem:$0x10600] =	vst v0  }
0x2c6: {  	v0 =	vld.idx.msk [tilespmem:v2+s0+$0x0], $0xffff  }
0x2c7: {  	v1 =	vld.idx.msk [tilespmem:v3+s5+$0x0], $0xffff  }
0x2c8: {  	v2 =	vbroadcast v49, $0xE  }
0x2c9: {  	v3 =	vbroadcast v50, $0xE  }
0x2ca: {  	v2 =	vor.u32 v30, v2  }
0x2cb: {  	v3 =	vor.u32 v30, v3  }
0x2cc: {  	v0 =	vmul.f32 v1, v0;
	_ =	sdelay $0x1  }
0x2cd: {  	[tilespmem:$0x10680] =	vst v0  }
0x2ce: {  	v0 =	vld.idx.msk [tilespmem:v2+s0+$0x0], $0xffff  }
0x2cf: {  	v1 =	vld.idx.msk [tilespmem:v3+s5+$0x0], $0xffff  }
0x2d0: {  	v2 =	vbroadcast v49, $0xF  }
0x2d1: {  	v3 =	vbroadcast v50, $0xF  }
0x2d2: {  	v2 =	vor.u32 v31, v2  }
0x2d3: {  	v3 =	vor.u32 v31, v3  }
0x2d4: {  	v0 =	vmul.f32 v1, v0;
	_ =	sdelay $0x1  }
0x2d5: {  	[tilespmem:$0x10700] =	vst v0  }
0x2d6: {  	v0 =	vld.idx.msk [tilespmem:v2+s0+$0x0], $0xffff  }
0x2d7: {  	v1 =	vld.idx.msk [tilespmem:v3+s5+$0x0], $0xffff;
	_ =	sdelay $0x4  }
0x2d8: {  	v0 =	vmul.f32 v1, v0;
	_ =	sdelay $0x1  }
0x2d9: {  	[tilespmem:$0x10780] =	vst v0  }
0x2da: {  	v1 =	vld.idx.msk [tilespmem:v5+s21+$0x0], $0xffff  }
0x2db: {  	v0 =	vld.idx.msk [tilespmem:v9+s21+$0x0], $0xffff  }
0x2dc: {  	v63 =	vld.idx.msk [tilespmem:v10+s21+$0x0], $0xffff  }
0x2dd: {  	v62 =	vld.idx.msk [tilespmem:v11+s21+$0x0], $0xffff  }
0x2de: {  	v61 =	vld.idx.msk [tilespmem:v12+s21+$0x0], $0xffff  }
0x2df: {  	v60 =	vld.idx.msk [tilespmem:v13+s21+$0x0], $0xffff  }
0x2e0: {  	v59 =	vld.idx.msk [tilespmem:v14+s21+$0x0], $0xffff  }
0x2e1: {  	v58 =	vld.idx.msk [tilespmem:v15+s21+$0x0], $0xffff  }
0x2e2: {  	v57 =	vld.idx.msk [tilespmem:v16+s21+$0x0], $0xffff  }
0x2e3: {  	v56 =	vld.idx.msk [tilespmem:v17+s21+$0x0], $0xffff  }
0x2e4: {  	v55 =	vld.idx.msk [tilespmem:v18+s21+$0x0], $0xffff  }
.Ltmp10:
0x2e5: {  	v54 =	vld.idx.msk [tilespmem:v19+s21+$0x0], $0xffff;
	(pc) =	sbr.rel @p0 .LBB2_12-.Ltmp10, $4  }
0x2e6: {  	v53 =	vld.idx.msk [tilespmem:v20+s21+$0x0], $0xffff  }
0x2e7: {  	v52 =	vld.idx.msk [tilespmem:v21+s21+$0x0], $0xffff  }
0x2e8: {  	v50 =	vld.idx.msk [tilespmem:v22+s21+$0x0], $0xffff  }
0x2e9: {  	v49 =	vld.idx.msk [tilespmem:v23+s21+$0x0], $0xffff  }
0x2ea: {  	v2 =	vld [tilespmem:s24+$0x10];
	_ =	sdelay $0x1  }
0x2eb: {  	v3 =	vld [tilespmem:s24+$0x210];
	_ =	sdelay $0x2  }
0x2ec: {  	v2 =	vand.u32 $0xFFFFFF80, v2  }
0x2ed: {  	v2 =	vadd.s32 s9, v2  }
0x2ee: {  	v3 =	vand.u32 $0xFFFFFF80, v3;
	(v2sf) =	vpush v2, $0x8  }
0x2ef: {  	v3 =	vadd.s32 s10, v3  }
0x2f0: {  	(v2sf) =	vpush v3, $0x8;
	_ =	sdelay $0x1  }
0x2f1: {  	(v2sf) =	vpush v2, $0x9;
	_ =	sdelay $0x1  }
0x2f2: {  	(v2sf) =	vpush v3, $0x9;
	_ =	sdelay $0x1  }
0x2f3: {  	(v2sf) =	vpush v2, $0xA;
	_ =	sdelay $0x1  }
0x2f4: {  	(v2sf) =	vpush v3, $0xA;
	_ =	sdelay $0x1  }
0x2f5: {  	(v2sf) =	vpush v2, $0xB;
	_ =	sdelay $0x1  }
0x2f6: {  	(v2sf) =	vpush v3, $0xB  }
0x2f7: {  	s25 =	spop (v2sf)  }
0x2f8: {  	(v2sf) =	vpush v2, $0xC;
	[tilespmem:s7], [sflag:$0x2] =	stream.strided.gather [hbm4b:s25+s0], $0x800, s31, s0, $0x38;
	[tilespmem:$0x10E00] =	vst v63  }
0x2f9: {  	s29 =	spop (v2sf)  }
0x2fa: {  	(v2sf) =	vpush v3, $0xC;
	[tilespmem:s8], [sflag:$0x2] =	stream.strided.gather [hbm4b:s29+s0], $0x800, s31, s0, $0x38;
	[tilespmem:$0x10E00] =	vst v63  }
0x2fb: {  	s29 =	spop (v2sf)  }
0x2fc: {  	(v2sf) =	vpush v2, $0xD;
	[tilespmem:s11], [sflag:$0x2] =	stream.strided.gather [hbm4b:s29+s0], $0x800, s31, s0, $0x38;
	[tilespmem:$0x10E00] =	vst v63  }
0x2fd: {  	s29 =	spop (v2sf)  }
0x2fe: {  	(v2sf) =	vpush v3, $0xD;
	[tilespmem:s12], [sflag:$0x2] =	stream.strided.gather [hbm4b:s29+s0], $0x800, s31, s0, $0x38;
	[tilespmem:$0x10E00] =	vst v63  }
0x2ff: {  	s29 =	spop (v2sf)  }
0x300: {  	(v2sf) =	vpush v2, $0xE;
	[tilespmem:s3], [sflag:$0x2] =	stream.strided.gather [hbm4b:s29+s0], $0x800, s31, s0, $0x38;
	[tilespmem:$0x10E00] =	vst v63  }
0x301: {  	s29 =	spop (v2sf)  }
0x302: {  	(v2sf) =	vpush v3, $0xE;
	[tilespmem:s4], [sflag:$0x2] =	stream.strided.gather [hbm4b:s29+s0], $0x800, s31, s0, $0x38;
	[tilespmem:$0x10E00] =	vst v63  }
0x303: {  	s29 =	spop (v2sf)  }
0x304: {  	[tilespmem:s6], [sflag:$0x2] =	stream.strided.gather [hbm4b:s29+s0], $0x800, s31, s0, $0x38;
	[tilespmem:$0x10E00] =	vst v63  }
0x305: {  	(v2sf) =	vpush v2, $0xF;
	s29 =	spop (v2sf)  }
0x306: {  	[tilespmem:s30], [sflag:$0x2] =	stream.strided.gather [hbm4b:s29+s0], $0x800, s31, s0, $0x38;
	[tilespmem:$0x10E00] =	vst v63  }
0x307: {  	(v2sf) =	vpush v3, $0xF;
	s29 =	spop (v2sf)  }
0x308: {  	[tilespmem:s15], [sflag:$0x2] =	stream.strided.gather [hbm4b:s29+s0], $0x800, s31, s0, $0x38;
	[tilespmem:$0x10E00] =	vst v63  }
0x309: {  	s29 =	spop (v2sf)  }
0x30a: {  	[tilespmem:s13], [sflag:$0x2] =	stream.strided.gather [hbm4b:s29+s0], $0x800, s31, s0, $0x38;
	[tilespmem:$0x10E00] =	vst v63  }
0x30b: {  	s29 =	spop (v2sf)  }
0x30c: {  	[tilespmem:s1], [sflag:$0x2] =	stream.strided.gather [hbm4b:s29+s0], $0x800, s31, s0, $0x38;
	[tilespmem:$0x10E00] =	vst v63  }
0x30d: {  	s29 =	spop (v2sf)  }
0x30e: {  	[tilespmem:s2], [sflag:$0x2] =	stream.strided.gather [hbm4b:s29+s0], $0x800, s31, s0, $0x38;
	[tilespmem:$0x10E00] =	vst v63  }
0x30f: {  	s29 =	spop (v2sf)  }
0x310: {  	[tilespmem:s16], [sflag:$0x2] =	stream.strided.gather [hbm4b:s29+s0], $0x800, s31, s0, $0x38;
	[tilespmem:$0x10E00] =	vst v63  }
0x311: {  	s29 =	spop (v2sf)  }
0x312: {  	[tilespmem:s17], [sflag:$0x2] =	stream.strided.gather [hbm4b:s29+s0], $0x800, s31, s0, $0x38;
	[tilespmem:$0x10E00] =	vst v63  }
.Ltmp11:
0x313: {  	_ = 	snop;
	(pc) =	sbr.rel .LBB2_12-.Ltmp11, $4  }
0x314: {  	s29 =	spop (v2sf)  }
0x315: {  	[tilespmem:s18], [sflag:$0x2] =	stream.strided.gather [hbm4b:s29+s0], $0x800, s31, s0, $0x38;
	[tilespmem:$0x10E00] =	vst v63  }
0x316: {  	s29 =	spop (v2sf)  }
0x317: {  	[tilespmem:s19], [sflag:$0x2] =	stream.strided.gather [hbm4b:s29+s0], $0x800, s31, s0, $0x38;
	[tilespmem:$0x10E00] =	vst v63  }
.LBB2_14:
0x318: {  	_ =	sfence.sel $0x180000  }
0x319: {  	[bflag:$0x0] =	sbarrier.arrive $0xFFFF  }
0x31a: {  	_ =	strace $0x90000047  }
0x31b: {  	s0 =	stileid.u32;
	[bflag:$0x2] =	sbarrier.arrive $0xFFFF  }
0x31c: {  	p0 =	sne.s32 s0, $0x0;
	s0 =	rddreg [dreg:$0x7]  }
0x31d: {  	s0 =	sadd.s32 @!p0 $0x100000, s0  }
0x31e: {  	[sflag:s0] =	ssyncadd.tile.s32 @!p0 $0x1;
	_ =	shalt  }
.Lfunc_end2:
_tile_overlayer_lowered:
.L_overlay_start_2:
0x31f: {  	(tag) =	ssettag $0x2  }
0x320: {  	s0 =	rddreg [dreg:$0x0];
	s2 =	stileid.u32  }
0x321: {  	s1 =	rddreg [dreg:$0x1];
	p0 =	sne.s32 s2, $0x0  }
0x322: {  	s3 =	rddreg [dreg:$0x2];
	[bflag:$0x3] =	sbarrier.arrive $0xFFFF;
	s2 =	simm.s32 @!p0 $0x1C04  }
0x323: {  	[timem:s3], [sflag:s2] =	dma.local @!p0 [hbm:s0], s1  }
0x324: {  	s0 =	simm.s32 @!p0 $0x4  }
0x325: {  	_ =	swait.ge @!p0 [sflag:s0], s1  }
0x326: {  	s1 =	ssub.s32 @!p0 $0x0, s1;
	[sflag:s0] =	ssyncset.done @!p0 $0x0  }
0x327: {  	[sflag:s0] =	ssyncadd.s32 @!p0 s1  }
0x328: {  	[bflag:$0x3] =	sbarrier.arrive $0xFFFF  }
0x329: {  	_ =	shalt  }

</sc_bundles>
